<compile_context>
chip_gen: v7x
topology: tpu7x:2x2x1
jax: 0.10.2.dev20260603
libtpu: 0.0.44.dev20260713+nightly
codegen_flags: <defaults>
</compile_context>

<pallas_src>
import functools

import jax
import jax.numpy as jnp
from jax import lax
from jax.experimental import pallas as pl
from jax.experimental.pallas import tpu as pltpu
from jax.experimental.pallas import tpu_sc as plsc

D_OUT = 128
NW = 32
CB = 16
L_SEQ = 50

EMB_FIELDS = ((0, 8), (8, 8), (16, 8), (24, 8), (32, 8), (40, 8))


def _ternary_fwd(w):
    scale = jnp.mean(jnp.abs(w)) + 1e-5
    return jnp.clip(jnp.round(w / scale), -1.0, 1.0) * scale


@functools.lru_cache(maxsize=None)
def _make_sc_pack(n_b):
    rows_w = n_b // NW
    n_chunks = rows_w // CB
    c_tok = CB * L_SEQ

    mesh = plsc.VectorSubcoreMesh(core_axis_name="c", subcore_axis_name="s")

    @functools.partial(
        pl.kernel,
        mesh=mesh,
        out_type=jax.ShapeDtypeStruct((n_b * L_SEQ, 128), jnp.float32),
        compiler_params=pltpu.CompilerParams(use_tc_tiling_on_sc=False),
        scratch_types=[
            [pltpu.VMEM((CB, L_SEQ), jnp.int32) for _ in range(6)],
            [pltpu.VMEM((c_tok, 8), jnp.float32) for _ in range(6)],
            pltpu.SemaphoreType.DMA,
        ],
    )
    def sc_pack(t_low, t_high, t_align, t_small, t_delta, t_ham,
                i_low, i_high, i_align, i_small, i_delta, i_ham,
                e_all, idx_bufs, gbufs, sem):
        wid = lax.axis_index("c") * 16 + lax.axis_index("s")
        b_base = wid * rows_w

        tables = (t_low, t_high, t_align, t_small, t_delta, t_ham)
        idxs = (i_low, i_high, i_align, i_small, i_delta, i_ham)

        def chunk(j, carry):
            b0 = b_base + j * CB
            tok0 = b0 * L_SEQ
            cps = [pltpu.async_copy(idx.at[pl.ds(b0, CB)], buf, sem)
                   for idx, buf in zip(idxs, idx_bufs)]
            for cp in cps:
                cp.wait()
            cps = []
            for table, ibuf, gbuf in zip(tables, idx_bufs, gbufs):
                for r in range(CB):
                    cps.append(pltpu.async_copy(
                        table.at[ibuf.at[r]],
                        gbuf.at[pl.ds(r * L_SEQ, L_SEQ)], sem))
            for cp in cps:
                cp.wait()
            dst = e_all.at[pl.ds(tok0, c_tok)]
            cps = [pltpu.async_copy(gbuf, dst.at[:, pl.ds(col, w)], sem)
                   for gbuf, (col, w) in zip(gbufs, EMB_FIELDS)]
            for cp in cps:
                cp.wait()
            return carry

        lax.fori_loop(0, n_chunks, chunk, 0)

    return sc_pack


def _tc_body(e, cont, bits, sk, f, fc, fb, fs, mask, bfold, gam, bet, out):
    x = jnp.where(mask[...] != 0, e[...], 0.0)
    acc = jnp.dot(x, f[...], preferred_element_type=jnp.float32)
    xc = jnp.concatenate([cont[g] for g in range(CB)], axis=0)
    acc += jnp.dot(xc, fc[...], preferred_element_type=jnp.float32)
    xb = jnp.concatenate([bits[g] for g in range(CB)], axis=0)
    acc += jnp.dot(xb, fb[...], preferred_element_type=jnp.float32)
    xs = jnp.concatenate([sk[g] for g in range(CB)], axis=0)
    acc += jnp.dot(xs, fs[...], preferred_element_type=jnp.float32)
    acc += bfold[...]
    val = acc[:, :D_OUT]
    gate = jax.nn.sigmoid(acc[:, D_OUT:])
    z = gate * val
    mu = jnp.mean(z, axis=1, keepdims=True)
    zc = z - mu
    var = jnp.mean(zc * zc, axis=1, keepdims=True)
    res = zc / jnp.sqrt(var + 1e-5) * gam[...] + bet[...]
    for g in range(CB):
        out[g, :, :] = res[g * L_SEQ:(g + 1) * L_SEQ, :]


def _tc_call(n_b, args):
    c_tok = CB * L_SEQ
    grid = (n_b // CB,)
    in_specs = [
        pl.BlockSpec((c_tok, 128), lambda i: (i, 0)),
        pl.BlockSpec((CB, L_SEQ, 6), lambda i: (i, 0, 0)),
        pl.BlockSpec((CB, L_SEQ, 16), lambda i: (i, 0, 0)),
        pl.BlockSpec((CB, L_SEQ, 32), lambda i: (i, 0, 0)),
        pl.BlockSpec((128, 256), lambda i: (0, 0)),
        pl.BlockSpec((6, 256), lambda i: (0, 0)),
        pl.BlockSpec((16, 256), lambda i: (0, 0)),
        pl.BlockSpec((32, 256), lambda i: (0, 0)),
        pl.BlockSpec((1, 128), lambda i: (0, 0)),
        pl.BlockSpec((1, 256), lambda i: (0, 0)),
        pl.BlockSpec((1, D_OUT), lambda i: (0, 0)),
        pl.BlockSpec((1, D_OUT), lambda i: (0, 0)),
    ]
    return pl.pallas_call(
        _tc_body,
        grid=grid,
        in_specs=in_specs,
        out_specs=pl.BlockSpec((CB, L_SEQ, D_OUT), lambda i: (i, 0, 0)),
        out_shape=jax.ShapeDtypeStruct((n_b, L_SEQ, D_OUT), jnp.float32),
        compiler_params=pltpu.CompilerParams(
            dimension_semantics=("arbitrary",)),
    )(*args)


def kernel(low8, high8, alignment, small_int, delta, hamming,
           continuous, bitfield, sketch,
           low8_table, high8_table, align_table, small_table, delta_table,
           hamming_table,
           W_cont, b_cont, W_bits, b_bits, W_sketch, b_sketch,
           W_val, b_val, W_gate, b_gate, ln_gamma, ln_beta):
    B, L = low8.shape
    n = B * L

    def pad8(t):
        return jnp.pad(t, ((0, 0), (0, 8 - t.shape[1])))

    tables = (low8_table, high8_table, pad8(align_table), pad8(small_table),
              pad8(delta_table), pad8(hamming_table))

    e_all = _make_sc_pack(B)(*tables, low8, high8, alignment, small_int,
                             delta, hamming)

    qc = _ternary_fwd(W_cont)
    qb = _ternary_fwd(W_bits)
    qs = _ternary_fwd(W_sketch)
    Wvg = jnp.concatenate([W_val, W_gate], axis=0)

    f = jnp.zeros((128, 256), jnp.float32)
    spans = ((0, 8), (8, 16), (16, 20), (20, 24), (24, 30), (30, 34))
    for (c0, c1), (col, _) in zip(spans, EMB_FIELDS):
        f = f.at[col:col + (c1 - c0), :].set(Wvg[:, c0:c1].T)
    fc = qc.T @ Wvg[:, 34:42].T
    fb = qb.T @ Wvg[:, 42:50].T
    fs = qs.T @ Wvg[:, 50:62].T
    bfold = (jnp.concatenate([b_val, b_gate])
             + Wvg[:, 34:42] @ b_cont
             + Wvg[:, 42:50] @ b_bits
             + Wvg[:, 50:62] @ b_sketch)[None, :]

    mask = jnp.zeros((1, 128), jnp.float32).at[:, 0:48].set(1.0)

    return _tc_call(
        B, (e_all, continuous, bitfield, sketch, f, fc, fb, fs, mask,
            bfold, ln_gamma[None, :], ln_beta[None, :]))

# --- scband reference (transcript-rebuilt; emitter-appended) ---
"""Pipeline reference for scband-bit-net-byte-plane-encoder-43576738185546 (READ-ONLY COPY).

The authoritative reference and input builder live on the scoring server;
editing this copy changes nothing except your own understanding.
"""

import jax, jax.numpy as jnp
import numpy as np

PAGE_VOCAB = 100000
REGION_VOCAB = 1000
D_OUT = 128


def _ternary(w):
    # BitNet-style 1.58-bit weight quantization with straight-through estimator
    scale = jnp.mean(jnp.abs(w)) + 1e-5
    q = jnp.clip(jnp.round(w / scale), -1.0, 1.0) * scale
    return w + jax.lax.stop_gradient(q - w)


def _layernorm(x, g, b, eps=1e-5):
    mu = jnp.mean(x, axis=-1, keepdims=True)
    var = jnp.var(x, axis=-1, keepdims=True)
    return (x - mu) / jnp.sqrt(var + eps) * g + b


def setup_inputs(seed: int = 0) -> dict:
    key = jax.random.key(seed)
    ks = jax.random.split(key, 30)
    B, L = 4096, 50
    inp = {}
    inp["low8"] = jax.random.randint(ks[0], (B, L), 0, PAGE_VOCAB, dtype=jnp.int32)
    inp["high8"] = jax.random.randint(ks[1], (B, L), 0, PAGE_VOCAB, dtype=jnp.int32)
    inp["alignment"] = jax.random.randint(ks[2], (B, L), 0, REGION_VOCAB, dtype=jnp.int32)
    inp["small_int"] = jax.random.randint(ks[3], (B, L), 0, REGION_VOCAB, dtype=jnp.int32)
    inp["delta"] = jax.random.randint(ks[4], (B, L), 0, REGION_VOCAB, dtype=jnp.int32)
    inp["hamming"] = jax.random.randint(ks[5], (B, L), 0, REGION_VOCAB, dtype=jnp.int32)
    inp["continuous"] = jax.random.normal(ks[6], (B, L, 6), dtype=jnp.float32)
    inp["bitfield"] = jax.random.uniform(ks[7], (B, L, 16), dtype=jnp.float32)
    inp["sketch"] = jax.random.normal(ks[8], (B, L, 32), dtype=jnp.float32)
    s = 0.05
    inp["low8_table"] = jax.random.normal(ks[9], (PAGE_VOCAB, 8), dtype=jnp.float32) * s
    inp["high8_table"] = jax.random.normal(ks[10], (PAGE_VOCAB, 8), dtype=jnp.float32) * s
    inp["align_table"] = jax.random.normal(ks[11], (REGION_VOCAB, 4), dtype=jnp.float32) * s
    inp["small_table"] = jax.random.normal(ks[12], (REGION_VOCAB, 4), dtype=jnp.float32) * s
    inp["delta_table"] = jax.random.normal(ks[13], (REGION_VOCAB, 6), dtype=jnp.float32) * s
    inp["hamming_table"] = jax.random.normal(ks[14], (REGION_VOCAB, 4), dtype=jnp.float32) * s
    inp["W_cont"] = jax.random.normal(ks[15], (8, 6), dtype=jnp.float32) * 0.2
    inp["b_cont"] = jnp.zeros((8,), dtype=jnp.float32)
    inp["W_bits"] = jax.random.normal(ks[16], (8, 16), dtype=jnp.float32) * 0.2
    inp["b_bits"] = jnp.zeros((8,), dtype=jnp.float32)
    inp["W_sketch"] = jax.random.normal(ks[17], (12, 32), dtype=jnp.float32) * 0.2
    inp["b_sketch"] = jnp.zeros((12,), dtype=jnp.float32)
    inp["W_val"] = jax.random.normal(ks[18], (D_OUT, 62), dtype=jnp.float32) * 0.1
    inp["b_val"] = jnp.zeros((D_OUT,), dtype=jnp.float32)
    inp["W_gate"] = jax.random.normal(ks[19], (D_OUT, 62), dtype=jnp.float32) * 0.1
    inp["b_gate"] = jnp.zeros((D_OUT,), dtype=jnp.float32)
    inp["ln_gamma"] = jnp.ones((D_OUT,), dtype=jnp.float32)
    inp["ln_beta"] = jnp.zeros((D_OUT,), dtype=jnp.float32)
    return inp


def reference(low8, high8, alignment, small_int, delta, hamming,
              continuous, bitfield, sketch,
              low8_table, high8_table, align_table, small_table, delta_table, hamming_table,
              W_cont, b_cont, W_bits, b_bits, W_sketch, b_sketch,
              W_val, b_val, W_gate, b_gate, ln_gamma, ln_beta):
    e_low8 = jnp.take(low8_table, low8, axis=0)
    e_high8 = jnp.take(high8_table, high8, axis=0)
    e_align = jnp.take(align_table, alignment, axis=0)
    e_small = jnp.take(small_table, small_int, axis=0)
    e_delta = jnp.take(delta_table, delta, axis=0)
    e_hamming = jnp.take(hamming_table, hamming, axis=0)
    p_cont = continuous @ _ternary(W_cont).T + b_cont
    p_bits = bitfield @ _ternary(W_bits).T + b_bits
    p_sketch = sketch @ _ternary(W_sketch).T + b_sketch
    combined = jnp.concatenate(
        [e_low8, e_high8, e_align, e_small, e_delta, e_hamming, p_cont, p_bits, p_sketch],
        axis=-1)
    val = combined @ W_val.T + b_val
    gate = jax.nn.sigmoid(combined @ W_gate.T + b_gate)
    z_byte = gate * val
    return _layernorm(z_byte, ln_gamma, ln_beta)

if __name__ == "__main__":
    import jax
    _d = setup_inputs()
    print(jax.jit(kernel)(*tuple(_d.values())))

</pallas_src>

<mosaic_0001>
#map = affine_map<(d0, d1) -> (0, 0)>
module attributes {stable_mosaic.version = 14 : i64} {
  func.func @sc_pack(%arg0: i32, %arg1: i32, %arg2: memref<100000x8xf32, #tpu.memory_space<hbm>>, %arg3: memref<100000x8xf32, #tpu.memory_space<hbm>>, %arg4: memref<1000x8xf32, #tpu.memory_space<hbm>>, %arg5: memref<1000x8xf32, #tpu.memory_space<hbm>>, %arg6: memref<1000x8xf32, #tpu.memory_space<hbm>>, %arg7: memref<1000x8xf32, #tpu.memory_space<hbm>>, %arg8: memref<4096x50xi32, #tpu.memory_space<hbm>>, %arg9: memref<4096x50xi32, #tpu.memory_space<hbm>>, %arg10: memref<4096x50xi32, #tpu.memory_space<hbm>>, %arg11: memref<4096x50xi32, #tpu.memory_space<hbm>>, %arg12: memref<4096x50xi32, #tpu.memory_space<hbm>>, %arg13: memref<4096x50xi32, #tpu.memory_space<hbm>>, %arg14: memref<204800x128xf32, #tpu.memory_space<hbm>>, %arg15: memref<16x50xi32, #tpu.memory_space<vmem>>, %arg16: memref<16x50xi32, #tpu.memory_space<vmem>>, %arg17: memref<16x50xi32, #tpu.memory_space<vmem>>, %arg18: memref<16x50xi32, #tpu.memory_space<vmem>>, %arg19: memref<16x50xi32, #tpu.memory_space<vmem>>, %arg20: memref<16x50xi32, #tpu.memory_space<vmem>>, %arg21: memref<800x8xf32, #tpu.memory_space<vmem>>, %arg22: memref<800x8xf32, #tpu.memory_space<vmem>>, %arg23: memref<800x8xf32, #tpu.memory_space<vmem>>, %arg24: memref<800x8xf32, #tpu.memory_space<vmem>>, %arg25: memref<800x8xf32, #tpu.memory_space<vmem>>, %arg26: memref<800x8xf32, #tpu.memory_space<vmem>>, %arg27: memref<!tpu.dma_semaphore, #tpu.memory_space<semaphore_mem>>) attributes {dimension_semantics = [#tpu.dimension_semantics<core_parallel>, #tpu.dimension_semantics<subcore_parallel>], iteration_bounds = array<i64: 2, 16>, scalar_prefetch = 0 : i64, scratch_operands = 13 : i64, tpu.core_type = #tpu.core_type<sc_vector_subcore>, window_params = [{transform_indices = #map}, {transform_indices = #map}, {transform_indices = #map}, {transform_indices = #map}, {transform_indices = #map}, {transform_indices = #map}, {transform_indices = #map}, {transform_indices = #map}, {transform_indices = #map}, {transform_indices = #map}, {transform_indices = #map}, {transform_indices = #map}, {transform_indices = #map}]} {
    %mul3A = arith.constant 16 : i32
    %mul3A_0 = arith.muli %arg0, %mul3A : i32
    %add3A = arith.addi %mul3A_0, %arg1 : i32
    %mul3A_1 = arith.constant 128 : i32
    %mul3A_2 = arith.muli %add3A, %mul3A_1 : i32
    %scan3A = arith.constant 0 : i32
    %scan3A_3 = arith.constant 0 : i32
    %scan3A_4 = arith.constant 8 : i32
    %scan3A_5 = arith.addi %scan3A_3, %scan3A_4 : i32
    %scan3A_6 = arith.constant 1 : i32
    scf.for %scan3A_8 = %scan3A_3 to %scan3A_5 step %scan3A_6  : i32 {
      %mul3A_9 = arith.constant 16 : i32
      %mul3A_10 = arith.muli %scan3A_8, %mul3A_9 : i32
      %add3A_11 = arith.addi %mul3A_2, %mul3A_10 : i32
      %mul3A_12 = arith.constant 50 : i32
      %mul3A_13 = arith.muli %add3A_11, %mul3A_12 : i32
      %dma_start3A = arith.constant 0 : i32
      %dma_start3A_14 = tpu.memref_slice %arg8[%add3A_11, %dma_start3A] : memref<4096x50xi32, #tpu.memory_space<hbm>> -> memref<16x50xi32, #tpu.memory_space<hbm>>
      %dma_start3A_15 = arith.constant 0 : i32
      %dma_start3A_16 = tpu.memref_slice %arg8[%add3A_11, %dma_start3A_15] : memref<4096x50xi32, #tpu.memory_space<hbm>> -> memref<16x50xi32, #tpu.memory_space<hbm>>
      tpu.enqueue_dma source(%dma_start3A_16 : memref<16x50xi32, #tpu.memory_space<hbm>>) target(%arg15 : memref<16x50xi32, #tpu.memory_space<vmem>>) target_semaphore(%arg27 : memref<!tpu.dma_semaphore, #tpu.memory_space<semaphore_mem>>)
      %dma_start3A_17 = arith.constant 0 : i32
      %dma_start3A_18 = tpu.memref_slice %arg9[%add3A_11, %dma_start3A_17] : memref<4096x50xi32, #tpu.memory_space<hbm>> -> memref<16x50xi32, #tpu.memory_space<hbm>>
      %dma_start3A_19 = arith.constant 0 : i32
      %dma_start3A_20 = tpu.memref_slice %arg9[%add3A_11, %dma_start3A_19] : memref<4096x50xi32, #tpu.memory_space<hbm>> -> memref<16x50xi32, #tpu.memory_space<hbm>>
      tpu.enqueue_dma source(%dma_start3A_20 : memref<16x50xi32, #tpu.memory_space<hbm>>) target(%arg16 : memref<16x50xi32, #tpu.memory_space<vmem>>) target_semaphore(%arg27 : memref<!tpu.dma_semaphore, #tpu.memory_space<semaphore_mem>>)
      %dma_start3A_21 = arith.constant 0 : i32
      %dma_start3A_22 = tpu.memref_slice %arg10[%add3A_11, %dma_start3A_21] : memref<4096x50xi32, #tpu.memory_space<hbm>> -> memref<16x50xi32, #tpu.memory_space<hbm>>
      %dma_start3A_23 = arith.constant 0 : i32
      %dma_start3A_24 = tpu.memref_slice %arg10[%add3A_11, %dma_start3A_23] : memref<4096x50xi32, #tpu.memory_space<hbm>> -> memref<16x50xi32, #tpu.memory_space<hbm>>
      tpu.enqueue_dma source(%dma_start3A_24 : memref<16x50xi32, #tpu.memory_space<hbm>>) target(%arg17 : memref<16x50xi32, #tpu.memory_space<vmem>>) target_semaphore(%arg27 : memref<!tpu.dma_semaphore, #tpu.memory_space<semaphore_mem>>)
      %dma_start3A_25 = arith.constant 0 : i32
      %dma_start3A_26 = tpu.memref_slice %arg11[%add3A_11, %dma_start3A_25] : memref<4096x50xi32, #tpu.memory_space<hbm>> -> memref<16x50xi32, #tpu.memory_space<hbm>>
      %dma_start3A_27 = arith.constant 0 : i32
      %dma_start3A_28 = tpu.memref_slice %arg11[%add3A_11, %dma_start3A_27] : memref<4096x50xi32, #tpu.memory_space<hbm>> -> memref<16x50xi32, #tpu.memory_space<hbm>>
      tpu.enqueue_dma source(%dma_start3A_28 : memref<16x50xi32, #tpu.memory_space<hbm>>) target(%arg18 : memref<16x50xi32, #tpu.memory_space<vmem>>) target_semaphore(%arg27 : memref<!tpu.dma_semaphore, #tpu.memory_space<semaphore_mem>>)
      %dma_start3A_29 = arith.constant 0 : i32
      %dma_start3A_30 = tpu.memref_slice %arg12[%add3A_11, %dma_start3A_29] : memref<4096x50xi32, #tpu.memory_space<hbm>> -> memref<16x50xi32, #tpu.memory_space<hbm>>
      %dma_start3A_31 = arith.constant 0 : i32
      %dma_start3A_32 = tpu.memref_slice %arg12[%add3A_11, %dma_start3A_31] : memref<4096x50xi32, #tpu.memory_space<hbm>> -> memref<16x50xi32, #tpu.memory_space<hbm>>
      tpu.enqueue_dma source(%dma_start3A_32 : memref<16x50xi32, #tpu.memory_space<hbm>>) target(%arg19 : memref<16x50xi32, #tpu.memory_space<vmem>>) target_semaphore(%arg27 : memref<!tpu.dma_semaphore, #tpu.memory_space<semaphore_mem>>)
      %dma_start3A_33 = arith.constant 0 : i32
      %dma_start3A_34 = tpu.memref_slice %arg13[%add3A_11, %dma_start3A_33] : memref<4096x50xi32, #tpu.memory_space<hbm>> -> memref<16x50xi32, #tpu.memory_space<hbm>>
      %dma_start3A_35 = arith.constant 0 : i32
      %dma_start3A_36 = tpu.memref_slice %arg13[%add3A_11, %dma_start3A_35] : memref<4096x50xi32, #tpu.memory_space<hbm>> -> memref<16x50xi32, #tpu.memory_space<hbm>>
      tpu.enqueue_dma source(%dma_start3A_36 : memref<16x50xi32, #tpu.memory_space<hbm>>) target(%arg20 : memref<16x50xi32, #tpu.memory_space<vmem>>) target_semaphore(%arg27 : memref<!tpu.dma_semaphore, #tpu.memory_space<semaphore_mem>>)
      %dma_wait3A = arith.constant 0 : i32
      %dma_wait3A_37 = tpu.memref_slice %arg8[%add3A_11, %dma_wait3A] : memref<4096x50xi32, #tpu.memory_space<hbm>> -> memref<16x50xi32, #tpu.memory_space<hbm>>
      %dma_wait3A_38 = arith.constant 0 : i32
      %dma_wait3A_39 = tpu.memref_slice %arg8[%add3A_11, %dma_wait3A_38] : memref<4096x50xi32, #tpu.memory_space<hbm>> -> memref<16x50xi32, #tpu.memory_space<hbm>>
      tpu.wait_dma2 semaphore(%arg27 : memref<!tpu.dma_semaphore, #tpu.memory_space<semaphore_mem>>) src(%dma_wait3A_39 : memref<16x50xi32, #tpu.memory_space<hbm>>) dst(%arg15 : memref<16x50xi32, #tpu.memory_space<vmem>>)
      %dma_wait3A_40 = arith.constant 0 : i32
      %dma_wait3A_41 = tpu.memref_slice %arg9[%add3A_11, %dma_wait3A_40] : memref<4096x50xi32, #tpu.memory_space<hbm>> -> memref<16x50xi32, #tpu.memory_space<hbm>>
      %dma_wait3A_42 = arith.constant 0 : i32
      %dma_wait3A_43 = tpu.memref_slice %arg9[%add3A_11, %dma_wait3A_42] : memref<4096x50xi32, #tpu.memory_space<hbm>> -> memref<16x50xi32, #tpu.memory_space<hbm>>
      tpu.wait_dma2 semaphore(%arg27 : memref<!tpu.dma_semaphore, #tpu.memory_space<semaphore_mem>>) src(%dma_wait3A_43 : memref<16x50xi32, #tpu.memory_space<hbm>>) dst(%arg16 : memref<16x50xi32, #tpu.memory_space<vmem>>)
      %dma_wait3A_44 = arith.constant 0 : i32
      %dma_wait3A_45 = tpu.memref_slice %arg10[%add3A_11, %dma_wait3A_44] : memref<4096x50xi32, #tpu.memory_space<hbm>> -> memref<16x50xi32, #tpu.memory_space<hbm>>
      %dma_wait3A_46 = arith.constant 0 : i32
      %dma_wait3A_47 = tpu.memref_slice %arg10[%add3A_11, %dma_wait3A_46] : memref<4096x50xi32, #tpu.memory_space<hbm>> -> memref<16x50xi32, #tpu.memory_space<hbm>>
      tpu.wait_dma2 semaphore(%arg27 : memref<!tpu.dma_semaphore, #tpu.memory_space<semaphore_mem>>) src(%dma_wait3A_47 : memref<16x50xi32, #tpu.memory_space<hbm>>) dst(%arg17 : memref<16x50xi32, #tpu.memory_space<vmem>>)
      %dma_wait3A_48 = arith.constant 0 : i32
      %dma_wait3A_49 = tpu.memref_slice %arg11[%add3A_11, %dma_wait3A_48] : memref<4096x50xi32, #tpu.memory_space<hbm>> -> memref<16x50xi32, #tpu.memory_space<hbm>>
      %dma_wait3A_50 = arith.constant 0 : i32
      %dma_wait3A_51 = tpu.memref_slice %arg11[%add3A_11, %dma_wait3A_50] : memref<4096x50xi32, #tpu.memory_space<hbm>> -> memref<16x50xi32, #tpu.memory_space<hbm>>
      tpu.wait_dma2 semaphore(%arg27 : memref<!tpu.dma_semaphore, #tpu.memory_space<semaphore_mem>>) src(%dma_wait3A_51 : memref<16x50xi32, #tpu.memory_space<hbm>>) dst(%arg18 : memref<16x50xi32, #tpu.memory_space<vmem>>)
      %dma_wait3A_52 = arith.constant 0 : i32
      %dma_wait3A_53 = tpu.memref_slice %arg12[%add3A_11, %dma_wait3A_52] : memref<4096x50xi32, #tpu.memory_space<hbm>> -> memref<16x50xi32, #tpu.memory_space<hbm>>
      %dma_wait3A_54 = arith.constant 0 : i32
      %dma_wait3A_55 = tpu.memref_slice %arg12[%add3A_11, %dma_wait3A_54] : memref<4096x50xi32, #tpu.memory_space<hbm>> -> memref<16x50xi32, #tpu.memory_space<hbm>>
      tpu.wait_dma2 semaphore(%arg27 : memref<!tpu.dma_semaphore, #tpu.memory_space<semaphore_mem>>) src(%dma_wait3A_55 : memref<16x50xi32, #tpu.memory_space<hbm>>) dst(%arg19 : memref<16x50xi32, #tpu.memory_space<vmem>>)
      %dma_wait3A_56 = arith.constant 0 : i32
      %dma_wait3A_57 = tpu.memref_slice %arg13[%add3A_11, %dma_wait3A_56] : memref<4096x50xi32, #tpu.memory_space<hbm>> -> memref<16x50xi32, #tpu.memory_space<hbm>>
      %dma_wait3A_58 = arith.constant 0 : i32
      %dma_wait3A_59 = tpu.memref_slice %arg13[%add3A_11, %dma_wait3A_58] : memref<4096x50xi32, #tpu.memory_space<hbm>> -> memref<16x50xi32, #tpu.memory_space<hbm>>
      tpu.wait_dma2 semaphore(%arg27 : memref<!tpu.dma_semaphore, #tpu.memory_space<semaphore_mem>>) src(%dma_wait3A_59 : memref<16x50xi32, #tpu.memory_space<hbm>>) dst(%arg20 : memref<16x50xi32, #tpu.memory_space<vmem>>)
      %dma_start3A_60 = arith.constant 0 : i32
      %dma_start3A_61 = arith.constant 0 : i32
      %dma_start3A_62 = arith.constant 0 : i32
      %dma_start3A_63 = tpu.memref_slice %arg21[%dma_start3A_61, %dma_start3A_62] : memref<800x8xf32, #tpu.memory_space<vmem>> -> memref<50x8xf32, #tpu.memory_space<vmem>>
      %dma_start3A_64 = arith.constant 0 : i32
      %dma_start3A_65 = tpu.memref_slice %arg15[%dma_start3A_60, %dma_start3A_64] : memref<16x50xi32, #tpu.memory_space<vmem>> -> memref<1x50xi32, #tpu.memory_space<vmem>>
      %dma_start3A_66 = tpu.memref_squeeze %dma_start3A_65 : memref<1x50xi32, #tpu.memory_space<vmem>> -> memref<50xi32, #tpu.memory_space<vmem>>
      %dma_start3A_67 = arith.constant 0 : i32
      %dma_start3A_68 = arith.constant 0 : i32
      %dma_start3A_69 = tpu.memref_slice %arg2[%dma_start3A_67, %dma_start3A_68] : memref<100000x8xf32, #tpu.memory_space<hbm>> -> memref<100000x8xf32, #tpu.memory_space<hbm>>
      tpu.enqueue_indirect_dma source(%dma_start3A_69 : memref<100000x8xf32, #tpu.memory_space<hbm>>) target(%dma_start3A_63 : memref<50x8xf32, #tpu.memory_space<vmem>>) offsets(%dma_start3A_66 : memref<50xi32, #tpu.memory_space<vmem>>) semaphore(%arg27 : memref<!tpu.dma_semaphore, #tpu.memory_space<semaphore_mem>>)
      %dma_start3A_70 = arith.constant 1 : i32
      %dma_start3A_71 = arith.constant 50 : i32
      %dma_start3A_72 = arith.constant 0 : i32
      %dma_start3A_73 = tpu.memref_slice %arg21[%dma_start3A_71, %dma_start3A_72] : memref<800x8xf32, #tpu.memory_space<vmem>> -> memref<50x8xf32, #tpu.memory_space<vmem>>
      %dma_start3A_74 = arith.constant 0 : i32
      %dma_start3A_75 = tpu.memref_slice %arg15[%dma_start3A_70, %dma_start3A_74] : memref<16x50xi32, #tpu.memory_space<vmem>> -> memref<1x50xi32, #tpu.memory_space<vmem>>
      %dma_start3A_76 = tpu.memref_squeeze %dma_start3A_75 : memref<1x50xi32, #tpu.memory_space<vmem>> -> memref<50xi32, #tpu.memory_space<vmem>>
      %dma_start3A_77 = arith.constant 0 : i32
      %dma_start3A_78 = arith.constant 0 : i32
      %dma_start3A_79 = tpu.memref_slice %arg2[%dma_start3A_77, %dma_start3A_78] : memref<100000x8xf32, #tpu.memory_space<hbm>> -> memref<100000x8xf32, #tpu.memory_space<hbm>>
      tpu.enqueue_indirect_dma source(%dma_start3A_79 : memref<100000x8xf32, #tpu.memory_space<hbm>>) target(%dma_start3A_73 : memref<50x8xf32, #tpu.memory_space<vmem>>) offsets(%dma_start3A_76 : memref<50xi32, #tpu.memory_space<vmem>>) semaphore(%arg27 : memref<!tpu.dma_semaphore, #tpu.memory_space<semaphore_mem>>)
      %dma_start3A_80 = arith.constant 2 : i32
      %dma_start3A_81 = arith.constant 100 : i32
      %dma_start3A_82 = arith.constant 0 : i32
      %dma_start3A_83 = tpu.memref_slice %arg21[%dma_start3A_81, %dma_start3A_82] : memref<800x8xf32, #tpu.memory_space<vmem>> -> memref<50x8xf32, #tpu.memory_space<vmem>>
      %dma_start3A_84 = arith.constant 0 : i32
      %dma_start3A_85 = tpu.memref_slice %arg15[%dma_start3A_80, %dma_start3A_84] : memref<16x50xi32, #tpu.memory_space<vmem>> -> memref<1x50xi32, #tpu.memory_space<vmem>>
      %dma_start3A_86 = tpu.memref_squeeze %dma_start3A_85 : memref<1x50xi32, #tpu.memory_space<vmem>> -> memref<50xi32, #tpu.memory_space<vmem>>
      %dma_start3A_87 = arith.constant 0 : i32
      %dma_start3A_88 = arith.constant 0 : i32
      %dma_start3A_89 = tpu.memref_slice %arg2[%dma_start3A_87, %dma_start3A_88] : memref<100000x8xf32, #tpu.memory_space<hbm>> -> memref<100000x8xf32, #tpu.memory_space<hbm>>
      tpu.enqueue_indirect_dma source(%dma_start3A_89 : memref<100000x8xf32, #tpu.memory_space<hbm>>) target(%dma_start3A_83 : memref<50x8xf32, #tpu.memory_space<vmem>>) offsets(%dma_start3A_86 : memref<50xi32, #tpu.memory_space<vmem>>) semaphore(%arg27 : memref<!tpu.dma_semaphore, #tpu.memory_space<semaphore_mem>>)
      %dma_start3A_90 = arith.constant 3 : i32
      %dma_start3A_91 = arith.constant 150 : i32
      %dma_start3A_92 = arith.constant 0 : i32
      %dma_start3A_93 = tpu.memref_slice %arg21[%dma_start3A_91, %dma_start3A_92] : memref<800x8xf32, #tpu.memory_space<vmem>> -> memref<50x8xf32, #tpu.memory_space<vmem>>
      %dma_start3A_94 = arith.constant 0 : i32
      %dma_start3A_95 = tpu.memref_slice %arg15[%dma_start3A_90, %dma_start3A_94] : memref<16x50xi32, #tpu.memory_space<vmem>> -> memref<1x50xi32, #tpu.memory_space<vmem>>
      %dma_start3A_96 = tpu.memref_squeeze %dma_start3A_95 : memref<1x50xi32, #tpu.memory_space<vmem>> -> memref<50xi32, #tpu.memory_space<vmem>>
      %dma_start3A_97 = arith.constant 0 : i32
      %dma_start3A_98 = arith.constant 0 : i32
      %dma_start3A_99 = tpu.memref_slice %arg2[%dma_start3A_97, %dma_start3A_98] : memref<100000x8xf32, #tpu.memory_space<hbm>> -> memref<100000x8xf32, #tpu.memory_space<hbm>>
      tpu.enqueue_indirect_dma source(%dma_start3A_99 : memref<100000x8xf32, #tpu.memory_space<hbm>>) target(%dma_start3A_93 : memref<50x8xf32, #tpu.memory_space<vmem>>) offsets(%dma_start3A_96 : memref<50xi32, #tpu.memory_space<vmem>>) semaphore(%arg27 : memref<!tpu.dma_semaphore, #tpu.memory_space<semaphore_mem>>)
      %dma_start3A_100 = arith.constant 4 : i32
      %dma_start3A_101 = arith.constant 200 : i32
      %dma_start3A_102 = arith.constant 0 : i32
      %dma_start3A_103 = tpu.memref_slice %arg21[%dma_start3A_101, %dma_start3A_102] : memref<800x8xf32, #tpu.memory_space<vmem>> -> memref<50x8xf32, #tpu.memory_space<vmem>>
      %dma_start3A_104 = arith.constant 0 : i32
      %dma_start3A_105 = tpu.memref_slice %arg15[%dma_start3A_100, %dma_start3A_104] : memref<16x50xi32, #tpu.memory_space<vmem>> -> memref<1x50xi32, #tpu.memory_space<vmem>>
      %dma_start3A_106 = tpu.memref_squeeze %dma_start3A_105 : memref<1x50xi32, #tpu.memory_space<vmem>> -> memref<50xi32, #tpu.memory_space<vmem>>
      %dma_start3A_107 = arith.constant 0 : i32
      %dma_start3A_108 = arith.constant 0 : i32
      %dma_start3A_109 = tpu.memref_slice %arg2[%dma_start3A_107, %dma_start3A_108] : memref<100000x8xf32, #tpu.memory_space<hbm>> -> memref<100000x8xf32, #tpu.memory_space<hbm>>
      tpu.enqueue_indirect_dma source(%dma_start3A_109 : memref<100000x8xf32, #tpu.memory_space<hbm>>) target(%dma_start3A_103 : memref<50x8xf32, #tpu.memory_space<vmem>>) offsets(%dma_start3A_106 : memref<50xi32, #tpu.memory_space<vmem>>) semaphore(%arg27 : memref<!tpu.dma_semaphore, #tpu.memory_space<semaphore_mem>>)
      %dma_start3A_110 = arith.constant 5 : i32
      %dma_start3A_111 = arith.constant 250 : i32
      %dma_start3A_112 = arith.constant 0 : i32
      %dma_start3A_113 = tpu.memref_slice %arg21[%dma_start3A_111, %dma_start3A_112] : memref<800x8xf32, #tpu.memory_space<vmem>> -> memref<50x8xf32, #tpu.memory_space<vmem>>
      %dma_start3A_114 = arith.constant 0 : i32
      %dma_start3A_115 = tpu.memref_slice %arg15[%dma_start3A_110, %dma_start3A_114] : memref<16x50xi32, #tpu.memory_space<vmem>> -> memref<1x50xi32, #tpu.memory_space<vmem>>
      %dma_start3A_116 = tpu.memref_squeeze %dma_start3A_115 : memref<1x50xi32, #tpu.memory_space<vmem>> -> memref<50xi32, #tpu.memory_space<vmem>>
      %dma_start3A_117 = arith.constant 0 : i32
      %dma_start3A_118 = arith.constant 0 : i32
      %dma_start3A_119 = tpu.memref_slice %arg2[%dma_start3A_117, %dma_start3A_118] : memref<100000x8xf32, #tpu.memory_space<hbm>> -> memref<100000x8xf32, #tpu.memory_space<hbm>>
      tpu.enqueue_indirect_dma source(%dma_start3A_119 : memref<100000x8xf32, #tpu.memory_space<hbm>>) target(%dma_start3A_113 : memref<50x8xf32, #tpu.memory_space<vmem>>) offsets(%dma_start3A_116 : memref<50xi32, #tpu.memory_space<vmem>>) semaphore(%arg27 : memref<!tpu.dma_semaphore, #tpu.memory_space<semaphore_mem>>)
      %dma_start3A_120 = arith.constant 6 : i32
      %dma_start3A_121 = arith.constant 300 : i32
      %dma_start3A_122 = arith.constant 0 : i32
      %dma_start3A_123 = tpu.memref_slice %arg21[%dma_start3A_121, %dma_start3A_122] : memref<800x8xf32, #tpu.memory_space<vmem>> -> memref<50x8xf32, #tpu.memory_space<vmem>>
      %dma_start3A_124 = arith.constant 0 : i32
      %dma_start3A_125 = tpu.memref_slice %arg15[%dma_start3A_120, %dma_start3A_124] : memref<16x50xi32, #tpu.memory_space<vmem>> -> memref<1x50xi32, #tpu.memory_space<vmem>>
      %dma_start3A_126 = tpu.memref_squeeze %dma_start3A_125 : memref<1x50xi32, #tpu.memory_space<vmem>> -> memref<50xi32, #tpu.memory_space<vmem>>
      %dma_start3A_127 = arith.constant 0 : i32
      %dma_start3A_128 = arith.constant 0 : i32
      %dma_start3A_129 = tpu.memref_slice %arg2[%dma_start3A_127, %dma_start3A_128] : memref<100000x8xf32, #tpu.memory_space<hbm>> -> memref<100000x8xf32, #tpu.memory_space<hbm>>
      tpu.enqueue_indirect_dma source(%dma_start3A_129 : memref<100000x8xf32, #tpu.memory_space<hbm>>) target(%dma_start3A_123 : memref<50x8xf32, #tpu.memory_space<vmem>>) offsets(%dma_start3A_126 : memref<50xi32, #tpu.memory_space<vmem>>) semaphore(%arg27 : memref<!tpu.dma_semaphore, #tpu.memory_space<semaphore_mem>>)
      %dma_start3A_130 = arith.constant 7 : i32
      %dma_start3A_131 = arith.constant 350 : i32
      %dma_start3A_132 = arith.constant 0 : i32
      %dma_start3A_133 = tpu.memref_slice %arg21[%dma_start3A_131, %dma_start3A_132] : memref<800x8xf32, #tpu.memory_space<vmem>> -> memref<50x8xf32, #tpu.memory_space<vmem>>
      %dma_start3A_134 = arith.constant 0 : i32
      %dma_start3A_135 = tpu.memref_slice %arg15[%dma_start3A_130, %dma_start3A_134] : memref<16x50xi32, #tpu.memory_space<vmem>> -> memref<1x50xi32, #tpu.memory_space<vmem>>
      %dma_start3A_136 = tpu.memref_squeeze %dma_start3A_135 : memref<1x50xi32, #tpu.memory_space<vmem>> -> memref<50xi32, #tpu.memory_space<vmem>>
      %dma_start3A_137 = arith.constant 0 : i32
      %dma_start3A_138 = arith.constant 0 : i32
      %dma_start3A_139 = tpu.memref_slice %arg2[%dma_start3A_137, %dma_start3A_138] : memref<100000x8xf32, #tpu.memory_space<hbm>> -> memref<100000x8xf32, #tpu.memory_space<hbm>>
      tpu.enqueue_indirect_dma source(%dma_start3A_139 : memref<100000x8xf32, #tpu.memory_space<hbm>>) target(%dma_start3A_133 : memref<50x8xf32, #tpu.memory_space<vmem>>) offsets(%dma_start3A_136 : memref<50xi32, #tpu.memory_space<vmem>>) semaphore(%arg27 : memref<!tpu.dma_semaphore, #tpu.memory_space<semaphore_mem>>)
      %dma_start3A_140 = arith.constant 8 : i32
      %dma_start3A_141 = arith.constant 400 : i32
      %dma_start3A_142 = arith.constant 0 : i32
      %dma_start3A_143 = tpu.memref_slice %arg21[%dma_start3A_141, %dma_start3A_142] : memref<800x8xf32, #tpu.memory_space<vmem>> -> memref<50x8xf32, #tpu.memory_space<vmem>>
      %dma_start3A_144 = arith.constant 0 : i32
      %dma_start3A_145 = tpu.memref_slice %arg15[%dma_start3A_140, %dma_start3A_144] : memref<16x50xi32, #tpu.memory_space<vmem>> -> memref<1x50xi32, #tpu.memory_space<vmem>>
      %dma_start3A_146 = tpu.memref_squeeze %dma_start3A_145 : memref<1x50xi32, #tpu.memory_space<vmem>> -> memref<50xi32, #tpu.memory_space<vmem>>
      %dma_start3A_147 = arith.constant 0 : i32
      %dma_start3A_148 = arith.constant 0 : i32
      %dma_start3A_149 = tpu.memref_slice %arg2[%dma_start3A_147, %dma_start3A_148] : memref<100000x8xf32, #tpu.memory_space<hbm>> -> memref<100000x8xf32, #tpu.memory_space<hbm>>
      tpu.enqueue_indirect_dma source(%dma_start3A_149 : memref<100000x8xf32, #tpu.memory_space<hbm>>) target(%dma_start3A_143 : memref<50x8xf32, #tpu.memory_space<vmem>>) offsets(%dma_start3A_146 : memref<50xi32, #tpu.memory_space<vmem>>) semaphore(%arg27 : memref<!tpu.dma_semaphore, #tpu.memory_space<semaphore_mem>>)
      %dma_start3A_150 = arith.constant 9 : i32
      %dma_start3A_151 = arith.constant 450 : i32
      %dma_start3A_152 = arith.constant 0 : i32
      %dma_start3A_153 = tpu.memref_slice %arg21[%dma_start3A_151, %dma_start3A_152] : memref<800x8xf32, #tpu.memory_space<vmem>> -> memref<50x8xf32, #tpu.memory_space<vmem>>
      %dma_start3A_154 = arith.constant 0 : i32
      %dma_start3A_155 = tpu.memref_slice %arg15[%dma_start3A_150, %dma_start3A_154] : memref<16x50xi32, #tpu.memory_space<vmem>> -> memref<1x50xi32, #tpu.memory_space<vmem>>
      %dma_start3A_156 = tpu.memref_squeeze %dma_start3A_155 : memref<1x50xi32, #tpu.memory_space<vmem>> -> memref<50xi32, #tpu.memory_space<vmem>>
      %dma_start3A_157 = arith.constant 0 : i32
      %dma_start3A_158 = arith.constant 0 : i32
      %dma_start3A_159 = tpu.memref_slice %arg2[%dma_start3A_157, %dma_start3A_158] : memref<100000x8xf32, #tpu.memory_space<hbm>> -> memref<100000x8xf32, #tpu.memory_space<hbm>>
      tpu.enqueue_indirect_dma source(%dma_start3A_159 : memref<100000x8xf32, #tpu.memory_space<hbm>>) target(%dma_start3A_153 : memref<50x8xf32, #tpu.memory_space<vmem>>) offsets(%dma_start3A_156 : memref<50xi32, #tpu.memory_space<vmem>>) semaphore(%arg27 : memref<!tpu.dma_semaphore, #tpu.memory_space<semaphore_mem>>)
      %dma_start3A_160 = arith.constant 10 : i32
      %dma_start3A_161 = arith.constant 500 : i32
      %dma_start3A_162 = arith.constant 0 : i32
      %dma_start3A_163 = tpu.memref_slice %arg21[%dma_start3A_161, %dma_start3A_162] : memref<800x8xf32, #tpu.memory_space<vmem>> -> memref<50x8xf32, #tpu.memory_space<vmem>>
      %dma_start3A_164 = arith.constant 0 : i32
      %dma_start3A_165 = tpu.memref_slice %arg15[%dma_start3A_160, %dma_start3A_164] : memref<16x50xi32, #tpu.memory_space<vmem>> -> memref<1x50xi32, #tpu.memory_space<vmem>>
      %dma_start3A_166 = tpu.memref_squeeze %dma_start3A_165 : memref<1x50xi32, #tpu.memory_space<vmem>> -> memref<50xi32, #tpu.memory_space<vmem>>
      %dma_start3A_167 = arith.constant 0 : i32
      %dma_start3A_168 = arith.constant 0 : i32
      %dma_start3A_169 = tpu.memref_slice %arg2[%dma_start3A_167, %dma_start3A_168] : memref<100000x8xf32, #tpu.memory_space<hbm>> -> memref<100000x8xf32, #tpu.memory_space<hbm>>
      tpu.enqueue_indirect_dma source(%dma_start3A_169 : memref<100000x8xf32, #tpu.memory_space<hbm>>) target(%dma_start3A_163 : memref<50x8xf32, #tpu.memory_space<vmem>>) offsets(%dma_start3A_166 : memref<50xi32, #tpu.memory_space<vmem>>) semaphore(%arg27 : memref<!tpu.dma_semaphore, #tpu.memory_space<semaphore_mem>>)
      %dma_start3A_170 = arith.constant 11 : i32
      %dma_start3A_171 = arith.constant 550 : i32
      %dma_start3A_172 = arith.constant 0 : i32
      %dma_start3A_173 = tpu.memref_slice %arg21[%dma_start3A_171, %dma_start3A_172] : memref<800x8xf32, #tpu.memory_space<vmem>> -> memref<50x8xf32, #tpu.memory_space<vmem>>
      %dma_start3A_174 = arith.constant 0 : i32
      %dma_start3A_175 = tpu.memref_slice %arg15[%dma_start3A_170, %dma_start3A_174] : memref<16x50xi32, #tpu.memory_space<vmem>> -> memref<1x50xi32, #tpu.memory_space<vmem>>
      %dma_start3A_176 = tpu.memref_squeeze %dma_start3A_175 : memref<1x50xi32, #tpu.memory_space<vmem>> -> memref<50xi32, #tpu.memory_space<vmem>>
      %dma_start3A_177 = arith.constant 0 : i32
      %dma_start3A_178 = arith.constant 0 : i32
      %dma_start3A_179 = tpu.memref_slice %arg2[%dma_start3A_177, %dma_start3A_178] : memref<100000x8xf32, #tpu.memory_space<hbm>> -> memref<100000x8xf32, #tpu.memory_space<hbm>>
      tpu.enqueue_indirect_dma source(%dma_start3A_179 : memref<100000x8xf32, #tpu.memory_space<hbm>>) target(%dma_start3A_173 : memref<50x8xf32, #tpu.memory_space<vmem>>) offsets(%dma_start3A_176 : memref<50xi32, #tpu.memory_space<vmem>>) semaphore(%arg27 : memref<!tpu.dma_semaphore, #tpu.memory_space<semaphore_mem>>)
      %dma_start3A_180 = arith.constant 12 : i32
      %dma_start3A_181 = arith.constant 600 : i32
      %dma_start3A_182 = arith.constant 0 : i32
      %dma_start3A_183 = tpu.memref_slice %arg21[%dma_start3A_181, %dma_start3A_182] : memref<800x8xf32, #tpu.memory_space<vmem>> -> memref<50x8xf32, #tpu.memory_space<vmem>>
      %dma_start3A_184 = arith.constant 0 : i32
      %dma_start3A_185 = tpu.memref_slice %arg15[%dma_start3A_180, %dma_start3A_184] : memref<16x50xi32, #tpu.memory_space<vmem>> -> memref<1x50xi32, #tpu.memory_space<vmem>>
      %dma_start3A_186 = tpu.memref_squeeze %dma_start3A_185 : memref<1x50xi32, #tpu.memory_space<vmem>> -> memref<50xi32, #tpu.memory_space<vmem>>
      %dma_start3A_187 = arith.constant 0 : i32
      %dma_start3A_188 = arith.constant 0 : i32
      %dma_start3A_189 = tpu.memref_slice %arg2[%dma_start3A_187, %dma_start3A_188] : memref<100000x8xf32, #tpu.memory_space<hbm>> -> memref<100000x8xf32, #tpu.memory_space<hbm>>
      tpu.enqueue_indirect_dma source(%dma_start3A_189 : memref<100000x8xf32, #tpu.memory_space<hbm>>) target(%dma_start3A_183 : memref<50x8xf32, #tpu.memory_space<vmem>>) offsets(%dma_start3A_186 : memref<50xi32, #tpu.memory_space<vmem>>) semaphore(%arg27 : memref<!tpu.dma_semaphore, #tpu.memory_space<semaphore_mem>>)
      %dma_start3A_190 = arith.constant 13 : i32
      %dma_start3A_191 = arith.constant 650 : i32
      %dma_start3A_192 = arith.constant 0 : i32
      %dma_start3A_193 = tpu.memref_slice %arg21[%dma_start3A_191, %dma_start3A_192] : memref<800x8xf32, #tpu.memory_space<vmem>> -> memref<50x8xf32, #tpu.memory_space<vmem>>
      %dma_start3A_194 = arith.constant 0 : i32
      %dma_start3A_195 = tpu.memref_slice %arg15[%dma_start3A_190, %dma_start3A_194] : memref<16x50xi32, #tpu.memory_space<vmem>> -> memref<1x50xi32, #tpu.memory_space<vmem>>
      %dma_start3A_196 = tpu.memref_squeeze %dma_start3A_195 : memref<1x50xi32, #tpu.memory_space<vmem>> -> memref<50xi32, #tpu.memory_space<vmem>>
      %dma_start3A_197 = arith.constant 0 : i32
      %dma_start3A_198 = arith.constant 0 : i32
      %dma_start3A_199 = tpu.memref_slice %arg2[%dma_start3A_197, %dma_start3A_198] : memref<100000x8xf32, #tpu.memory_space<hbm>> -> memref<100000x8xf32, #tpu.memory_space<hbm>>
      tpu.enqueue_indirect_dma source(%dma_start3A_199 : memref<100000x8xf32, #tpu.memory_space<hbm>>) target(%dma_start3A_193 : memref<50x8xf32, #tpu.memory_space<vmem>>) offsets(%dma_start3A_196 : memref<50xi32, #tpu.memory_space<vmem>>) semaphore(%arg27 : memref<!tpu.dma_semaphore, #tpu.memory_space<semaphore_mem>>)
      %dma_start3A_200 = arith.constant 14 : i32
      %dma_start3A_201 = arith.constant 700 : i32
      %dma_start3A_202 = arith.constant 0 : i32
      %dma_start3A_203 = tpu.memref_slice %arg21[%dma_start3A_201, %dma_start3A_202] : memref<800x8xf32, #tpu.memory_space<vmem>> -> memref<50x8xf32, #tpu.memory_space<vmem>>
      %dma_start3A_204 = arith.constant 0 : i32
      %dma_start3A_205 = tpu.memref_slice %arg15[%dma_start3A_200, %dma_start3A_204] : memref<16x50xi32, #tpu.memory_space<vmem>> -> memref<1x50xi32, #tpu.memory_space<vmem>>
      %dma_start3A_206 = tpu.memref_squeeze %dma_start3A_205 : memref<1x50xi32, #tpu.memory_space<vmem>> -> memref<50xi32, #tpu.memory_space<vmem>>
      %dma_start3A_207 = arith.constant 0 : i32
      %dma_start3A_208 = arith.constant 0 : i32
      %dma_start3A_209 = tpu.memref_slice %arg2[%dma_start3A_207, %dma_start3A_208] : memref<100000x8xf32, #tpu.memory_space<hbm>> -> memref<100000x8xf32, #tpu.memory_space<hbm>>
      tpu.enqueue_indirect_dma source(%dma_start3A_209 : memref<100000x8xf32, #tpu.memory_space<hbm>>) target(%dma_start3A_203 : memref<50x8xf32, #tpu.memory_space<vmem>>) offsets(%dma_start3A_206 : memref<50xi32, #tpu.memory_space<vmem>>) semaphore(%arg27 : memref<!tpu.dma_semaphore, #tpu.memory_space<semaphore_mem>>)
      %dma_start3A_210 = arith.constant 15 : i32
      %dma_start3A_211 = arith.constant 750 : i32
      %dma_start3A_212 = arith.constant 0 : i32
      %dma_start3A_213 = tpu.memref_slice %arg21[%dma_start3A_211, %dma_start3A_212] : memref<800x8xf32, #tpu.memory_space<vmem>> -> memref<50x8xf32, #tpu.memory_space<vmem>>
      %dma_start3A_214 = arith.constant 0 : i32
      %dma_start3A_215 = tpu.memref_slice %arg15[%dma_start3A_210, %dma_start3A_214] : memref<16x50xi32, #tpu.memory_space<vmem>> -> memref<1x50xi32, #tpu.memory_space<vmem>>
      %dma_start3A_216 = tpu.memref_squeeze %dma_start3A_215 : memref<1x50xi32, #tpu.memory_space<vmem>> -> memref<50xi32, #tpu.memory_space<vmem>>
      %dma_start3A_217 = arith.constant 0 : i32
      %dma_start3A_218 = arith.constant 0 : i32
      %dma_start3A_219 = tpu.memref_slice %arg2[%dma_start3A_217, %dma_start3A_218] : memref<100000x8xf32, #tpu.memory_space<hbm>> -> memref<100000x8xf32, #tpu.memory_space<hbm>>
      tpu.enqueue_indirect_dma source(%dma_start3A_219 : memref<100000x8xf32, #tpu.memory_space<hbm>>) target(%dma_start3A_213 : memref<50x8xf32, #tpu.memory_space<vmem>>) offsets(%dma_start3A_216 : memref<50xi32, #tpu.memory_space<vmem>>) semaphore(%arg27 : memref<!tpu.dma_semaphore, #tpu.memory_space<semaphore_mem>>)
      %dma_start3A_220 = arith.constant 0 : i32
      %dma_start3A_221 = arith.constant 0 : i32
      %dma_start3A_222 = arith.constant 0 : i32
      %dma_start3A_223 = tpu.memref_slice %arg22[%dma_start3A_221, %dma_start3A_222] : memref<800x8xf32, #tpu.memory_space<vmem>> -> memref<50x8xf32, #tpu.memory_space<vmem>>
      %dma_start3A_224 = arith.constant 0 : i32
      %dma_start3A_225 = tpu.memref_slice %arg16[%dma_start3A_220, %dma_start3A_224] : memref<16x50xi32, #tpu.memory_space<vmem>> -> memref<1x50xi32, #tpu.memory_space<vmem>>
      %dma_start3A_226 = tpu.memref_squeeze %dma_start3A_225 : memref<1x50xi32, #tpu.memory_space<vmem>> -> memref<50xi32, #tpu.memory_space<vmem>>
      %dma_start3A_227 = arith.constant 0 : i32
      %dma_start3A_228 = arith.constant 0 : i32
      %dma_start3A_229 = tpu.memref_slice %arg3[%dma_start3A_227, %dma_start3A_228] : memref<100000x8xf32, #tpu.memory_space<hbm>> -> memref<100000x8xf32, #tpu.memory_space<hbm>>
      tpu.enqueue_indirect_dma source(%dma_start3A_229 : memref<100000x8xf32, #tpu.memory_space<hbm>>) target(%dma_start3A_223 : memref<50x8xf32, #tpu.memory_space<vmem>>) offsets(%dma_start3A_226 : memref<50xi32, #tpu.memory_space<vmem>>) semaphore(%arg27 : memref<!tpu.dma_semaphore, #tpu.memory_space<semaphore_mem>>)
      %dma_start3A_230 = arith.constant 1 : i32
      %dma_start3A_231 = arith.constant 50 : i32
      %dma_start3A_232 = arith.constant 0 : i32
      %dma_start3A_233 = tpu.memref_slice %arg22[%dma_start3A_231, %dma_start3A_232] : memref<800x8xf32, #tpu.memory_space<vmem>> -> memref<50x8xf32, #tpu.memory_space<vmem>>
      %dma_start3A_234 = arith.constant 0 : i32
      %dma_start3A_235 = tpu.memref_slice %arg16[%dma_start3A_230, %dma_start3A_234] : memref<16x50xi32, #tpu.memory_space<vmem>> -> memref<1x50xi32, #tpu.memory_space<vmem>>
      %dma_start3A_236 = tpu.memref_squeeze %dma_start3A_235 : memref<1x50xi32, #tpu.memory_space<vmem>> -> memref<50xi32, #tpu.memory_space<vmem>>
      %dma_start3A_237 = arith.constant 0 : i32
      %dma_start3A_238 = arith.constant 0 : i32
      %dma_start3A_239 = tpu.memref_slice %arg3[%dma_start3A_237, %dma_start3A_238] : memref<100000x8xf32, #tpu.memory_space<hbm>> -> memref<100000x8xf32, #tpu.memory_space<hbm>>
      tpu.enqueue_indirect_dma source(%dma_start3A_239 : memref<100000x8xf32, #tpu.memory_space<hbm>>) target(%dma_start3A_233 : memref<50x8xf32, #tpu.memory_space<vmem>>) offsets(%dma_start3A_236 : memref<50xi32, #tpu.memory_space<vmem>>) semaphore(%arg27 : memref<!tpu.dma_semaphore, #tpu.memory_space<semaphore_mem>>)
      %dma_start3A_240 = arith.constant 2 : i32
      %dma_start3A_241 = arith.constant 100 : i32
      %dma_start3A_242 = arith.constant 0 : i32
      %dma_start3A_243 = tpu.memref_slice %arg22[%dma_start3A_241, %dma_start3A_242] : memref<800x8xf32, #tpu.memory_space<vmem>> -> memref<50x8xf32, #tpu.memory_space<vmem>>
      %dma_start3A_244 = arith.constant 0 : i32
      %dma_start3A_245 = tpu.memref_slice %arg16[%dma_start3A_240, %dma_start3A_244] : memref<16x50xi32, #tpu.memory_space<vmem>> -> memref<1x50xi32, #tpu.memory_space<vmem>>
      %dma_start3A_246 = tpu.memref_squeeze %dma_start3A_245 : memref<1x50xi32, #tpu.memory_space<vmem>> -> memref<50xi32, #tpu.memory_space<vmem>>
      %dma_start3A_247 = arith.constant 0 : i32
      %dma_start3A_248 = arith.constant 0 : i32
      %dma_start3A_249 = tpu.memref_slice %arg3[%dma_start3A_247, %dma_start3A_248] : memref<100000x8xf32, #tpu.memory_space<hbm>> -> memref<100000x8xf32, #tpu.memory_space<hbm>>
      tpu.enqueue_indirect_dma source(%dma_start3A_249 : memref<100000x8xf32, #tpu.memory_space<hbm>>) target(%dma_start3A_243 : memref<50x8xf32, #tpu.memory_space<vmem>>) offsets(%dma_start3A_246 : memref<50xi32, #tpu.memory_space<vmem>>) semaphore(%arg27 : memref<!tpu.dma_semaphore, #tpu.memory_space<semaphore_mem>>)
      %dma_start3A_250 = arith.constant 3 : i32
      %dma_start3A_251 = arith.constant 150 : i32
      %dma_start3A_252 = arith.constant 0 : i32
      %dma_start3A_253 = tpu.memref_slice %arg22[%dma_start3A_251, %dma_start3A_252] : memref<800x8xf32, #tpu.memory_space<vmem>> -> memref<50x8xf32, #tpu.memory_space<vmem>>
      %dma_start3A_254 = arith.constant 0 : i32
      %dma_start3A_255 = tpu.memref_slice %arg16[%dma_start3A_250, %dma_start3A_254] : memref<16x50xi32, #tpu.memory_space<vmem>> -> memref<1x50xi32, #tpu.memory_space<vmem>>
      %dma_start3A_256 = tpu.memref_squeeze %dma_start3A_255 : memref<1x50xi32, #tpu.memory_space<vmem>> -> memref<50xi32, #tpu.memory_space<vmem>>
      %dma_start3A_257 = arith.constant 0 : i32
      %dma_start3A_258 = arith.constant 0 : i32
      %dma_start3A_259 = tpu.memref_slice %arg3[%dma_start3A_257, %dma_start3A_258] : memref<100000x8xf32, #tpu.memory_space<hbm>> -> memref<100000x8xf32, #tpu.memory_space<hbm>>
      tpu.enqueue_indirect_dma source(%dma_start3A_259 : memref<100000x8xf32, #tpu.memory_space<hbm>>) target(%dma_start3A_253 : memref<50x8xf32, #tpu.memory_space<vmem>>) offsets(%dma_start3A_256 : memref<50xi32, #tpu.memory_space<vmem>>) semaphore(%arg27 : memref<!tpu.dma_semaphore, #tpu.memory_space<semaphore_mem>>)
      %dma_start3A_260 = arith.constant 4 : i32
      %dma_start3A_261 = arith.constant 200 : i32
      %dma_start3A_262 = arith.constant 0 : i32
      %dma_start3A_263 = tpu.memref_slice %arg22[%dma_start3A_261, %dma_start3A_262] : memref<800x8xf32, #tpu.memory_space<vmem>> -> memref<50x8xf32, #tpu.memory_space<vmem>>
      %dma_start3A_264 = arith.constant 0 : i32
      %dma_start3A_265 = tpu.memref_slice %arg16[%dma_start3A_260, %dma_start3A_264] : memref<16x50xi32, #tpu.memory_space<vmem>> -> memref<1x50xi32, #tpu.memory_space<vmem>>
      %dma_start3A_266 = tpu.memref_squeeze %dma_start3A_265 : memref<1x50xi32, #tpu.memory_space<vmem>> -> memref<50xi32, #tpu.memory_space<vmem>>
      %dma_start3A_267 = arith.constant 0 : i32
      %dma_start3A_268 = arith.constant 0 : i32
      %dma_start3A_269 = tpu.memref_slice %arg3[%dma_start3A_267, %dma_start3A_268] : memref<100000x8xf32, #tpu.memory_space<hbm>> -> memref<100000x8xf32, #tpu.memory_space<hbm>>
      tpu.enqueue_indirect_dma source(%dma_start3A_269 : memref<100000x8xf32, #tpu.memory_space<hbm>>) target(%dma_start3A_263 : memref<50x8xf32, #tpu.memory_space<vmem>>) offsets(%dma_start3A_266 : memref<50xi32, #tpu.memory_space<vmem>>) semaphore(%arg27 : memref<!tpu.dma_semaphore, #tpu.memory_space<semaphore_mem>>)
      %dma_start3A_270 = arith.constant 5 : i32
      %dma_start3A_271 = arith.constant 250 : i32
      %dma_start3A_272 = arith.constant 0 : i32
      %dma_start3A_273 = tpu.memref_slice %arg22[%dma_start3A_271, %dma_start3A_272] : memref<800x8xf32, #tpu.memory_space<vmem>> -> memref<50x8xf32, #tpu.memory_space<vmem>>
      %dma_start3A_274 = arith.constant 0 : i32
      %dma_start3A_275 = tpu.memref_slice %arg16[%dma_start3A_270, %dma_start3A_274] : memref<16x50xi32, #tpu.memory_space<vmem>> -> memref<1x50xi32, #tpu.memory_space<vmem>>
      %dma_start3A_276 = tpu.memref_squeeze %dma_start3A_275 : memref<1x50xi32, #tpu.memory_space<vmem>> -> memref<50xi32, #tpu.memory_space<vmem>>
      %dma_start3A_277 = arith.constant 0 : i32
      %dma_start3A_278 = arith.constant 0 : i32
      %dma_start3A_279 = tpu.memref_slice %arg3[%dma_start3A_277, %dma_start3A_278] : memref<100000x8xf32, #tpu.memory_space<hbm>> -> memref<100000x8xf32, #tpu.memory_space<hbm>>
      tpu.enqueue_indirect_dma source(%dma_start3A_279 : memref<100000x8xf32, #tpu.memory_space<hbm>>) target(%dma_start3A_273 : memref<50x8xf32, #tpu.memory_space<vmem>>) offsets(%dma_start3A_276 : memref<50xi32, #tpu.memory_space<vmem>>) semaphore(%arg27 : memref<!tpu.dma_semaphore, #tpu.memory_space<semaphore_mem>>)
      %dma_start3A_280 = arith.constant 6 : i32
      %dma_start3A_281 = arith.constant 300 : i32
      %dma_start3A_282 = arith.constant 0 : i32
      %dma_start3A_283 = tpu.memref_slice %arg22[%dma_start3A_281, %dma_start3A_282] : memref<800x8xf32, #tpu.memory_space<vmem>> -> memref<50x8xf32, #tpu.memory_space<vmem>>
      %dma_start3A_284 = arith.constant 0 : i32
      %dma_start3A_285 = tpu.memref_slice %arg16[%dma_start3A_280, %dma_start3A_284] : memref<16x50xi32, #tpu.memory_space<vmem>> -> memref<1x50xi32, #tpu.memory_space<vmem>>
      %dma_start3A_286 = tpu.memref_squeeze %dma_start3A_285 : memref<1x50xi32, #tpu.memory_space<vmem>> -> memref<50xi32, #tpu.memory_space<vmem>>
      %dma_start3A_287 = arith.constant 0 : i32
      %dma_start3A_288 = arith.constant 0 : i32
      %dma_start3A_289 = tpu.memref_slice %arg3[%dma_start3A_287, %dma_start3A_288] : memref<100000x8xf32, #tpu.memory_space<hbm>> -> memref<100000x8xf32, #tpu.memory_space<hbm>>
      tpu.enqueue_indirect_dma source(%dma_start3A_289 : memref<100000x8xf32, #tpu.memory_space<hbm>>) target(%dma_start3A_283 : memref<50x8xf32, #tpu.memory_space<vmem>>) offsets(%dma_start3A_286 : memref<50xi32, #tpu.memory_space<vmem>>) semaphore(%arg27 : memref<!tpu.dma_semaphore, #tpu.memory_space<semaphore_mem>>)
      %dma_start3A_290 = arith.constant 7 : i32
      %dma_start3A_291 = arith.constant 350 : i32
      %dma_start3A_292 = arith.constant 0 : i32
      %dma_start3A_293 = tpu.memref_slice %arg22[%dma_start3A_291, %dma_start3A_292] : memref<800x8xf32, #tpu.memory_space<vmem>> -> memref<50x8xf32, #tpu.memory_space<vmem>>
      %dma_start3A_294 = arith.constant 0 : i32
      %dma_start3A_295 = tpu.memref_slice %arg16[%dma_start3A_290, %dma_start3A_294] : memref<16x50xi32, #tpu.memory_space<vmem>> -> memref<1x50xi32, #tpu.memory_space<vmem>>
      %dma_start3A_296 = tpu.memref_squeeze %dma_start3A_295 : memref<1x50xi32, #tpu.memory_space<vmem>> -> memref<50xi32, #tpu.memory_space<vmem>>
      %dma_start3A_297 = arith.constant 0 : i32
      %dma_start3A_298 = arith.constant 0 : i32
      %dma_start3A_299 = tpu.memref_slice %arg3[%dma_start3A_297, %dma_start3A_298] : memref<100000x8xf32, #tpu.memory_space<hbm>> -> memref<100000x8xf32, #tpu.memory_space<hbm>>
      tpu.enqueue_indirect_dma source(%dma_start3A_299 : memref<100000x8xf32, #tpu.memory_space<hbm>>) target(%dma_start3A_293 : memref<50x8xf32, #tpu.memory_space<vmem>>) offsets(%dma_start3A_296 : memref<50xi32, #tpu.memory_space<vmem>>) semaphore(%arg27 : memref<!tpu.dma_semaphore, #tpu.memory_space<semaphore_mem>>)
      %dma_start3A_300 = arith.constant 8 : i32
      %dma_start3A_301 = arith.constant 400 : i32
      %dma_start3A_302 = arith.constant 0 : i32
      %dma_start3A_303 = tpu.memref_slice %arg22[%dma_start3A_301, %dma_start3A_302] : memref<800x8xf32, #tpu.memory_space<vmem>> -> memref<50x8xf32, #tpu.memory_space<vmem>>
      %dma_start3A_304 = arith.constant 0 : i32
      %dma_start3A_305 = tpu.memref_slice %arg16[%dma_start3A_300, %dma_start3A_304] : memref<16x50xi32, #tpu.memory_space<vmem>> -> memref<1x50xi32, #tpu.memory_space<vmem>>
      %dma_start3A_306 = tpu.memref_squeeze %dma_start3A_305 : memref<1x50xi32, #tpu.memory_space<vmem>> -> memref<50xi32, #tpu.memory_space<vmem>>
      %dma_start3A_307 = arith.constant 0 : i32
      %dma_start3A_308 = arith.constant 0 : i32
      %dma_start3A_309 = tpu.memref_slice %arg3[%dma_start3A_307, %dma_start3A_308] : memref<100000x8xf32, #tpu.memory_space<hbm>> -> memref<100000x8xf32, #tpu.memory_space<hbm>>
      tpu.enqueue_indirect_dma source(%dma_start3A_309 : memref<100000x8xf32, #tpu.memory_space<hbm>>) target(%dma_start3A_303 : memref<50x8xf32, #tpu.memory_space<vmem>>) offsets(%dma_start3A_306 : memref<50xi32, #tpu.memory_space<vmem>>) semaphore(%arg27 : memref<!tpu.dma_semaphore, #tpu.memory_space<semaphore_mem>>)
      %dma_start3A_310 = arith.constant 9 : i32
      %dma_start3A_311 = arith.constant 450 : i32
      %dma_start3A_312 = arith.constant 0 : i32
      %dma_start3A_313 = tpu.memref_slice %arg22[%dma_start3A_311, %dma_start3A_312] : memref<800x8xf32, #tpu.memory_space<vmem>> -> memref<50x8xf32, #tpu.memory_space<vmem>>
      %dma_start3A_314 = arith.constant 0 : i32
      %dma_start3A_315 = tpu.memref_slice %arg16[%dma_start3A_310, %dma_start3A_314] : memref<16x50xi32, #tpu.memory_space<vmem>> -> memref<1x50xi32, #tpu.memory_space<vmem>>
      %dma_start3A_316 = tpu.memref_squeeze %dma_start3A_315 : memref<1x50xi32, #tpu.memory_space<vmem>> -> memref<50xi32, #tpu.memory_space<vmem>>
      %dma_start3A_317 = arith.constant 0 : i32
      %dma_start3A_318 = arith.constant 0 : i32
      %dma_start3A_319 = tpu.memref_slice %arg3[%dma_start3A_317, %dma_start3A_318] : memref<100000x8xf32, #tpu.memory_space<hbm>> -> memref<100000x8xf32, #tpu.memory_space<hbm>>
      tpu.enqueue_indirect_dma source(%dma_start3A_319 : memref<100000x8xf32, #tpu.memory_space<hbm>>) target(%dma_start3A_313 : memref<50x8xf32, #tpu.memory_space<vmem>>) offsets(%dma_start3A_316 : memref<50xi32, #tpu.memory_space<vmem>>) semaphore(%arg27 : memref<!tpu.dma_semaphore, #tpu.memory_space<semaphore_mem>>)
      %dma_start3A_320 = arith.constant 10 : i32
      %dma_start3A_321 = arith.constant 500 : i32
      %dma_start3A_322 = arith.constant 0 : i32
      %dma_start3A_323 = tpu.memref_slice %arg22[%dma_start3A_321, %dma_start3A_322] : memref<800x8xf32, #tpu.memory_space<vmem>> -> memref<50x8xf32, #tpu.memory_space<vmem>>
      %dma_start3A_324 = arith.constant 0 : i32
      %dma_start3A_325 = tpu.memref_slice %arg16[%dma_start3A_320, %dma_start3A_324] : memref<16x50xi32, #tpu.memory_space<vmem>> -> memref<1x50xi32, #tpu.memory_space<vmem>>
      %dma_start3A_326 = tpu.memref_squeeze %dma_start3A_325 : memref<1x50xi32, #tpu.memory_space<vmem>> -> memref<50xi32, #tpu.memory_space<vmem>>
      %dma_start3A_327 = arith.constant 0 : i32
      %dma_start3A_328 = arith.constant 0 : i32
      %dma_start3A_329 = tpu.memref_slice %arg3[%dma_start3A_327, %dma_start3A_328] : memref<100000x8xf32, #tpu.memory_space<hbm>> -> memref<100000x8xf32, #tpu.memory_space<hbm>>
      tpu.enqueue_indirect_dma source(%dma_start3A_329 : memref<100000x8xf32, #tpu.memory_space<hbm>>) target(%dma_start3A_323 : memref<50x8xf32, #tpu.memory_space<vmem>>) offsets(%dma_start3A_326 : memref<50xi32, #tpu.memory_space<vmem>>) semaphore(%arg27 : memref<!tpu.dma_semaphore, #tpu.memory_space<semaphore_mem>>)
      %dma_start3A_330 = arith.constant 11 : i32
      %dma_start3A_331 = arith.constant 550 : i32
      %dma_start3A_332 = arith.constant 0 : i32
      %dma_start3A_333 = tpu.memref_slice %arg22[%dma_start3A_331, %dma_start3A_332] : memref<800x8xf32, #tpu.memory_space<vmem>> -> memref<50x8xf32, #tpu.memory_space<vmem>>
      %dma_start3A_334 = arith.constant 0 : i32
      %dma_start3A_335 = tpu.memref_slice %arg16[%dma_start3A_330, %dma_start3A_334] : memref<16x50xi32, #tpu.memory_space<vmem>> -> memref<1x50xi32, #tpu.memory_space<vmem>>
      %dma_start3A_336 = tpu.memref_squeeze %dma_start3A_335 : memref<1x50xi32, #tpu.memory_space<vmem>> -> memref<50xi32, #tpu.memory_space<vmem>>
      %dma_start3A_337 = arith.constant 0 : i32
      %dma_start3A_338 = arith.constant 0 : i32
      %dma_start3A_339 = tpu.memref_slice %arg3[%dma_start3A_337, %dma_start3A_338] : memref<100000x8xf32, #tpu.memory_space<hbm>> -> memref<100000x8xf32, #tpu.memory_space<hbm>>
      tpu.enqueue_indirect_dma source(%dma_start3A_339 : memref<100000x8xf32, #tpu.memory_space<hbm>>) target(%dma_start3A_333 : memref<50x8xf32, #tpu.memory_space<vmem>>) offsets(%dma_start3A_336 : memref<50xi32, #tpu.memory_space<vmem>>) semaphore(%arg27 : memref<!tpu.dma_semaphore, #tpu.memory_space<semaphore_mem>>)
      %dma_start3A_340 = arith.constant 12 : i32
      %dma_start3A_341 = arith.constant 600 : i32
      %dma_start3A_342 = arith.constant 0 : i32
      %dma_start3A_343 = tpu.memref_slice %arg22[%dma_start3A_341, %dma_start3A_342] : memref<800x8xf32, #tpu.memory_space<vmem>> -> memref<50x8xf32, #tpu.memory_space<vmem>>
      %dma_start3A_344 = arith.constant 0 : i32
      %dma_start3A_345 = tpu.memref_slice %arg16[%dma_start3A_340, %dma_start3A_344] : memref<16x50xi32, #tpu.memory_space<vmem>> -> memref<1x50xi32, #tpu.memory_space<vmem>>
      %dma_start3A_346 = tpu.memref_squeeze %dma_start3A_345 : memref<1x50xi32, #tpu.memory_space<vmem>> -> memref<50xi32, #tpu.memory_space<vmem>>
      %dma_start3A_347 = arith.constant 0 : i32
      %dma_start3A_348 = arith.constant 0 : i32
      %dma_start3A_349 = tpu.memref_slice %arg3[%dma_start3A_347, %dma_start3A_348] : memref<100000x8xf32, #tpu.memory_space<hbm>> -> memref<100000x8xf32, #tpu.memory_space<hbm>>
      tpu.enqueue_indirect_dma source(%dma_start3A_349 : memref<100000x8xf32, #tpu.memory_space<hbm>>) target(%dma_start3A_343 : memref<50x8xf32, #tpu.memory_space<vmem>>) offsets(%dma_start3A_346 : memref<50xi32, #tpu.memory_space<vmem>>) semaphore(%arg27 : memref<!tpu.dma_semaphore, #tpu.memory_space<semaphore_mem>>)
      %dma_start3A_350 = arith.constant 13 : i32
      %dma_start3A_351 = arith.constant 650 : i32
      %dma_start3A_352 = arith.constant 0 : i32
      %dma_start3A_353 = tpu.memref_slice %arg22[%dma_start3A_351, %dma_start3A_352] : memref<800x8xf32, #tpu.memory_space<vmem>> -> memref<50x8xf32, #tpu.memory_space<vmem>>
      %dma_start3A_354 = arith.constant 0 : i32
      %dma_start3A_355 = tpu.memref_slice %arg16[%dma_start3A_350, %dma_start3A_354] : memref<16x50xi32, #tpu.memory_space<vmem>> -> memref<1x50xi32, #tpu.memory_space<vmem>>
      %dma_start3A_356 = tpu.memref_squeeze %dma_start3A_355 : memref<1x50xi32, #tpu.memory_space<vmem>> -> memref<50xi32, #tpu.memory_space<vmem>>
      %dma_start3A_357 = arith.constant 0 : i32
      %dma_start3A_358 = arith.constant 0 : i32
      %dma_start3A_359 = tpu.memref_slice %arg3[%dma_start3A_357, %dma_start3A_358] : memref<100000x8xf32, #tpu.memory_space<hbm>> -> memref<100000x8xf32, #tpu.memory_space<hbm>>
      tpu.enqueue_indirect_dma source(%dma_start3A_359 : memref<100000x8xf32, #tpu.memory_space<hbm>>) target(%dma_start3A_353 : memref<50x8xf32, #tpu.memory_space<vmem>>) offsets(%dma_start3A_356 : memref<50xi32, #tpu.memory_space<vmem>>) semaphore(%arg27 : memref<!tpu.dma_semaphore, #tpu.memory_space<semaphore_mem>>)
      %dma_start3A_360 = arith.constant 14 : i32
      %dma_start3A_361 = arith.constant 700 : i32
      %dma_start3A_362 = arith.constant 0 : i32
      %dma_start3A_363 = tpu.memref_slice %arg22[%dma_start3A_361, %dma_start3A_362] : memref<800x8xf32, #tpu.memory_space<vmem>> -> memref<50x8xf32, #tpu.memory_space<vmem>>
      %dma_start3A_364 = arith.constant 0 : i32
      %dma_start3A_365 = tpu.memref_slice %arg16[%dma_start3A_360, %dma_start3A_364] : memref<16x50xi32, #tpu.memory_space<vmem>> -> memref<1x50xi32, #tpu.memory_space<vmem>>
      %dma_start3A_366 = tpu.memref_squeeze %dma_start3A_365 : memref<1x50xi32, #tpu.memory_space<vmem>> -> memref<50xi32, #tpu.memory_space<vmem>>
      %dma_start3A_367 = arith.constant 0 : i32
      %dma_start3A_368 = arith.constant 0 : i32
      %dma_start3A_369 = tpu.memref_slice %arg3[%dma_start3A_367, %dma_start3A_368] : memref<100000x8xf32, #tpu.memory_space<hbm>> -> memref<100000x8xf32, #tpu.memory_space<hbm>>
      tpu.enqueue_indirect_dma source(%dma_start3A_369 : memref<100000x8xf32, #tpu.memory_space<hbm>>) target(%dma_start3A_363 : memref<50x8xf32, #tpu.memory_space<vmem>>) offsets(%dma_start3A_366 : memref<50xi32, #tpu.memory_space<vmem>>) semaphore(%arg27 : memref<!tpu.dma_semaphore, #tpu.memory_space<semaphore_mem>>)
      %dma_start3A_370 = arith.constant 15 : i32
      %dma_start3A_371 = arith.constant 750 : i32
      %dma_start3A_372 = arith.constant 0 : i32
      %dma_start3A_373 = tpu.memref_slice %arg22[%dma_start3A_371, %dma_start3A_372] : memref<800x8xf32, #tpu.memory_space<vmem>> -> memref<50x8xf32, #tpu.memory_space<vmem>>
      %dma_start3A_374 = arith.constant 0 : i32
      %dma_start3A_375 = tpu.memref_slice %arg16[%dma_start3A_370, %dma_start3A_374] : memref<16x50xi32, #tpu.memory_space<vmem>> -> memref<1x50xi32, #tpu.memory_space<vmem>>
      %dma_start3A_376 = tpu.memref_squeeze %dma_start3A_375 : memref<1x50xi32, #tpu.memory_space<vmem>> -> memref<50xi32, #tpu.memory_space<vmem>>
      %dma_start3A_377 = arith.constant 0 : i32
      %dma_start3A_378 = arith.constant 0 : i32
      %dma_start3A_379 = tpu.memref_slice %arg3[%dma_start3A_377, %dma_start3A_378] : memref<100000x8xf32, #tpu.memory_space<hbm>> -> memref<100000x8xf32, #tpu.memory_space<hbm>>
      tpu.enqueue_indirect_dma source(%dma_start3A_379 : memref<100000x8xf32, #tpu.memory_space<hbm>>) target(%dma_start3A_373 : memref<50x8xf32, #tpu.memory_space<vmem>>) offsets(%dma_start3A_376 : memref<50xi32, #tpu.memory_space<vmem>>) semaphore(%arg27 : memref<!tpu.dma_semaphore, #tpu.memory_space<semaphore_mem>>)
      %dma_start3A_380 = arith.constant 0 : i32
      %dma_start3A_381 = arith.constant 0 : i32
      %dma_start3A_382 = arith.constant 0 : i32
      %dma_start3A_383 = tpu.memref_slice %arg23[%dma_start3A_381, %dma_start3A_382] : memref<800x8xf32, #tpu.memory_space<vmem>> -> memref<50x8xf32, #tpu.memory_space<vmem>>
      %dma_start3A_384 = arith.constant 0 : i32
      %dma_start3A_385 = tpu.memref_slice %arg17[%dma_start3A_380, %dma_start3A_384] : memref<16x50xi32, #tpu.memory_space<vmem>> -> memref<1x50xi32, #tpu.memory_space<vmem>>
      %dma_start3A_386 = tpu.memref_squeeze %dma_start3A_385 : memref<1x50xi32, #tpu.memory_space<vmem>> -> memref<50xi32, #tpu.memory_space<vmem>>
      %dma_start3A_387 = arith.constant 0 : i32
      %dma_start3A_388 = arith.constant 0 : i32
      %dma_start3A_389 = tpu.memref_slice %arg4[%dma_start3A_387, %dma_start3A_388] : memref<1000x8xf32, #tpu.memory_space<hbm>> -> memref<1000x8xf32, #tpu.memory_space<hbm>>
      tpu.enqueue_indirect_dma source(%dma_start3A_389 : memref<1000x8xf32, #tpu.memory_space<hbm>>) target(%dma_start3A_383 : memref<50x8xf32, #tpu.memory_space<vmem>>) offsets(%dma_start3A_386 : memref<50xi32, #tpu.memory_space<vmem>>) semaphore(%arg27 : memref<!tpu.dma_semaphore, #tpu.memory_space<semaphore_mem>>)
      %dma_start3A_390 = arith.constant 1 : i32
      %dma_start3A_391 = arith.constant 50 : i32
      %dma_start3A_392 = arith.constant 0 : i32
      %dma_start3A_393 = tpu.memref_slice %arg23[%dma_start3A_391, %dma_start3A_392] : memref<800x8xf32, #tpu.memory_space<vmem>> -> memref<50x8xf32, #tpu.memory_space<vmem>>
      %dma_start3A_394 = arith.constant 0 : i32
      %dma_start3A_395 = tpu.memref_slice %arg17[%dma_start3A_390, %dma_start3A_394] : memref<16x50xi32, #tpu.memory_space<vmem>> -> memref<1x50xi32, #tpu.memory_space<vmem>>
      %dma_start3A_396 = tpu.memref_squeeze %dma_start3A_395 : memref<1x50xi32, #tpu.memory_space<vmem>> -> memref<50xi32, #tpu.memory_space<vmem>>
      %dma_start3A_397 = arith.constant 0 : i32
      %dma_start3A_398 = arith.constant 0 : i32
      %dma_start3A_399 = tpu.memref_slice %arg4[%dma_start3A_397, %dma_start3A_398] : memref<1000x8xf32, #tpu.memory_space<hbm>> -> memref<1000x8xf32, #tpu.memory_space<hbm>>
      tpu.enqueue_indirect_dma source(%dma_start3A_399 : memref<1000x8xf32, #tpu.memory_space<hbm>>) target(%dma_start3A_393 : memref<50x8xf32, #tpu.memory_space<vmem>>) offsets(%dma_start3A_396 : memref<50xi32, #tpu.memory_space<vmem>>) semaphore(%arg27 : memref<!tpu.dma_semaphore, #tpu.memory_space<semaphore_mem>>)
      %dma_start3A_400 = arith.constant 2 : i32
      %dma_start3A_401 = arith.constant 100 : i32
      %dma_start3A_402 = arith.constant 0 : i32
      %dma_start3A_403 = tpu.memref_slice %arg23[%dma_start3A_401, %dma_start3A_402] : memref<800x8xf32, #tpu.memory_space<vmem>> -> memref<50x8xf32, #tpu.memory_space<vmem>>
      %dma_start3A_404 = arith.constant 0 : i32
      %dma_start3A_405 = tpu.memref_slice %arg17[%dma_start3A_400, %dma_start3A_404] : memref<16x50xi32, #tpu.memory_space<vmem>> -> memref<1x50xi32, #tpu.memory_space<vmem>>
      %dma_start3A_406 = tpu.memref_squeeze %dma_start3A_405 : memref<1x50xi32, #tpu.memory_space<vmem>> -> memref<50xi32, #tpu.memory_space<vmem>>
      %dma_start3A_407 = arith.constant 0 : i32
      %dma_start3A_408 = arith.constant 0 : i32
      %dma_start3A_409 = tpu.memref_slice %arg4[%dma_start3A_407, %dma_start3A_408] : memref<1000x8xf32, #tpu.memory_space<hbm>> -> memref<1000x8xf32, #tpu.memory_space<hbm>>
      tpu.enqueue_indirect_dma source(%dma_start3A_409 : memref<1000x8xf32, #tpu.memory_space<hbm>>) target(%dma_start3A_403 : memref<50x8xf32, #tpu.memory_space<vmem>>) offsets(%dma_start3A_406 : memref<50xi32, #tpu.memory_space<vmem>>) semaphore(%arg27 : memref<!tpu.dma_semaphore, #tpu.memory_space<semaphore_mem>>)
      %dma_start3A_410 = arith.constant 3 : i32
      %dma_start3A_411 = arith.constant 150 : i32
      %dma_start3A_412 = arith.constant 0 : i32
      %dma_start3A_413 = tpu.memref_slice %arg23[%dma_start3A_411, %dma_start3A_412] : memref<800x8xf32, #tpu.memory_space<vmem>> -> memref<50x8xf32, #tpu.memory_space<vmem>>
      %dma_start3A_414 = arith.constant 0 : i32
      %dma_start3A_415 = tpu.memref_slice %arg17[%dma_start3A_410, %dma_start3A_414] : memref<16x50xi32, #tpu.memory_space<vmem>> -> memref<1x50xi32, #tpu.memory_space<vmem>>
      %dma_start3A_416 = tpu.memref_squeeze %dma_start3A_415 : memref<1x50xi32, #tpu.memory_space<vmem>> -> memref<50xi32, #tpu.memory_space<vmem>>
      %dma_start3A_417 = arith.constant 0 : i32
      %dma_start3A_418 = arith.constant 0 : i32
      %dma_start3A_419 = tpu.memref_slice %arg4[%dma_start3A_417, %dma_start3A_418] : memref<1000x8xf32, #tpu.memory_space<hbm>> -> memref<1000x8xf32, #tpu.memory_space<hbm>>
      tpu.enqueue_indirect_dma source(%dma_start3A_419 : memref<1000x8xf32, #tpu.memory_space<hbm>>) target(%dma_start3A_413 : memref<50x8xf32, #tpu.memory_space<vmem>>) offsets(%dma_start3A_416 : memref<50xi32, #tpu.memory_space<vmem>>) semaphore(%arg27 : memref<!tpu.dma_semaphore, #tpu.memory_space<semaphore_mem>>)
      %dma_start3A_420 = arith.constant 4 : i32
      %dma_start3A_421 = arith.constant 200 : i32
      %dma_start3A_422 = arith.constant 0 : i32
      %dma_start3A_423 = tpu.memref_slice %arg23[%dma_start3A_421, %dma_start3A_422] : memref<800x8xf32, #tpu.memory_space<vmem>> -> memref<50x8xf32, #tpu.memory_space<vmem>>
      %dma_start3A_424 = arith.constant 0 : i32
      %dma_start3A_425 = tpu.memref_slice %arg17[%dma_start3A_420, %dma_start3A_424] : memref<16x50xi32, #tpu.memory_space<vmem>> -> memref<1x50xi32, #tpu.memory_space<vmem>>
      %dma_start3A_426 = tpu.memref_squeeze %dma_start3A_425 : memref<1x50xi32, #tpu.memory_space<vmem>> -> memref<50xi32, #tpu.memory_space<vmem>>
      %dma_start3A_427 = arith.constant 0 : i32
      %dma_start3A_428 = arith.constant 0 : i32
      %dma_start3A_429 = tpu.memref_slice %arg4[%dma_start3A_427, %dma_start3A_428] : memref<1000x8xf32, #tpu.memory_space<hbm>> -> memref<1000x8xf32, #tpu.memory_space<hbm>>
      tpu.enqueue_indirect_dma source(%dma_start3A_429 : memref<1000x8xf32, #tpu.memory_space<hbm>>) target(%dma_start3A_423 : memref<50x8xf32, #tpu.memory_space<vmem>>) offsets(%dma_start3A_426 : memref<50xi32, #tpu.memory_space<vmem>>) semaphore(%arg27 : memref<!tpu.dma_semaphore, #tpu.memory_space<semaphore_mem>>)
      %dma_start3A_430 = arith.constant 5 : i32
      %dma_start3A_431 = arith.constant 250 : i32
      %dma_start3A_432 = arith.constant 0 : i32
      %dma_start3A_433 = tpu.memref_slice %arg23[%dma_start3A_431, %dma_start3A_432] : memref<800x8xf32, #tpu.memory_space<vmem>> -> memref<50x8xf32, #tpu.memory_space<vmem>>
      %dma_start3A_434 = arith.constant 0 : i32
      %dma_start3A_435 = tpu.memref_slice %arg17[%dma_start3A_430, %dma_start3A_434] : memref<16x50xi32, #tpu.memory_space<vmem>> -> memref<1x50xi32, #tpu.memory_space<vmem>>
      %dma_start3A_436 = tpu.memref_squeeze %dma_start3A_435 : memref<1x50xi32, #tpu.memory_space<vmem>> -> memref<50xi32, #tpu.memory_space<vmem>>
      %dma_start3A_437 = arith.constant 0 : i32
      %dma_start3A_438 = arith.constant 0 : i32
      %dma_start3A_439 = tpu.memref_slice %arg4[%dma_start3A_437, %dma_start3A_438] : memref<1000x8xf32, #tpu.memory_space<hbm>> -> memref<1000x8xf32, #tpu.memory_space<hbm>>
      tpu.enqueue_indirect_dma source(%dma_start3A_439 : memref<1000x8xf32, #tpu.memory_space<hbm>>) target(%dma_start3A_433 : memref<50x8xf32, #tpu.memory_space<vmem>>) offsets(%dma_start3A_436 : memref<50xi32, #tpu.memory_space<vmem>>) semaphore(%arg27 : memref<!tpu.dma_semaphore, #tpu.memory_space<semaphore_mem>>)
      %dma_start3A_440 = arith.constant 6 : i32
      %dma_start3A_441 = arith.constant 300 : i32
      %dma_start3A_442 = arith.constant 0 : i32
      %dma_start3A_443 = tpu.memref_slice %arg23[%dma_start3A_441, %dma_start3A_442] : memref<800x8xf32, #tpu.memory_space<vmem>> -> memref<50x8xf32, #tpu.memory_space<vmem>>
      %dma_start3A_444 = arith.constant 0 : i32
      %dma_start3A_445 = tpu.memref_slice %arg17[%dma_start3A_440, %dma_start3A_444] : memref<16x50xi32, #tpu.memory_space<vmem>> -> memref<1x50xi32, #tpu.memory_space<vmem>>
      %dma_start3A_446 = tpu.memref_squeeze %dma_start3A_445 : memref<1x50xi32, #tpu.memory_space<vmem>> -> memref<50xi32, #tpu.memory_space<vmem>>
      %dma_start3A_447 = arith.constant 0 : i32
      %dma_start3A_448 = arith.constant 0 : i32
      %dma_start3A_449 = tpu.memref_slice %arg4[%dma_start3A_447, %dma_start3A_448] : memref<1000x8xf32, #tpu.memory_space<hbm>> -> memref<1000x8xf32, #tpu.memory_space<hbm>>
      tpu.enqueue_indirect_dma source(%dma_start3A_449 : memref<1000x8xf32, #tpu.memory_space<hbm>>) target(%dma_start3A_443 : memref<50x8xf32, #tpu.memory_space<vmem>>) offsets(%dma_start3A_446 : memref<50xi32, #tpu.memory_space<vmem>>) semaphore(%arg27 : memref<!tpu.dma_semaphore, #tpu.memory_space<semaphore_mem>>)
      %dma_start3A_450 = arith.constant 7 : i32
      %dma_start3A_451 = arith.constant 350 : i32
      %dma_start3A_452 = arith.constant 0 : i32
      %dma_start3A_453 = tpu.memref_slice %arg23[%dma_start3A_451, %dma_start3A_452] : memref<800x8xf32, #tpu.memory_space<vmem>> -> memref<50x8xf32, #tpu.memory_space<vmem>>
      %dma_start3A_454 = arith.constant 0 : i32
      %dma_start3A_455 = tpu.memref_slice %arg17[%dma_start3A_450, %dma_start3A_454] : memref<16x50xi32, #tpu.memory_space<vmem>> -> memref<1x50xi32, #tpu.memory_space<vmem>>
      %dma_start3A_456 = tpu.memref_squeeze %dma_start3A_455 : memref<1x50xi32, #tpu.memory_space<vmem>> -> memref<50xi32, #tpu.memory_space<vmem>>
      %dma_start3A_457 = arith.constant 0 : i32
      %dma_start3A_458 = arith.constant 0 : i32
      %dma_start3A_459 = tpu.memref_slice %arg4[%dma_start3A_457, %dma_start3A_458] : memref<1000x8xf32, #tpu.memory_space<hbm>> -> memref<1000x8xf32, #tpu.memory_space<hbm>>
      tpu.enqueue_indirect_dma source(%dma_start3A_459 : memref<1000x8xf32, #tpu.memory_space<hbm>>) target(%dma_start3A_453 : memref<50x8xf32, #tpu.memory_space<vmem>>) offsets(%dma_start3A_456 : memref<50xi32, #tpu.memory_space<vmem>>) semaphore(%arg27 : memref<!tpu.dma_semaphore, #tpu.memory_space<semaphore_mem>>)
      %dma_start3A_460 = arith.constant 8 : i32
      %dma_start3A_461 = arith.constant 400 : i32
      %dma_start3A_462 = arith.constant 0 : i32
      %dma_start3A_463 = tpu.memref_slice %arg23[%dma_start3A_461, %dma_start3A_462] : memref<800x8xf32, #tpu.memory_space<vmem>> -> memref<50x8xf32, #tpu.memory_space<vmem>>
      %dma_start3A_464 = arith.constant 0 : i32
      %dma_start3A_465 = tpu.memref_slice %arg17[%dma_start3A_460, %dma_start3A_464] : memref<16x50xi32, #tpu.memory_space<vmem>> -> memref<1x50xi32, #tpu.memory_space<vmem>>
      %dma_start3A_466 = tpu.memref_squeeze %dma_start3A_465 : memref<1x50xi32, #tpu.memory_space<vmem>> -> memref<50xi32, #tpu.memory_space<vmem>>
      %dma_start3A_467 = arith.constant 0 : i32
      %dma_start3A_468 = arith.constant 0 : i32
      %dma_start3A_469 = tpu.memref_slice %arg4[%dma_start3A_467, %dma_start3A_468] : memref<1000x8xf32, #tpu.memory_space<hbm>> -> memref<1000x8xf32, #tpu.memory_space<hbm>>
      tpu.enqueue_indirect_dma source(%dma_start3A_469 : memref<1000x8xf32, #tpu.memory_space<hbm>>) target(%dma_start3A_463 : memref<50x8xf32, #tpu.memory_space<vmem>>) offsets(%dma_start3A_466 : memref<50xi32, #tpu.memory_space<vmem>>) semaphore(%arg27 : memref<!tpu.dma_semaphore, #tpu.memory_space<semaphore_mem>>)
      %dma_start3A_470 = arith.constant 9 : i32
      %dma_start3A_471 = arith.constant 450 : i32
      %dma_start3A_472 = arith.constant 0 : i32
      %dma_start3A_473 = tpu.memref_slice %arg23[%dma_start3A_471, %dma_start3A_472] : memref<800x8xf32, #tpu.memory_space<vmem>> -> memref<50x8xf32, #tpu.memory_space<vmem>>
      %dma_start3A_474 = arith.constant 0 : i32
      %dma_start3A_475 = tpu.memref_slice %arg17[%dma_start3A_470, %dma_start3A_474] : memref<16x50xi32, #tpu.memory_space<vmem>> -> memref<1x50xi32, #tpu.memory_space<vmem>>
      %dma_start3A_476 = tpu.memref_squeeze %dma_start3A_475 : memref<1x50xi32, #tpu.memory_space<vmem>> -> memref<50xi32, #tpu.memory_space<vmem>>
      %dma_start3A_477 = arith.constant 0 : i32
      %dma_start3A_478 = arith.constant 0 : i32
      %dma_start3A_479 = tpu.memref_slice %arg4[%dma_start3A_477, %dma_start3A_478] : memref<1000x8xf32, #tpu.memory_space<hbm>> -> memref<1000x8xf32, #tpu.memory_space<hbm>>
      tpu.enqueue_indirect_dma source(%dma_start3A_479 : memref<1000x8xf32, #tpu.memory_space<hbm>>) target(%dma_start3A_473 : memref<50x8xf32, #tpu.memory_space<vmem>>) offsets(%dma_start3A_476 : memref<50xi32, #tpu.memory_space<vmem>>) semaphore(%arg27 : memref<!tpu.dma_semaphore, #tpu.memory_space<semaphore_mem>>)
      %dma_start3A_480 = arith.constant 10 : i32
      %dma_start3A_481 = arith.constant 500 : i32
      %dma_start3A_482 = arith.constant 0 : i32
      %dma_start3A_483 = tpu.memref_slice %arg23[%dma_start3A_481, %dma_start3A_482] : memref<800x8xf32, #tpu.memory_space<vmem>> -> memref<50x8xf32, #tpu.memory_space<vmem>>
      %dma_start3A_484 = arith.constant 0 : i32
      %dma_start3A_485 = tpu.memref_slice %arg17[%dma_start3A_480, %dma_start3A_484] : memref<16x50xi32, #tpu.memory_space<vmem>> -> memref<1x50xi32, #tpu.memory_space<vmem>>
      %dma_start3A_486 = tpu.memref_squeeze %dma_start3A_485 : memref<1x50xi32, #tpu.memory_space<vmem>> -> memref<50xi32, #tpu.memory_space<vmem>>
      %dma_start3A_487 = arith.constant 0 : i32
      %dma_start3A_488 = arith.constant 0 : i32
      %dma_start3A_489 = tpu.memref_slice %arg4[%dma_start3A_487, %dma_start3A_488] : memref<1000x8xf32, #tpu.memory_space<hbm>> -> memref<1000x8xf32, #tpu.memory_space<hbm>>
      tpu.enqueue_indirect_dma source(%dma_start3A_489 : memref<1000x8xf32, #tpu.memory_space<hbm>>) target(%dma_start3A_483 : memref<50x8xf32, #tpu.memory_space<vmem>>) offsets(%dma_start3A_486 : memref<50xi32, #tpu.memory_space<vmem>>) semaphore(%arg27 : memref<!tpu.dma_semaphore, #tpu.memory_space<semaphore_mem>>)
      %dma_start3A_490 = arith.constant 11 : i32
      %dma_start3A_491 = arith.constant 550 : i32
      %dma_start3A_492 = arith.constant 0 : i32
      %dma_start3A_493 = tpu.memref_slice %arg23[%dma_start3A_491, %dma_start3A_492] : memref<800x8xf32, #tpu.memory_space<vmem>> -> memref<50x8xf32, #tpu.memory_space<vmem>>
      %dma_start3A_494 = arith.constant 0 : i32
      %dma_start3A_495 = tpu.memref_slice %arg17[%dma_start3A_490, %dma_start3A_494] : memref<16x50xi32, #tpu.memory_space<vmem>> -> memref<1x50xi32, #tpu.memory_space<vmem>>
      %dma_start3A_496 = tpu.memref_squeeze %dma_start3A_495 : memref<1x50xi32, #tpu.memory_space<vmem>> -> memref<50xi32, #tpu.memory_space<vmem>>
      %dma_start3A_497 = arith.constant 0 : i32
      %dma_start3A_498 = arith.constant 0 : i32
      %dma_start3A_499 = tpu.memref_slice %arg4[%dma_start3A_497, %dma_start3A_498] : memref<1000x8xf32, #tpu.memory_space<hbm>> -> memref<1000x8xf32, #tpu.memory_space<hbm>>
      tpu.enqueue_indirect_dma source(%dma_start3A_499 : memref<1000x8xf32, #tpu.memory_space<hbm>>) target(%dma_start3A_493 : memref<50x8xf32, #tpu.memory_space<vmem>>) offsets(%dma_start3A_496 : memref<50xi32, #tpu.memory_space<vmem>>) semaphore(%arg27 : memref<!tpu.dma_semaphore, #tpu.memory_space<semaphore_mem>>)
      %dma_start3A_500 = arith.constant 12 : i32
      %dma_start3A_501 = arith.constant 600 : i32
      %dma_start3A_502 = arith.constant 0 : i32
      %dma_start3A_503 = tpu.memref_slice %arg23[%dma_start3A_501, %dma_start3A_502] : memref<800x8xf32, #tpu.memory_space<vmem>> -> memref<50x8xf32, #tpu.memory_space<vmem>>
      %dma_start3A_504 = arith.constant 0 : i32
      %dma_start3A_505 = tpu.memref_slice %arg17[%dma_start3A_500, %dma_start3A_504] : memref<16x50xi32, #tpu.memory_space<vmem>> -> memref<1x50xi32, #tpu.memory_space<vmem>>
      %dma_start3A_506 = tpu.memref_squeeze %dma_start3A_505 : memref<1x50xi32, #tpu.memory_space<vmem>> -> memref<50xi32, #tpu.memory_space<vmem>>
      %dma_start3A_507 = arith.constant 0 : i32
      %dma_start3A_508 = arith.constant 0 : i32
      %dma_start3A_509 = tpu.memref_slice %arg4[%dma_start3A_507, %dma_start3A_508] : memref<1000x8xf32, #tpu.memory_space<hbm>> -> memref<1000x8xf32, #tpu.memory_space<hbm>>
      tpu.enqueue_indirect_dma source(%dma_start3A_509 : memref<1000x8xf32, #tpu.memory_space<hbm>>) target(%dma_start3A_503 : memref<50x8xf32, #tpu.memory_space<vmem>>) offsets(%dma_start3A_506 : memref<50xi32, #tpu.memory_space<vmem>>) semaphore(%arg27 : memref<!tpu.dma_semaphore, #tpu.memory_space<semaphore_mem>>)
      %dma_start3A_510 = arith.constant 13 : i32
      %dma_start3A_511 = arith.constant 650 : i32
      %dma_start3A_512 = arith.constant 0 : i32
      %dma_start3A_513 = tpu.memref_slice %arg23[%dma_start3A_511, %dma_start3A_512] : memref<800x8xf32, #tpu.memory_space<vmem>> -> memref<50x8xf32, #tpu.memory_space<vmem>>
      %dma_start3A_514 = arith.constant 0 : i32
      %dma_start3A_515 = tpu.memref_slice %arg17[%dma_start3A_510, %dma_start3A_514] : memref<16x50xi32, #tpu.memory_space<vmem>> -> memref<1x50xi32, #tpu.memory_space<vmem>>
      %dma_start3A_516 = tpu.memref_squeeze %dma_start3A_515 : memref<1x50xi32, #tpu.memory_space<vmem>> -> memref<50xi32, #tpu.memory_space<vmem>>
      %dma_start3A_517 = arith.constant 0 : i32
      %dma_start3A_518 = arith.constant 0 : i32
      %dma_start3A_519 = tpu.memref_slice %arg4[%dma_start3A_517, %dma_start3A_518] : memref<1000x8xf32, #tpu.memory_space<hbm>> -> memref<1000x8xf32, #tpu.memory_space<hbm>>
      tpu.enqueue_indirect_dma source(%dma_start3A_519 : memref<1000x8xf32, #tpu.memory_space<hbm>>) target(%dma_start3A_513 : memref<50x8xf32, #tpu.memory_space<vmem>>) offsets(%dma_start3A_516 : memref<50xi32, #tpu.memory_space<vmem>>) semaphore(%arg27 : memref<!tpu.dma_semaphore, #tpu.memory_space<semaphore_mem>>)
      %dma_start3A_520 = arith.constant 14 : i32
      %dma_start3A_521 = arith.constant 700 : i32
      %dma_start3A_522 = arith.constant 0 : i32
      %dma_start3A_523 = tpu.memref_slice %arg23[%dma_start3A_521, %dma_start3A_522] : memref<800x8xf32, #tpu.memory_space<vmem>> -> memref<50x8xf32, #tpu.memory_space<vmem>>
      %dma_start3A_524 = arith.constant 0 : i32
      %dma_start3A_525 = tpu.memref_slice %arg17[%dma_start3A_520, %dma_start3A_524] : memref<16x50xi32, #tpu.memory_space<vmem>> -> memref<1x50xi32, #tpu.memory_space<vmem>>
      %dma_start3A_526 = tpu.memref_squeeze %dma_start3A_525 : memref<1x50xi32, #tpu.memory_space<vmem>> -> memref<50xi32, #tpu.memory_space<vmem>>
      %dma_start3A_527 = arith.constant 0 : i32
      %dma_start3A_528 = arith.constant 0 : i32
      %dma_start3A_529 = tpu.memref_slice %arg4[%dma_start3A_527, %dma_start3A_528] : memref<1000x8xf32, #tpu.memory_space<hbm>> -> memref<1000x8xf32, #tpu.memory_space<hbm>>
      tpu.enqueue_indirect_dma source(%dma_start3A_529 : memref<1000x8xf32, #tpu.memory_space<hbm>>) target(%dma_start3A_523 : memref<50x8xf32, #tpu.memory_space<vmem>>) offsets(%dma_start3A_526 : memref<50xi32, #tpu.memory_space<vmem>>) semaphore(%arg27 : memref<!tpu.dma_semaphore, #tpu.memory_space<semaphore_mem>>)
      %dma_start3A_530 = arith.constant 15 : i32
      %dma_start3A_531 = arith.constant 750 : i32
      %dma_start3A_532 = arith.constant 0 : i32
      %dma_start3A_533 = tpu.memref_slice %arg23[%dma_start3A_531, %dma_start3A_532] : memref<800x8xf32, #tpu.memory_space<vmem>> -> memref<50x8xf32, #tpu.memory_space<vmem>>
      %dma_start3A_534 = arith.constant 0 : i32
      %dma_start3A_535 = tpu.memref_slice %arg17[%dma_start3A_530, %dma_start3A_534] : memref<16x50xi32, #tpu.memory_space<vmem>> -> memref<1x50xi32, #tpu.memory_space<vmem>>
      %dma_start3A_536 = tpu.memref_squeeze %dma_start3A_535 : memref<1x50xi32, #tpu.memory_space<vmem>> -> memref<50xi32, #tpu.memory_space<vmem>>
      %dma_start3A_537 = arith.constant 0 : i32
      %dma_start3A_538 = arith.constant 0 : i32
      %dma_start3A_539 = tpu.memref_slice %arg4[%dma_start3A_537, %dma_start3A_538] : memref<1000x8xf32, #tpu.memory_space<hbm>> -> memref<1000x8xf32, #tpu.memory_space<hbm>>
      tpu.enqueue_indirect_dma source(%dma_start3A_539 : memref<1000x8xf32, #tpu.memory_space<hbm>>) target(%dma_start3A_533 : memref<50x8xf32, #tpu.memory_space<vmem>>) offsets(%dma_start3A_536 : memref<50xi32, #tpu.memory_space<vmem>>) semaphore(%arg27 : memref<!tpu.dma_semaphore, #tpu.memory_space<semaphore_mem>>)
      %dma_start3A_540 = arith.constant 0 : i32
      %dma_start3A_541 = arith.constant 0 : i32
      %dma_start3A_542 = arith.constant 0 : i32
      %dma_start3A_543 = tpu.memref_slice %arg24[%dma_start3A_541, %dma_start3A_542] : memref<800x8xf32, #tpu.memory_space<vmem>> -> memref<50x8xf32, #tpu.memory_space<vmem>>
      %dma_start3A_544 = arith.constant 0 : i32
      %dma_start3A_545 = tpu.memref_slice %arg18[%dma_start3A_540, %dma_start3A_544] : memref<16x50xi32, #tpu.memory_space<vmem>> -> memref<1x50xi32, #tpu.memory_space<vmem>>
      %dma_start3A_546 = tpu.memref_squeeze %dma_start3A_545 : memref<1x50xi32, #tpu.memory_space<vmem>> -> memref<50xi32, #tpu.memory_space<vmem>>
      %dma_start3A_547 = arith.constant 0 : i32
      %dma_start3A_548 = arith.constant 0 : i32
      %dma_start3A_549 = tpu.memref_slice %arg5[%dma_start3A_547, %dma_start3A_548] : memref<1000x8xf32, #tpu.memory_space<hbm>> -> memref<1000x8xf32, #tpu.memory_space<hbm>>
      tpu.enqueue_indirect_dma source(%dma_start3A_549 : memref<1000x8xf32, #tpu.memory_space<hbm>>) target(%dma_start3A_543 : memref<50x8xf32, #tpu.memory_space<vmem>>) offsets(%dma_start3A_546 : memref<50xi32, #tpu.memory_space<vmem>>) semaphore(%arg27 : memref<!tpu.dma_semaphore, #tpu.memory_space<semaphore_mem>>)
      %dma_start3A_550 = arith.constant 1 : i32
      %dma_start3A_551 = arith.constant 50 : i32
      %dma_start3A_552 = arith.constant 0 : i32
      %dma_start3A_553 = tpu.memref_slice %arg24[%dma_start3A_551, %dma_start3A_552] : memref<800x8xf32, #tpu.memory_space<vmem>> -> memref<50x8xf32, #tpu.memory_space<vmem>>
      %dma_start3A_554 = arith.constant 0 : i32
      %dma_start3A_555 = tpu.memref_slice %arg18[%dma_start3A_550, %dma_start3A_554] : memref<16x50xi32, #tpu.memory_space<vmem>> -> memref<1x50xi32, #tpu.memory_space<vmem>>
      %dma_start3A_556 = tpu.memref_squeeze %dma_start3A_555 : memref<1x50xi32, #tpu.memory_space<vmem>> -> memref<50xi32, #tpu.memory_space<vmem>>
      %dma_start3A_557 = arith.constant 0 : i32
      %dma_start3A_558 = arith.constant 0 : i32
      %dma_start3A_559 = tpu.memref_slice %arg5[%dma_start3A_557, %dma_start3A_558] : memref<1000x8xf32, #tpu.memory_space<hbm>> -> memref<1000x8xf32, #tpu.memory_space<hbm>>
      tpu.enqueue_indirect_dma source(%dma_start3A_559 : memref<1000x8xf32, #tpu.memory_space<hbm>>) target(%dma_start3A_553 : memref<50x8xf32, #tpu.memory_space<vmem>>) offsets(%dma_start3A_556 : memref<50xi32, #tpu.memory_space<vmem>>) semaphore(%arg27 : memref<!tpu.dma_semaphore, #tpu.memory_space<semaphore_mem>>)
      %dma_start3A_560 = arith.constant 2 : i32
      %dma_start3A_561 = arith.constant 100 : i32
      %dma_start3A_562 = arith.constant 0 : i32
      %dma_start3A_563 = tpu.memref_slice %arg24[%dma_start3A_561, %dma_start3A_562] : memref<800x8xf32, #tpu.memory_space<vmem>> -> memref<50x8xf32, #tpu.memory_space<vmem>>
      %dma_start3A_564 = arith.constant 0 : i32
      %dma_start3A_565 = tpu.memref_slice %arg18[%dma_start3A_560, %dma_start3A_564] : memref<16x50xi32, #tpu.memory_space<vmem>> -> memref<1x50xi32, #tpu.memory_space<vmem>>
      %dma_start3A_566 = tpu.memref_squeeze %dma_start3A_565 : memref<1x50xi32, #tpu.memory_space<vmem>> -> memref<50xi32, #tpu.memory_space<vmem>>
      %dma_start3A_567 = arith.constant 0 : i32
      %dma_start3A_568 = arith.constant 0 : i32
      %dma_start3A_569 = tpu.memref_slice %arg5[%dma_start3A_567, %dma_start3A_568] : memref<1000x8xf32, #tpu.memory_space<hbm>> -> memref<1000x8xf32, #tpu.memory_space<hbm>>
      tpu.enqueue_indirect_dma source(%dma_start3A_569 : memref<1000x8xf32, #tpu.memory_space<hbm>>) target(%dma_start3A_563 : memref<50x8xf32, #tpu.memory_space<vmem>>) offsets(%dma_start3A_566 : memref<50xi32, #tpu.memory_space<vmem>>) semaphore(%arg27 : memref<!tpu.dma_semaphore, #tpu.memory_space<semaphore_mem>>)
      %dma_start3A_570 = arith.constant 3 : i32
      %dma_start3A_571 = arith.constant 150 : i32
      %dma_start3A_572 = arith.constant 0 : i32
      %dma_start3A_573 = tpu.memref_slice %arg24[%dma_start3A_571, %dma_start3A_572] : memref<800x8xf32, #tpu.memory_space<vmem>> -> memref<50x8xf32, #tpu.memory_space<vmem>>
      %dma_start3A_574 = arith.constant 0 : i32
      %dma_start3A_575 = tpu.memref_slice %arg18[%dma_start3A_570, %dma_start3A_574] : memref<16x50xi32, #tpu.memory_space<vmem>> -> memref<1x50xi32, #tpu.memory_space<vmem>>
      %dma_start3A_576 = tpu.memref_squeeze %dma_start3A_575 : memref<1x50xi32, #tpu.memory_space<vmem>> -> memref<50xi32, #tpu.memory_space<vmem>>
      %dma_start3A_577 = arith.constant 0 : i32
      %dma_start3A_578 = arith.constant 0 : i32
      %dma_start3A_579 = tpu.memref_slice %arg5[%dma_start3A_577, %dma_start3A_578] : memref<1000x8xf32, #tpu.memory_space<hbm>> -> memref<1000x8xf32, #tpu.memory_space<hbm>>
      tpu.enqueue_indirect_dma source(%dma_start3A_579 : memref<1000x8xf32, #tpu.memory_space<hbm>>) target(%dma_start3A_573 : memref<50x8xf32, #tpu.memory_space<vmem>>) offsets(%dma_start3A_576 : memref<50xi32, #tpu.memory_space<vmem>>) semaphore(%arg27 : memref<!tpu.dma_semaphore, #tpu.memory_space<semaphore_mem>>)
      %dma_start3A_580 = arith.constant 4 : i32
      %dma_start3A_581 = arith.constant 200 : i32
      %dma_start3A_582 = arith.constant 0 : i32
      %dma_start3A_583 = tpu.memref_slice %arg24[%dma_start3A_581, %dma_start3A_582] : memref<800x8xf32, #tpu.memory_space<vmem>> -> memref<50x8xf32, #tpu.memory_space<vmem>>
      %dma_start3A_584 = arith.constant 0 : i32
      %dma_start3A_585 = tpu.memref_slice %arg18[%dma_start3A_580, %dma_start3A_584] : memref<16x50xi32, #tpu.memory_space<vmem>> -> memref<1x50xi32, #tpu.memory_space<vmem>>
      %dma_start3A_586 = tpu.memref_squeeze %dma_start3A_585 : memref<1x50xi32, #tpu.memory_space<vmem>> -> memref<50xi32, #tpu.memory_space<vmem>>
      %dma_start3A_587 = arith.constant 0 : i32
      %dma_start3A_588 = arith.constant 0 : i32
      %dma_start3A_589 = tpu.memref_slice %arg5[%dma_start3A_587, %dma_start3A_588] : memref<1000x8xf32, #tpu.memory_space<hbm>> -> memref<1000x8xf32, #tpu.memory_space<hbm>>
      tpu.enqueue_indirect_dma source(%dma_start3A_589 : memref<1000x8xf32, #tpu.memory_space<hbm>>) target(%dma_start3A_583 : memref<50x8xf32, #tpu.memory_space<vmem>>) offsets(%dma_start3A_586 : memref<50xi32, #tpu.memory_space<vmem>>) semaphore(%arg27 : memref<!tpu.dma_semaphore, #tpu.memory_space<semaphore_mem>>)
      %dma_start3A_590 = arith.constant 5 : i32
      %dma_start3A_591 = arith.constant 250 : i32
      %dma_start3A_592 = arith.constant 0 : i32
      %dma_start3A_593 = tpu.memref_slice %arg24[%dma_start3A_591, %dma_start3A_592] : memref<800x8xf32, #tpu.memory_space<vmem>> -> memref<50x8xf32, #tpu.memory_space<vmem>>
      %dma_start3A_594 = arith.constant 0 : i32
      %dma_start3A_595 = tpu.memref_slice %arg18[%dma_start3A_590, %dma_start3A_594] : memref<16x50xi32, #tpu.memory_space<vmem>> -> memref<1x50xi32, #tpu.memory_space<vmem>>
      %dma_start3A_596 = tpu.memref_squeeze %dma_start3A_595 : memref<1x50xi32, #tpu.memory_space<vmem>> -> memref<50xi32, #tpu.memory_space<vmem>>
      %dma_start3A_597 = arith.constant 0 : i32
      %dma_start3A_598 = arith.constant 0 : i32
      %dma_start3A_599 = tpu.memref_slice %arg5[%dma_start3A_597, %dma_start3A_598] : memref<1000x8xf32, #tpu.memory_space<hbm>> -> memref<1000x8xf32, #tpu.memory_space<hbm>>
      tpu.enqueue_indirect_dma source(%dma_start3A_599 : memref<1000x8xf32, #tpu.memory_space<hbm>>) target(%dma_start3A_593 : memref<50x8xf32, #tpu.memory_space<vmem>>) offsets(%dma_start3A_596 : memref<50xi32, #tpu.memory_space<vmem>>) semaphore(%arg27 : memref<!tpu.dma_semaphore, #tpu.memory_space<semaphore_mem>>)
      %dma_start3A_600 = arith.constant 6 : i32
      %dma_start3A_601 = arith.constant 300 : i32
      %dma_start3A_602 = arith.constant 0 : i32
      %dma_start3A_603 = tpu.memref_slice %arg24[%dma_start3A_601, %dma_start3A_602] : memref<800x8xf32, #tpu.memory_space<vmem>> -> memref<50x8xf32, #tpu.memory_space<vmem>>
      %dma_start3A_604 = arith.constant 0 : i32
      %dma_start3A_605 = tpu.memref_slice %arg18[%dma_start3A_600, %dma_start3A_604] : memref<16x50xi32, #tpu.memory_space<vmem>> -> memref<1x50xi32, #tpu.memory_space<vmem>>
      %dma_start3A_606 = tpu.memref_squeeze %dma_start3A_605 : memref<1x50xi32, #tpu.memory_space<vmem>> -> memref<50xi32, #tpu.memory_space<vmem>>
      %dma_start3A_607 = arith.constant 0 : i32
      %dma_start3A_608 = arith.constant 0 : i32
      %dma_start3A_609 = tpu.memref_slice %arg5[%dma_start3A_607, %dma_start3A_608] : memref<1000x8xf32, #tpu.memory_space<hbm>> -> memref<1000x8xf32, #tpu.memory_space<hbm>>
      tpu.enqueue_indirect_dma source(%dma_start3A_609 : memref<1000x8xf32, #tpu.memory_space<hbm>>) target(%dma_start3A_603 : memref<50x8xf32, #tpu.memory_space<vmem>>) offsets(%dma_start3A_606 : memref<50xi32, #tpu.memory_space<vmem>>) semaphore(%arg27 : memref<!tpu.dma_semaphore, #tpu.memory_space<semaphore_mem>>)
      %dma_start3A_610 = arith.constant 7 : i32
      %dma_start3A_611 = arith.constant 350 : i32
      %dma_start3A_612 = arith.constant 0 : i32
      %dma_start3A_613 = tpu.memref_slice %arg24[%dma_start3A_611, %dma_start3A_612] : memref<800x8xf32, #tpu.memory_space<vmem>> -> memref<50x8xf32, #tpu.memory_space<vmem>>
      %dma_start3A_614 = arith.constant 0 : i32
      %dma_start3A_615 = tpu.memref_slice %arg18[%dma_start3A_610, %dma_start3A_614] : memref<16x50xi32, #tpu.memory_space<vmem>> -> memref<1x50xi32, #tpu.memory_space<vmem>>
      %dma_start3A_616 = tpu.memref_squeeze %dma_start3A_615 : memref<1x50xi32, #tpu.memory_space<vmem>> -> memref<50xi32, #tpu.memory_space<vmem>>
      %dma_start3A_617 = arith.constant 0 : i32
      %dma_start3A_618 = arith.constant 0 : i32
      %dma_start3A_619 = tpu.memref_slice %arg5[%dma_start3A_617, %dma_start3A_618] : memref<1000x8xf32, #tpu.memory_space<hbm>> -> memref<1000x8xf32, #tpu.memory_space<hbm>>
      tpu.enqueue_indirect_dma source(%dma_start3A_619 : memref<1000x8xf32, #tpu.memory_space<hbm>>) target(%dma_start3A_613 : memref<50x8xf32, #tpu.memory_space<vmem>>) offsets(%dma_start3A_616 : memref<50xi32, #tpu.memory_space<vmem>>) semaphore(%arg27 : memref<!tpu.dma_semaphore, #tpu.memory_space<semaphore_mem>>)
      %dma_start3A_620 = arith.constant 8 : i32
      %dma_start3A_621 = arith.constant 400 : i32
      %dma_start3A_622 = arith.constant 0 : i32
      %dma_start3A_623 = tpu.memref_slice %arg24[%dma_start3A_621, %dma_start3A_622] : memref<800x8xf32, #tpu.memory_space<vmem>> -> memref<50x8xf32, #tpu.memory_space<vmem>>
      %dma_start3A_624 = arith.constant 0 : i32
      %dma_start3A_625 = tpu.memref_slice %arg18[%dma_start3A_620, %dma_start3A_624] : memref<16x50xi32, #tpu.memory_space<vmem>> -> memref<1x50xi32, #tpu.memory_space<vmem>>
      %dma_start3A_626 = tpu.memref_squeeze %dma_start3A_625 : memref<1x50xi32, #tpu.memory_space<vmem>> -> memref<50xi32, #tpu.memory_space<vmem>>
      %dma_start3A_627 = arith.constant 0 : i32
      %dma_start3A_628 = arith.constant 0 : i32
      %dma_start3A_629 = tpu.memref_slice %arg5[%dma_start3A_627, %dma_start3A_628] : memref<1000x8xf32, #tpu.memory_space<hbm>> -> memref<1000x8xf32, #tpu.memory_space<hbm>>
      tpu.enqueue_indirect_dma source(%dma_start3A_629 : memref<1000x8xf32, #tpu.memory_space<hbm>>) target(%dma_start3A_623 : memref<50x8xf32, #tpu.memory_space<vmem>>) offsets(%dma_start3A_626 : memref<50xi32, #tpu.memory_space<vmem>>) semaphore(%arg27 : memref<!tpu.dma_semaphore, #tpu.memory_space<semaphore_mem>>)
      %dma_start3A_630 = arith.constant 9 : i32
      %dma_start3A_631 = arith.constant 450 : i32
      %dma_start3A_632 = arith.constant 0 : i32
      %dma_start3A_633 = tpu.memref_slice %arg24[%dma_start3A_631, %dma_start3A_632] : memref<800x8xf32, #tpu.memory_space<vmem>> -> memref<50x8xf32, #tpu.memory_space<vmem>>
      %dma_start3A_634 = arith.constant 0 : i32
      %dma_start3A_635 = tpu.memref_slice %arg18[%dma_start3A_630, %dma_start3A_634] : memref<16x50xi32, #tpu.memory_space<vmem>> -> memref<1x50xi32, #tpu.memory_space<vmem>>
      %dma_start3A_636 = tpu.memref_squeeze %dma_start3A_635 : memref<1x50xi32, #tpu.memory_space<vmem>> -> memref<50xi32, #tpu.memory_space<vmem>>
      %dma_start3A_637 = arith.constant 0 : i32
      %dma_start3A_638 = arith.constant 0 : i32
      %dma_start3A_639 = tpu.memref_slice %arg5[%dma_start3A_637, %dma_start3A_638] : memref<1000x8xf32, #tpu.memory_space<hbm>> -> memref<1000x8xf32, #tpu.memory_space<hbm>>
      tpu.enqueue_indirect_dma source(%dma_start3A_639 : memref<1000x8xf32, #tpu.memory_space<hbm>>) target(%dma_start3A_633 : memref<50x8xf32, #tpu.memory_space<vmem>>) offsets(%dma_start3A_636 : memref<50xi32, #tpu.memory_space<vmem>>) semaphore(%arg27 : memref<!tpu.dma_semaphore, #tpu.memory_space<semaphore_mem>>)
      %dma_start3A_640 = arith.constant 10 : i32
      %dma_start3A_641 = arith.constant 500 : i32
      %dma_start3A_642 = arith.constant 0 : i32
      %dma_start3A_643 = tpu.memref_slice %arg24[%dma_start3A_641, %dma_start3A_642] : memref<800x8xf32, #tpu.memory_space<vmem>> -> memref<50x8xf32, #tpu.memory_space<vmem>>
      %dma_start3A_644 = arith.constant 0 : i32
      %dma_start3A_645 = tpu.memref_slice %arg18[%dma_start3A_640, %dma_start3A_644] : memref<16x50xi32, #tpu.memory_space<vmem>> -> memref<1x50xi32, #tpu.memory_space<vmem>>
      %dma_start3A_646 = tpu.memref_squeeze %dma_start3A_645 : memref<1x50xi32, #tpu.memory_space<vmem>> -> memref<50xi32, #tpu.memory_space<vmem>>
      %dma_start3A_647 = arith.constant 0 : i32
      %dma_start3A_648 = arith.constant 0 : i32
      %dma_start3A_649 = tpu.memref_slice %arg5[%dma_start3A_647, %dma_start3A_648] : memref<1000x8xf32, #tpu.memory_space<hbm>> -> memref<1000x8xf32, #tpu.memory_space<hbm>>
      tpu.enqueue_indirect_dma source(%dma_start3A_649 : memref<1000x8xf32, #tpu.memory_space<hbm>>) target(%dma_start3A_643 : memref<50x8xf32, #tpu.memory_space<vmem>>) offsets(%dma_start3A_646 : memref<50xi32, #tpu.memory_space<vmem>>) semaphore(%arg27 : memref<!tpu.dma_semaphore, #tpu.memory_space<semaphore_mem>>)
      %dma_start3A_650 = arith.constant 11 : i32
      %dma_start3A_651 = arith.constant 550 : i32
      %dma_start3A_652 = arith.constant 0 : i32
      %dma_start3A_653 = tpu.memref_slice %arg24[%dma_start3A_651, %dma_start3A_652] : memref<800x8xf32, #tpu.memory_space<vmem>> -> memref<50x8xf32, #tpu.memory_space<vmem>>
      %dma_start3A_654 = arith.constant 0 : i32
      %dma_start3A_655 = tpu.memref_slice %arg18[%dma_start3A_650, %dma_start3A_654] : memref<16x50xi32, #tpu.memory_space<vmem>> -> memref<1x50xi32, #tpu.memory_space<vmem>>
      %dma_start3A_656 = tpu.memref_squeeze %dma_start3A_655 : memref<1x50xi32, #tpu.memory_space<vmem>> -> memref<50xi32, #tpu.memory_space<vmem>>
      %dma_start3A_657 = arith.constant 0 : i32
      %dma_start3A_658 = arith.constant 0 : i32
      %dma_start3A_659 = tpu.memref_slice %arg5[%dma_start3A_657, %dma_start3A_658] : memref<1000x8xf32, #tpu.memory_space<hbm>> -> memref<1000x8xf32, #tpu.memory_space<hbm>>
      tpu.enqueue_indirect_dma source(%dma_start3A_659 : memref<1000x8xf32, #tpu.memory_space<hbm>>) target(%dma_start3A_653 : memref<50x8xf32, #tpu.memory_space<vmem>>) offsets(%dma_start3A_656 : memref<50xi32, #tpu.memory_space<vmem>>) semaphore(%arg27 : memref<!tpu.dma_semaphore, #tpu.memory_space<semaphore_mem>>)
      %dma_start3A_660 = arith.constant 12 : i32
      %dma_start3A_661 = arith.constant 600 : i32
      %dma_start3A_662 = arith.constant 0 : i32
      %dma_start3A_663 = tpu.memref_slice %arg24[%dma_start3A_661, %dma_start3A_662] : memref<800x8xf32, #tpu.memory_space<vmem>> -> memref<50x8xf32, #tpu.memory_space<vmem>>
      %dma_start3A_664 = arith.constant 0 : i32
      %dma_start3A_665 = tpu.memref_slice %arg18[%dma_start3A_660, %dma_start3A_664] : memref<16x50xi32, #tpu.memory_space<vmem>> -> memref<1x50xi32, #tpu.memory_space<vmem>>
      %dma_start3A_666 = tpu.memref_squeeze %dma_start3A_665 : memref<1x50xi32, #tpu.memory_space<vmem>> -> memref<50xi32, #tpu.memory_space<vmem>>
      %dma_start3A_667 = arith.constant 0 : i32
      %dma_start3A_668 = arith.constant 0 : i32
      %dma_start3A_669 = tpu.memref_slice %arg5[%dma_start3A_667, %dma_start3A_668] : memref<1000x8xf32, #tpu.memory_space<hbm>> -> memref<1000x8xf32, #tpu.memory_space<hbm>>
      tpu.enqueue_indirect_dma source(%dma_start3A_669 : memref<1000x8xf32, #tpu.memory_space<hbm>>) target(%dma_start3A_663 : memref<50x8xf32, #tpu.memory_space<vmem>>) offsets(%dma_start3A_666 : memref<50xi32, #tpu.memory_space<vmem>>) semaphore(%arg27 : memref<!tpu.dma_semaphore, #tpu.memory_space<semaphore_mem>>)
      %dma_start3A_670 = arith.constant 13 : i32
      %dma_start3A_671 = arith.constant 650 : i32
      %dma_start3A_672 = arith.constant 0 : i32
      %dma_start3A_673 = tpu.memref_slice %arg24[%dma_start3A_671, %dma_start3A_672] : memref<800x8xf32, #tpu.memory_space<vmem>> -> memref<50x8xf32, #tpu.memory_space<vmem>>
      %dma_start3A_674 = arith.constant 0 : i32
      %dma_start3A_675 = tpu.memref_slice %arg18[%dma_start3A_670, %dma_start3A_674] : memref<16x50xi32, #tpu.memory_space<vmem>> -> memref<1x50xi32, #tpu.memory_space<vmem>>
      %dma_start3A_676 = tpu.memref_squeeze %dma_start3A_675 : memref<1x50xi32, #tpu.memory_space<vmem>> -> memref<50xi32, #tpu.memory_space<vmem>>
      %dma_start3A_677 = arith.constant 0 : i32
      %dma_start3A_678 = arith.constant 0 : i32
      %dma_start3A_679 = tpu.memref_slice %arg5[%dma_start3A_677, %dma_start3A_678] : memref<1000x8xf32, #tpu.memory_space<hbm>> -> memref<1000x8xf32, #tpu.memory_space<hbm>>
      tpu.enqueue_indirect_dma source(%dma_start3A_679 : memref<1000x8xf32, #tpu.memory_space<hbm>>) target(%dma_start3A_673 : memref<50x8xf32, #tpu.memory_space<vmem>>) offsets(%dma_start3A_676 : memref<50xi32, #tpu.memory_space<vmem>>) semaphore(%arg27 : memref<!tpu.dma_semaphore, #tpu.memory_space<semaphore_mem>>)
      %dma_start3A_680 = arith.constant 14 : i32
      %dma_start3A_681 = arith.constant 700 : i32
      %dma_start3A_682 = arith.constant 0 : i32
      %dma_start3A_683 = tpu.memref_slice %arg24[%dma_start3A_681, %dma_start3A_682] : memref<800x8xf32, #tpu.memory_space<vmem>> -> memref<50x8xf32, #tpu.memory_space<vmem>>
      %dma_start3A_684 = arith.constant 0 : i32
      %dma_start3A_685 = tpu.memref_slice %arg18[%dma_start3A_680, %dma_start3A_684] : memref<16x50xi32, #tpu.memory_space<vmem>> -> memref<1x50xi32, #tpu.memory_space<vmem>>
      %dma_start3A_686 = tpu.memref_squeeze %dma_start3A_685 : memref<1x50xi32, #tpu.memory_space<vmem>> -> memref<50xi32, #tpu.memory_space<vmem>>
      %dma_start3A_687 = arith.constant 0 : i32
      %dma_start3A_688 = arith.constant 0 : i32
      %dma_start3A_689 = tpu.memref_slice %arg5[%dma_start3A_687, %dma_start3A_688] : memref<1000x8xf32, #tpu.memory_space<hbm>> -> memref<1000x8xf32, #tpu.memory_space<hbm>>
      tpu.enqueue_indirect_dma source(%dma_start3A_689 : memref<1000x8xf32, #tpu.memory_space<hbm>>) target(%dma_start3A_683 : memref<50x8xf32, #tpu.memory_space<vmem>>) offsets(%dma_start3A_686 : memref<50xi32, #tpu.memory_space<vmem>>) semaphore(%arg27 : memref<!tpu.dma_semaphore, #tpu.memory_space<semaphore_mem>>)
      %dma_start3A_690 = arith.constant 15 : i32
      %dma_start3A_691 = arith.constant 750 : i32
      %dma_start3A_692 = arith.constant 0 : i32
      %dma_start3A_693 = tpu.memref_slice %arg24[%dma_start3A_691, %dma_start3A_692] : memref<800x8xf32, #tpu.memory_space<vmem>> -> memref<50x8xf32, #tpu.memory_space<vmem>>
      %dma_start3A_694 = arith.constant 0 : i32
      %dma_start3A_695 = tpu.memref_slice %arg18[%dma_start3A_690, %dma_start3A_694] : memref<16x50xi32, #tpu.memory_space<vmem>> -> memref<1x50xi32, #tpu.memory_space<vmem>>
      %dma_start3A_696 = tpu.memref_squeeze %dma_start3A_695 : memref<1x50xi32, #tpu.memory_space<vmem>> -> memref<50xi32, #tpu.memory_space<vmem>>
      %dma_start3A_697 = arith.constant 0 : i32
      %dma_start3A_698 = arith.constant 0 : i32
      %dma_start3A_699 = tpu.memref_slice %arg5[%dma_start3A_697, %dma_start3A_698] : memref<1000x8xf32, #tpu.memory_space<hbm>> -> memref<1000x8xf32, #tpu.memory_space<hbm>>
      tpu.enqueue_indirect_dma source(%dma_start3A_699 : memref<1000x8xf32, #tpu.memory_space<hbm>>) target(%dma_start3A_693 : memref<50x8xf32, #tpu.memory_space<vmem>>) offsets(%dma_start3A_696 : memref<50xi32, #tpu.memory_space<vmem>>) semaphore(%arg27 : memref<!tpu.dma_semaphore, #tpu.memory_space<semaphore_mem>>)
      %dma_start3A_700 = arith.constant 0 : i32
      %dma_start3A_701 = arith.constant 0 : i32
      %dma_start3A_702 = arith.constant 0 : i32
      %dma_start3A_703 = tpu.memref_slice %arg25[%dma_start3A_701, %dma_start3A_702] : memref<800x8xf32, #tpu.memory_space<vmem>> -> memref<50x8xf32, #tpu.memory_space<vmem>>
      %dma_start3A_704 = arith.constant 0 : i32
      %dma_start3A_705 = tpu.memref_slice %arg19[%dma_start3A_700, %dma_start3A_704] : memref<16x50xi32, #tpu.memory_space<vmem>> -> memref<1x50xi32, #tpu.memory_space<vmem>>
      %dma_start3A_706 = tpu.memref_squeeze %dma_start3A_705 : memref<1x50xi32, #tpu.memory_space<vmem>> -> memref<50xi32, #tpu.memory_space<vmem>>
      %dma_start3A_707 = arith.constant 0 : i32
      %dma_start3A_708 = arith.constant 0 : i32
      %dma_start3A_709 = tpu.memref_slice %arg6[%dma_start3A_707, %dma_start3A_708] : memref<1000x8xf32, #tpu.memory_space<hbm>> -> memref<1000x8xf32, #tpu.memory_space<hbm>>
      tpu.enqueue_indirect_dma source(%dma_start3A_709 : memref<1000x8xf32, #tpu.memory_space<hbm>>) target(%dma_start3A_703 : memref<50x8xf32, #tpu.memory_space<vmem>>) offsets(%dma_start3A_706 : memref<50xi32, #tpu.memory_space<vmem>>) semaphore(%arg27 : memref<!tpu.dma_semaphore, #tpu.memory_space<semaphore_mem>>)
      %dma_start3A_710 = arith.constant 1 : i32
      %dma_start3A_711 = arith.constant 50 : i32
      %dma_start3A_712 = arith.constant 0 : i32
      %dma_start3A_713 = tpu.memref_slice %arg25[%dma_start3A_711, %dma_start3A_712] : memref<800x8xf32, #tpu.memory_space<vmem>> -> memref<50x8xf32, #tpu.memory_space<vmem>>
      %dma_start3A_714 = arith.constant 0 : i32
      %dma_start3A_715 = tpu.memref_slice %arg19[%dma_start3A_710, %dma_start3A_714] : memref<16x50xi32, #tpu.memory_space<vmem>> -> memref<1x50xi32, #tpu.memory_space<vmem>>
      %dma_start3A_716 = tpu.memref_squeeze %dma_start3A_715 : memref<1x50xi32, #tpu.memory_space<vmem>> -> memref<50xi32, #tpu.memory_space<vmem>>
      %dma_start3A_717 = arith.constant 0 : i32
      %dma_start3A_718 = arith.constant 0 : i32
      %dma_start3A_719 = tpu.memref_slice %arg6[%dma_start3A_717, %dma_start3A_718] : memref<1000x8xf32, #tpu.memory_space<hbm>> -> memref<1000x8xf32, #tpu.memory_space<hbm>>
      tpu.enqueue_indirect_dma source(%dma_start3A_719 : memref<1000x8xf32, #tpu.memory_space<hbm>>) target(%dma_start3A_713 : memref<50x8xf32, #tpu.memory_space<vmem>>) offsets(%dma_start3A_716 : memref<50xi32, #tpu.memory_space<vmem>>) semaphore(%arg27 : memref<!tpu.dma_semaphore, #tpu.memory_space<semaphore_mem>>)
      %dma_start3A_720 = arith.constant 2 : i32
      %dma_start3A_721 = arith.constant 100 : i32
      %dma_start3A_722 = arith.constant 0 : i32
      %dma_start3A_723 = tpu.memref_slice %arg25[%dma_start3A_721, %dma_start3A_722] : memref<800x8xf32, #tpu.memory_space<vmem>> -> memref<50x8xf32, #tpu.memory_space<vmem>>
      %dma_start3A_724 = arith.constant 0 : i32
      %dma_start3A_725 = tpu.memref_slice %arg19[%dma_start3A_720, %dma_start3A_724] : memref<16x50xi32, #tpu.memory_space<vmem>> -> memref<1x50xi32, #tpu.memory_space<vmem>>
      %dma_start3A_726 = tpu.memref_squeeze %dma_start3A_725 : memref<1x50xi32, #tpu.memory_space<vmem>> -> memref<50xi32, #tpu.memory_space<vmem>>
      %dma_start3A_727 = arith.constant 0 : i32
      %dma_start3A_728 = arith.constant 0 : i32
      %dma_start3A_729 = tpu.memref_slice %arg6[%dma_start3A_727, %dma_start3A_728] : memref<1000x8xf32, #tpu.memory_space<hbm>> -> memref<1000x8xf32, #tpu.memory_space<hbm>>
      tpu.enqueue_indirect_dma source(%dma_start3A_729 : memref<1000x8xf32, #tpu.memory_space<hbm>>) target(%dma_start3A_723 : memref<50x8xf32, #tpu.memory_space<vmem>>) offsets(%dma_start3A_726 : memref<50xi32, #tpu.memory_space<vmem>>) semaphore(%arg27 : memref<!tpu.dma_semaphore, #tpu.memory_space<semaphore_mem>>)
      %dma_start3A_730 = arith.constant 3 : i32
      %dma_start3A_731 = arith.constant 150 : i32
      %dma_start3A_732 = arith.constant 0 : i32
      %dma_start3A_733 = tpu.memref_slice %arg25[%dma_start3A_731, %dma_start3A_732] : memref<800x8xf32, #tpu.memory_space<vmem>> -> memref<50x8xf32, #tpu.memory_space<vmem>>
      %dma_start3A_734 = arith.constant 0 : i32
      %dma_start3A_735 = tpu.memref_slice %arg19[%dma_start3A_730, %dma_start3A_734] : memref<16x50xi32, #tpu.memory_space<vmem>> -> memref<1x50xi32, #tpu.memory_space<vmem>>
      %dma_start3A_736 = tpu.memref_squeeze %dma_start3A_735 : memref<1x50xi32, #tpu.memory_space<vmem>> -> memref<50xi32, #tpu.memory_space<vmem>>
      %dma_start3A_737 = arith.constant 0 : i32
      %dma_start3A_738 = arith.constant 0 : i32
      %dma_start3A_739 = tpu.memref_slice %arg6[%dma_start3A_737, %dma_start3A_738] : memref<1000x8xf32, #tpu.memory_space<hbm>> -> memref<1000x8xf32, #tpu.memory_space<hbm>>
      tpu.enqueue_indirect_dma source(%dma_start3A_739 : memref<1000x8xf32, #tpu.memory_space<hbm>>) target(%dma_start3A_733 : memref<50x8xf32, #tpu.memory_space<vmem>>) offsets(%dma_start3A_736 : memref<50xi32, #tpu.memory_space<vmem>>) semaphore(%arg27 : memref<!tpu.dma_semaphore, #tpu.memory_space<semaphore_mem>>)
      %dma_start3A_740 = arith.constant 4 : i32
      %dma_start3A_741 = arith.constant 200 : i32
      %dma_start3A_742 = arith.constant 0 : i32
      %dma_start3A_743 = tpu.memref_slice %arg25[%dma_start3A_741, %dma_start3A_742] : memref<800x8xf32, #tpu.memory_space<vmem>> -> memref<50x8xf32, #tpu.memory_space<vmem>>
      %dma_start3A_744 = arith.constant 0 : i32
      %dma_start3A_745 = tpu.memref_slice %arg19[%dma_start3A_740, %dma_start3A_744] : memref<16x50xi32, #tpu.memory_space<vmem>> -> memref<1x50xi32, #tpu.memory_space<vmem>>
      %dma_start3A_746 = tpu.memref_squeeze %dma_start3A_745 : memref<1x50xi32, #tpu.memory_space<vmem>> -> memref<50xi32, #tpu.memory_space<vmem>>
      %dma_start3A_747 = arith.constant 0 : i32
      %dma_start3A_748 = arith.constant 0 : i32
      %dma_start3A_749 = tpu.memref_slice %arg6[%dma_start3A_747, %dma_start3A_748] : memref<1000x8xf32, #tpu.memory_space<hbm>> -> memref<1000x8xf32, #tpu.memory_space<hbm>>
      tpu.enqueue_indirect_dma source(%dma_start3A_749 : memref<1000x8xf32, #tpu.memory_space<hbm>>) target(%dma_start3A_743 : memref<50x8xf32, #tpu.memory_space<vmem>>) offsets(%dma_start3A_746 : memref<50xi32, #tpu.memory_space<vmem>>) semaphore(%arg27 : memref<!tpu.dma_semaphore, #tpu.memory_space<semaphore_mem>>)
      %dma_start3A_750 = arith.constant 5 : i32
      %dma_start3A_751 = arith.constant 250 : i32
      %dma_start3A_752 = arith.constant 0 : i32
      %dma_start3A_753 = tpu.memref_slice %arg25[%dma_start3A_751, %dma_start3A_752] : memref<800x8xf32, #tpu.memory_space<vmem>> -> memref<50x8xf32, #tpu.memory_space<vmem>>
      %dma_start3A_754 = arith.constant 0 : i32
      %dma_start3A_755 = tpu.memref_slice %arg19[%dma_start3A_750, %dma_start3A_754] : memref<16x50xi32, #tpu.memory_space<vmem>> -> memref<1x50xi32, #tpu.memory_space<vmem>>
      %dma_start3A_756 = tpu.memref_squeeze %dma_start3A_755 : memref<1x50xi32, #tpu.memory_space<vmem>> -> memref<50xi32, #tpu.memory_space<vmem>>
      %dma_start3A_757 = arith.constant 0 : i32
      %dma_start3A_758 = arith.constant 0 : i32
      %dma_start3A_759 = tpu.memref_slice %arg6[%dma_start3A_757, %dma_start3A_758] : memref<1000x8xf32, #tpu.memory_space<hbm>> -> memref<1000x8xf32, #tpu.memory_space<hbm>>
      tpu.enqueue_indirect_dma source(%dma_start3A_759 : memref<1000x8xf32, #tpu.memory_space<hbm>>) target(%dma_start3A_753 : memref<50x8xf32, #tpu.memory_space<vmem>>) offsets(%dma_start3A_756 : memref<50xi32, #tpu.memory_space<vmem>>) semaphore(%arg27 : memref<!tpu.dma_semaphore, #tpu.memory_space<semaphore_mem>>)
      %dma_start3A_760 = arith.constant 6 : i32
      %dma_start3A_761 = arith.constant 300 : i32
      %dma_start3A_762 = arith.constant 0 : i32
      %dma_start3A_763 = tpu.memref_slice %arg25[%dma_start3A_761, %dma_start3A_762] : memref<800x8xf32, #tpu.memory_space<vmem>> -> memref<50x8xf32, #tpu.memory_space<vmem>>
      %dma_start3A_764 = arith.constant 0 : i32
      %dma_start3A_765 = tpu.memref_slice %arg19[%dma_start3A_760, %dma_start3A_764] : memref<16x50xi32, #tpu.memory_space<vmem>> -> memref<1x50xi32, #tpu.memory_space<vmem>>
      %dma_start3A_766 = tpu.memref_squeeze %dma_start3A_765 : memref<1x50xi32, #tpu.memory_space<vmem>> -> memref<50xi32, #tpu.memory_space<vmem>>
      %dma_start3A_767 = arith.constant 0 : i32
      %dma_start3A_768 = arith.constant 0 : i32
      %dma_start3A_769 = tpu.memref_slice %arg6[%dma_start3A_767, %dma_start3A_768] : memref<1000x8xf32, #tpu.memory_space<hbm>> -> memref<1000x8xf32, #tpu.memory_space<hbm>>
      tpu.enqueue_indirect_dma source(%dma_start3A_769 : memref<1000x8xf32, #tpu.memory_space<hbm>>) target(%dma_start3A_763 : memref<50x8xf32, #tpu.memory_space<vmem>>) offsets(%dma_start3A_766 : memref<50xi32, #tpu.memory_space<vmem>>) semaphore(%arg27 : memref<!tpu.dma_semaphore, #tpu.memory_space<semaphore_mem>>)
      %dma_start3A_770 = arith.constant 7 : i32
      %dma_start3A_771 = arith.constant 350 : i32
      %dma_start3A_772 = arith.constant 0 : i32
      %dma_start3A_773 = tpu.memref_slice %arg25[%dma_start3A_771, %dma_start3A_772] : memref<800x8xf32, #tpu.memory_space<vmem>> -> memref<50x8xf32, #tpu.memory_space<vmem>>
      %dma_start3A_774 = arith.constant 0 : i32
      %dma_start3A_775 = tpu.memref_slice %arg19[%dma_start3A_770, %dma_start3A_774] : memref<16x50xi32, #tpu.memory_space<vmem>> -> memref<1x50xi32, #tpu.memory_space<vmem>>
      %dma_start3A_776 = tpu.memref_squeeze %dma_start3A_775 : memref<1x50xi32, #tpu.memory_space<vmem>> -> memref<50xi32, #tpu.memory_space<vmem>>
      %dma_start3A_777 = arith.constant 0 : i32
      %dma_start3A_778 = arith.constant 0 : i32
      %dma_start3A_779 = tpu.memref_slice %arg6[%dma_start3A_777, %dma_start3A_778] : memref<1000x8xf32, #tpu.memory_space<hbm>> -> memref<1000x8xf32, #tpu.memory_space<hbm>>
      tpu.enqueue_indirect_dma source(%dma_start3A_779 : memref<1000x8xf32, #tpu.memory_space<hbm>>) target(%dma_start3A_773 : memref<50x8xf32, #tpu.memory_space<vmem>>) offsets(%dma_start3A_776 : memref<50xi32, #tpu.memory_space<vmem>>) semaphore(%arg27 : memref<!tpu.dma_semaphore, #tpu.memory_space<semaphore_mem>>)
      %dma_start3A_780 = arith.constant 8 : i32
      %dma_start3A_781 = arith.constant 400 : i32
      %dma_start3A_782 = arith.constant 0 : i32
      %dma_start3A_783 = tpu.memref_slice %arg25[%dma_start3A_781, %dma_start3A_782] : memref<800x8xf32, #tpu.memory_space<vmem>> -> memref<50x8xf32, #tpu.memory_space<vmem>>
      %dma_start3A_784 = arith.constant 0 : i32
      %dma_start3A_785 = tpu.memref_slice %arg19[%dma_start3A_780, %dma_start3A_784] : memref<16x50xi32, #tpu.memory_space<vmem>> -> memref<1x50xi32, #tpu.memory_space<vmem>>
      %dma_start3A_786 = tpu.memref_squeeze %dma_start3A_785 : memref<1x50xi32, #tpu.memory_space<vmem>> -> memref<50xi32, #tpu.memory_space<vmem>>
      %dma_start3A_787 = arith.constant 0 : i32
      %dma_start3A_788 = arith.constant 0 : i32
      %dma_start3A_789 = tpu.memref_slice %arg6[%dma_start3A_787, %dma_start3A_788] : memref<1000x8xf32, #tpu.memory_space<hbm>> -> memref<1000x8xf32, #tpu.memory_space<hbm>>
      tpu.enqueue_indirect_dma source(%dma_start3A_789 : memref<1000x8xf32, #tpu.memory_space<hbm>>) target(%dma_start3A_783 : memref<50x8xf32, #tpu.memory_space<vmem>>) offsets(%dma_start3A_786 : memref<50xi32, #tpu.memory_space<vmem>>) semaphore(%arg27 : memref<!tpu.dma_semaphore, #tpu.memory_space<semaphore_mem>>)
      %dma_start3A_790 = arith.constant 9 : i32
      %dma_start3A_791 = arith.constant 450 : i32
      %dma_start3A_792 = arith.constant 0 : i32
      %dma_start3A_793 = tpu.memref_slice %arg25[%dma_start3A_791, %dma_start3A_792] : memref<800x8xf32, #tpu.memory_space<vmem>> -> memref<50x8xf32, #tpu.memory_space<vmem>>
      %dma_start3A_794 = arith.constant 0 : i32
      %dma_start3A_795 = tpu.memref_slice %arg19[%dma_start3A_790, %dma_start3A_794] : memref<16x50xi32, #tpu.memory_space<vmem>> -> memref<1x50xi32, #tpu.memory_space<vmem>>
      %dma_start3A_796 = tpu.memref_squeeze %dma_start3A_795 : memref<1x50xi32, #tpu.memory_space<vmem>> -> memref<50xi32, #tpu.memory_space<vmem>>
      %dma_start3A_797 = arith.constant 0 : i32
      %dma_start3A_798 = arith.constant 0 : i32
      %dma_start3A_799 = tpu.memref_slice %arg6[%dma_start3A_797, %dma_start3A_798] : memref<1000x8xf32, #tpu.memory_space<hbm>> -> memref<1000x8xf32, #tpu.memory_space<hbm>>
      tpu.enqueue_indirect_dma source(%dma_start3A_799 : memref<1000x8xf32, #tpu.memory_space<hbm>>) target(%dma_start3A_793 : memref<50x8xf32, #tpu.memory_space<vmem>>) offsets(%dma_start3A_796 : memref<50xi32, #tpu.memory_space<vmem>>) semaphore(%arg27 : memref<!tpu.dma_semaphore, #tpu.memory_space<semaphore_mem>>)
      %dma_start3A_800 = arith.constant 10 : i32
      %dma_start3A_801 = arith.constant 500 : i32
      %dma_start3A_802 = arith.constant 0 : i32
      %dma_start3A_803 = tpu.memref_slice %arg25[%dma_start3A_801, %dma_start3A_802] : memref<800x8xf32, #tpu.memory_space<vmem>> -> memref<50x8xf32, #tpu.memory_space<vmem>>
      %dma_start3A_804 = arith.constant 0 : i32
      %dma_start3A_805 = tpu.memref_slice %arg19[%dma_start3A_800, %dma_start3A_804] : memref<16x50xi32, #tpu.memory_space<vmem>> -> memref<1x50xi32, #tpu.memory_space<vmem>>
      %dma_start3A_806 = tpu.memref_squeeze %dma_start3A_805 : memref<1x50xi32, #tpu.memory_space<vmem>> -> memref<50xi32, #tpu.memory_space<vmem>>
      %dma_start3A_807 = arith.constant 0 : i32
      %dma_start3A_808 = arith.constant 0 : i32
      %dma_start3A_809 = tpu.memref_slice %arg6[%dma_start3A_807, %dma_start3A_808] : memref<1000x8xf32, #tpu.memory_space<hbm>> -> memref<1000x8xf32, #tpu.memory_space<hbm>>
      tpu.enqueue_indirect_dma source(%dma_start3A_809 : memref<1000x8xf32, #tpu.memory_space<hbm>>) target(%dma_start3A_803 : memref<50x8xf32, #tpu.memory_space<vmem>>) offsets(%dma_start3A_806 : memref<50xi32, #tpu.memory_space<vmem>>) semaphore(%arg27 : memref<!tpu.dma_semaphore, #tpu.memory_space<semaphore_mem>>)
      %dma_start3A_810 = arith.constant 11 : i32
      %dma_start3A_811 = arith.constant 550 : i32
      %dma_start3A_812 = arith.constant 0 : i32
      %dma_start3A_813 = tpu.memref_slice %arg25[%dma_start3A_811, %dma_start3A_812] : memref<800x8xf32, #tpu.memory_space<vmem>> -> memref<50x8xf32, #tpu.memory_space<vmem>>
      %dma_start3A_814 = arith.constant 0 : i32
      %dma_start3A_815 = tpu.memref_slice %arg19[%dma_start3A_810, %dma_start3A_814] : memref<16x50xi32, #tpu.memory_space<vmem>> -> memref<1x50xi32, #tpu.memory_space<vmem>>
      %dma_start3A_816 = tpu.memref_squeeze %dma_start3A_815 : memref<1x50xi32, #tpu.memory_space<vmem>> -> memref<50xi32, #tpu.memory_space<vmem>>
      %dma_start3A_817 = arith.constant 0 : i32
      %dma_start3A_818 = arith.constant 0 : i32
      %dma_start3A_819 = tpu.memref_slice %arg6[%dma_start3A_817, %dma_start3A_818] : memref<1000x8xf32, #tpu.memory_space<hbm>> -> memref<1000x8xf32, #tpu.memory_space<hbm>>
      tpu.enqueue_indirect_dma source(%dma_start3A_819 : memref<1000x8xf32, #tpu.memory_space<hbm>>) target(%dma_start3A_813 : memref<50x8xf32, #tpu.memory_space<vmem>>) offsets(%dma_start3A_816 : memref<50xi32, #tpu.memory_space<vmem>>) semaphore(%arg27 : memref<!tpu.dma_semaphore, #tpu.memory_space<semaphore_mem>>)
      %dma_start3A_820 = arith.constant 12 : i32
      %dma_start3A_821 = arith.constant 600 : i32
      %dma_start3A_822 = arith.constant 0 : i32
      %dma_start3A_823 = tpu.memref_slice %arg25[%dma_start3A_821, %dma_start3A_822] : memref<800x8xf32, #tpu.memory_space<vmem>> -> memref<50x8xf32, #tpu.memory_space<vmem>>
      %dma_start3A_824 = arith.constant 0 : i32
      %dma_start3A_825 = tpu.memref_slice %arg19[%dma_start3A_820, %dma_start3A_824] : memref<16x50xi32, #tpu.memory_space<vmem>> -> memref<1x50xi32, #tpu.memory_space<vmem>>
      %dma_start3A_826 = tpu.memref_squeeze %dma_start3A_825 : memref<1x50xi32, #tpu.memory_space<vmem>> -> memref<50xi32, #tpu.memory_space<vmem>>
      %dma_start3A_827 = arith.constant 0 : i32
      %dma_start3A_828 = arith.constant 0 : i32
      %dma_start3A_829 = tpu.memref_slice %arg6[%dma_start3A_827, %dma_start3A_828] : memref<1000x8xf32, #tpu.memory_space<hbm>> -> memref<1000x8xf32, #tpu.memory_space<hbm>>
      tpu.enqueue_indirect_dma source(%dma_start3A_829 : memref<1000x8xf32, #tpu.memory_space<hbm>>) target(%dma_start3A_823 : memref<50x8xf32, #tpu.memory_space<vmem>>) offsets(%dma_start3A_826 : memref<50xi32, #tpu.memory_space<vmem>>) semaphore(%arg27 : memref<!tpu.dma_semaphore, #tpu.memory_space<semaphore_mem>>)
      %dma_start3A_830 = arith.constant 13 : i32
      %dma_start3A_831 = arith.constant 650 : i32
      %dma_start3A_832 = arith.constant 0 : i32
      %dma_start3A_833 = tpu.memref_slice %arg25[%dma_start3A_831, %dma_start3A_832] : memref<800x8xf32, #tpu.memory_space<vmem>> -> memref<50x8xf32, #tpu.memory_space<vmem>>
      %dma_start3A_834 = arith.constant 0 : i32
      %dma_start3A_835 = tpu.memref_slice %arg19[%dma_start3A_830, %dma_start3A_834] : memref<16x50xi32, #tpu.memory_space<vmem>> -> memref<1x50xi32, #tpu.memory_space<vmem>>
      %dma_start3A_836 = tpu.memref_squeeze %dma_start3A_835 : memref<1x50xi32, #tpu.memory_space<vmem>> -> memref<50xi32, #tpu.memory_space<vmem>>
      %dma_start3A_837 = arith.constant 0 : i32
      %dma_start3A_838 = arith.constant 0 : i32
      %dma_start3A_839 = tpu.memref_slice %arg6[%dma_start3A_837, %dma_start3A_838] : memref<1000x8xf32, #tpu.memory_space<hbm>> -> memref<1000x8xf32, #tpu.memory_space<hbm>>
      tpu.enqueue_indirect_dma source(%dma_start3A_839 : memref<1000x8xf32, #tpu.memory_space<hbm>>) target(%dma_start3A_833 : memref<50x8xf32, #tpu.memory_space<vmem>>) offsets(%dma_start3A_836 : memref<50xi32, #tpu.memory_space<vmem>>) semaphore(%arg27 : memref<!tpu.dma_semaphore, #tpu.memory_space<semaphore_mem>>)
      %dma_start3A_840 = arith.constant 14 : i32
      %dma_start3A_841 = arith.constant 700 : i32
      %dma_start3A_842 = arith.constant 0 : i32
      %dma_start3A_843 = tpu.memref_slice %arg25[%dma_start3A_841, %dma_start3A_842] : memref<800x8xf32, #tpu.memory_space<vmem>> -> memref<50x8xf32, #tpu.memory_space<vmem>>
      %dma_start3A_844 = arith.constant 0 : i32
      %dma_start3A_845 = tpu.memref_slice %arg19[%dma_start3A_840, %dma_start3A_844] : memref<16x50xi32, #tpu.memory_space<vmem>> -> memref<1x50xi32, #tpu.memory_space<vmem>>
      %dma_start3A_846 = tpu.memref_squeeze %dma_start3A_845 : memref<1x50xi32, #tpu.memory_space<vmem>> -> memref<50xi32, #tpu.memory_space<vmem>>
      %dma_start3A_847 = arith.constant 0 : i32
      %dma_start3A_848 = arith.constant 0 : i32
      %dma_start3A_849 = tpu.memref_slice %arg6[%dma_start3A_847, %dma_start3A_848] : memref<1000x8xf32, #tpu.memory_space<hbm>> -> memref<1000x8xf32, #tpu.memory_space<hbm>>
      tpu.enqueue_indirect_dma source(%dma_start3A_849 : memref<1000x8xf32, #tpu.memory_space<hbm>>) target(%dma_start3A_843 : memref<50x8xf32, #tpu.memory_space<vmem>>) offsets(%dma_start3A_846 : memref<50xi32, #tpu.memory_space<vmem>>) semaphore(%arg27 : memref<!tpu.dma_semaphore, #tpu.memory_space<semaphore_mem>>)
      %dma_start3A_850 = arith.constant 15 : i32
      %dma_start3A_851 = arith.constant 750 : i32
      %dma_start3A_852 = arith.constant 0 : i32
      %dma_start3A_853 = tpu.memref_slice %arg25[%dma_start3A_851, %dma_start3A_852] : memref<800x8xf32, #tpu.memory_space<vmem>> -> memref<50x8xf32, #tpu.memory_space<vmem>>
      %dma_start3A_854 = arith.constant 0 : i32
      %dma_start3A_855 = tpu.memref_slice %arg19[%dma_start3A_850, %dma_start3A_854] : memref<16x50xi32, #tpu.memory_space<vmem>> -> memref<1x50xi32, #tpu.memory_space<vmem>>
      %dma_start3A_856 = tpu.memref_squeeze %dma_start3A_855 : memref<1x50xi32, #tpu.memory_space<vmem>> -> memref<50xi32, #tpu.memory_space<vmem>>
      %dma_start3A_857 = arith.constant 0 : i32
      %dma_start3A_858 = arith.constant 0 : i32
      %dma_start3A_859 = tpu.memref_slice %arg6[%dma_start3A_857, %dma_start3A_858] : memref<1000x8xf32, #tpu.memory_space<hbm>> -> memref<1000x8xf32, #tpu.memory_space<hbm>>
      tpu.enqueue_indirect_dma source(%dma_start3A_859 : memref<1000x8xf32, #tpu.memory_space<hbm>>) target(%dma_start3A_853 : memref<50x8xf32, #tpu.memory_space<vmem>>) offsets(%dma_start3A_856 : memref<50xi32, #tpu.memory_space<vmem>>) semaphore(%arg27 : memref<!tpu.dma_semaphore, #tpu.memory_space<semaphore_mem>>)
      %dma_start3A_860 = arith.constant 0 : i32
      %dma_start3A_861 = arith.constant 0 : i32
      %dma_start3A_862 = arith.constant 0 : i32
      %dma_start3A_863 = tpu.memref_slice %arg26[%dma_start3A_861, %dma_start3A_862] : memref<800x8xf32, #tpu.memory_space<vmem>> -> memref<50x8xf32, #tpu.memory_space<vmem>>
      %dma_start3A_864 = arith.constant 0 : i32
      %dma_start3A_865 = tpu.memref_slice %arg20[%dma_start3A_860, %dma_start3A_864] : memref<16x50xi32, #tpu.memory_space<vmem>> -> memref<1x50xi32, #tpu.memory_space<vmem>>
      %dma_start3A_866 = tpu.memref_squeeze %dma_start3A_865 : memref<1x50xi32, #tpu.memory_space<vmem>> -> memref<50xi32, #tpu.memory_space<vmem>>
      %dma_start3A_867 = arith.constant 0 : i32
      %dma_start3A_868 = arith.constant 0 : i32
      %dma_start3A_869 = tpu.memref_slice %arg7[%dma_start3A_867, %dma_start3A_868] : memref<1000x8xf32, #tpu.memory_space<hbm>> -> memref<1000x8xf32, #tpu.memory_space<hbm>>
      tpu.enqueue_indirect_dma source(%dma_start3A_869 : memref<1000x8xf32, #tpu.memory_space<hbm>>) target(%dma_start3A_863 : memref<50x8xf32, #tpu.memory_space<vmem>>) offsets(%dma_start3A_866 : memref<50xi32, #tpu.memory_space<vmem>>) semaphore(%arg27 : memref<!tpu.dma_semaphore, #tpu.memory_space<semaphore_mem>>)
      %dma_start3A_870 = arith.constant 1 : i32
      %dma_start3A_871 = arith.constant 50 : i32
      %dma_start3A_872 = arith.constant 0 : i32
      %dma_start3A_873 = tpu.memref_slice %arg26[%dma_start3A_871, %dma_start3A_872] : memref<800x8xf32, #tpu.memory_space<vmem>> -> memref<50x8xf32, #tpu.memory_space<vmem>>
      %dma_start3A_874 = arith.constant 0 : i32
      %dma_start3A_875 = tpu.memref_slice %arg20[%dma_start3A_870, %dma_start3A_874] : memref<16x50xi32, #tpu.memory_space<vmem>> -> memref<1x50xi32, #tpu.memory_space<vmem>>
      %dma_start3A_876 = tpu.memref_squeeze %dma_start3A_875 : memref<1x50xi32, #tpu.memory_space<vmem>> -> memref<50xi32, #tpu.memory_space<vmem>>
      %dma_start3A_877 = arith.constant 0 : i32
      %dma_start3A_878 = arith.constant 0 : i32
      %dma_start3A_879 = tpu.memref_slice %arg7[%dma_start3A_877, %dma_start3A_878] : memref<1000x8xf32, #tpu.memory_space<hbm>> -> memref<1000x8xf32, #tpu.memory_space<hbm>>
      tpu.enqueue_indirect_dma source(%dma_start3A_879 : memref<1000x8xf32, #tpu.memory_space<hbm>>) target(%dma_start3A_873 : memref<50x8xf32, #tpu.memory_space<vmem>>) offsets(%dma_start3A_876 : memref<50xi32, #tpu.memory_space<vmem>>) semaphore(%arg27 : memref<!tpu.dma_semaphore, #tpu.memory_space<semaphore_mem>>)
      %dma_start3A_880 = arith.constant 2 : i32
      %dma_start3A_881 = arith.constant 100 : i32
      %dma_start3A_882 = arith.constant 0 : i32
      %dma_start3A_883 = tpu.memref_slice %arg26[%dma_start3A_881, %dma_start3A_882] : memref<800x8xf32, #tpu.memory_space<vmem>> -> memref<50x8xf32, #tpu.memory_space<vmem>>
      %dma_start3A_884 = arith.constant 0 : i32
      %dma_start3A_885 = tpu.memref_slice %arg20[%dma_start3A_880, %dma_start3A_884] : memref<16x50xi32, #tpu.memory_space<vmem>> -> memref<1x50xi32, #tpu.memory_space<vmem>>
      %dma_start3A_886 = tpu.memref_squeeze %dma_start3A_885 : memref<1x50xi32, #tpu.memory_space<vmem>> -> memref<50xi32, #tpu.memory_space<vmem>>
      %dma_start3A_887 = arith.constant 0 : i32
      %dma_start3A_888 = arith.constant 0 : i32
      %dma_start3A_889 = tpu.memref_slice %arg7[%dma_start3A_887, %dma_start3A_888] : memref<1000x8xf32, #tpu.memory_space<hbm>> -> memref<1000x8xf32, #tpu.memory_space<hbm>>
      tpu.enqueue_indirect_dma source(%dma_start3A_889 : memref<1000x8xf32, #tpu.memory_space<hbm>>) target(%dma_start3A_883 : memref<50x8xf32, #tpu.memory_space<vmem>>) offsets(%dma_start3A_886 : memref<50xi32, #tpu.memory_space<vmem>>) semaphore(%arg27 : memref<!tpu.dma_semaphore, #tpu.memory_space<semaphore_mem>>)
      %dma_start3A_890 = arith.constant 3 : i32
      %dma_start3A_891 = arith.constant 150 : i32
      %dma_start3A_892 = arith.constant 0 : i32
      %dma_start3A_893 = tpu.memref_slice %arg26[%dma_start3A_891, %dma_start3A_892] : memref<800x8xf32, #tpu.memory_space<vmem>> -> memref<50x8xf32, #tpu.memory_space<vmem>>
      %dma_start3A_894 = arith.constant 0 : i32
      %dma_start3A_895 = tpu.memref_slice %arg20[%dma_start3A_890, %dma_start3A_894] : memref<16x50xi32, #tpu.memory_space<vmem>> -> memref<1x50xi32, #tpu.memory_space<vmem>>
      %dma_start3A_896 = tpu.memref_squeeze %dma_start3A_895 : memref<1x50xi32, #tpu.memory_space<vmem>> -> memref<50xi32, #tpu.memory_space<vmem>>
      %dma_start3A_897 = arith.constant 0 : i32
      %dma_start3A_898 = arith.constant 0 : i32
      %dma_start3A_899 = tpu.memref_slice %arg7[%dma_start3A_897, %dma_start3A_898] : memref<1000x8xf32, #tpu.memory_space<hbm>> -> memref<1000x8xf32, #tpu.memory_space<hbm>>
      tpu.enqueue_indirect_dma source(%dma_start3A_899 : memref<1000x8xf32, #tpu.memory_space<hbm>>) target(%dma_start3A_893 : memref<50x8xf32, #tpu.memory_space<vmem>>) offsets(%dma_start3A_896 : memref<50xi32, #tpu.memory_space<vmem>>) semaphore(%arg27 : memref<!tpu.dma_semaphore, #tpu.memory_space<semaphore_mem>>)
      %dma_start3A_900 = arith.constant 4 : i32
      %dma_start3A_901 = arith.constant 200 : i32
      %dma_start3A_902 = arith.constant 0 : i32
      %dma_start3A_903 = tpu.memref_slice %arg26[%dma_start3A_901, %dma_start3A_902] : memref<800x8xf32, #tpu.memory_space<vmem>> -> memref<50x8xf32, #tpu.memory_space<vmem>>
      %dma_start3A_904 = arith.constant 0 : i32
      %dma_start3A_905 = tpu.memref_slice %arg20[%dma_start3A_900, %dma_start3A_904] : memref<16x50xi32, #tpu.memory_space<vmem>> -> memref<1x50xi32, #tpu.memory_space<vmem>>
      %dma_start3A_906 = tpu.memref_squeeze %dma_start3A_905 : memref<1x50xi32, #tpu.memory_space<vmem>> -> memref<50xi32, #tpu.memory_space<vmem>>
      %dma_start3A_907 = arith.constant 0 : i32
      %dma_start3A_908 = arith.constant 0 : i32
      %dma_start3A_909 = tpu.memref_slice %arg7[%dma_start3A_907, %dma_start3A_908] : memref<1000x8xf32, #tpu.memory_space<hbm>> -> memref<1000x8xf32, #tpu.memory_space<hbm>>
      tpu.enqueue_indirect_dma source(%dma_start3A_909 : memref<1000x8xf32, #tpu.memory_space<hbm>>) target(%dma_start3A_903 : memref<50x8xf32, #tpu.memory_space<vmem>>) offsets(%dma_start3A_906 : memref<50xi32, #tpu.memory_space<vmem>>) semaphore(%arg27 : memref<!tpu.dma_semaphore, #tpu.memory_space<semaphore_mem>>)
      %dma_start3A_910 = arith.constant 5 : i32
      %dma_start3A_911 = arith.constant 250 : i32
      %dma_start3A_912 = arith.constant 0 : i32
      %dma_start3A_913 = tpu.memref_slice %arg26[%dma_start3A_911, %dma_start3A_912] : memref<800x8xf32, #tpu.memory_space<vmem>> -> memref<50x8xf32, #tpu.memory_space<vmem>>
      %dma_start3A_914 = arith.constant 0 : i32
      %dma_start3A_915 = tpu.memref_slice %arg20[%dma_start3A_910, %dma_start3A_914] : memref<16x50xi32, #tpu.memory_space<vmem>> -> memref<1x50xi32, #tpu.memory_space<vmem>>
      %dma_start3A_916 = tpu.memref_squeeze %dma_start3A_915 : memref<1x50xi32, #tpu.memory_space<vmem>> -> memref<50xi32, #tpu.memory_space<vmem>>
      %dma_start3A_917 = arith.constant 0 : i32
      %dma_start3A_918 = arith.constant 0 : i32
      %dma_start3A_919 = tpu.memref_slice %arg7[%dma_start3A_917, %dma_start3A_918] : memref<1000x8xf32, #tpu.memory_space<hbm>> -> memref<1000x8xf32, #tpu.memory_space<hbm>>
      tpu.enqueue_indirect_dma source(%dma_start3A_919 : memref<1000x8xf32, #tpu.memory_space<hbm>>) target(%dma_start3A_913 : memref<50x8xf32, #tpu.memory_space<vmem>>) offsets(%dma_start3A_916 : memref<50xi32, #tpu.memory_space<vmem>>) semaphore(%arg27 : memref<!tpu.dma_semaphore, #tpu.memory_space<semaphore_mem>>)
      %dma_start3A_920 = arith.constant 6 : i32
      %dma_start3A_921 = arith.constant 300 : i32
      %dma_start3A_922 = arith.constant 0 : i32
      %dma_start3A_923 = tpu.memref_slice %arg26[%dma_start3A_921, %dma_start3A_922] : memref<800x8xf32, #tpu.memory_space<vmem>> -> memref<50x8xf32, #tpu.memory_space<vmem>>
      %dma_start3A_924 = arith.constant 0 : i32
      %dma_start3A_925 = tpu.memref_slice %arg20[%dma_start3A_920, %dma_start3A_924] : memref<16x50xi32, #tpu.memory_space<vmem>> -> memref<1x50xi32, #tpu.memory_space<vmem>>
      %dma_start3A_926 = tpu.memref_squeeze %dma_start3A_925 : memref<1x50xi32, #tpu.memory_space<vmem>> -> memref<50xi32, #tpu.memory_space<vmem>>
      %dma_start3A_927 = arith.constant 0 : i32
      %dma_start3A_928 = arith.constant 0 : i32
      %dma_start3A_929 = tpu.memref_slice %arg7[%dma_start3A_927, %dma_start3A_928] : memref<1000x8xf32, #tpu.memory_space<hbm>> -> memref<1000x8xf32, #tpu.memory_space<hbm>>
      tpu.enqueue_indirect_dma source(%dma_start3A_929 : memref<1000x8xf32, #tpu.memory_space<hbm>>) target(%dma_start3A_923 : memref<50x8xf32, #tpu.memory_space<vmem>>) offsets(%dma_start3A_926 : memref<50xi32, #tpu.memory_space<vmem>>) semaphore(%arg27 : memref<!tpu.dma_semaphore, #tpu.memory_space<semaphore_mem>>)
      %dma_start3A_930 = arith.constant 7 : i32
      %dma_start3A_931 = arith.constant 350 : i32
      %dma_start3A_932 = arith.constant 0 : i32
      %dma_start3A_933 = tpu.memref_slice %arg26[%dma_start3A_931, %dma_start3A_932] : memref<800x8xf32, #tpu.memory_space<vmem>> -> memref<50x8xf32, #tpu.memory_space<vmem>>
      %dma_start3A_934 = arith.constant 0 : i32
      %dma_start3A_935 = tpu.memref_slice %arg20[%dma_start3A_930, %dma_start3A_934] : memref<16x50xi32, #tpu.memory_space<vmem>> -> memref<1x50xi32, #tpu.memory_space<vmem>>
      %dma_start3A_936 = tpu.memref_squeeze %dma_start3A_935 : memref<1x50xi32, #tpu.memory_space<vmem>> -> memref<50xi32, #tpu.memory_space<vmem>>
      %dma_start3A_937 = arith.constant 0 : i32
      %dma_start3A_938 = arith.constant 0 : i32
      %dma_start3A_939 = tpu.memref_slice %arg7[%dma_start3A_937, %dma_start3A_938] : memref<1000x8xf32, #tpu.memory_space<hbm>> -> memref<1000x8xf32, #tpu.memory_space<hbm>>
      tpu.enqueue_indirect_dma source(%dma_start3A_939 : memref<1000x8xf32, #tpu.memory_space<hbm>>) target(%dma_start3A_933 : memref<50x8xf32, #tpu.memory_space<vmem>>) offsets(%dma_start3A_936 : memref<50xi32, #tpu.memory_space<vmem>>) semaphore(%arg27 : memref<!tpu.dma_semaphore, #tpu.memory_space<semaphore_mem>>)
      %dma_start3A_940 = arith.constant 8 : i32
      %dma_start3A_941 = arith.constant 400 : i32
      %dma_start3A_942 = arith.constant 0 : i32
      %dma_start3A_943 = tpu.memref_slice %arg26[%dma_start3A_941, %dma_start3A_942] : memref<800x8xf32, #tpu.memory_space<vmem>> -> memref<50x8xf32, #tpu.memory_space<vmem>>
      %dma_start3A_944 = arith.constant 0 : i32
      %dma_start3A_945 = tpu.memref_slice %arg20[%dma_start3A_940, %dma_start3A_944] : memref<16x50xi32, #tpu.memory_space<vmem>> -> memref<1x50xi32, #tpu.memory_space<vmem>>
      %dma_start3A_946 = tpu.memref_squeeze %dma_start3A_945 : memref<1x50xi32, #tpu.memory_space<vmem>> -> memref<50xi32, #tpu.memory_space<vmem>>
      %dma_start3A_947 = arith.constant 0 : i32
      %dma_start3A_948 = arith.constant 0 : i32
      %dma_start3A_949 = tpu.memref_slice %arg7[%dma_start3A_947, %dma_start3A_948] : memref<1000x8xf32, #tpu.memory_space<hbm>> -> memref<1000x8xf32, #tpu.memory_space<hbm>>
      tpu.enqueue_indirect_dma source(%dma_start3A_949 : memref<1000x8xf32, #tpu.memory_space<hbm>>) target(%dma_start3A_943 : memref<50x8xf32, #tpu.memory_space<vmem>>) offsets(%dma_start3A_946 : memref<50xi32, #tpu.memory_space<vmem>>) semaphore(%arg27 : memref<!tpu.dma_semaphore, #tpu.memory_space<semaphore_mem>>)
      %dma_start3A_950 = arith.constant 9 : i32
      %dma_start3A_951 = arith.constant 450 : i32
      %dma_start3A_952 = arith.constant 0 : i32
      %dma_start3A_953 = tpu.memref_slice %arg26[%dma_start3A_951, %dma_start3A_952] : memref<800x8xf32, #tpu.memory_space<vmem>> -> memref<50x8xf32, #tpu.memory_space<vmem>>
      %dma_start3A_954 = arith.constant 0 : i32
      %dma_start3A_955 = tpu.memref_slice %arg20[%dma_start3A_950, %dma_start3A_954] : memref<16x50xi32, #tpu.memory_space<vmem>> -> memref<1x50xi32, #tpu.memory_space<vmem>>
      %dma_start3A_956 = tpu.memref_squeeze %dma_start3A_955 : memref<1x50xi32, #tpu.memory_space<vmem>> -> memref<50xi32, #tpu.memory_space<vmem>>
      %dma_start3A_957 = arith.constant 0 : i32
      %dma_start3A_958 = arith.constant 0 : i32
      %dma_start3A_959 = tpu.memref_slice %arg7[%dma_start3A_957, %dma_start3A_958] : memref<1000x8xf32, #tpu.memory_space<hbm>> -> memref<1000x8xf32, #tpu.memory_space<hbm>>
      tpu.enqueue_indirect_dma source(%dma_start3A_959 : memref<1000x8xf32, #tpu.memory_space<hbm>>) target(%dma_start3A_953 : memref<50x8xf32, #tpu.memory_space<vmem>>) offsets(%dma_start3A_956 : memref<50xi32, #tpu.memory_space<vmem>>) semaphore(%arg27 : memref<!tpu.dma_semaphore, #tpu.memory_space<semaphore_mem>>)
      %dma_start3A_960 = arith.constant 10 : i32
      %dma_start3A_961 = arith.constant 500 : i32
      %dma_start3A_962 = arith.constant 0 : i32
      %dma_start3A_963 = tpu.memref_slice %arg26[%dma_start3A_961, %dma_start3A_962] : memref<800x8xf32, #tpu.memory_space<vmem>> -> memref<50x8xf32, #tpu.memory_space<vmem>>
      %dma_start3A_964 = arith.constant 0 : i32
      %dma_start3A_965 = tpu.memref_slice %arg20[%dma_start3A_960, %dma_start3A_964] : memref<16x50xi32, #tpu.memory_space<vmem>> -> memref<1x50xi32, #tpu.memory_space<vmem>>
      %dma_start3A_966 = tpu.memref_squeeze %dma_start3A_965 : memref<1x50xi32, #tpu.memory_space<vmem>> -> memref<50xi32, #tpu.memory_space<vmem>>
      %dma_start3A_967 = arith.constant 0 : i32
      %dma_start3A_968 = arith.constant 0 : i32
      %dma_start3A_969 = tpu.memref_slice %arg7[%dma_start3A_967, %dma_start3A_968] : memref<1000x8xf32, #tpu.memory_space<hbm>> -> memref<1000x8xf32, #tpu.memory_space<hbm>>
      tpu.enqueue_indirect_dma source(%dma_start3A_969 : memref<1000x8xf32, #tpu.memory_space<hbm>>) target(%dma_start3A_963 : memref<50x8xf32, #tpu.memory_space<vmem>>) offsets(%dma_start3A_966 : memref<50xi32, #tpu.memory_space<vmem>>) semaphore(%arg27 : memref<!tpu.dma_semaphore, #tpu.memory_space<semaphore_mem>>)
      %dma_start3A_970 = arith.constant 11 : i32
      %dma_start3A_971 = arith.constant 550 : i32
      %dma_start3A_972 = arith.constant 0 : i32
      %dma_start3A_973 = tpu.memref_slice %arg26[%dma_start3A_971, %dma_start3A_972] : memref<800x8xf32, #tpu.memory_space<vmem>> -> memref<50x8xf32, #tpu.memory_space<vmem>>
      %dma_start3A_974 = arith.constant 0 : i32
      %dma_start3A_975 = tpu.memref_slice %arg20[%dma_start3A_970, %dma_start3A_974] : memref<16x50xi32, #tpu.memory_space<vmem>> -> memref<1x50xi32, #tpu.memory_space<vmem>>
      %dma_start3A_976 = tpu.memref_squeeze %dma_start3A_975 : memref<1x50xi32, #tpu.memory_space<vmem>> -> memref<50xi32, #tpu.memory_space<vmem>>
      %dma_start3A_977 = arith.constant 0 : i32
      %dma_start3A_978 = arith.constant 0 : i32
      %dma_start3A_979 = tpu.memref_slice %arg7[%dma_start3A_977, %dma_start3A_978] : memref<1000x8xf32, #tpu.memory_space<hbm>> -> memref<1000x8xf32, #tpu.memory_space<hbm>>
      tpu.enqueue_indirect_dma source(%dma_start3A_979 : memref<1000x8xf32, #tpu.memory_space<hbm>>) target(%dma_start3A_973 : memref<50x8xf32, #tpu.memory_space<vmem>>) offsets(%dma_start3A_976 : memref<50xi32, #tpu.memory_space<vmem>>) semaphore(%arg27 : memref<!tpu.dma_semaphore, #tpu.memory_space<semaphore_mem>>)
      %dma_start3A_980 = arith.constant 12 : i32
      %dma_start3A_981 = arith.constant 600 : i32
      %dma_start3A_982 = arith.constant 0 : i32
      %dma_start3A_983 = tpu.memref_slice %arg26[%dma_start3A_981, %dma_start3A_982] : memref<800x8xf32, #tpu.memory_space<vmem>> -> memref<50x8xf32, #tpu.memory_space<vmem>>
      %dma_start3A_984 = arith.constant 0 : i32
      %dma_start3A_985 = tpu.memref_slice %arg20[%dma_start3A_980, %dma_start3A_984] : memref<16x50xi32, #tpu.memory_space<vmem>> -> memref<1x50xi32, #tpu.memory_space<vmem>>
      %dma_start3A_986 = tpu.memref_squeeze %dma_start3A_985 : memref<1x50xi32, #tpu.memory_space<vmem>> -> memref<50xi32, #tpu.memory_space<vmem>>
      %dma_start3A_987 = arith.constant 0 : i32
      %dma_start3A_988 = arith.constant 0 : i32
      %dma_start3A_989 = tpu.memref_slice %arg7[%dma_start3A_987, %dma_start3A_988] : memref<1000x8xf32, #tpu.memory_space<hbm>> -> memref<1000x8xf32, #tpu.memory_space<hbm>>
      tpu.enqueue_indirect_dma source(%dma_start3A_989 : memref<1000x8xf32, #tpu.memory_space<hbm>>) target(%dma_start3A_983 : memref<50x8xf32, #tpu.memory_space<vmem>>) offsets(%dma_start3A_986 : memref<50xi32, #tpu.memory_space<vmem>>) semaphore(%arg27 : memref<!tpu.dma_semaphore, #tpu.memory_space<semaphore_mem>>)
      %dma_start3A_990 = arith.constant 13 : i32
      %dma_start3A_991 = arith.constant 650 : i32
      %dma_start3A_992 = arith.constant 0 : i32
      %dma_start3A_993 = tpu.memref_slice %arg26[%dma_start3A_991, %dma_start3A_992] : memref<800x8xf32, #tpu.memory_space<vmem>> -> memref<50x8xf32, #tpu.memory_space<vmem>>
      %dma_start3A_994 = arith.constant 0 : i32
      %dma_start3A_995 = tpu.memref_slice %arg20[%dma_start3A_990, %dma_start3A_994] : memref<16x50xi32, #tpu.memory_space<vmem>> -> memref<1x50xi32, #tpu.memory_space<vmem>>
      %dma_start3A_996 = tpu.memref_squeeze %dma_start3A_995 : memref<1x50xi32, #tpu.memory_space<vmem>> -> memref<50xi32, #tpu.memory_space<vmem>>
      %dma_start3A_997 = arith.constant 0 : i32
      %dma_start3A_998 = arith.constant 0 : i32
      %dma_start3A_999 = tpu.memref_slice %arg7[%dma_start3A_997, %dma_start3A_998] : memref<1000x8xf32, #tpu.memory_space<hbm>> -> memref<1000x8xf32, #tpu.memory_space<hbm>>
      tpu.enqueue_indirect_dma source(%dma_start3A_999 : memref<1000x8xf32, #tpu.memory_space<hbm>>) target(%dma_start3A_993 : memref<50x8xf32, #tpu.memory_space<vmem>>) offsets(%dma_start3A_996 : memref<50xi32, #tpu.memory_space<vmem>>) semaphore(%arg27 : memref<!tpu.dma_semaphore, #tpu.memory_space<semaphore_mem>>)
      %dma_start3A_1000 = arith.constant 14 : i32
      %dma_start3A_1001 = arith.constant 700 : i32
      %dma_start3A_1002 = arith.constant 0 : i32
      %dma_start3A_1003 = tpu.memref_slice %arg26[%dma_start3A_1001, %dma_start3A_1002] : memref<800x8xf32, #tpu.memory_space<vmem>> -> memref<50x8xf32, #tpu.memory_space<vmem>>
      %dma_start3A_1004 = arith.constant 0 : i32
      %dma_start3A_1005 = tpu.memref_slice %arg20[%dma_start3A_1000, %dma_start3A_1004] : memref<16x50xi32, #tpu.memory_space<vmem>> -> memref<1x50xi32, #tpu.memory_space<vmem>>
      %dma_start3A_1006 = tpu.memref_squeeze %dma_start3A_1005 : memref<1x50xi32, #tpu.memory_space<vmem>> -> memref<50xi32, #tpu.memory_space<vmem>>
      %dma_start3A_1007 = arith.constant 0 : i32
      %dma_start3A_1008 = arith.constant 0 : i32
      %dma_start3A_1009 = tpu.memref_slice %arg7[%dma_start3A_1007, %dma_start3A_1008] : memref<1000x8xf32, #tpu.memory_space<hbm>> -> memref<1000x8xf32, #tpu.memory_space<hbm>>
      tpu.enqueue_indirect_dma source(%dma_start3A_1009 : memref<1000x8xf32, #tpu.memory_space<hbm>>) target(%dma_start3A_1003 : memref<50x8xf32, #tpu.memory_space<vmem>>) offsets(%dma_start3A_1006 : memref<50xi32, #tpu.memory_space<vmem>>) semaphore(%arg27 : memref<!tpu.dma_semaphore, #tpu.memory_space<semaphore_mem>>)
      %dma_start3A_1010 = arith.constant 15 : i32
      %dma_start3A_1011 = arith.constant 750 : i32
      %dma_start3A_1012 = arith.constant 0 : i32
      %dma_start3A_1013 = tpu.memref_slice %arg26[%dma_start3A_1011, %dma_start3A_1012] : memref<800x8xf32, #tpu.memory_space<vmem>> -> memref<50x8xf32, #tpu.memory_space<vmem>>
      %dma_start3A_1014 = arith.constant 0 : i32
      %dma_start3A_1015 = tpu.memref_slice %arg20[%dma_start3A_1010, %dma_start3A_1014] : memref<16x50xi32, #tpu.memory_space<vmem>> -> memref<1x50xi32, #tpu.memory_space<vmem>>
      %dma_start3A_1016 = tpu.memref_squeeze %dma_start3A_1015 : memref<1x50xi32, #tpu.memory_space<vmem>> -> memref<50xi32, #tpu.memory_space<vmem>>
      %dma_start3A_1017 = arith.constant 0 : i32
      %dma_start3A_1018 = arith.constant 0 : i32
      %dma_start3A_1019 = tpu.memref_slice %arg7[%dma_start3A_1017, %dma_start3A_1018] : memref<1000x8xf32, #tpu.memory_space<hbm>> -> memref<1000x8xf32, #tpu.memory_space<hbm>>
      tpu.enqueue_indirect_dma source(%dma_start3A_1019 : memref<1000x8xf32, #tpu.memory_space<hbm>>) target(%dma_start3A_1013 : memref<50x8xf32, #tpu.memory_space<vmem>>) offsets(%dma_start3A_1016 : memref<50xi32, #tpu.memory_space<vmem>>) semaphore(%arg27 : memref<!tpu.dma_semaphore, #tpu.memory_space<semaphore_mem>>)
      %dma_wait3A_1020 = arith.constant 0 : i32
      %dma_wait3A_1021 = arith.constant 0 : i32
      %dma_wait3A_1022 = arith.constant 0 : i32
      %dma_wait3A_1023 = tpu.memref_slice %arg21[%dma_wait3A_1021, %dma_wait3A_1022] : memref<800x8xf32, #tpu.memory_space<vmem>> -> memref<50x8xf32, #tpu.memory_space<vmem>>
      %dma_wait3A_1024 = arith.constant 0 : i32
      %dma_wait3A_1025 = tpu.memref_slice %arg15[%dma_wait3A_1020, %dma_wait3A_1024] : memref<16x50xi32, #tpu.memory_space<vmem>> -> memref<1x50xi32, #tpu.memory_space<vmem>>
      %dma_wait3A_1026 = tpu.memref_squeeze %dma_wait3A_1025 : memref<1x50xi32, #tpu.memory_space<vmem>> -> memref<50xi32, #tpu.memory_space<vmem>>
      %dma_wait3A_1027 = arith.constant 0 : i32
      %dma_wait3A_1028 = arith.constant 0 : i32
      %dma_wait3A_1029 = tpu.memref_slice %arg2[%dma_wait3A_1027, %dma_wait3A_1028] : memref<100000x8xf32, #tpu.memory_space<hbm>> -> memref<100000x8xf32, #tpu.memory_space<hbm>>
      tpu.wait_indirect_dma semaphore(%arg27 : memref<!tpu.dma_semaphore, #tpu.memory_space<semaphore_mem>>) src(%dma_wait3A_1029 : memref<100000x8xf32, #tpu.memory_space<hbm>>) dst(%dma_wait3A_1023 : memref<50x8xf32, #tpu.memory_space<vmem>>)
      %dma_wait3A_1030 = arith.constant 1 : i32
      %dma_wait3A_1031 = arith.constant 50 : i32
      %dma_wait3A_1032 = arith.constant 0 : i32
      %dma_wait3A_1033 = tpu.memref_slice %arg21[%dma_wait3A_1031, %dma_wait3A_1032] : memref<800x8xf32, #tpu.memory_space<vmem>> -> memref<50x8xf32, #tpu.memory_space<vmem>>
      %dma_wait3A_1034 = arith.constant 0 : i32
      %dma_wait3A_1035 = tpu.memref_slice %arg15[%dma_wait3A_1030, %dma_wait3A_1034] : memref<16x50xi32, #tpu.memory_space<vmem>> -> memref<1x50xi32, #tpu.memory_space<vmem>>
      %dma_wait3A_1036 = tpu.memref_squeeze %dma_wait3A_1035 : memref<1x50xi32, #tpu.memory_space<vmem>> -> memref<50xi32, #tpu.memory_space<vmem>>
      %dma_wait3A_1037 = arith.constant 0 : i32
      %dma_wait3A_1038 = arith.constant 0 : i32
      %dma_wait3A_1039 = tpu.memref_slice %arg2[%dma_wait3A_1037, %dma_wait3A_1038] : memref<100000x8xf32, #tpu.memory_space<hbm>> -> memref<100000x8xf32, #tpu.memory_space<hbm>>
      tpu.wait_indirect_dma semaphore(%arg27 : memref<!tpu.dma_semaphore, #tpu.memory_space<semaphore_mem>>) src(%dma_wait3A_1039 : memref<100000x8xf32, #tpu.memory_space<hbm>>) dst(%dma_wait3A_1033 : memref<50x8xf32, #tpu.memory_space<vmem>>)
      %dma_wait3A_1040 = arith.constant 2 : i32
      %dma_wait3A_1041 = arith.constant 100 : i32
      %dma_wait3A_1042 = arith.constant 0 : i32
      %dma_wait3A_1043 = tpu.memref_slice %arg21[%dma_wait3A_1041, %dma_wait3A_1042] : memref<800x8xf32, #tpu.memory_space<vmem>> -> memref<50x8xf32, #tpu.memory_space<vmem>>
      %dma_wait3A_1044 = arith.constant 0 : i32
      %dma_wait3A_1045 = tpu.memref_slice %arg15[%dma_wait3A_1040, %dma_wait3A_1044] : memref<16x50xi32, #tpu.memory_space<vmem>> -> memref<1x50xi32, #tpu.memory_space<vmem>>
      %dma_wait3A_1046 = tpu.memref_squeeze %dma_wait3A_1045 : memref<1x50xi32, #tpu.memory_space<vmem>> -> memref<50xi32, #tpu.memory_space<vmem>>
      %dma_wait3A_1047 = arith.constant 0 : i32
      %dma_wait3A_1048 = arith.constant 0 : i32
      %dma_wait3A_1049 = tpu.memref_slice %arg2[%dma_wait3A_1047, %dma_wait3A_1048] : memref<100000x8xf32, #tpu.memory_space<hbm>> -> memref<100000x8xf32, #tpu.memory_space<hbm>>
      tpu.wait_indirect_dma semaphore(%arg27 : memref<!tpu.dma_semaphore, #tpu.memory_space<semaphore_mem>>) src(%dma_wait3A_1049 : memref<100000x8xf32, #tpu.memory_space<hbm>>) dst(%dma_wait3A_1043 : memref<50x8xf32, #tpu.memory_space<vmem>>)
      %dma_wait3A_1050 = arith.constant 3 : i32
      %dma_wait3A_1051 = arith.constant 150 : i32
      %dma_wait3A_1052 = arith.constant 0 : i32
      %dma_wait3A_1053 = tpu.memref_slice %arg21[%dma_wait3A_1051, %dma_wait3A_1052] : memref<800x8xf32, #tpu.memory_space<vmem>> -> memref<50x8xf32, #tpu.memory_space<vmem>>
      %dma_wait3A_1054 = arith.constant 0 : i32
      %dma_wait3A_1055 = tpu.memref_slice %arg15[%dma_wait3A_1050, %dma_wait3A_1054] : memref<16x50xi32, #tpu.memory_space<vmem>> -> memref<1x50xi32, #tpu.memory_space<vmem>>
      %dma_wait3A_1056 = tpu.memref_squeeze %dma_wait3A_1055 : memref<1x50xi32, #tpu.memory_space<vmem>> -> memref<50xi32, #tpu.memory_space<vmem>>
      %dma_wait3A_1057 = arith.constant 0 : i32
      %dma_wait3A_1058 = arith.constant 0 : i32
      %dma_wait3A_1059 = tpu.memref_slice %arg2[%dma_wait3A_1057, %dma_wait3A_1058] : memref<100000x8xf32, #tpu.memory_space<hbm>> -> memref<100000x8xf32, #tpu.memory_space<hbm>>
      tpu.wait_indirect_dma semaphore(%arg27 : memref<!tpu.dma_semaphore, #tpu.memory_space<semaphore_mem>>) src(%dma_wait3A_1059 : memref<100000x8xf32, #tpu.memory_space<hbm>>) dst(%dma_wait3A_1053 : memref<50x8xf32, #tpu.memory_space<vmem>>)
      %dma_wait3A_1060 = arith.constant 4 : i32
      %dma_wait3A_1061 = arith.constant 200 : i32
      %dma_wait3A_1062 = arith.constant 0 : i32
      %dma_wait3A_1063 = tpu.memref_slice %arg21[%dma_wait3A_1061, %dma_wait3A_1062] : memref<800x8xf32, #tpu.memory_space<vmem>> -> memref<50x8xf32, #tpu.memory_space<vmem>>
      %dma_wait3A_1064 = arith.constant 0 : i32
      %dma_wait3A_1065 = tpu.memref_slice %arg15[%dma_wait3A_1060, %dma_wait3A_1064] : memref<16x50xi32, #tpu.memory_space<vmem>> -> memref<1x50xi32, #tpu.memory_space<vmem>>
      %dma_wait3A_1066 = tpu.memref_squeeze %dma_wait3A_1065 : memref<1x50xi32, #tpu.memory_space<vmem>> -> memref<50xi32, #tpu.memory_space<vmem>>
      %dma_wait3A_1067 = arith.constant 0 : i32
      %dma_wait3A_1068 = arith.constant 0 : i32
      %dma_wait3A_1069 = tpu.memref_slice %arg2[%dma_wait3A_1067, %dma_wait3A_1068] : memref<100000x8xf32, #tpu.memory_space<hbm>> -> memref<100000x8xf32, #tpu.memory_space<hbm>>
      tpu.wait_indirect_dma semaphore(%arg27 : memref<!tpu.dma_semaphore, #tpu.memory_space<semaphore_mem>>) src(%dma_wait3A_1069 : memref<100000x8xf32, #tpu.memory_space<hbm>>) dst(%dma_wait3A_1063 : memref<50x8xf32, #tpu.memory_space<vmem>>)
      %dma_wait3A_1070 = arith.constant 5 : i32
      %dma_wait3A_1071 = arith.constant 250 : i32
      %dma_wait3A_1072 = arith.constant 0 : i32
      %dma_wait3A_1073 = tpu.memref_slice %arg21[%dma_wait3A_1071, %dma_wait3A_1072] : memref<800x8xf32, #tpu.memory_space<vmem>> -> memref<50x8xf32, #tpu.memory_space<vmem>>
      %dma_wait3A_1074 = arith.constant 0 : i32
      %dma_wait3A_1075 = tpu.memref_slice %arg15[%dma_wait3A_1070, %dma_wait3A_1074] : memref<16x50xi32, #tpu.memory_space<vmem>> -> memref<1x50xi32, #tpu.memory_space<vmem>>
      %dma_wait3A_1076 = tpu.memref_squeeze %dma_wait3A_1075 : memref<1x50xi32, #tpu.memory_space<vmem>> -> memref<50xi32, #tpu.memory_space<vmem>>
      %dma_wait3A_1077 = arith.constant 0 : i32
      %dma_wait3A_1078 = arith.constant 0 : i32
      %dma_wait3A_1079 = tpu.memref_slice %arg2[%dma_wait3A_1077, %dma_wait3A_1078] : memref<100000x8xf32, #tpu.memory_space<hbm>> -> memref<100000x8xf32, #tpu.memory_space<hbm>>
      tpu.wait_indirect_dma semaphore(%arg27 : memref<!tpu.dma_semaphore, #tpu.memory_space<semaphore_mem>>) src(%dma_wait3A_1079 : memref<100000x8xf32, #tpu.memory_space<hbm>>) dst(%dma_wait3A_1073 : memref<50x8xf32, #tpu.memory_space<vmem>>)
      %dma_wait3A_1080 = arith.constant 6 : i32
      %dma_wait3A_1081 = arith.constant 300 : i32
      %dma_wait3A_1082 = arith.constant 0 : i32
      %dma_wait3A_1083 = tpu.memref_slice %arg21[%dma_wait3A_1081, %dma_wait3A_1082] : memref<800x8xf32, #tpu.memory_space<vmem>> -> memref<50x8xf32, #tpu.memory_space<vmem>>
      %dma_wait3A_1084 = arith.constant 0 : i32
      %dma_wait3A_1085 = tpu.memref_slice %arg15[%dma_wait3A_1080, %dma_wait3A_1084] : memref<16x50xi32, #tpu.memory_space<vmem>> -> memref<1x50xi32, #tpu.memory_space<vmem>>
      %dma_wait3A_1086 = tpu.memref_squeeze %dma_wait3A_1085 : memref<1x50xi32, #tpu.memory_space<vmem>> -> memref<50xi32, #tpu.memory_space<vmem>>
      %dma_wait3A_1087 = arith.constant 0 : i32
      %dma_wait3A_1088 = arith.constant 0 : i32
      %dma_wait3A_1089 = tpu.memref_slice %arg2[%dma_wait3A_1087, %dma_wait3A_1088] : memref<100000x8xf32, #tpu.memory_space<hbm>> -> memref<100000x8xf32, #tpu.memory_space<hbm>>
      tpu.wait_indirect_dma semaphore(%arg27 : memref<!tpu.dma_semaphore, #tpu.memory_space<semaphore_mem>>) src(%dma_wait3A_1089 : memref<100000x8xf32, #tpu.memory_space<hbm>>) dst(%dma_wait3A_1083 : memref<50x8xf32, #tpu.memory_space<vmem>>)
      %dma_wait3A_1090 = arith.constant 7 : i32
      %dma_wait3A_1091 = arith.constant 350 : i32
      %dma_wait3A_1092 = arith.constant 0 : i32
      %dma_wait3A_1093 = tpu.memref_slice %arg21[%dma_wait3A_1091, %dma_wait3A_1092] : memref<800x8xf32, #tpu.memory_space<vmem>> -> memref<50x8xf32, #tpu.memory_space<vmem>>
      %dma_wait3A_1094 = arith.constant 0 : i32
      %dma_wait3A_1095 = tpu.memref_slice %arg15[%dma_wait3A_1090, %dma_wait3A_1094] : memref<16x50xi32, #tpu.memory_space<vmem>> -> memref<1x50xi32, #tpu.memory_space<vmem>>
      %dma_wait3A_1096 = tpu.memref_squeeze %dma_wait3A_1095 : memref<1x50xi32, #tpu.memory_space<vmem>> -> memref<50xi32, #tpu.memory_space<vmem>>
      %dma_wait3A_1097 = arith.constant 0 : i32
      %dma_wait3A_1098 = arith.constant 0 : i32
      %dma_wait3A_1099 = tpu.memref_slice %arg2[%dma_wait3A_1097, %dma_wait3A_1098] : memref<100000x8xf32, #tpu.memory_space<hbm>> -> memref<100000x8xf32, #tpu.memory_space<hbm>>
      tpu.wait_indirect_dma semaphore(%arg27 : memref<!tpu.dma_semaphore, #tpu.memory_space<semaphore_mem>>) src(%dma_wait3A_1099 : memref<100000x8xf32, #tpu.memory_space<hbm>>) dst(%dma_wait3A_1093 : memref<50x8xf32, #tpu.memory_space<vmem>>)
      %dma_wait3A_1100 = arith.constant 8 : i32
      %dma_wait3A_1101 = arith.constant 400 : i32
      %dma_wait3A_1102 = arith.constant 0 : i32
      %dma_wait3A_1103 = tpu.memref_slice %arg21[%dma_wait3A_1101, %dma_wait3A_1102] : memref<800x8xf32, #tpu.memory_space<vmem>> -> memref<50x8xf32, #tpu.memory_space<vmem>>
      %dma_wait3A_1104 = arith.constant 0 : i32
      %dma_wait3A_1105 = tpu.memref_slice %arg15[%dma_wait3A_1100, %dma_wait3A_1104] : memref<16x50xi32, #tpu.memory_space<vmem>> -> memref<1x50xi32, #tpu.memory_space<vmem>>
      %dma_wait3A_1106 = tpu.memref_squeeze %dma_wait3A_1105 : memref<1x50xi32, #tpu.memory_space<vmem>> -> memref<50xi32, #tpu.memory_space<vmem>>
      %dma_wait3A_1107 = arith.constant 0 : i32
      %dma_wait3A_1108 = arith.constant 0 : i32
      %dma_wait3A_1109 = tpu.memref_slice %arg2[%dma_wait3A_1107, %dma_wait3A_1108] : memref<100000x8xf32, #tpu.memory_space<hbm>> -> memref<100000x8xf32, #tpu.memory_space<hbm>>
      tpu.wait_indirect_dma semaphore(%arg27 : memref<!tpu.dma_semaphore, #tpu.memory_space<semaphore_mem>>) src(%dma_wait3A_1109 : memref<100000x8xf32, #tpu.memory_space<hbm>>) dst(%dma_wait3A_1103 : memref<50x8xf32, #tpu.memory_space<vmem>>)
      %dma_wait3A_1110 = arith.constant 9 : i32
      %dma_wait3A_1111 = arith.constant 450 : i32
      %dma_wait3A_1112 = arith.constant 0 : i32
      %dma_wait3A_1113 = tpu.memref_slice %arg21[%dma_wait3A_1111, %dma_wait3A_1112] : memref<800x8xf32, #tpu.memory_space<vmem>> -> memref<50x8xf32, #tpu.memory_space<vmem>>
      %dma_wait3A_1114 = arith.constant 0 : i32
      %dma_wait3A_1115 = tpu.memref_slice %arg15[%dma_wait3A_1110, %dma_wait3A_1114] : memref<16x50xi32, #tpu.memory_space<vmem>> -> memref<1x50xi32, #tpu.memory_space<vmem>>
      %dma_wait3A_1116 = tpu.memref_squeeze %dma_wait3A_1115 : memref<1x50xi32, #tpu.memory_space<vmem>> -> memref<50xi32, #tpu.memory_space<vmem>>
      %dma_wait3A_1117 = arith.constant 0 : i32
      %dma_wait3A_1118 = arith.constant 0 : i32
      %dma_wait3A_1119 = tpu.memref_slice %arg2[%dma_wait3A_1117, %dma_wait3A_1118] : memref<100000x8xf32, #tpu.memory_space<hbm>> -> memref<100000x8xf32, #tpu.memory_space<hbm>>
      tpu.wait_indirect_dma semaphore(%arg27 : memref<!tpu.dma_semaphore, #tpu.memory_space<semaphore_mem>>) src(%dma_wait3A_1119 : memref<100000x8xf32, #tpu.memory_space<hbm>>) dst(%dma_wait3A_1113 : memref<50x8xf32, #tpu.memory_space<vmem>>)
      %dma_wait3A_1120 = arith.constant 10 : i32
      %dma_wait3A_1121 = arith.constant 500 : i32
      %dma_wait3A_1122 = arith.constant 0 : i32
      %dma_wait3A_1123 = tpu.memref_slice %arg21[%dma_wait3A_1121, %dma_wait3A_1122] : memref<800x8xf32, #tpu.memory_space<vmem>> -> memref<50x8xf32, #tpu.memory_space<vmem>>
      %dma_wait3A_1124 = arith.constant 0 : i32
      %dma_wait3A_1125 = tpu.memref_slice %arg15[%dma_wait3A_1120, %dma_wait3A_1124] : memref<16x50xi32, #tpu.memory_space<vmem>> -> memref<1x50xi32, #tpu.memory_space<vmem>>
      %dma_wait3A_1126 = tpu.memref_squeeze %dma_wait3A_1125 : memref<1x50xi32, #tpu.memory_space<vmem>> -> memref<50xi32, #tpu.memory_space<vmem>>
      %dma_wait3A_1127 = arith.constant 0 : i32
      %dma_wait3A_1128 = arith.constant 0 : i32
      %dma_wait3A_1129 = tpu.memref_slice %arg2[%dma_wait3A_1127, %dma_wait3A_1128] : memref<100000x8xf32, #tpu.memory_space<hbm>> -> memref<100000x8xf32, #tpu.memory_space<hbm>>
      tpu.wait_indirect_dma semaphore(%arg27 : memref<!tpu.dma_semaphore, #tpu.memory_space<semaphore_mem>>) src(%dma_wait3A_1129 : memref<100000x8xf32, #tpu.memory_space<hbm>>) dst(%dma_wait3A_1123 : memref<50x8xf32, #tpu.memory_space<vmem>>)
      %dma_wait3A_1130 = arith.constant 11 : i32
      %dma_wait3A_1131 = arith.constant 550 : i32
      %dma_wait3A_1132 = arith.constant 0 : i32
      %dma_wait3A_1133 = tpu.memref_slice %arg21[%dma_wait3A_1131, %dma_wait3A_1132] : memref<800x8xf32, #tpu.memory_space<vmem>> -> memref<50x8xf32, #tpu.memory_space<vmem>>
      %dma_wait3A_1134 = arith.constant 0 : i32
      %dma_wait3A_1135 = tpu.memref_slice %arg15[%dma_wait3A_1130, %dma_wait3A_1134] : memref<16x50xi32, #tpu.memory_space<vmem>> -> memref<1x50xi32, #tpu.memory_space<vmem>>
      %dma_wait3A_1136 = tpu.memref_squeeze %dma_wait3A_1135 : memref<1x50xi32, #tpu.memory_space<vmem>> -> memref<50xi32, #tpu.memory_space<vmem>>
      %dma_wait3A_1137 = arith.constant 0 : i32
      %dma_wait3A_1138 = arith.constant 0 : i32
      %dma_wait3A_1139 = tpu.memref_slice %arg2[%dma_wait3A_1137, %dma_wait3A_1138] : memref<100000x8xf32, #tpu.memory_space<hbm>> -> memref<100000x8xf32, #tpu.memory_space<hbm>>
      tpu.wait_indirect_dma semaphore(%arg27 : memref<!tpu.dma_semaphore, #tpu.memory_space<semaphore_mem>>) src(%dma_wait3A_1139 : memref<100000x8xf32, #tpu.memory_space<hbm>>) dst(%dma_wait3A_1133 : memref<50x8xf32, #tpu.memory_space<vmem>>)
      %dma_wait3A_1140 = arith.constant 12 : i32
      %dma_wait3A_1141 = arith.constant 600 : i32
      %dma_wait3A_1142 = arith.constant 0 : i32
      %dma_wait3A_1143 = tpu.memref_slice %arg21[%dma_wait3A_1141, %dma_wait3A_1142] : memref<800x8xf32, #tpu.memory_space<vmem>> -> memref<50x8xf32, #tpu.memory_space<vmem>>
      %dma_wait3A_1144 = arith.constant 0 : i32
      %dma_wait3A_1145 = tpu.memref_slice %arg15[%dma_wait3A_1140, %dma_wait3A_1144] : memref<16x50xi32, #tpu.memory_space<vmem>> -> memref<1x50xi32, #tpu.memory_space<vmem>>
      %dma_wait3A_1146 = tpu.memref_squeeze %dma_wait3A_1145 : memref<1x50xi32, #tpu.memory_space<vmem>> -> memref<50xi32, #tpu.memory_space<vmem>>
      %dma_wait3A_1147 = arith.constant 0 : i32
      %dma_wait3A_1148 = arith.constant 0 : i32
      %dma_wait3A_1149 = tpu.memref_slice %arg2[%dma_wait3A_1147, %dma_wait3A_1148] : memref<100000x8xf32, #tpu.memory_space<hbm>> -> memref<100000x8xf32, #tpu.memory_space<hbm>>
      tpu.wait_indirect_dma semaphore(%arg27 : memref<!tpu.dma_semaphore, #tpu.memory_space<semaphore_mem>>) src(%dma_wait3A_1149 : memref<100000x8xf32, #tpu.memory_space<hbm>>) dst(%dma_wait3A_1143 : memref<50x8xf32, #tpu.memory_space<vmem>>)
      %dma_wait3A_1150 = arith.constant 13 : i32
      %dma_wait3A_1151 = arith.constant 650 : i32
      %dma_wait3A_1152 = arith.constant 0 : i32
      %dma_wait3A_1153 = tpu.memref_slice %arg21[%dma_wait3A_1151, %dma_wait3A_1152] : memref<800x8xf32, #tpu.memory_space<vmem>> -> memref<50x8xf32, #tpu.memory_space<vmem>>
      %dma_wait3A_1154 = arith.constant 0 : i32
      %dma_wait3A_1155 = tpu.memref_slice %arg15[%dma_wait3A_1150, %dma_wait3A_1154] : memref<16x50xi32, #tpu.memory_space<vmem>> -> memref<1x50xi32, #tpu.memory_space<vmem>>
      %dma_wait3A_1156 = tpu.memref_squeeze %dma_wait3A_1155 : memref<1x50xi32, #tpu.memory_space<vmem>> -> memref<50xi32, #tpu.memory_space<vmem>>
      %dma_wait3A_1157 = arith.constant 0 : i32
      %dma_wait3A_1158 = arith.constant 0 : i32
      %dma_wait3A_1159 = tpu.memref_slice %arg2[%dma_wait3A_1157, %dma_wait3A_1158] : memref<100000x8xf32, #tpu.memory_space<hbm>> -> memref<100000x8xf32, #tpu.memory_space<hbm>>
      tpu.wait_indirect_dma semaphore(%arg27 : memref<!tpu.dma_semaphore, #tpu.memory_space<semaphore_mem>>) src(%dma_wait3A_1159 : memref<100000x8xf32, #tpu.memory_space<hbm>>) dst(%dma_wait3A_1153 : memref<50x8xf32, #tpu.memory_space<vmem>>)
      %dma_wait3A_1160 = arith.constant 14 : i32
      %dma_wait3A_1161 = arith.constant 700 : i32
      %dma_wait3A_1162 = arith.constant 0 : i32
      %dma_wait3A_1163 = tpu.memref_slice %arg21[%dma_wait3A_1161, %dma_wait3A_1162] : memref<800x8xf32, #tpu.memory_space<vmem>> -> memref<50x8xf32, #tpu.memory_space<vmem>>
      %dma_wait3A_1164 = arith.constant 0 : i32
      %dma_wait3A_1165 = tpu.memref_slice %arg15[%dma_wait3A_1160, %dma_wait3A_1164] : memref<16x50xi32, #tpu.memory_space<vmem>> -> memref<1x50xi32, #tpu.memory_space<vmem>>
      %dma_wait3A_1166 = tpu.memref_squeeze %dma_wait3A_1165 : memref<1x50xi32, #tpu.memory_space<vmem>> -> memref<50xi32, #tpu.memory_space<vmem>>
      %dma_wait3A_1167 = arith.constant 0 : i32
      %dma_wait3A_1168 = arith.constant 0 : i32
      %dma_wait3A_1169 = tpu.memref_slice %arg2[%dma_wait3A_1167, %dma_wait3A_1168] : memref<100000x8xf32, #tpu.memory_space<hbm>> -> memref<100000x8xf32, #tpu.memory_space<hbm>>
      tpu.wait_indirect_dma semaphore(%arg27 : memref<!tpu.dma_semaphore, #tpu.memory_space<semaphore_mem>>) src(%dma_wait3A_1169 : memref<100000x8xf32, #tpu.memory_space<hbm>>) dst(%dma_wait3A_1163 : memref<50x8xf32, #tpu.memory_space<vmem>>)
      %dma_wait3A_1170 = arith.constant 15 : i32
      %dma_wait3A_1171 = arith.constant 750 : i32
      %dma_wait3A_1172 = arith.constant 0 : i32
      %dma_wait3A_1173 = tpu.memref_slice %arg21[%dma_wait3A_1171, %dma_wait3A_1172] : memref<800x8xf32, #tpu.memory_space<vmem>> -> memref<50x8xf32, #tpu.memory_space<vmem>>
      %dma_wait3A_1174 = arith.constant 0 : i32
      %dma_wait3A_1175 = tpu.memref_slice %arg15[%dma_wait3A_1170, %dma_wait3A_1174] : memref<16x50xi32, #tpu.memory_space<vmem>> -> memref<1x50xi32, #tpu.memory_space<vmem>>
      %dma_wait3A_1176 = tpu.memref_squeeze %dma_wait3A_1175 : memref<1x50xi32, #tpu.memory_space<vmem>> -> memref<50xi32, #tpu.memory_space<vmem>>
      %dma_wait3A_1177 = arith.constant 0 : i32
      %dma_wait3A_1178 = arith.constant 0 : i32
      %dma_wait3A_1179 = tpu.memref_slice %arg2[%dma_wait3A_1177, %dma_wait3A_1178] : memref<100000x8xf32, #tpu.memory_space<hbm>> -> memref<100000x8xf32, #tpu.memory_space<hbm>>
      tpu.wait_indirect_dma semaphore(%arg27 : memref<!tpu.dma_semaphore, #tpu.memory_space<semaphore_mem>>) src(%dma_wait3A_1179 : memref<100000x8xf32, #tpu.memory_space<hbm>>) dst(%dma_wait3A_1173 : memref<50x8xf32, #tpu.memory_space<vmem>>)
      %dma_wait3A_1180 = arith.constant 0 : i32
      %dma_wait3A_1181 = arith.constant 0 : i32
      %dma_wait3A_1182 = arith.constant 0 : i32
      %dma_wait3A_1183 = tpu.memref_slice %arg22[%dma_wait3A_1181, %dma_wait3A_1182] : memref<800x8xf32, #tpu.memory_space<vmem>> -> memref<50x8xf32, #tpu.memory_space<vmem>>
      %dma_wait3A_1184 = arith.constant 0 : i32
      %dma_wait3A_1185 = tpu.memref_slice %arg16[%dma_wait3A_1180, %dma_wait3A_1184] : memref<16x50xi32, #tpu.memory_space<vmem>> -> memref<1x50xi32, #tpu.memory_space<vmem>>
      %dma_wait3A_1186 = tpu.memref_squeeze %dma_wait3A_1185 : memref<1x50xi32, #tpu.memory_space<vmem>> -> memref<50xi32, #tpu.memory_space<vmem>>
      %dma_wait3A_1187 = arith.constant 0 : i32
      %dma_wait3A_1188 = arith.constant 0 : i32
      %dma_wait3A_1189 = tpu.memref_slice %arg3[%dma_wait3A_1187, %dma_wait3A_1188] : memref<100000x8xf32, #tpu.memory_space<hbm>> -> memref<100000x8xf32, #tpu.memory_space<hbm>>
      tpu.wait_indirect_dma semaphore(%arg27 : memref<!tpu.dma_semaphore, #tpu.memory_space<semaphore_mem>>) src(%dma_wait3A_1189 : memref<100000x8xf32, #tpu.memory_space<hbm>>) dst(%dma_wait3A_1183 : memref<50x8xf32, #tpu.memory_space<vmem>>)
      %dma_wait3A_1190 = arith.constant 1 : i32
      %dma_wait3A_1191 = arith.constant 50 : i32
      %dma_wait3A_1192 = arith.constant 0 : i32
      %dma_wait3A_1193 = tpu.memref_slice %arg22[%dma_wait3A_1191, %dma_wait3A_1192] : memref<800x8xf32, #tpu.memory_space<vmem>> -> memref<50x8xf32, #tpu.memory_space<vmem>>
      %dma_wait3A_1194 = arith.constant 0 : i32
      %dma_wait3A_1195 = tpu.memref_slice %arg16[%dma_wait3A_1190, %dma_wait3A_1194] : memref<16x50xi32, #tpu.memory_space<vmem>> -> memref<1x50xi32, #tpu.memory_space<vmem>>
      %dma_wait3A_1196 = tpu.memref_squeeze %dma_wait3A_1195 : memref<1x50xi32, #tpu.memory_space<vmem>> -> memref<50xi32, #tpu.memory_space<vmem>>
      %dma_wait3A_1197 = arith.constant 0 : i32
      %dma_wait3A_1198 = arith.constant 0 : i32
      %dma_wait3A_1199 = tpu.memref_slice %arg3[%dma_wait3A_1197, %dma_wait3A_1198] : memref<100000x8xf32, #tpu.memory_space<hbm>> -> memref<100000x8xf32, #tpu.memory_space<hbm>>
      tpu.wait_indirect_dma semaphore(%arg27 : memref<!tpu.dma_semaphore, #tpu.memory_space<semaphore_mem>>) src(%dma_wait3A_1199 : memref<100000x8xf32, #tpu.memory_space<hbm>>) dst(%dma_wait3A_1193 : memref<50x8xf32, #tpu.memory_space<vmem>>)
      %dma_wait3A_1200 = arith.constant 2 : i32
      %dma_wait3A_1201 = arith.constant 100 : i32
      %dma_wait3A_1202 = arith.constant 0 : i32
      %dma_wait3A_1203 = tpu.memref_slice %arg22[%dma_wait3A_1201, %dma_wait3A_1202] : memref<800x8xf32, #tpu.memory_space<vmem>> -> memref<50x8xf32, #tpu.memory_space<vmem>>
      %dma_wait3A_1204 = arith.constant 0 : i32
      %dma_wait3A_1205 = tpu.memref_slice %arg16[%dma_wait3A_1200, %dma_wait3A_1204] : memref<16x50xi32, #tpu.memory_space<vmem>> -> memref<1x50xi32, #tpu.memory_space<vmem>>
      %dma_wait3A_1206 = tpu.memref_squeeze %dma_wait3A_1205 : memref<1x50xi32, #tpu.memory_space<vmem>> -> memref<50xi32, #tpu.memory_space<vmem>>
      %dma_wait3A_1207 = arith.constant 0 : i32
      %dma_wait3A_1208 = arith.constant 0 : i32
      %dma_wait3A_1209 = tpu.memref_slice %arg3[%dma_wait3A_1207, %dma_wait3A_1208] : memref<100000x8xf32, #tpu.memory_space<hbm>> -> memref<100000x8xf32, #tpu.memory_space<hbm>>
      tpu.wait_indirect_dma semaphore(%arg27 : memref<!tpu.dma_semaphore, #tpu.memory_space<semaphore_mem>>) src(%dma_wait3A_1209 : memref<100000x8xf32, #tpu.memory_space<hbm>>) dst(%dma_wait3A_1203 : memref<50x8xf32, #tpu.memory_space<vmem>>)
      %dma_wait3A_1210 = arith.constant 3 : i32
      %dma_wait3A_1211 = arith.constant 150 : i32
      %dma_wait3A_1212 = arith.constant 0 : i32
      %dma_wait3A_1213 = tpu.memref_slice %arg22[%dma_wait3A_1211, %dma_wait3A_1212] : memref<800x8xf32, #tpu.memory_space<vmem>> -> memref<50x8xf32, #tpu.memory_space<vmem>>
      %dma_wait3A_1214 = arith.constant 0 : i32
      %dma_wait3A_1215 = tpu.memref_slice %arg16[%dma_wait3A_1210, %dma_wait3A_1214] : memref<16x50xi32, #tpu.memory_space<vmem>> -> memref<1x50xi32, #tpu.memory_space<vmem>>
      %dma_wait3A_1216 = tpu.memref_squeeze %dma_wait3A_1215 : memref<1x50xi32, #tpu.memory_space<vmem>> -> memref<50xi32, #tpu.memory_space<vmem>>
      %dma_wait3A_1217 = arith.constant 0 : i32
      %dma_wait3A_1218 = arith.constant 0 : i32
      %dma_wait3A_1219 = tpu.memref_slice %arg3[%dma_wait3A_1217, %dma_wait3A_1218] : memref<100000x8xf32, #tpu.memory_space<hbm>> -> memref<100000x8xf32, #tpu.memory_space<hbm>>
      tpu.wait_indirect_dma semaphore(%arg27 : memref<!tpu.dma_semaphore, #tpu.memory_space<semaphore_mem>>) src(%dma_wait3A_1219 : memref<100000x8xf32, #tpu.memory_space<hbm>>) dst(%dma_wait3A_1213 : memref<50x8xf32, #tpu.memory_space<vmem>>)
      %dma_wait3A_1220 = arith.constant 4 : i32
      %dma_wait3A_1221 = arith.constant 200 : i32
      %dma_wait3A_1222 = arith.constant 0 : i32
      %dma_wait3A_1223 = tpu.memref_slice %arg22[%dma_wait3A_1221, %dma_wait3A_1222] : memref<800x8xf32, #tpu.memory_space<vmem>> -> memref<50x8xf32, #tpu.memory_space<vmem>>
      %dma_wait3A_1224 = arith.constant 0 : i32
      %dma_wait3A_1225 = tpu.memref_slice %arg16[%dma_wait3A_1220, %dma_wait3A_1224] : memref<16x50xi32, #tpu.memory_space<vmem>> -> memref<1x50xi32, #tpu.memory_space<vmem>>
      %dma_wait3A_1226 = tpu.memref_squeeze %dma_wait3A_1225 : memref<1x50xi32, #tpu.memory_space<vmem>> -> memref<50xi32, #tpu.memory_space<vmem>>
      %dma_wait3A_1227 = arith.constant 0 : i32
      %dma_wait3A_1228 = arith.constant 0 : i32
      %dma_wait3A_1229 = tpu.memref_slice %arg3[%dma_wait3A_1227, %dma_wait3A_1228] : memref<100000x8xf32, #tpu.memory_space<hbm>> -> memref<100000x8xf32, #tpu.memory_space<hbm>>
      tpu.wait_indirect_dma semaphore(%arg27 : memref<!tpu.dma_semaphore, #tpu.memory_space<semaphore_mem>>) src(%dma_wait3A_1229 : memref<100000x8xf32, #tpu.memory_space<hbm>>) dst(%dma_wait3A_1223 : memref<50x8xf32, #tpu.memory_space<vmem>>)
      %dma_wait3A_1230 = arith.constant 5 : i32
      %dma_wait3A_1231 = arith.constant 250 : i32
      %dma_wait3A_1232 = arith.constant 0 : i32
      %dma_wait3A_1233 = tpu.memref_slice %arg22[%dma_wait3A_1231, %dma_wait3A_1232] : memref<800x8xf32, #tpu.memory_space<vmem>> -> memref<50x8xf32, #tpu.memory_space<vmem>>
      %dma_wait3A_1234 = arith.constant 0 : i32
      %dma_wait3A_1235 = tpu.memref_slice %arg16[%dma_wait3A_1230, %dma_wait3A_1234] : memref<16x50xi32, #tpu.memory_space<vmem>> -> memref<1x50xi32, #tpu.memory_space<vmem>>
      %dma_wait3A_1236 = tpu.memref_squeeze %dma_wait3A_1235 : memref<1x50xi32, #tpu.memory_space<vmem>> -> memref<50xi32, #tpu.memory_space<vmem>>
      %dma_wait3A_1237 = arith.constant 0 : i32
      %dma_wait3A_1238 = arith.constant 0 : i32
      %dma_wait3A_1239 = tpu.memref_slice %arg3[%dma_wait3A_1237, %dma_wait3A_1238] : memref<100000x8xf32, #tpu.memory_space<hbm>> -> memref<100000x8xf32, #tpu.memory_space<hbm>>
      tpu.wait_indirect_dma semaphore(%arg27 : memref<!tpu.dma_semaphore, #tpu.memory_space<semaphore_mem>>) src(%dma_wait3A_1239 : memref<100000x8xf32, #tpu.memory_space<hbm>>) dst(%dma_wait3A_1233 : memref<50x8xf32, #tpu.memory_space<vmem>>)
      %dma_wait3A_1240 = arith.constant 6 : i32
      %dma_wait3A_1241 = arith.constant 300 : i32
      %dma_wait3A_1242 = arith.constant 0 : i32
      %dma_wait3A_1243 = tpu.memref_slice %arg22[%dma_wait3A_1241, %dma_wait3A_1242] : memref<800x8xf32, #tpu.memory_space<vmem>> -> memref<50x8xf32, #tpu.memory_space<vmem>>
      %dma_wait3A_1244 = arith.constant 0 : i32
      %dma_wait3A_1245 = tpu.memref_slice %arg16[%dma_wait3A_1240, %dma_wait3A_1244] : memref<16x50xi32, #tpu.memory_space<vmem>> -> memref<1x50xi32, #tpu.memory_space<vmem>>
      %dma_wait3A_1246 = tpu.memref_squeeze %dma_wait3A_1245 : memref<1x50xi32, #tpu.memory_space<vmem>> -> memref<50xi32, #tpu.memory_space<vmem>>
      %dma_wait3A_1247 = arith.constant 0 : i32
      %dma_wait3A_1248 = arith.constant 0 : i32
      %dma_wait3A_1249 = tpu.memref_slice %arg3[%dma_wait3A_1247, %dma_wait3A_1248] : memref<100000x8xf32, #tpu.memory_space<hbm>> -> memref<100000x8xf32, #tpu.memory_space<hbm>>
      tpu.wait_indirect_dma semaphore(%arg27 : memref<!tpu.dma_semaphore, #tpu.memory_space<semaphore_mem>>) src(%dma_wait3A_1249 : memref<100000x8xf32, #tpu.memory_space<hbm>>) dst(%dma_wait3A_1243 : memref<50x8xf32, #tpu.memory_space<vmem>>)
      %dma_wait3A_1250 = arith.constant 7 : i32
      %dma_wait3A_1251 = arith.constant 350 : i32
      %dma_wait3A_1252 = arith.constant 0 : i32
      %dma_wait3A_1253 = tpu.memref_slice %arg22[%dma_wait3A_1251, %dma_wait3A_1252] : memref<800x8xf32, #tpu.memory_space<vmem>> -> memref<50x8xf32, #tpu.memory_space<vmem>>
      %dma_wait3A_1254 = arith.constant 0 : i32
      %dma_wait3A_1255 = tpu.memref_slice %arg16[%dma_wait3A_1250, %dma_wait3A_1254] : memref<16x50xi32, #tpu.memory_space<vmem>> -> memref<1x50xi32, #tpu.memory_space<vmem>>
      %dma_wait3A_1256 = tpu.memref_squeeze %dma_wait3A_1255 : memref<1x50xi32, #tpu.memory_space<vmem>> -> memref<50xi32, #tpu.memory_space<vmem>>
      %dma_wait3A_1257 = arith.constant 0 : i32
      %dma_wait3A_1258 = arith.constant 0 : i32
      %dma_wait3A_1259 = tpu.memref_slice %arg3[%dma_wait3A_1257, %dma_wait3A_1258] : memref<100000x8xf32, #tpu.memory_space<hbm>> -> memref<100000x8xf32, #tpu.memory_space<hbm>>
      tpu.wait_indirect_dma semaphore(%arg27 : memref<!tpu.dma_semaphore, #tpu.memory_space<semaphore_mem>>) src(%dma_wait3A_1259 : memref<100000x8xf32, #tpu.memory_space<hbm>>) dst(%dma_wait3A_1253 : memref<50x8xf32, #tpu.memory_space<vmem>>)
      %dma_wait3A_1260 = arith.constant 8 : i32
      %dma_wait3A_1261 = arith.constant 400 : i32
      %dma_wait3A_1262 = arith.constant 0 : i32
      %dma_wait3A_1263 = tpu.memref_slice %arg22[%dma_wait3A_1261, %dma_wait3A_1262] : memref<800x8xf32, #tpu.memory_space<vmem>> -> memref<50x8xf32, #tpu.memory_space<vmem>>
      %dma_wait3A_1264 = arith.constant 0 : i32
      %dma_wait3A_1265 = tpu.memref_slice %arg16[%dma_wait3A_1260, %dma_wait3A_1264] : memref<16x50xi32, #tpu.memory_space<vmem>> -> memref<1x50xi32, #tpu.memory_space<vmem>>
      %dma_wait3A_1266 = tpu.memref_squeeze %dma_wait3A_1265 : memref<1x50xi32, #tpu.memory_space<vmem>> -> memref<50xi32, #tpu.memory_space<vmem>>
      %dma_wait3A_1267 = arith.constant 0 : i32
      %dma_wait3A_1268 = arith.constant 0 : i32
      %dma_wait3A_1269 = tpu.memref_slice %arg3[%dma_wait3A_1267, %dma_wait3A_1268] : memref<100000x8xf32, #tpu.memory_space<hbm>> -> memref<100000x8xf32, #tpu.memory_space<hbm>>
      tpu.wait_indirect_dma semaphore(%arg27 : memref<!tpu.dma_semaphore, #tpu.memory_space<semaphore_mem>>) src(%dma_wait3A_1269 : memref<100000x8xf32, #tpu.memory_space<hbm>>) dst(%dma_wait3A_1263 : memref<50x8xf32, #tpu.memory_space<vmem>>)
      %dma_wait3A_1270 = arith.constant 9 : i32
      %dma_wait3A_1271 = arith.constant 450 : i32
      %dma_wait3A_1272 = arith.constant 0 : i32
      %dma_wait3A_1273 = tpu.memref_slice %arg22[%dma_wait3A_1271, %dma_wait3A_1272] : memref<800x8xf32, #tpu.memory_space<vmem>> -> memref<50x8xf32, #tpu.memory_space<vmem>>
      %dma_wait3A_1274 = arith.constant 0 : i32
      %dma_wait3A_1275 = tpu.memref_slice %arg16[%dma_wait3A_1270, %dma_wait3A_1274] : memref<16x50xi32, #tpu.memory_space<vmem>> -> memref<1x50xi32, #tpu.memory_space<vmem>>
      %dma_wait3A_1276 = tpu.memref_squeeze %dma_wait3A_1275 : memref<1x50xi32, #tpu.memory_space<vmem>> -> memref<50xi32, #tpu.memory_space<vmem>>
      %dma_wait3A_1277 = arith.constant 0 : i32
      %dma_wait3A_1278 = arith.constant 0 : i32
      %dma_wait3A_1279 = tpu.memref_slice %arg3[%dma_wait3A_1277, %dma_wait3A_1278] : memref<100000x8xf32, #tpu.memory_space<hbm>> -> memref<100000x8xf32, #tpu.memory_space<hbm>>
      tpu.wait_indirect_dma semaphore(%arg27 : memref<!tpu.dma_semaphore, #tpu.memory_space<semaphore_mem>>) src(%dma_wait3A_1279 : memref<100000x8xf32, #tpu.memory_space<hbm>>) dst(%dma_wait3A_1273 : memref<50x8xf32, #tpu.memory_space<vmem>>)
      %dma_wait3A_1280 = arith.constant 10 : i32
      %dma_wait3A_1281 = arith.constant 500 : i32
      %dma_wait3A_1282 = arith.constant 0 : i32
      %dma_wait3A_1283 = tpu.memref_slice %arg22[%dma_wait3A_1281, %dma_wait3A_1282] : memref<800x8xf32, #tpu.memory_space<vmem>> -> memref<50x8xf32, #tpu.memory_space<vmem>>
      %dma_wait3A_1284 = arith.constant 0 : i32
      %dma_wait3A_1285 = tpu.memref_slice %arg16[%dma_wait3A_1280, %dma_wait3A_1284] : memref<16x50xi32, #tpu.memory_space<vmem>> -> memref<1x50xi32, #tpu.memory_space<vmem>>
      %dma_wait3A_1286 = tpu.memref_squeeze %dma_wait3A_1285 : memref<1x50xi32, #tpu.memory_space<vmem>> -> memref<50xi32, #tpu.memory_space<vmem>>
      %dma_wait3A_1287 = arith.constant 0 : i32
      %dma_wait3A_1288 = arith.constant 0 : i32
      %dma_wait3A_1289 = tpu.memref_slice %arg3[%dma_wait3A_1287, %dma_wait3A_1288] : memref<100000x8xf32, #tpu.memory_space<hbm>> -> memref<100000x8xf32, #tpu.memory_space<hbm>>
      tpu.wait_indirect_dma semaphore(%arg27 : memref<!tpu.dma_semaphore, #tpu.memory_space<semaphore_mem>>) src(%dma_wait3A_1289 : memref<100000x8xf32, #tpu.memory_space<hbm>>) dst(%dma_wait3A_1283 : memref<50x8xf32, #tpu.memory_space<vmem>>)
      %dma_wait3A_1290 = arith.constant 11 : i32
      %dma_wait3A_1291 = arith.constant 550 : i32
      %dma_wait3A_1292 = arith.constant 0 : i32
      %dma_wait3A_1293 = tpu.memref_slice %arg22[%dma_wait3A_1291, %dma_wait3A_1292] : memref<800x8xf32, #tpu.memory_space<vmem>> -> memref<50x8xf32, #tpu.memory_space<vmem>>
      %dma_wait3A_1294 = arith.constant 0 : i32
      %dma_wait3A_1295 = tpu.memref_slice %arg16[%dma_wait3A_1290, %dma_wait3A_1294] : memref<16x50xi32, #tpu.memory_space<vmem>> -> memref<1x50xi32, #tpu.memory_space<vmem>>
      %dma_wait3A_1296 = tpu.memref_squeeze %dma_wait3A_1295 : memref<1x50xi32, #tpu.memory_space<vmem>> -> memref<50xi32, #tpu.memory_space<vmem>>
      %dma_wait3A_1297 = arith.constant 0 : i32
      %dma_wait3A_1298 = arith.constant 0 : i32
      %dma_wait3A_1299 = tpu.memref_slice %arg3[%dma_wait3A_1297, %dma_wait3A_1298] : memref<100000x8xf32, #tpu.memory_space<hbm>> -> memref<100000x8xf32, #tpu.memory_space<hbm>>
      tpu.wait_indirect_dma semaphore(%arg27 : memref<!tpu.dma_semaphore, #tpu.memory_space<semaphore_mem>>) src(%dma_wait3A_1299 : memref<100000x8xf32, #tpu.memory_space<hbm>>) dst(%dma_wait3A_1293 : memref<50x8xf32, #tpu.memory_space<vmem>>)
      %dma_wait3A_1300 = arith.constant 12 : i32
      %dma_wait3A_1301 = arith.constant 600 : i32
      %dma_wait3A_1302 = arith.constant 0 : i32
      %dma_wait3A_1303 = tpu.memref_slice %arg22[%dma_wait3A_1301, %dma_wait3A_1302] : memref<800x8xf32, #tpu.memory_space<vmem>> -> memref<50x8xf32, #tpu.memory_space<vmem>>
      %dma_wait3A_1304 = arith.constant 0 : i32
      %dma_wait3A_1305 = tpu.memref_slice %arg16[%dma_wait3A_1300, %dma_wait3A_1304] : memref<16x50xi32, #tpu.memory_space<vmem>> -> memref<1x50xi32, #tpu.memory_space<vmem>>
      %dma_wait3A_1306 = tpu.memref_squeeze %dma_wait3A_1305 : memref<1x50xi32, #tpu.memory_space<vmem>> -> memref<50xi32, #tpu.memory_space<vmem>>
      %dma_wait3A_1307 = arith.constant 0 : i32
      %dma_wait3A_1308 = arith.constant 0 : i32
      %dma_wait3A_1309 = tpu.memref_slice %arg3[%dma_wait3A_1307, %dma_wait3A_1308] : memref<100000x8xf32, #tpu.memory_space<hbm>> -> memref<100000x8xf32, #tpu.memory_space<hbm>>
      tpu.wait_indirect_dma semaphore(%arg27 : memref<!tpu.dma_semaphore, #tpu.memory_space<semaphore_mem>>) src(%dma_wait3A_1309 : memref<100000x8xf32, #tpu.memory_space<hbm>>) dst(%dma_wait3A_1303 : memref<50x8xf32, #tpu.memory_space<vmem>>)
      %dma_wait3A_1310 = arith.constant 13 : i32
      %dma_wait3A_1311 = arith.constant 650 : i32
      %dma_wait3A_1312 = arith.constant 0 : i32
      %dma_wait3A_1313 = tpu.memref_slice %arg22[%dma_wait3A_1311, %dma_wait3A_1312] : memref<800x8xf32, #tpu.memory_space<vmem>> -> memref<50x8xf32, #tpu.memory_space<vmem>>
      %dma_wait3A_1314 = arith.constant 0 : i32
      %dma_wait3A_1315 = tpu.memref_slice %arg16[%dma_wait3A_1310, %dma_wait3A_1314] : memref<16x50xi32, #tpu.memory_space<vmem>> -> memref<1x50xi32, #tpu.memory_space<vmem>>
      %dma_wait3A_1316 = tpu.memref_squeeze %dma_wait3A_1315 : memref<1x50xi32, #tpu.memory_space<vmem>> -> memref<50xi32, #tpu.memory_space<vmem>>
      %dma_wait3A_1317 = arith.constant 0 : i32
      %dma_wait3A_1318 = arith.constant 0 : i32
      %dma_wait3A_1319 = tpu.memref_slice %arg3[%dma_wait3A_1317, %dma_wait3A_1318] : memref<100000x8xf32, #tpu.memory_space<hbm>> -> memref<100000x8xf32, #tpu.memory_space<hbm>>
      tpu.wait_indirect_dma semaphore(%arg27 : memref<!tpu.dma_semaphore, #tpu.memory_space<semaphore_mem>>) src(%dma_wait3A_1319 : memref<100000x8xf32, #tpu.memory_space<hbm>>) dst(%dma_wait3A_1313 : memref<50x8xf32, #tpu.memory_space<vmem>>)
      %dma_wait3A_1320 = arith.constant 14 : i32
      %dma_wait3A_1321 = arith.constant 700 : i32
      %dma_wait3A_1322 = arith.constant 0 : i32
      %dma_wait3A_1323 = tpu.memref_slice %arg22[%dma_wait3A_1321, %dma_wait3A_1322] : memref<800x8xf32, #tpu.memory_space<vmem>> -> memref<50x8xf32, #tpu.memory_space<vmem>>
      %dma_wait3A_1324 = arith.constant 0 : i32
      %dma_wait3A_1325 = tpu.memref_slice %arg16[%dma_wait3A_1320, %dma_wait3A_1324] : memref<16x50xi32, #tpu.memory_space<vmem>> -> memref<1x50xi32, #tpu.memory_space<vmem>>
      %dma_wait3A_1326 = tpu.memref_squeeze %dma_wait3A_1325 : memref<1x50xi32, #tpu.memory_space<vmem>> -> memref<50xi32, #tpu.memory_space<vmem>>
      %dma_wait3A_1327 = arith.constant 0 : i32
      %dma_wait3A_1328 = arith.constant 0 : i32
      %dma_wait3A_1329 = tpu.memref_slice %arg3[%dma_wait3A_1327, %dma_wait3A_1328] : memref<100000x8xf32, #tpu.memory_space<hbm>> -> memref<100000x8xf32, #tpu.memory_space<hbm>>
      tpu.wait_indirect_dma semaphore(%arg27 : memref<!tpu.dma_semaphore, #tpu.memory_space<semaphore_mem>>) src(%dma_wait3A_1329 : memref<100000x8xf32, #tpu.memory_space<hbm>>) dst(%dma_wait3A_1323 : memref<50x8xf32, #tpu.memory_space<vmem>>)
      %dma_wait3A_1330 = arith.constant 15 : i32
      %dma_wait3A_1331 = arith.constant 750 : i32
      %dma_wait3A_1332 = arith.constant 0 : i32
      %dma_wait3A_1333 = tpu.memref_slice %arg22[%dma_wait3A_1331, %dma_wait3A_1332] : memref<800x8xf32, #tpu.memory_space<vmem>> -> memref<50x8xf32, #tpu.memory_space<vmem>>
      %dma_wait3A_1334 = arith.constant 0 : i32
      %dma_wait3A_1335 = tpu.memref_slice %arg16[%dma_wait3A_1330, %dma_wait3A_1334] : memref<16x50xi32, #tpu.memory_space<vmem>> -> memref<1x50xi32, #tpu.memory_space<vmem>>
      %dma_wait3A_1336 = tpu.memref_squeeze %dma_wait3A_1335 : memref<1x50xi32, #tpu.memory_space<vmem>> -> memref<50xi32, #tpu.memory_space<vmem>>
      %dma_wait3A_1337 = arith.constant 0 : i32
      %dma_wait3A_1338 = arith.constant 0 : i32
      %dma_wait3A_1339 = tpu.memref_slice %arg3[%dma_wait3A_1337, %dma_wait3A_1338] : memref<100000x8xf32, #tpu.memory_space<hbm>> -> memref<100000x8xf32, #tpu.memory_space<hbm>>
      tpu.wait_indirect_dma semaphore(%arg27 : memref<!tpu.dma_semaphore, #tpu.memory_space<semaphore_mem>>) src(%dma_wait3A_1339 : memref<100000x8xf32, #tpu.memory_space<hbm>>) dst(%dma_wait3A_1333 : memref<50x8xf32, #tpu.memory_space<vmem>>)
      %dma_wait3A_1340 = arith.constant 0 : i32
      %dma_wait3A_1341 = arith.constant 0 : i32
      %dma_wait3A_1342 = arith.constant 0 : i32
      %dma_wait3A_1343 = tpu.memref_slice %arg23[%dma_wait3A_1341, %dma_wait3A_1342] : memref<800x8xf32, #tpu.memory_space<vmem>> -> memref<50x8xf32, #tpu.memory_space<vmem>>
      %dma_wait3A_1344 = arith.constant 0 : i32
      %dma_wait3A_1345 = tpu.memref_slice %arg17[%dma_wait3A_1340, %dma_wait3A_1344] : memref<16x50xi32, #tpu.memory_space<vmem>> -> memref<1x50xi32, #tpu.memory_space<vmem>>
      %dma_wait3A_1346 = tpu.memref_squeeze %dma_wait3A_1345 : memref<1x50xi32, #tpu.memory_space<vmem>> -> memref<50xi32, #tpu.memory_space<vmem>>
      %dma_wait3A_1347 = arith.constant 0 : i32
      %dma_wait3A_1348 = arith.constant 0 : i32
      %dma_wait3A_1349 = tpu.memref_slice %arg4[%dma_wait3A_1347, %dma_wait3A_1348] : memref<1000x8xf32, #tpu.memory_space<hbm>> -> memref<1000x8xf32, #tpu.memory_space<hbm>>
      tpu.wait_indirect_dma semaphore(%arg27 : memref<!tpu.dma_semaphore, #tpu.memory_space<semaphore_mem>>) src(%dma_wait3A_1349 : memref<1000x8xf32, #tpu.memory_space<hbm>>) dst(%dma_wait3A_1343 : memref<50x8xf32, #tpu.memory_space<vmem>>)
      %dma_wait3A_1350 = arith.constant 1 : i32
      %dma_wait3A_1351 = arith.constant 50 : i32
      %dma_wait3A_1352 = arith.constant 0 : i32
      %dma_wait3A_1353 = tpu.memref_slice %arg23[%dma_wait3A_1351, %dma_wait3A_1352] : memref<800x8xf32, #tpu.memory_space<vmem>> -> memref<50x8xf32, #tpu.memory_space<vmem>>
      %dma_wait3A_1354 = arith.constant 0 : i32
      %dma_wait3A_1355 = tpu.memref_slice %arg17[%dma_wait3A_1350, %dma_wait3A_1354] : memref<16x50xi32, #tpu.memory_space<vmem>> -> memref<1x50xi32, #tpu.memory_space<vmem>>
      %dma_wait3A_1356 = tpu.memref_squeeze %dma_wait3A_1355 : memref<1x50xi32, #tpu.memory_space<vmem>> -> memref<50xi32, #tpu.memory_space<vmem>>
      %dma_wait3A_1357 = arith.constant 0 : i32
      %dma_wait3A_1358 = arith.constant 0 : i32
      %dma_wait3A_1359 = tpu.memref_slice %arg4[%dma_wait3A_1357, %dma_wait3A_1358] : memref<1000x8xf32, #tpu.memory_space<hbm>> -> memref<1000x8xf32, #tpu.memory_space<hbm>>
      tpu.wait_indirect_dma semaphore(%arg27 : memref<!tpu.dma_semaphore, #tpu.memory_space<semaphore_mem>>) src(%dma_wait3A_1359 : memref<1000x8xf32, #tpu.memory_space<hbm>>) dst(%dma_wait3A_1353 : memref<50x8xf32, #tpu.memory_space<vmem>>)
      %dma_wait3A_1360 = arith.constant 2 : i32
      %dma_wait3A_1361 = arith.constant 100 : i32
      %dma_wait3A_1362 = arith.constant 0 : i32
      %dma_wait3A_1363 = tpu.memref_slice %arg23[%dma_wait3A_1361, %dma_wait3A_1362] : memref<800x8xf32, #tpu.memory_space<vmem>> -> memref<50x8xf32, #tpu.memory_space<vmem>>
      %dma_wait3A_1364 = arith.constant 0 : i32
      %dma_wait3A_1365 = tpu.memref_slice %arg17[%dma_wait3A_1360, %dma_wait3A_1364] : memref<16x50xi32, #tpu.memory_space<vmem>> -> memref<1x50xi32, #tpu.memory_space<vmem>>
      %dma_wait3A_1366 = tpu.memref_squeeze %dma_wait3A_1365 : memref<1x50xi32, #tpu.memory_space<vmem>> -> memref<50xi32, #tpu.memory_space<vmem>>
      %dma_wait3A_1367 = arith.constant 0 : i32
      %dma_wait3A_1368 = arith.constant 0 : i32
      %dma_wait3A_1369 = tpu.memref_slice %arg4[%dma_wait3A_1367, %dma_wait3A_1368] : memref<1000x8xf32, #tpu.memory_space<hbm>> -> memref<1000x8xf32, #tpu.memory_space<hbm>>
      tpu.wait_indirect_dma semaphore(%arg27 : memref<!tpu.dma_semaphore, #tpu.memory_space<semaphore_mem>>) src(%dma_wait3A_1369 : memref<1000x8xf32, #tpu.memory_space<hbm>>) dst(%dma_wait3A_1363 : memref<50x8xf32, #tpu.memory_space<vmem>>)
      %dma_wait3A_1370 = arith.constant 3 : i32
      %dma_wait3A_1371 = arith.constant 150 : i32
      %dma_wait3A_1372 = arith.constant 0 : i32
      %dma_wait3A_1373 = tpu.memref_slice %arg23[%dma_wait3A_1371, %dma_wait3A_1372] : memref<800x8xf32, #tpu.memory_space<vmem>> -> memref<50x8xf32, #tpu.memory_space<vmem>>
      %dma_wait3A_1374 = arith.constant 0 : i32
      %dma_wait3A_1375 = tpu.memref_slice %arg17[%dma_wait3A_1370, %dma_wait3A_1374] : memref<16x50xi32, #tpu.memory_space<vmem>> -> memref<1x50xi32, #tpu.memory_space<vmem>>
      %dma_wait3A_1376 = tpu.memref_squeeze %dma_wait3A_1375 : memref<1x50xi32, #tpu.memory_space<vmem>> -> memref<50xi32, #tpu.memory_space<vmem>>
      %dma_wait3A_1377 = arith.constant 0 : i32
      %dma_wait3A_1378 = arith.constant 0 : i32
      %dma_wait3A_1379 = tpu.memref_slice %arg4[%dma_wait3A_1377, %dma_wait3A_1378] : memref<1000x8xf32, #tpu.memory_space<hbm>> -> memref<1000x8xf32, #tpu.memory_space<hbm>>
      tpu.wait_indirect_dma semaphore(%arg27 : memref<!tpu.dma_semaphore, #tpu.memory_space<semaphore_mem>>) src(%dma_wait3A_1379 : memref<1000x8xf32, #tpu.memory_space<hbm>>) dst(%dma_wait3A_1373 : memref<50x8xf32, #tpu.memory_space<vmem>>)
      %dma_wait3A_1380 = arith.constant 4 : i32
      %dma_wait3A_1381 = arith.constant 200 : i32
      %dma_wait3A_1382 = arith.constant 0 : i32
      %dma_wait3A_1383 = tpu.memref_slice %arg23[%dma_wait3A_1381, %dma_wait3A_1382] : memref<800x8xf32, #tpu.memory_space<vmem>> -> memref<50x8xf32, #tpu.memory_space<vmem>>
      %dma_wait3A_1384 = arith.constant 0 : i32
      %dma_wait3A_1385 = tpu.memref_slice %arg17[%dma_wait3A_1380, %dma_wait3A_1384] : memref<16x50xi32, #tpu.memory_space<vmem>> -> memref<1x50xi32, #tpu.memory_space<vmem>>
      %dma_wait3A_1386 = tpu.memref_squeeze %dma_wait3A_1385 : memref<1x50xi32, #tpu.memory_space<vmem>> -> memref<50xi32, #tpu.memory_space<vmem>>
      %dma_wait3A_1387 = arith.constant 0 : i32
      %dma_wait3A_1388 = arith.constant 0 : i32
      %dma_wait3A_1389 = tpu.memref_slice %arg4[%dma_wait3A_1387, %dma_wait3A_1388] : memref<1000x8xf32, #tpu.memory_space<hbm>> -> memref<1000x8xf32, #tpu.memory_space<hbm>>
      tpu.wait_indirect_dma semaphore(%arg27 : memref<!tpu.dma_semaphore, #tpu.memory_space<semaphore_mem>>) src(%dma_wait3A_1389 : memref<1000x8xf32, #tpu.memory_space<hbm>>) dst(%dma_wait3A_1383 : memref<50x8xf32, #tpu.memory_space<vmem>>)
      %dma_wait3A_1390 = arith.constant 5 : i32
      %dma_wait3A_1391 = arith.constant 250 : i32
      %dma_wait3A_1392 = arith.constant 0 : i32
      %dma_wait3A_1393 = tpu.memref_slice %arg23[%dma_wait3A_1391, %dma_wait3A_1392] : memref<800x8xf32, #tpu.memory_space<vmem>> -> memref<50x8xf32, #tpu.memory_space<vmem>>
      %dma_wait3A_1394 = arith.constant 0 : i32
      %dma_wait3A_1395 = tpu.memref_slice %arg17[%dma_wait3A_1390, %dma_wait3A_1394] : memref<16x50xi32, #tpu.memory_space<vmem>> -> memref<1x50xi32, #tpu.memory_space<vmem>>
      %dma_wait3A_1396 = tpu.memref_squeeze %dma_wait3A_1395 : memref<1x50xi32, #tpu.memory_space<vmem>> -> memref<50xi32, #tpu.memory_space<vmem>>
      %dma_wait3A_1397 = arith.constant 0 : i32
      %dma_wait3A_1398 = arith.constant 0 : i32
      %dma_wait3A_1399 = tpu.memref_slice %arg4[%dma_wait3A_1397, %dma_wait3A_1398] : memref<1000x8xf32, #tpu.memory_space<hbm>> -> memref<1000x8xf32, #tpu.memory_space<hbm>>
      tpu.wait_indirect_dma semaphore(%arg27 : memref<!tpu.dma_semaphore, #tpu.memory_space<semaphore_mem>>) src(%dma_wait3A_1399 : memref<1000x8xf32, #tpu.memory_space<hbm>>) dst(%dma_wait3A_1393 : memref<50x8xf32, #tpu.memory_space<vmem>>)
      %dma_wait3A_1400 = arith.constant 6 : i32
      %dma_wait3A_1401 = arith.constant 300 : i32
      %dma_wait3A_1402 = arith.constant 0 : i32
      %dma_wait3A_1403 = tpu.memref_slice %arg23[%dma_wait3A_1401, %dma_wait3A_1402] : memref<800x8xf32, #tpu.memory_space<vmem>> -> memref<50x8xf32, #tpu.memory_space<vmem>>
      %dma_wait3A_1404 = arith.constant 0 : i32
      %dma_wait3A_1405 = tpu.memref_slice %arg17[%dma_wait3A_1400, %dma_wait3A_1404] : memref<16x50xi32, #tpu.memory_space<vmem>> -> memref<1x50xi32, #tpu.memory_space<vmem>>
      %dma_wait3A_1406 = tpu.memref_squeeze %dma_wait3A_1405 : memref<1x50xi32, #tpu.memory_space<vmem>> -> memref<50xi32, #tpu.memory_space<vmem>>
      %dma_wait3A_1407 = arith.constant 0 : i32
      %dma_wait3A_1408 = arith.constant 0 : i32
      %dma_wait3A_1409 = tpu.memref_slice %arg4[%dma_wait3A_1407, %dma_wait3A_1408] : memref<1000x8xf32, #tpu.memory_space<hbm>> -> memref<1000x8xf32, #tpu.memory_space<hbm>>
      tpu.wait_indirect_dma semaphore(%arg27 : memref<!tpu.dma_semaphore, #tpu.memory_space<semaphore_mem>>) src(%dma_wait3A_1409 : memref<1000x8xf32, #tpu.memory_space<hbm>>) dst(%dma_wait3A_1403 : memref<50x8xf32, #tpu.memory_space<vmem>>)
      %dma_wait3A_1410 = arith.constant 7 : i32
      %dma_wait3A_1411 = arith.constant 350 : i32
      %dma_wait3A_1412 = arith.constant 0 : i32
      %dma_wait3A_1413 = tpu.memref_slice %arg23[%dma_wait3A_1411, %dma_wait3A_1412] : memref<800x8xf32, #tpu.memory_space<vmem>> -> memref<50x8xf32, #tpu.memory_space<vmem>>
      %dma_wait3A_1414 = arith.constant 0 : i32
      %dma_wait3A_1415 = tpu.memref_slice %arg17[%dma_wait3A_1410, %dma_wait3A_1414] : memref<16x50xi32, #tpu.memory_space<vmem>> -> memref<1x50xi32, #tpu.memory_space<vmem>>
      %dma_wait3A_1416 = tpu.memref_squeeze %dma_wait3A_1415 : memref<1x50xi32, #tpu.memory_space<vmem>> -> memref<50xi32, #tpu.memory_space<vmem>>
      %dma_wait3A_1417 = arith.constant 0 : i32
      %dma_wait3A_1418 = arith.constant 0 : i32
      %dma_wait3A_1419 = tpu.memref_slice %arg4[%dma_wait3A_1417, %dma_wait3A_1418] : memref<1000x8xf32, #tpu.memory_space<hbm>> -> memref<1000x8xf32, #tpu.memory_space<hbm>>
      tpu.wait_indirect_dma semaphore(%arg27 : memref<!tpu.dma_semaphore, #tpu.memory_space<semaphore_mem>>) src(%dma_wait3A_1419 : memref<1000x8xf32, #tpu.memory_space<hbm>>) dst(%dma_wait3A_1413 : memref<50x8xf32, #tpu.memory_space<vmem>>)
      %dma_wait3A_1420 = arith.constant 8 : i32
      %dma_wait3A_1421 = arith.constant 400 : i32
      %dma_wait3A_1422 = arith.constant 0 : i32
      %dma_wait3A_1423 = tpu.memref_slice %arg23[%dma_wait3A_1421, %dma_wait3A_1422] : memref<800x8xf32, #tpu.memory_space<vmem>> -> memref<50x8xf32, #tpu.memory_space<vmem>>
      %dma_wait3A_1424 = arith.constant 0 : i32
      %dma_wait3A_1425 = tpu.memref_slice %arg17[%dma_wait3A_1420, %dma_wait3A_1424] : memref<16x50xi32, #tpu.memory_space<vmem>> -> memref<1x50xi32, #tpu.memory_space<vmem>>
      %dma_wait3A_1426 = tpu.memref_squeeze %dma_wait3A_1425 : memref<1x50xi32, #tpu.memory_space<vmem>> -> memref<50xi32, #tpu.memory_space<vmem>>
      %dma_wait3A_1427 = arith.constant 0 : i32
      %dma_wait3A_1428 = arith.constant 0 : i32
      %dma_wait3A_1429 = tpu.memref_slice %arg4[%dma_wait3A_1427, %dma_wait3A_1428] : memref<1000x8xf32, #tpu.memory_space<hbm>> -> memref<1000x8xf32, #tpu.memory_space<hbm>>
      tpu.wait_indirect_dma semaphore(%arg27 : memref<!tpu.dma_semaphore, #tpu.memory_space<semaphore_mem>>) src(%dma_wait3A_1429 : memref<1000x8xf32, #tpu.memory_space<hbm>>) dst(%dma_wait3A_1423 : memref<50x8xf32, #tpu.memory_space<vmem>>)
      %dma_wait3A_1430 = arith.constant 9 : i32
      %dma_wait3A_1431 = arith.constant 450 : i32
      %dma_wait3A_1432 = arith.constant 0 : i32
      %dma_wait3A_1433 = tpu.memref_slice %arg23[%dma_wait3A_1431, %dma_wait3A_1432] : memref<800x8xf32, #tpu.memory_space<vmem>> -> memref<50x8xf32, #tpu.memory_space<vmem>>
      %dma_wait3A_1434 = arith.constant 0 : i32
      %dma_wait3A_1435 = tpu.memref_slice %arg17[%dma_wait3A_1430, %dma_wait3A_1434] : memref<16x50xi32, #tpu.memory_space<vmem>> -> memref<1x50xi32, #tpu.memory_space<vmem>>
      %dma_wait3A_1436 = tpu.memref_squeeze %dma_wait3A_1435 : memref<1x50xi32, #tpu.memory_space<vmem>> -> memref<50xi32, #tpu.memory_space<vmem>>
      %dma_wait3A_1437 = arith.constant 0 : i32
      %dma_wait3A_1438 = arith.constant 0 : i32
      %dma_wait3A_1439 = tpu.memref_slice %arg4[%dma_wait3A_1437, %dma_wait3A_1438] : memref<1000x8xf32, #tpu.memory_space<hbm>> -> memref<1000x8xf32, #tpu.memory_space<hbm>>
      tpu.wait_indirect_dma semaphore(%arg27 : memref<!tpu.dma_semaphore, #tpu.memory_space<semaphore_mem>>) src(%dma_wait3A_1439 : memref<1000x8xf32, #tpu.memory_space<hbm>>) dst(%dma_wait3A_1433 : memref<50x8xf32, #tpu.memory_space<vmem>>)
      %dma_wait3A_1440 = arith.constant 10 : i32
      %dma_wait3A_1441 = arith.constant 500 : i32
      %dma_wait3A_1442 = arith.constant 0 : i32
      %dma_wait3A_1443 = tpu.memref_slice %arg23[%dma_wait3A_1441, %dma_wait3A_1442] : memref<800x8xf32, #tpu.memory_space<vmem>> -> memref<50x8xf32, #tpu.memory_space<vmem>>
      %dma_wait3A_1444 = arith.constant 0 : i32
      %dma_wait3A_1445 = tpu.memref_slice %arg17[%dma_wait3A_1440, %dma_wait3A_1444] : memref<16x50xi32, #tpu.memory_space<vmem>> -> memref<1x50xi32, #tpu.memory_space<vmem>>
      %dma_wait3A_1446 = tpu.memref_squeeze %dma_wait3A_1445 : memref<1x50xi32, #tpu.memory_space<vmem>> -> memref<50xi32, #tpu.memory_space<vmem>>
      %dma_wait3A_1447 = arith.constant 0 : i32
      %dma_wait3A_1448 = arith.constant 0 : i32
      %dma_wait3A_1449 = tpu.memref_slice %arg4[%dma_wait3A_1447, %dma_wait3A_1448] : memref<1000x8xf32, #tpu.memory_space<hbm>> -> memref<1000x8xf32, #tpu.memory_space<hbm>>
      tpu.wait_indirect_dma semaphore(%arg27 : memref<!tpu.dma_semaphore, #tpu.memory_space<semaphore_mem>>) src(%dma_wait3A_1449 : memref<1000x8xf32, #tpu.memory_space<hbm>>) dst(%dma_wait3A_1443 : memref<50x8xf32, #tpu.memory_space<vmem>>)
      %dma_wait3A_1450 = arith.constant 11 : i32
      %dma_wait3A_1451 = arith.constant 550 : i32
      %dma_wait3A_1452 = arith.constant 0 : i32
      %dma_wait3A_1453 = tpu.memref_slice %arg23[%dma_wait3A_1451, %dma_wait3A_1452] : memref<800x8xf32, #tpu.memory_space<vmem>> -> memref<50x8xf32, #tpu.memory_space<vmem>>
      %dma_wait3A_1454 = arith.constant 0 : i32
      %dma_wait3A_1455 = tpu.memref_slice %arg17[%dma_wait3A_1450, %dma_wait3A_1454] : memref<16x50xi32, #tpu.memory_space<vmem>> -> memref<1x50xi32, #tpu.memory_space<vmem>>
      %dma_wait3A_1456 = tpu.memref_squeeze %dma_wait3A_1455 : memref<1x50xi32, #tpu.memory_space<vmem>> -> memref<50xi32, #tpu.memory_space<vmem>>
      %dma_wait3A_1457 = arith.constant 0 : i32
      %dma_wait3A_1458 = arith.constant 0 : i32
      %dma_wait3A_1459 = tpu.memref_slice %arg4[%dma_wait3A_1457, %dma_wait3A_1458] : memref<1000x8xf32, #tpu.memory_space<hbm>> -> memref<1000x8xf32, #tpu.memory_space<hbm>>
      tpu.wait_indirect_dma semaphore(%arg27 : memref<!tpu.dma_semaphore, #tpu.memory_space<semaphore_mem>>) src(%dma_wait3A_1459 : memref<1000x8xf32, #tpu.memory_space<hbm>>) dst(%dma_wait3A_1453 : memref<50x8xf32, #tpu.memory_space<vmem>>)
      %dma_wait3A_1460 = arith.constant 12 : i32
      %dma_wait3A_1461 = arith.constant 600 : i32
      %dma_wait3A_1462 = arith.constant 0 : i32
      %dma_wait3A_1463 = tpu.memref_slice %arg23[%dma_wait3A_1461, %dma_wait3A_1462] : memref<800x8xf32, #tpu.memory_space<vmem>> -> memref<50x8xf32, #tpu.memory_space<vmem>>
      %dma_wait3A_1464 = arith.constant 0 : i32
      %dma_wait3A_1465 = tpu.memref_slice %arg17[%dma_wait3A_1460, %dma_wait3A_1464] : memref<16x50xi32, #tpu.memory_space<vmem>> -> memref<1x50xi32, #tpu.memory_space<vmem>>
      %dma_wait3A_1466 = tpu.memref_squeeze %dma_wait3A_1465 : memref<1x50xi32, #tpu.memory_space<vmem>> -> memref<50xi32, #tpu.memory_space<vmem>>
      %dma_wait3A_1467 = arith.constant 0 : i32
      %dma_wait3A_1468 = arith.constant 0 : i32
      %dma_wait3A_1469 = tpu.memref_slice %arg4[%dma_wait3A_1467, %dma_wait3A_1468] : memref<1000x8xf32, #tpu.memory_space<hbm>> -> memref<1000x8xf32, #tpu.memory_space<hbm>>
      tpu.wait_indirect_dma semaphore(%arg27 : memref<!tpu.dma_semaphore, #tpu.memory_space<semaphore_mem>>) src(%dma_wait3A_1469 : memref<1000x8xf32, #tpu.memory_space<hbm>>) dst(%dma_wait3A_1463 : memref<50x8xf32, #tpu.memory_space<vmem>>)
      %dma_wait3A_1470 = arith.constant 13 : i32
      %dma_wait3A_1471 = arith.constant 650 : i32
      %dma_wait3A_1472 = arith.constant 0 : i32
      %dma_wait3A_1473 = tpu.memref_slice %arg23[%dma_wait3A_1471, %dma_wait3A_1472] : memref<800x8xf32, #tpu.memory_space<vmem>> -> memref<50x8xf32, #tpu.memory_space<vmem>>
      %dma_wait3A_1474 = arith.constant 0 : i32
      %dma_wait3A_1475 = tpu.memref_slice %arg17[%dma_wait3A_1470, %dma_wait3A_1474] : memref<16x50xi32, #tpu.memory_space<vmem>> -> memref<1x50xi32, #tpu.memory_space<vmem>>
      %dma_wait3A_1476 = tpu.memref_squeeze %dma_wait3A_1475 : memref<1x50xi32, #tpu.memory_space<vmem>> -> memref<50xi32, #tpu.memory_space<vmem>>
      %dma_wait3A_1477 = arith.constant 0 : i32
      %dma_wait3A_1478 = arith.constant 0 : i32
      %dma_wait3A_1479 = tpu.memref_slice %arg4[%dma_wait3A_1477, %dma_wait3A_1478] : memref<1000x8xf32, #tpu.memory_space<hbm>> -> memref<1000x8xf32, #tpu.memory_space<hbm>>
      tpu.wait_indirect_dma semaphore(%arg27 : memref<!tpu.dma_semaphore, #tpu.memory_space<semaphore_mem>>) src(%dma_wait3A_1479 : memref<1000x8xf32, #tpu.memory_space<hbm>>) dst(%dma_wait3A_1473 : memref<50x8xf32, #tpu.memory_space<vmem>>)
      %dma_wait3A_1480 = arith.constant 14 : i32
      %dma_wait3A_1481 = arith.constant 700 : i32
      %dma_wait3A_1482 = arith.constant 0 : i32
      %dma_wait3A_1483 = tpu.memref_slice %arg23[%dma_wait3A_1481, %dma_wait3A_1482] : memref<800x8xf32, #tpu.memory_space<vmem>> -> memref<50x8xf32, #tpu.memory_space<vmem>>
      %dma_wait3A_1484 = arith.constant 0 : i32
      %dma_wait3A_1485 = tpu.memref_slice %arg17[%dma_wait3A_1480, %dma_wait3A_1484] : memref<16x50xi32, #tpu.memory_space<vmem>> -> memref<1x50xi32, #tpu.memory_space<vmem>>
      %dma_wait3A_1486 = tpu.memref_squeeze %dma_wait3A_1485 : memref<1x50xi32, #tpu.memory_space<vmem>> -> memref<50xi32, #tpu.memory_space<vmem>>
      %dma_wait3A_1487 = arith.constant 0 : i32
      %dma_wait3A_1488 = arith.constant 0 : i32
      %dma_wait3A_1489 = tpu.memref_slice %arg4[%dma_wait3A_1487, %dma_wait3A_1488] : memref<1000x8xf32, #tpu.memory_space<hbm>> -> memref<1000x8xf32, #tpu.memory_space<hbm>>
      tpu.wait_indirect_dma semaphore(%arg27 : memref<!tpu.dma_semaphore, #tpu.memory_space<semaphore_mem>>) src(%dma_wait3A_1489 : memref<1000x8xf32, #tpu.memory_space<hbm>>) dst(%dma_wait3A_1483 : memref<50x8xf32, #tpu.memory_space<vmem>>)
      %dma_wait3A_1490 = arith.constant 15 : i32
      %dma_wait3A_1491 = arith.constant 750 : i32
      %dma_wait3A_1492 = arith.constant 0 : i32
      %dma_wait3A_1493 = tpu.memref_slice %arg23[%dma_wait3A_1491, %dma_wait3A_1492] : memref<800x8xf32, #tpu.memory_space<vmem>> -> memref<50x8xf32, #tpu.memory_space<vmem>>
      %dma_wait3A_1494 = arith.constant 0 : i32
      %dma_wait3A_1495 = tpu.memref_slice %arg17[%dma_wait3A_1490, %dma_wait3A_1494] : memref<16x50xi32, #tpu.memory_space<vmem>> -> memref<1x50xi32, #tpu.memory_space<vmem>>
      %dma_wait3A_1496 = tpu.memref_squeeze %dma_wait3A_1495 : memref<1x50xi32, #tpu.memory_space<vmem>> -> memref<50xi32, #tpu.memory_space<vmem>>
      %dma_wait3A_1497 = arith.constant 0 : i32
      %dma_wait3A_1498 = arith.constant 0 : i32
      %dma_wait3A_1499 = tpu.memref_slice %arg4[%dma_wait3A_1497, %dma_wait3A_1498] : memref<1000x8xf32, #tpu.memory_space<hbm>> -> memref<1000x8xf32, #tpu.memory_space<hbm>>
      tpu.wait_indirect_dma semaphore(%arg27 : memref<!tpu.dma_semaphore, #tpu.memory_space<semaphore_mem>>) src(%dma_wait3A_1499 : memref<1000x8xf32, #tpu.memory_space<hbm>>) dst(%dma_wait3A_1493 : memref<50x8xf32, #tpu.memory_space<vmem>>)
      %dma_wait3A_1500 = arith.constant 0 : i32
      %dma_wait3A_1501 = arith.constant 0 : i32
      %dma_wait3A_1502 = arith.constant 0 : i32
      %dma_wait3A_1503 = tpu.memref_slice %arg24[%dma_wait3A_1501, %dma_wait3A_1502] : memref<800x8xf32, #tpu.memory_space<vmem>> -> memref<50x8xf32, #tpu.memory_space<vmem>>
      %dma_wait3A_1504 = arith.constant 0 : i32
      %dma_wait3A_1505 = tpu.memref_slice %arg18[%dma_wait3A_1500, %dma_wait3A_1504] : memref<16x50xi32, #tpu.memory_space<vmem>> -> memref<1x50xi32, #tpu.memory_space<vmem>>
      %dma_wait3A_1506 = tpu.memref_squeeze %dma_wait3A_1505 : memref<1x50xi32, #tpu.memory_space<vmem>> -> memref<50xi32, #tpu.memory_space<vmem>>
      %dma_wait3A_1507 = arith.constant 0 : i32
      %dma_wait3A_1508 = arith.constant 0 : i32
      %dma_wait3A_1509 = tpu.memref_slice %arg5[%dma_wait3A_1507, %dma_wait3A_1508] : memref<1000x8xf32, #tpu.memory_space<hbm>> -> memref<1000x8xf32, #tpu.memory_space<hbm>>
      tpu.wait_indirect_dma semaphore(%arg27 : memref<!tpu.dma_semaphore, #tpu.memory_space<semaphore_mem>>) src(%dma_wait3A_1509 : memref<1000x8xf32, #tpu.memory_space<hbm>>) dst(%dma_wait3A_1503 : memref<50x8xf32, #tpu.memory_space<vmem>>)
      %dma_wait3A_1510 = arith.constant 1 : i32
      %dma_wait3A_1511 = arith.constant 50 : i32
      %dma_wait3A_1512 = arith.constant 0 : i32
      %dma_wait3A_1513 = tpu.memref_slice %arg24[%dma_wait3A_1511, %dma_wait3A_1512] : memref<800x8xf32, #tpu.memory_space<vmem>> -> memref<50x8xf32, #tpu.memory_space<vmem>>
      %dma_wait3A_1514 = arith.constant 0 : i32
      %dma_wait3A_1515 = tpu.memref_slice %arg18[%dma_wait3A_1510, %dma_wait3A_1514] : memref<16x50xi32, #tpu.memory_space<vmem>> -> memref<1x50xi32, #tpu.memory_space<vmem>>
      %dma_wait3A_1516 = tpu.memref_squeeze %dma_wait3A_1515 : memref<1x50xi32, #tpu.memory_space<vmem>> -> memref<50xi32, #tpu.memory_space<vmem>>
      %dma_wait3A_1517 = arith.constant 0 : i32
      %dma_wait3A_1518 = arith.constant 0 : i32
      %dma_wait3A_1519 = tpu.memref_slice %arg5[%dma_wait3A_1517, %dma_wait3A_1518] : memref<1000x8xf32, #tpu.memory_space<hbm>> -> memref<1000x8xf32, #tpu.memory_space<hbm>>
      tpu.wait_indirect_dma semaphore(%arg27 : memref<!tpu.dma_semaphore, #tpu.memory_space<semaphore_mem>>) src(%dma_wait3A_1519 : memref<1000x8xf32, #tpu.memory_space<hbm>>) dst(%dma_wait3A_1513 : memref<50x8xf32, #tpu.memory_space<vmem>>)
      %dma_wait3A_1520 = arith.constant 2 : i32
      %dma_wait3A_1521 = arith.constant 100 : i32
      %dma_wait3A_1522 = arith.constant 0 : i32
      %dma_wait3A_1523 = tpu.memref_slice %arg24[%dma_wait3A_1521, %dma_wait3A_1522] : memref<800x8xf32, #tpu.memory_space<vmem>> -> memref<50x8xf32, #tpu.memory_space<vmem>>
      %dma_wait3A_1524 = arith.constant 0 : i32
      %dma_wait3A_1525 = tpu.memref_slice %arg18[%dma_wait3A_1520, %dma_wait3A_1524] : memref<16x50xi32, #tpu.memory_space<vmem>> -> memref<1x50xi32, #tpu.memory_space<vmem>>
      %dma_wait3A_1526 = tpu.memref_squeeze %dma_wait3A_1525 : memref<1x50xi32, #tpu.memory_space<vmem>> -> memref<50xi32, #tpu.memory_space<vmem>>
      %dma_wait3A_1527 = arith.constant 0 : i32
      %dma_wait3A_1528 = arith.constant 0 : i32
      %dma_wait3A_1529 = tpu.memref_slice %arg5[%dma_wait3A_1527, %dma_wait3A_1528] : memref<1000x8xf32, #tpu.memory_space<hbm>> -> memref<1000x8xf32, #tpu.memory_space<hbm>>
      tpu.wait_indirect_dma semaphore(%arg27 : memref<!tpu.dma_semaphore, #tpu.memory_space<semaphore_mem>>) src(%dma_wait3A_1529 : memref<1000x8xf32, #tpu.memory_space<hbm>>) dst(%dma_wait3A_1523 : memref<50x8xf32, #tpu.memory_space<vmem>>)
      %dma_wait3A_1530 = arith.constant 3 : i32
      %dma_wait3A_1531 = arith.constant 150 : i32
      %dma_wait3A_1532 = arith.constant 0 : i32
      %dma_wait3A_1533 = tpu.memref_slice %arg24[%dma_wait3A_1531, %dma_wait3A_1532] : memref<800x8xf32, #tpu.memory_space<vmem>> -> memref<50x8xf32, #tpu.memory_space<vmem>>
      %dma_wait3A_1534 = arith.constant 0 : i32
      %dma_wait3A_1535 = tpu.memref_slice %arg18[%dma_wait3A_1530, %dma_wait3A_1534] : memref<16x50xi32, #tpu.memory_space<vmem>> -> memref<1x50xi32, #tpu.memory_space<vmem>>
      %dma_wait3A_1536 = tpu.memref_squeeze %dma_wait3A_1535 : memref<1x50xi32, #tpu.memory_space<vmem>> -> memref<50xi32, #tpu.memory_space<vmem>>
      %dma_wait3A_1537 = arith.constant 0 : i32
      %dma_wait3A_1538 = arith.constant 0 : i32
      %dma_wait3A_1539 = tpu.memref_slice %arg5[%dma_wait3A_1537, %dma_wait3A_1538] : memref<1000x8xf32, #tpu.memory_space<hbm>> -> memref<1000x8xf32, #tpu.memory_space<hbm>>
      tpu.wait_indirect_dma semaphore(%arg27 : memref<!tpu.dma_semaphore, #tpu.memory_space<semaphore_mem>>) src(%dma_wait3A_1539 : memref<1000x8xf32, #tpu.memory_space<hbm>>) dst(%dma_wait3A_1533 : memref<50x8xf32, #tpu.memory_space<vmem>>)
      %dma_wait3A_1540 = arith.constant 4 : i32
      %dma_wait3A_1541 = arith.constant 200 : i32
      %dma_wait3A_1542 = arith.constant 0 : i32
      %dma_wait3A_1543 = tpu.memref_slice %arg24[%dma_wait3A_1541, %dma_wait3A_1542] : memref<800x8xf32, #tpu.memory_space<vmem>> -> memref<50x8xf32, #tpu.memory_space<vmem>>
      %dma_wait3A_1544 = arith.constant 0 : i32
      %dma_wait3A_1545 = tpu.memref_slice %arg18[%dma_wait3A_1540, %dma_wait3A_1544] : memref<16x50xi32, #tpu.memory_space<vmem>> -> memref<1x50xi32, #tpu.memory_space<vmem>>
      %dma_wait3A_1546 = tpu.memref_squeeze %dma_wait3A_1545 : memref<1x50xi32, #tpu.memory_space<vmem>> -> memref<50xi32, #tpu.memory_space<vmem>>
      %dma_wait3A_1547 = arith.constant 0 : i32
      %dma_wait3A_1548 = arith.constant 0 : i32
      %dma_wait3A_1549 = tpu.memref_slice %arg5[%dma_wait3A_1547, %dma_wait3A_1548] : memref<1000x8xf32, #tpu.memory_space<hbm>> -> memref<1000x8xf32, #tpu.memory_space<hbm>>
      tpu.wait_indirect_dma semaphore(%arg27 : memref<!tpu.dma_semaphore, #tpu.memory_space<semaphore_mem>>) src(%dma_wait3A_1549 : memref<1000x8xf32, #tpu.memory_space<hbm>>) dst(%dma_wait3A_1543 : memref<50x8xf32, #tpu.memory_space<vmem>>)
      %dma_wait3A_1550 = arith.constant 5 : i32
      %dma_wait3A_1551 = arith.constant 250 : i32
      %dma_wait3A_1552 = arith.constant 0 : i32
      %dma_wait3A_1553 = tpu.memref_slice %arg24[%dma_wait3A_1551, %dma_wait3A_1552] : memref<800x8xf32, #tpu.memory_space<vmem>> -> memref<50x8xf32, #tpu.memory_space<vmem>>
      %dma_wait3A_1554 = arith.constant 0 : i32
      %dma_wait3A_1555 = tpu.memref_slice %arg18[%dma_wait3A_1550, %dma_wait3A_1554] : memref<16x50xi32, #tpu.memory_space<vmem>> -> memref<1x50xi32, #tpu.memory_space<vmem>>
      %dma_wait3A_1556 = tpu.memref_squeeze %dma_wait3A_1555 : memref<1x50xi32, #tpu.memory_space<vmem>> -> memref<50xi32, #tpu.memory_space<vmem>>
      %dma_wait3A_1557 = arith.constant 0 : i32
      %dma_wait3A_1558 = arith.constant 0 : i32
      %dma_wait3A_1559 = tpu.memref_slice %arg5[%dma_wait3A_1557, %dma_wait3A_1558] : memref<1000x8xf32, #tpu.memory_space<hbm>> -> memref<1000x8xf32, #tpu.memory_space<hbm>>
      tpu.wait_indirect_dma semaphore(%arg27 : memref<!tpu.dma_semaphore, #tpu.memory_space<semaphore_mem>>) src(%dma_wait3A_1559 : memref<1000x8xf32, #tpu.memory_space<hbm>>) dst(%dma_wait3A_1553 : memref<50x8xf32, #tpu.memory_space<vmem>>)
      %dma_wait3A_1560 = arith.constant 6 : i32
      %dma_wait3A_1561 = arith.constant 300 : i32
      %dma_wait3A_1562 = arith.constant 0 : i32
      %dma_wait3A_1563 = tpu.memref_slice %arg24[%dma_wait3A_1561, %dma_wait3A_1562] : memref<800x8xf32, #tpu.memory_space<vmem>> -> memref<50x8xf32, #tpu.memory_space<vmem>>
      %dma_wait3A_1564 = arith.constant 0 : i32
      %dma_wait3A_1565 = tpu.memref_slice %arg18[%dma_wait3A_1560, %dma_wait3A_1564] : memref<16x50xi32, #tpu.memory_space<vmem>> -> memref<1x50xi32, #tpu.memory_space<vmem>>
      %dma_wait3A_1566 = tpu.memref_squeeze %dma_wait3A_1565 : memref<1x50xi32, #tpu.memory_space<vmem>> -> memref<50xi32, #tpu.memory_space<vmem>>
      %dma_wait3A_1567 = arith.constant 0 : i32
      %dma_wait3A_1568 = arith.constant 0 : i32
      %dma_wait3A_1569 = tpu.memref_slice %arg5[%dma_wait3A_1567, %dma_wait3A_1568] : memref<1000x8xf32, #tpu.memory_space<hbm>> -> memref<1000x8xf32, #tpu.memory_space<hbm>>
      tpu.wait_indirect_dma semaphore(%arg27 : memref<!tpu.dma_semaphore, #tpu.memory_space<semaphore_mem>>) src(%dma_wait3A_1569 : memref<1000x8xf32, #tpu.memory_space<hbm>>) dst(%dma_wait3A_1563 : memref<50x8xf32, #tpu.memory_space<vmem>>)
      %dma_wait3A_1570 = arith.constant 7 : i32
      %dma_wait3A_1571 = arith.constant 350 : i32
      %dma_wait3A_1572 = arith.constant 0 : i32
      %dma_wait3A_1573 = tpu.memref_slice %arg24[%dma_wait3A_1571, %dma_wait3A_1572] : memref<800x8xf32, #tpu.memory_space<vmem>> -> memref<50x8xf32, #tpu.memory_space<vmem>>
      %dma_wait3A_1574 = arith.constant 0 : i32
      %dma_wait3A_1575 = tpu.memref_slice %arg18[%dma_wait3A_1570, %dma_wait3A_1574] : memref<16x50xi32, #tpu.memory_space<vmem>> -> memref<1x50xi32, #tpu.memory_space<vmem>>
      %dma_wait3A_1576 = tpu.memref_squeeze %dma_wait3A_1575 : memref<1x50xi32, #tpu.memory_space<vmem>> -> memref<50xi32, #tpu.memory_space<vmem>>
      %dma_wait3A_1577 = arith.constant 0 : i32
      %dma_wait3A_1578 = arith.constant 0 : i32
      %dma_wait3A_1579 = tpu.memref_slice %arg5[%dma_wait3A_1577, %dma_wait3A_1578] : memref<1000x8xf32, #tpu.memory_space<hbm>> -> memref<1000x8xf32, #tpu.memory_space<hbm>>
      tpu.wait_indirect_dma semaphore(%arg27 : memref<!tpu.dma_semaphore, #tpu.memory_space<semaphore_mem>>) src(%dma_wait3A_1579 : memref<1000x8xf32, #tpu.memory_space<hbm>>) dst(%dma_wait3A_1573 : memref<50x8xf32, #tpu.memory_space<vmem>>)
      %dma_wait3A_1580 = arith.constant 8 : i32
      %dma_wait3A_1581 = arith.constant 400 : i32
      %dma_wait3A_1582 = arith.constant 0 : i32
      %dma_wait3A_1583 = tpu.memref_slice %arg24[%dma_wait3A_1581, %dma_wait3A_1582] : memref<800x8xf32, #tpu.memory_space<vmem>> -> memref<50x8xf32, #tpu.memory_space<vmem>>
      %dma_wait3A_1584 = arith.constant 0 : i32
      %dma_wait3A_1585 = tpu.memref_slice %arg18[%dma_wait3A_1580, %dma_wait3A_1584] : memref<16x50xi32, #tpu.memory_space<vmem>> -> memref<1x50xi32, #tpu.memory_space<vmem>>
      %dma_wait3A_1586 = tpu.memref_squeeze %dma_wait3A_1585 : memref<1x50xi32, #tpu.memory_space<vmem>> -> memref<50xi32, #tpu.memory_space<vmem>>
      %dma_wait3A_1587 = arith.constant 0 : i32
      %dma_wait3A_1588 = arith.constant 0 : i32
      %dma_wait3A_1589 = tpu.memref_slice %arg5[%dma_wait3A_1587, %dma_wait3A_1588] : memref<1000x8xf32, #tpu.memory_space<hbm>> -> memref<1000x8xf32, #tpu.memory_space<hbm>>
      tpu.wait_indirect_dma semaphore(%arg27 : memref<!tpu.dma_semaphore, #tpu.memory_space<semaphore_mem>>) src(%dma_wait3A_1589 : memref<1000x8xf32, #tpu.memory_space<hbm>>) dst(%dma_wait3A_1583 : memref<50x8xf32, #tpu.memory_space<vmem>>)
      %dma_wait3A_1590 = arith.constant 9 : i32
      %dma_wait3A_1591 = arith.constant 450 : i32
      %dma_wait3A_1592 = arith.constant 0 : i32
      %dma_wait3A_1593 = tpu.memref_slice %arg24[%dma_wait3A_1591, %dma_wait3A_1592] : memref<800x8xf32, #tpu.memory_space<vmem>> -> memref<50x8xf32, #tpu.memory_space<vmem>>
      %dma_wait3A_1594 = arith.constant 0 : i32
      %dma_wait3A_1595 = tpu.memref_slice %arg18[%dma_wait3A_1590, %dma_wait3A_1594] : memref<16x50xi32, #tpu.memory_space<vmem>> -> memref<1x50xi32, #tpu.memory_space<vmem>>
      %dma_wait3A_1596 = tpu.memref_squeeze %dma_wait3A_1595 : memref<1x50xi32, #tpu.memory_space<vmem>> -> memref<50xi32, #tpu.memory_space<vmem>>
      %dma_wait3A_1597 = arith.constant 0 : i32
      %dma_wait3A_1598 = arith.constant 0 : i32
      %dma_wait3A_1599 = tpu.memref_slice %arg5[%dma_wait3A_1597, %dma_wait3A_1598] : memref<1000x8xf32, #tpu.memory_space<hbm>> -> memref<1000x8xf32, #tpu.memory_space<hbm>>
      tpu.wait_indirect_dma semaphore(%arg27 : memref<!tpu.dma_semaphore, #tpu.memory_space<semaphore_mem>>) src(%dma_wait3A_1599 : memref<1000x8xf32, #tpu.memory_space<hbm>>) dst(%dma_wait3A_1593 : memref<50x8xf32, #tpu.memory_space<vmem>>)
      %dma_wait3A_1600 = arith.constant 10 : i32
      %dma_wait3A_1601 = arith.constant 500 : i32
      %dma_wait3A_1602 = arith.constant 0 : i32
      %dma_wait3A_1603 = tpu.memref_slice %arg24[%dma_wait3A_1601, %dma_wait3A_1602] : memref<800x8xf32, #tpu.memory_space<vmem>> -> memref<50x8xf32, #tpu.memory_space<vmem>>
      %dma_wait3A_1604 = arith.constant 0 : i32
      %dma_wait3A_1605 = tpu.memref_slice %arg18[%dma_wait3A_1600, %dma_wait3A_1604] : memref<16x50xi32, #tpu.memory_space<vmem>> -> memref<1x50xi32, #tpu.memory_space<vmem>>
      %dma_wait3A_1606 = tpu.memref_squeeze %dma_wait3A_1605 : memref<1x50xi32, #tpu.memory_space<vmem>> -> memref<50xi32, #tpu.memory_space<vmem>>
      %dma_wait3A_1607 = arith.constant 0 : i32
      %dma_wait3A_1608 = arith.constant 0 : i32
      %dma_wait3A_1609 = tpu.memref_slice %arg5[%dma_wait3A_1607, %dma_wait3A_1608] : memref<1000x8xf32, #tpu.memory_space<hbm>> -> memref<1000x8xf32, #tpu.memory_space<hbm>>
      tpu.wait_indirect_dma semaphore(%arg27 : memref<!tpu.dma_semaphore, #tpu.memory_space<semaphore_mem>>) src(%dma_wait3A_1609 : memref<1000x8xf32, #tpu.memory_space<hbm>>) dst(%dma_wait3A_1603 : memref<50x8xf32, #tpu.memory_space<vmem>>)
      %dma_wait3A_1610 = arith.constant 11 : i32
      %dma_wait3A_1611 = arith.constant 550 : i32
      %dma_wait3A_1612 = arith.constant 0 : i32
      %dma_wait3A_1613 = tpu.memref_slice %arg24[%dma_wait3A_1611, %dma_wait3A_1612] : memref<800x8xf32, #tpu.memory_space<vmem>> -> memref<50x8xf32, #tpu.memory_space<vmem>>
      %dma_wait3A_1614 = arith.constant 0 : i32
      %dma_wait3A_1615 = tpu.memref_slice %arg18[%dma_wait3A_1610, %dma_wait3A_1614] : memref<16x50xi32, #tpu.memory_space<vmem>> -> memref<1x50xi32, #tpu.memory_space<vmem>>
      %dma_wait3A_1616 = tpu.memref_squeeze %dma_wait3A_1615 : memref<1x50xi32, #tpu.memory_space<vmem>> -> memref<50xi32, #tpu.memory_space<vmem>>
      %dma_wait3A_1617 = arith.constant 0 : i32
      %dma_wait3A_1618 = arith.constant 0 : i32
      %dma_wait3A_1619 = tpu.memref_slice %arg5[%dma_wait3A_1617, %dma_wait3A_1618] : memref<1000x8xf32, #tpu.memory_space<hbm>> -> memref<1000x8xf32, #tpu.memory_space<hbm>>
      tpu.wait_indirect_dma semaphore(%arg27 : memref<!tpu.dma_semaphore, #tpu.memory_space<semaphore_mem>>) src(%dma_wait3A_1619 : memref<1000x8xf32, #tpu.memory_space<hbm>>) dst(%dma_wait3A_1613 : memref<50x8xf32, #tpu.memory_space<vmem>>)
      %dma_wait3A_1620 = arith.constant 12 : i32
      %dma_wait3A_1621 = arith.constant 600 : i32
      %dma_wait3A_1622 = arith.constant 0 : i32
      %dma_wait3A_1623 = tpu.memref_slice %arg24[%dma_wait3A_1621, %dma_wait3A_1622] : memref<800x8xf32, #tpu.memory_space<vmem>> -> memref<50x8xf32, #tpu.memory_space<vmem>>
      %dma_wait3A_1624 = arith.constant 0 : i32
      %dma_wait3A_1625 = tpu.memref_slice %arg18[%dma_wait3A_1620, %dma_wait3A_1624] : memref<16x50xi32, #tpu.memory_space<vmem>> -> memref<1x50xi32, #tpu.memory_space<vmem>>
      %dma_wait3A_1626 = tpu.memref_squeeze %dma_wait3A_1625 : memref<1x50xi32, #tpu.memory_space<vmem>> -> memref<50xi32, #tpu.memory_space<vmem>>
      %dma_wait3A_1627 = arith.constant 0 : i32
      %dma_wait3A_1628 = arith.constant 0 : i32
      %dma_wait3A_1629 = tpu.memref_slice %arg5[%dma_wait3A_1627, %dma_wait3A_1628] : memref<1000x8xf32, #tpu.memory_space<hbm>> -> memref<1000x8xf32, #tpu.memory_space<hbm>>
      tpu.wait_indirect_dma semaphore(%arg27 : memref<!tpu.dma_semaphore, #tpu.memory_space<semaphore_mem>>) src(%dma_wait3A_1629 : memref<1000x8xf32, #tpu.memory_space<hbm>>) dst(%dma_wait3A_1623 : memref<50x8xf32, #tpu.memory_space<vmem>>)
      %dma_wait3A_1630 = arith.constant 13 : i32
      %dma_wait3A_1631 = arith.constant 650 : i32
      %dma_wait3A_1632 = arith.constant 0 : i32
      %dma_wait3A_1633 = tpu.memref_slice %arg24[%dma_wait3A_1631, %dma_wait3A_1632] : memref<800x8xf32, #tpu.memory_space<vmem>> -> memref<50x8xf32, #tpu.memory_space<vmem>>
      %dma_wait3A_1634 = arith.constant 0 : i32
      %dma_wait3A_1635 = tpu.memref_slice %arg18[%dma_wait3A_1630, %dma_wait3A_1634] : memref<16x50xi32, #tpu.memory_space<vmem>> -> memref<1x50xi32, #tpu.memory_space<vmem>>
      %dma_wait3A_1636 = tpu.memref_squeeze %dma_wait3A_1635 : memref<1x50xi32, #tpu.memory_space<vmem>> -> memref<50xi32, #tpu.memory_space<vmem>>
      %dma_wait3A_1637 = arith.constant 0 : i32
      %dma_wait3A_1638 = arith.constant 0 : i32
      %dma_wait3A_1639 = tpu.memref_slice %arg5[%dma_wait3A_1637, %dma_wait3A_1638] : memref<1000x8xf32, #tpu.memory_space<hbm>> -> memref<1000x8xf32, #tpu.memory_space<hbm>>
      tpu.wait_indirect_dma semaphore(%arg27 : memref<!tpu.dma_semaphore, #tpu.memory_space<semaphore_mem>>) src(%dma_wait3A_1639 : memref<1000x8xf32, #tpu.memory_space<hbm>>) dst(%dma_wait3A_1633 : memref<50x8xf32, #tpu.memory_space<vmem>>)
      %dma_wait3A_1640 = arith.constant 14 : i32
      %dma_wait3A_1641 = arith.constant 700 : i32
      %dma_wait3A_1642 = arith.constant 0 : i32
      %dma_wait3A_1643 = tpu.memref_slice %arg24[%dma_wait3A_1641, %dma_wait3A_1642] : memref<800x8xf32, #tpu.memory_space<vmem>> -> memref<50x8xf32, #tpu.memory_space<vmem>>
      %dma_wait3A_1644 = arith.constant 0 : i32
      %dma_wait3A_1645 = tpu.memref_slice %arg18[%dma_wait3A_1640, %dma_wait3A_1644] : memref<16x50xi32, #tpu.memory_space<vmem>> -> memref<1x50xi32, #tpu.memory_space<vmem>>
      %dma_wait3A_1646 = tpu.memref_squeeze %dma_wait3A_1645 : memref<1x50xi32, #tpu.memory_space<vmem>> -> memref<50xi32, #tpu.memory_space<vmem>>
      %dma_wait3A_1647 = arith.constant 0 : i32
      %dma_wait3A_1648 = arith.constant 0 : i32
      %dma_wait3A_1649 = tpu.memref_slice %arg5[%dma_wait3A_1647, %dma_wait3A_1648] : memref<1000x8xf32, #tpu.memory_space<hbm>> -> memref<1000x8xf32, #tpu.memory_space<hbm>>
      tpu.wait_indirect_dma semaphore(%arg27 : memref<!tpu.dma_semaphore, #tpu.memory_space<semaphore_mem>>) src(%dma_wait3A_1649 : memref<1000x8xf32, #tpu.memory_space<hbm>>) dst(%dma_wait3A_1643 : memref<50x8xf32, #tpu.memory_space<vmem>>)
      %dma_wait3A_1650 = arith.constant 15 : i32
      %dma_wait3A_1651 = arith.constant 750 : i32
      %dma_wait3A_1652 = arith.constant 0 : i32
      %dma_wait3A_1653 = tpu.memref_slice %arg24[%dma_wait3A_1651, %dma_wait3A_1652] : memref<800x8xf32, #tpu.memory_space<vmem>> -> memref<50x8xf32, #tpu.memory_space<vmem>>
      %dma_wait3A_1654 = arith.constant 0 : i32
      %dma_wait3A_1655 = tpu.memref_slice %arg18[%dma_wait3A_1650, %dma_wait3A_1654] : memref<16x50xi32, #tpu.memory_space<vmem>> -> memref<1x50xi32, #tpu.memory_space<vmem>>
      %dma_wait3A_1656 = tpu.memref_squeeze %dma_wait3A_1655 : memref<1x50xi32, #tpu.memory_space<vmem>> -> memref<50xi32, #tpu.memory_space<vmem>>
      %dma_wait3A_1657 = arith.constant 0 : i32
      %dma_wait3A_1658 = arith.constant 0 : i32
      %dma_wait3A_1659 = tpu.memref_slice %arg5[%dma_wait3A_1657, %dma_wait3A_1658] : memref<1000x8xf32, #tpu.memory_space<hbm>> -> memref<1000x8xf32, #tpu.memory_space<hbm>>
      tpu.wait_indirect_dma semaphore(%arg27 : memref<!tpu.dma_semaphore, #tpu.memory_space<semaphore_mem>>) src(%dma_wait3A_1659 : memref<1000x8xf32, #tpu.memory_space<hbm>>) dst(%dma_wait3A_1653 : memref<50x8xf32, #tpu.memory_space<vmem>>)
      %dma_wait3A_1660 = arith.constant 0 : i32
      %dma_wait3A_1661 = arith.constant 0 : i32
      %dma_wait3A_1662 = arith.constant 0 : i32
      %dma_wait3A_1663 = tpu.memref_slice %arg25[%dma_wait3A_1661, %dma_wait3A_1662] : memref<800x8xf32, #tpu.memory_space<vmem>> -> memref<50x8xf32, #tpu.memory_space<vmem>>
      %dma_wait3A_1664 = arith.constant 0 : i32
      %dma_wait3A_1665 = tpu.memref_slice %arg19[%dma_wait3A_1660, %dma_wait3A_1664] : memref<16x50xi32, #tpu.memory_space<vmem>> -> memref<1x50xi32, #tpu.memory_space<vmem>>
      %dma_wait3A_1666 = tpu.memref_squeeze %dma_wait3A_1665 : memref<1x50xi32, #tpu.memory_space<vmem>> -> memref<50xi32, #tpu.memory_space<vmem>>
      %dma_wait3A_1667 = arith.constant 0 : i32
      %dma_wait3A_1668 = arith.constant 0 : i32
      %dma_wait3A_1669 = tpu.memref_slice %arg6[%dma_wait3A_1667, %dma_wait3A_1668] : memref<1000x8xf32, #tpu.memory_space<hbm>> -> memref<1000x8xf32, #tpu.memory_space<hbm>>
      tpu.wait_indirect_dma semaphore(%arg27 : memref<!tpu.dma_semaphore, #tpu.memory_space<semaphore_mem>>) src(%dma_wait3A_1669 : memref<1000x8xf32, #tpu.memory_space<hbm>>) dst(%dma_wait3A_1663 : memref<50x8xf32, #tpu.memory_space<vmem>>)
      %dma_wait3A_1670 = arith.constant 1 : i32
      %dma_wait3A_1671 = arith.constant 50 : i32
      %dma_wait3A_1672 = arith.constant 0 : i32
      %dma_wait3A_1673 = tpu.memref_slice %arg25[%dma_wait3A_1671, %dma_wait3A_1672] : memref<800x8xf32, #tpu.memory_space<vmem>> -> memref<50x8xf32, #tpu.memory_space<vmem>>
      %dma_wait3A_1674 = arith.constant 0 : i32
      %dma_wait3A_1675 = tpu.memref_slice %arg19[%dma_wait3A_1670, %dma_wait3A_1674] : memref<16x50xi32, #tpu.memory_space<vmem>> -> memref<1x50xi32, #tpu.memory_space<vmem>>
      %dma_wait3A_1676 = tpu.memref_squeeze %dma_wait3A_1675 : memref<1x50xi32, #tpu.memory_space<vmem>> -> memref<50xi32, #tpu.memory_space<vmem>>
      %dma_wait3A_1677 = arith.constant 0 : i32
      %dma_wait3A_1678 = arith.constant 0 : i32
      %dma_wait3A_1679 = tpu.memref_slice %arg6[%dma_wait3A_1677, %dma_wait3A_1678] : memref<1000x8xf32, #tpu.memory_space<hbm>> -> memref<1000x8xf32, #tpu.memory_space<hbm>>
      tpu.wait_indirect_dma semaphore(%arg27 : memref<!tpu.dma_semaphore, #tpu.memory_space<semaphore_mem>>) src(%dma_wait3A_1679 : memref<1000x8xf32, #tpu.memory_space<hbm>>) dst(%dma_wait3A_1673 : memref<50x8xf32, #tpu.memory_space<vmem>>)
      %dma_wait3A_1680 = arith.constant 2 : i32
      %dma_wait3A_1681 = arith.constant 100 : i32
      %dma_wait3A_1682 = arith.constant 0 : i32
      %dma_wait3A_1683 = tpu.memref_slice %arg25[%dma_wait3A_1681, %dma_wait3A_1682] : memref<800x8xf32, #tpu.memory_space<vmem>> -> memref<50x8xf32, #tpu.memory_space<vmem>>
      %dma_wait3A_1684 = arith.constant 0 : i32
      %dma_wait3A_1685 = tpu.memref_slice %arg19[%dma_wait3A_1680, %dma_wait3A_1684] : memref<16x50xi32, #tpu.memory_space<vmem>> -> memref<1x50xi32, #tpu.memory_space<vmem>>
      %dma_wait3A_1686 = tpu.memref_squeeze %dma_wait3A_1685 : memref<1x50xi32, #tpu.memory_space<vmem>> -> memref<50xi32, #tpu.memory_space<vmem>>
      %dma_wait3A_1687 = arith.constant 0 : i32
      %dma_wait3A_1688 = arith.constant 0 : i32
      %dma_wait3A_1689 = tpu.memref_slice %arg6[%dma_wait3A_1687, %dma_wait3A_1688] : memref<1000x8xf32, #tpu.memory_space<hbm>> -> memref<1000x8xf32, #tpu.memory_space<hbm>>
      tpu.wait_indirect_dma semaphore(%arg27 : memref<!tpu.dma_semaphore, #tpu.memory_space<semaphore_mem>>) src(%dma_wait3A_1689 : memref<1000x8xf32, #tpu.memory_space<hbm>>) dst(%dma_wait3A_1683 : memref<50x8xf32, #tpu.memory_space<vmem>>)
      %dma_wait3A_1690 = arith.constant 3 : i32
      %dma_wait3A_1691 = arith.constant 150 : i32
      %dma_wait3A_1692 = arith.constant 0 : i32
      %dma_wait3A_1693 = tpu.memref_slice %arg25[%dma_wait3A_1691, %dma_wait3A_1692] : memref<800x8xf32, #tpu.memory_space<vmem>> -> memref<50x8xf32, #tpu.memory_space<vmem>>
      %dma_wait3A_1694 = arith.constant 0 : i32
      %dma_wait3A_1695 = tpu.memref_slice %arg19[%dma_wait3A_1690, %dma_wait3A_1694] : memref<16x50xi32, #tpu.memory_space<vmem>> -> memref<1x50xi32, #tpu.memory_space<vmem>>
      %dma_wait3A_1696 = tpu.memref_squeeze %dma_wait3A_1695 : memref<1x50xi32, #tpu.memory_space<vmem>> -> memref<50xi32, #tpu.memory_space<vmem>>
      %dma_wait3A_1697 = arith.constant 0 : i32
      %dma_wait3A_1698 = arith.constant 0 : i32
      %dma_wait3A_1699 = tpu.memref_slice %arg6[%dma_wait3A_1697, %dma_wait3A_1698] : memref<1000x8xf32, #tpu.memory_space<hbm>> -> memref<1000x8xf32, #tpu.memory_space<hbm>>
      tpu.wait_indirect_dma semaphore(%arg27 : memref<!tpu.dma_semaphore, #tpu.memory_space<semaphore_mem>>) src(%dma_wait3A_1699 : memref<1000x8xf32, #tpu.memory_space<hbm>>) dst(%dma_wait3A_1693 : memref<50x8xf32, #tpu.memory_space<vmem>>)
      %dma_wait3A_1700 = arith.constant 4 : i32
      %dma_wait3A_1701 = arith.constant 200 : i32
      %dma_wait3A_1702 = arith.constant 0 : i32
      %dma_wait3A_1703 = tpu.memref_slice %arg25[%dma_wait3A_1701, %dma_wait3A_1702] : memref<800x8xf32, #tpu.memory_space<vmem>> -> memref<50x8xf32, #tpu.memory_space<vmem>>
      %dma_wait3A_1704 = arith.constant 0 : i32
      %dma_wait3A_1705 = tpu.memref_slice %arg19[%dma_wait3A_1700, %dma_wait3A_1704] : memref<16x50xi32, #tpu.memory_space<vmem>> -> memref<1x50xi32, #tpu.memory_space<vmem>>
      %dma_wait3A_1706 = tpu.memref_squeeze %dma_wait3A_1705 : memref<1x50xi32, #tpu.memory_space<vmem>> -> memref<50xi32, #tpu.memory_space<vmem>>
      %dma_wait3A_1707 = arith.constant 0 : i32
      %dma_wait3A_1708 = arith.constant 0 : i32
      %dma_wait3A_1709 = tpu.memref_slice %arg6[%dma_wait3A_1707, %dma_wait3A_1708] : memref<1000x8xf32, #tpu.memory_space<hbm>> -> memref<1000x8xf32, #tpu.memory_space<hbm>>
      tpu.wait_indirect_dma semaphore(%arg27 : memref<!tpu.dma_semaphore, #tpu.memory_space<semaphore_mem>>) src(%dma_wait3A_1709 : memref<1000x8xf32, #tpu.memory_space<hbm>>) dst(%dma_wait3A_1703 : memref<50x8xf32, #tpu.memory_space<vmem>>)
      %dma_wait3A_1710 = arith.constant 5 : i32
      %dma_wait3A_1711 = arith.constant 250 : i32
      %dma_wait3A_1712 = arith.constant 0 : i32
      %dma_wait3A_1713 = tpu.memref_slice %arg25[%dma_wait3A_1711, %dma_wait3A_1712] : memref<800x8xf32, #tpu.memory_space<vmem>> -> memref<50x8xf32, #tpu.memory_space<vmem>>
      %dma_wait3A_1714 = arith.constant 0 : i32
      %dma_wait3A_1715 = tpu.memref_slice %arg19[%dma_wait3A_1710, %dma_wait3A_1714] : memref<16x50xi32, #tpu.memory_space<vmem>> -> memref<1x50xi32, #tpu.memory_space<vmem>>
      %dma_wait3A_1716 = tpu.memref_squeeze %dma_wait3A_1715 : memref<1x50xi32, #tpu.memory_space<vmem>> -> memref<50xi32, #tpu.memory_space<vmem>>
      %dma_wait3A_1717 = arith.constant 0 : i32
      %dma_wait3A_1718 = arith.constant 0 : i32
      %dma_wait3A_1719 = tpu.memref_slice %arg6[%dma_wait3A_1717, %dma_wait3A_1718] : memref<1000x8xf32, #tpu.memory_space<hbm>> -> memref<1000x8xf32, #tpu.memory_space<hbm>>
      tpu.wait_indirect_dma semaphore(%arg27 : memref<!tpu.dma_semaphore, #tpu.memory_space<semaphore_mem>>) src(%dma_wait3A_1719 : memref<1000x8xf32, #tpu.memory_space<hbm>>) dst(%dma_wait3A_1713 : memref<50x8xf32, #tpu.memory_space<vmem>>)
      %dma_wait3A_1720 = arith.constant 6 : i32
      %dma_wait3A_1721 = arith.constant 300 : i32
      %dma_wait3A_1722 = arith.constant 0 : i32
      %dma_wait3A_1723 = tpu.memref_slice %arg25[%dma_wait3A_1721, %dma_wait3A_1722] : memref<800x8xf32, #tpu.memory_space<vmem>> -> memref<50x8xf32, #tpu.memory_space<vmem>>
      %dma_wait3A_1724 = arith.constant 0 : i32
      %dma_wait3A_1725 = tpu.memref_slice %arg19[%dma_wait3A_1720, %dma_wait3A_1724] : memref<16x50xi32, #tpu.memory_space<vmem>> -> memref<1x50xi32, #tpu.memory_space<vmem>>
      %dma_wait3A_1726 = tpu.memref_squeeze %dma_wait3A_1725 : memref<1x50xi32, #tpu.memory_space<vmem>> -> memref<50xi32, #tpu.memory_space<vmem>>
      %dma_wait3A_1727 = arith.constant 0 : i32
      %dma_wait3A_1728 = arith.constant 0 : i32
      %dma_wait3A_1729 = tpu.memref_slice %arg6[%dma_wait3A_1727, %dma_wait3A_1728] : memref<1000x8xf32, #tpu.memory_space<hbm>> -> memref<1000x8xf32, #tpu.memory_space<hbm>>
      tpu.wait_indirect_dma semaphore(%arg27 : memref<!tpu.dma_semaphore, #tpu.memory_space<semaphore_mem>>) src(%dma_wait3A_1729 : memref<1000x8xf32, #tpu.memory_space<hbm>>) dst(%dma_wait3A_1723 : memref<50x8xf32, #tpu.memory_space<vmem>>)
      %dma_wait3A_1730 = arith.constant 7 : i32
      %dma_wait3A_1731 = arith.constant 350 : i32
      %dma_wait3A_1732 = arith.constant 0 : i32
      %dma_wait3A_1733 = tpu.memref_slice %arg25[%dma_wait3A_1731, %dma_wait3A_1732] : memref<800x8xf32, #tpu.memory_space<vmem>> -> memref<50x8xf32, #tpu.memory_space<vmem>>
      %dma_wait3A_1734 = arith.constant 0 : i32
      %dma_wait3A_1735 = tpu.memref_slice %arg19[%dma_wait3A_1730, %dma_wait3A_1734] : memref<16x50xi32, #tpu.memory_space<vmem>> -> memref<1x50xi32, #tpu.memory_space<vmem>>
      %dma_wait3A_1736 = tpu.memref_squeeze %dma_wait3A_1735 : memref<1x50xi32, #tpu.memory_space<vmem>> -> memref<50xi32, #tpu.memory_space<vmem>>
      %dma_wait3A_1737 = arith.constant 0 : i32
      %dma_wait3A_1738 = arith.constant 0 : i32
      %dma_wait3A_1739 = tpu.memref_slice %arg6[%dma_wait3A_1737, %dma_wait3A_1738] : memref<1000x8xf32, #tpu.memory_space<hbm>> -> memref<1000x8xf32, #tpu.memory_space<hbm>>
      tpu.wait_indirect_dma semaphore(%arg27 : memref<!tpu.dma_semaphore, #tpu.memory_space<semaphore_mem>>) src(%dma_wait3A_1739 : memref<1000x8xf32, #tpu.memory_space<hbm>>) dst(%dma_wait3A_1733 : memref<50x8xf32, #tpu.memory_space<vmem>>)
      %dma_wait3A_1740 = arith.constant 8 : i32
      %dma_wait3A_1741 = arith.constant 400 : i32
      %dma_wait3A_1742 = arith.constant 0 : i32
      %dma_wait3A_1743 = tpu.memref_slice %arg25[%dma_wait3A_1741, %dma_wait3A_1742] : memref<800x8xf32, #tpu.memory_space<vmem>> -> memref<50x8xf32, #tpu.memory_space<vmem>>
      %dma_wait3A_1744 = arith.constant 0 : i32
      %dma_wait3A_1745 = tpu.memref_slice %arg19[%dma_wait3A_1740, %dma_wait3A_1744] : memref<16x50xi32, #tpu.memory_space<vmem>> -> memref<1x50xi32, #tpu.memory_space<vmem>>
      %dma_wait3A_1746 = tpu.memref_squeeze %dma_wait3A_1745 : memref<1x50xi32, #tpu.memory_space<vmem>> -> memref<50xi32, #tpu.memory_space<vmem>>
      %dma_wait3A_1747 = arith.constant 0 : i32
      %dma_wait3A_1748 = arith.constant 0 : i32
      %dma_wait3A_1749 = tpu.memref_slice %arg6[%dma_wait3A_1747, %dma_wait3A_1748] : memref<1000x8xf32, #tpu.memory_space<hbm>> -> memref<1000x8xf32, #tpu.memory_space<hbm>>
      tpu.wait_indirect_dma semaphore(%arg27 : memref<!tpu.dma_semaphore, #tpu.memory_space<semaphore_mem>>) src(%dma_wait3A_1749 : memref<1000x8xf32, #tpu.memory_space<hbm>>) dst(%dma_wait3A_1743 : memref<50x8xf32, #tpu.memory_space<vmem>>)
      %dma_wait3A_1750 = arith.constant 9 : i32
      %dma_wait3A_1751 = arith.constant 450 : i32
      %dma_wait3A_1752 = arith.constant 0 : i32
      %dma_wait3A_1753 = tpu.memref_slice %arg25[%dma_wait3A_1751, %dma_wait3A_1752] : memref<800x8xf32, #tpu.memory_space<vmem>> -> memref<50x8xf32, #tpu.memory_space<vmem>>
      %dma_wait3A_1754 = arith.constant 0 : i32
      %dma_wait3A_1755 = tpu.memref_slice %arg19[%dma_wait3A_1750, %dma_wait3A_1754] : memref<16x50xi32, #tpu.memory_space<vmem>> -> memref<1x50xi32, #tpu.memory_space<vmem>>
      %dma_wait3A_1756 = tpu.memref_squeeze %dma_wait3A_1755 : memref<1x50xi32, #tpu.memory_space<vmem>> -> memref<50xi32, #tpu.memory_space<vmem>>
      %dma_wait3A_1757 = arith.constant 0 : i32
      %dma_wait3A_1758 = arith.constant 0 : i32
      %dma_wait3A_1759 = tpu.memref_slice %arg6[%dma_wait3A_1757, %dma_wait3A_1758] : memref<1000x8xf32, #tpu.memory_space<hbm>> -> memref<1000x8xf32, #tpu.memory_space<hbm>>
      tpu.wait_indirect_dma semaphore(%arg27 : memref<!tpu.dma_semaphore, #tpu.memory_space<semaphore_mem>>) src(%dma_wait3A_1759 : memref<1000x8xf32, #tpu.memory_space<hbm>>) dst(%dma_wait3A_1753 : memref<50x8xf32, #tpu.memory_space<vmem>>)
      %dma_wait3A_1760 = arith.constant 10 : i32
      %dma_wait3A_1761 = arith.constant 500 : i32
      %dma_wait3A_1762 = arith.constant 0 : i32
      %dma_wait3A_1763 = tpu.memref_slice %arg25[%dma_wait3A_1761, %dma_wait3A_1762] : memref<800x8xf32, #tpu.memory_space<vmem>> -> memref<50x8xf32, #tpu.memory_space<vmem>>
      %dma_wait3A_1764 = arith.constant 0 : i32
      %dma_wait3A_1765 = tpu.memref_slice %arg19[%dma_wait3A_1760, %dma_wait3A_1764] : memref<16x50xi32, #tpu.memory_space<vmem>> -> memref<1x50xi32, #tpu.memory_space<vmem>>
      %dma_wait3A_1766 = tpu.memref_squeeze %dma_wait3A_1765 : memref<1x50xi32, #tpu.memory_space<vmem>> -> memref<50xi32, #tpu.memory_space<vmem>>
      %dma_wait3A_1767 = arith.constant 0 : i32
      %dma_wait3A_1768 = arith.constant 0 : i32
      %dma_wait3A_1769 = tpu.memref_slice %arg6[%dma_wait3A_1767, %dma_wait3A_1768] : memref<1000x8xf32, #tpu.memory_space<hbm>> -> memref<1000x8xf32, #tpu.memory_space<hbm>>
      tpu.wait_indirect_dma semaphore(%arg27 : memref<!tpu.dma_semaphore, #tpu.memory_space<semaphore_mem>>) src(%dma_wait3A_1769 : memref<1000x8xf32, #tpu.memory_space<hbm>>) dst(%dma_wait3A_1763 : memref<50x8xf32, #tpu.memory_space<vmem>>)
      %dma_wait3A_1770 = arith.constant 11 : i32
      %dma_wait3A_1771 = arith.constant 550 : i32
      %dma_wait3A_1772 = arith.constant 0 : i32
      %dma_wait3A_1773 = tpu.memref_slice %arg25[%dma_wait3A_1771, %dma_wait3A_1772] : memref<800x8xf32, #tpu.memory_space<vmem>> -> memref<50x8xf32, #tpu.memory_space<vmem>>
      %dma_wait3A_1774 = arith.constant 0 : i32
      %dma_wait3A_1775 = tpu.memref_slice %arg19[%dma_wait3A_1770, %dma_wait3A_1774] : memref<16x50xi32, #tpu.memory_space<vmem>> -> memref<1x50xi32, #tpu.memory_space<vmem>>
      %dma_wait3A_1776 = tpu.memref_squeeze %dma_wait3A_1775 : memref<1x50xi32, #tpu.memory_space<vmem>> -> memref<50xi32, #tpu.memory_space<vmem>>
      %dma_wait3A_1777 = arith.constant 0 : i32
      %dma_wait3A_1778 = arith.constant 0 : i32
      %dma_wait3A_1779 = tpu.memref_slice %arg6[%dma_wait3A_1777, %dma_wait3A_1778] : memref<1000x8xf32, #tpu.memory_space<hbm>> -> memref<1000x8xf32, #tpu.memory_space<hbm>>
      tpu.wait_indirect_dma semaphore(%arg27 : memref<!tpu.dma_semaphore, #tpu.memory_space<semaphore_mem>>) src(%dma_wait3A_1779 : memref<1000x8xf32, #tpu.memory_space<hbm>>) dst(%dma_wait3A_1773 : memref<50x8xf32, #tpu.memory_space<vmem>>)
      %dma_wait3A_1780 = arith.constant 12 : i32
      %dma_wait3A_1781 = arith.constant 600 : i32
      %dma_wait3A_1782 = arith.constant 0 : i32
      %dma_wait3A_1783 = tpu.memref_slice %arg25[%dma_wait3A_1781, %dma_wait3A_1782] : memref<800x8xf32, #tpu.memory_space<vmem>> -> memref<50x8xf32, #tpu.memory_space<vmem>>
      %dma_wait3A_1784 = arith.constant 0 : i32
      %dma_wait3A_1785 = tpu.memref_slice %arg19[%dma_wait3A_1780, %dma_wait3A_1784] : memref<16x50xi32, #tpu.memory_space<vmem>> -> memref<1x50xi32, #tpu.memory_space<vmem>>
      %dma_wait3A_1786 = tpu.memref_squeeze %dma_wait3A_1785 : memref<1x50xi32, #tpu.memory_space<vmem>> -> memref<50xi32, #tpu.memory_space<vmem>>
      %dma_wait3A_1787 = arith.constant 0 : i32
      %dma_wait3A_1788 = arith.constant 0 : i32
      %dma_wait3A_1789 = tpu.memref_slice %arg6[%dma_wait3A_1787, %dma_wait3A_1788] : memref<1000x8xf32, #tpu.memory_space<hbm>> -> memref<1000x8xf32, #tpu.memory_space<hbm>>
      tpu.wait_indirect_dma semaphore(%arg27 : memref<!tpu.dma_semaphore, #tpu.memory_space<semaphore_mem>>) src(%dma_wait3A_1789 : memref<1000x8xf32, #tpu.memory_space<hbm>>) dst(%dma_wait3A_1783 : memref<50x8xf32, #tpu.memory_space<vmem>>)
      %dma_wait3A_1790 = arith.constant 13 : i32
      %dma_wait3A_1791 = arith.constant 650 : i32
      %dma_wait3A_1792 = arith.constant 0 : i32
      %dma_wait3A_1793 = tpu.memref_slice %arg25[%dma_wait3A_1791, %dma_wait3A_1792] : memref<800x8xf32, #tpu.memory_space<vmem>> -> memref<50x8xf32, #tpu.memory_space<vmem>>
      %dma_wait3A_1794 = arith.constant 0 : i32
      %dma_wait3A_1795 = tpu.memref_slice %arg19[%dma_wait3A_1790, %dma_wait3A_1794] : memref<16x50xi32, #tpu.memory_space<vmem>> -> memref<1x50xi32, #tpu.memory_space<vmem>>
      %dma_wait3A_1796 = tpu.memref_squeeze %dma_wait3A_1795 : memref<1x50xi32, #tpu.memory_space<vmem>> -> memref<50xi32, #tpu.memory_space<vmem>>
      %dma_wait3A_1797 = arith.constant 0 : i32
      %dma_wait3A_1798 = arith.constant 0 : i32
      %dma_wait3A_1799 = tpu.memref_slice %arg6[%dma_wait3A_1797, %dma_wait3A_1798] : memref<1000x8xf32, #tpu.memory_space<hbm>> -> memref<1000x8xf32, #tpu.memory_space<hbm>>
      tpu.wait_indirect_dma semaphore(%arg27 : memref<!tpu.dma_semaphore, #tpu.memory_space<semaphore_mem>>) src(%dma_wait3A_1799 : memref<1000x8xf32, #tpu.memory_space<hbm>>) dst(%dma_wait3A_1793 : memref<50x8xf32, #tpu.memory_space<vmem>>)
      %dma_wait3A_1800 = arith.constant 14 : i32
      %dma_wait3A_1801 = arith.constant 700 : i32
      %dma_wait3A_1802 = arith.constant 0 : i32
      %dma_wait3A_1803 = tpu.memref_slice %arg25[%dma_wait3A_1801, %dma_wait3A_1802] : memref<800x8xf32, #tpu.memory_space<vmem>> -> memref<50x8xf32, #tpu.memory_space<vmem>>
      %dma_wait3A_1804 = arith.constant 0 : i32
      %dma_wait3A_1805 = tpu.memref_slice %arg19[%dma_wait3A_1800, %dma_wait3A_1804] : memref<16x50xi32, #tpu.memory_space<vmem>> -> memref<1x50xi32, #tpu.memory_space<vmem>>
      %dma_wait3A_1806 = tpu.memref_squeeze %dma_wait3A_1805 : memref<1x50xi32, #tpu.memory_space<vmem>> -> memref<50xi32, #tpu.memory_space<vmem>>
      %dma_wait3A_1807 = arith.constant 0 : i32
      %dma_wait3A_1808 = arith.constant 0 : i32
      %dma_wait3A_1809 = tpu.memref_slice %arg6[%dma_wait3A_1807, %dma_wait3A_1808] : memref<1000x8xf32, #tpu.memory_space<hbm>> -> memref<1000x8xf32, #tpu.memory_space<hbm>>
      tpu.wait_indirect_dma semaphore(%arg27 : memref<!tpu.dma_semaphore, #tpu.memory_space<semaphore_mem>>) src(%dma_wait3A_1809 : memref<1000x8xf32, #tpu.memory_space<hbm>>) dst(%dma_wait3A_1803 : memref<50x8xf32, #tpu.memory_space<vmem>>)
      %dma_wait3A_1810 = arith.constant 15 : i32
      %dma_wait3A_1811 = arith.constant 750 : i32
      %dma_wait3A_1812 = arith.constant 0 : i32
      %dma_wait3A_1813 = tpu.memref_slice %arg25[%dma_wait3A_1811, %dma_wait3A_1812] : memref<800x8xf32, #tpu.memory_space<vmem>> -> memref<50x8xf32, #tpu.memory_space<vmem>>
      %dma_wait3A_1814 = arith.constant 0 : i32
      %dma_wait3A_1815 = tpu.memref_slice %arg19[%dma_wait3A_1810, %dma_wait3A_1814] : memref<16x50xi32, #tpu.memory_space<vmem>> -> memref<1x50xi32, #tpu.memory_space<vmem>>
      %dma_wait3A_1816 = tpu.memref_squeeze %dma_wait3A_1815 : memref<1x50xi32, #tpu.memory_space<vmem>> -> memref<50xi32, #tpu.memory_space<vmem>>
      %dma_wait3A_1817 = arith.constant 0 : i32
      %dma_wait3A_1818 = arith.constant 0 : i32
      %dma_wait3A_1819 = tpu.memref_slice %arg6[%dma_wait3A_1817, %dma_wait3A_1818] : memref<1000x8xf32, #tpu.memory_space<hbm>> -> memref<1000x8xf32, #tpu.memory_space<hbm>>
      tpu.wait_indirect_dma semaphore(%arg27 : memref<!tpu.dma_semaphore, #tpu.memory_space<semaphore_mem>>) src(%dma_wait3A_1819 : memref<1000x8xf32, #tpu.memory_space<hbm>>) dst(%dma_wait3A_1813 : memref<50x8xf32, #tpu.memory_space<vmem>>)
      %dma_wait3A_1820 = arith.constant 0 : i32
      %dma_wait3A_1821 = arith.constant 0 : i32
      %dma_wait3A_1822 = arith.constant 0 : i32
      %dma_wait3A_1823 = tpu.memref_slice %arg26[%dma_wait3A_1821, %dma_wait3A_1822] : memref<800x8xf32, #tpu.memory_space<vmem>> -> memref<50x8xf32, #tpu.memory_space<vmem>>
      %dma_wait3A_1824 = arith.constant 0 : i32
      %dma_wait3A_1825 = tpu.memref_slice %arg20[%dma_wait3A_1820, %dma_wait3A_1824] : memref<16x50xi32, #tpu.memory_space<vmem>> -> memref<1x50xi32, #tpu.memory_space<vmem>>
      %dma_wait3A_1826 = tpu.memref_squeeze %dma_wait3A_1825 : memref<1x50xi32, #tpu.memory_space<vmem>> -> memref<50xi32, #tpu.memory_space<vmem>>
      %dma_wait3A_1827 = arith.constant 0 : i32
      %dma_wait3A_1828 = arith.constant 0 : i32
      %dma_wait3A_1829 = tpu.memref_slice %arg7[%dma_wait3A_1827, %dma_wait3A_1828] : memref<1000x8xf32, #tpu.memory_space<hbm>> -> memref<1000x8xf32, #tpu.memory_space<hbm>>
      tpu.wait_indirect_dma semaphore(%arg27 : memref<!tpu.dma_semaphore, #tpu.memory_space<semaphore_mem>>) src(%dma_wait3A_1829 : memref<1000x8xf32, #tpu.memory_space<hbm>>) dst(%dma_wait3A_1823 : memref<50x8xf32, #tpu.memory_space<vmem>>)
      %dma_wait3A_1830 = arith.constant 1 : i32
      %dma_wait3A_1831 = arith.constant 50 : i32
      %dma_wait3A_1832 = arith.constant 0 : i32
      %dma_wait3A_1833 = tpu.memref_slice %arg26[%dma_wait3A_1831, %dma_wait3A_1832] : memref<800x8xf32, #tpu.memory_space<vmem>> -> memref<50x8xf32, #tpu.memory_space<vmem>>
      %dma_wait3A_1834 = arith.constant 0 : i32
      %dma_wait3A_1835 = tpu.memref_slice %arg20[%dma_wait3A_1830, %dma_wait3A_1834] : memref<16x50xi32, #tpu.memory_space<vmem>> -> memref<1x50xi32, #tpu.memory_space<vmem>>
      %dma_wait3A_1836 = tpu.memref_squeeze %dma_wait3A_1835 : memref<1x50xi32, #tpu.memory_space<vmem>> -> memref<50xi32, #tpu.memory_space<vmem>>
      %dma_wait3A_1837 = arith.constant 0 : i32
      %dma_wait3A_1838 = arith.constant 0 : i32
      %dma_wait3A_1839 = tpu.memref_slice %arg7[%dma_wait3A_1837, %dma_wait3A_1838] : memref<1000x8xf32, #tpu.memory_space<hbm>> -> memref<1000x8xf32, #tpu.memory_space<hbm>>
      tpu.wait_indirect_dma semaphore(%arg27 : memref<!tpu.dma_semaphore, #tpu.memory_space<semaphore_mem>>) src(%dma_wait3A_1839 : memref<1000x8xf32, #tpu.memory_space<hbm>>) dst(%dma_wait3A_1833 : memref<50x8xf32, #tpu.memory_space<vmem>>)
      %dma_wait3A_1840 = arith.constant 2 : i32
      %dma_wait3A_1841 = arith.constant 100 : i32
      %dma_wait3A_1842 = arith.constant 0 : i32
      %dma_wait3A_1843 = tpu.memref_slice %arg26[%dma_wait3A_1841, %dma_wait3A_1842] : memref<800x8xf32, #tpu.memory_space<vmem>> -> memref<50x8xf32, #tpu.memory_space<vmem>>
      %dma_wait3A_1844 = arith.constant 0 : i32
      %dma_wait3A_1845 = tpu.memref_slice %arg20[%dma_wait3A_1840, %dma_wait3A_1844] : memref<16x50xi32, #tpu.memory_space<vmem>> -> memref<1x50xi32, #tpu.memory_space<vmem>>
      %dma_wait3A_1846 = tpu.memref_squeeze %dma_wait3A_1845 : memref<1x50xi32, #tpu.memory_space<vmem>> -> memref<50xi32, #tpu.memory_space<vmem>>
      %dma_wait3A_1847 = arith.constant 0 : i32
      %dma_wait3A_1848 = arith.constant 0 : i32
      %dma_wait3A_1849 = tpu.memref_slice %arg7[%dma_wait3A_1847, %dma_wait3A_1848] : memref<1000x8xf32, #tpu.memory_space<hbm>> -> memref<1000x8xf32, #tpu.memory_space<hbm>>
      tpu.wait_indirect_dma semaphore(%arg27 : memref<!tpu.dma_semaphore, #tpu.memory_space<semaphore_mem>>) src(%dma_wait3A_1849 : memref<1000x8xf32, #tpu.memory_space<hbm>>) dst(%dma_wait3A_1843 : memref<50x8xf32, #tpu.memory_space<vmem>>)
      %dma_wait3A_1850 = arith.constant 3 : i32
      %dma_wait3A_1851 = arith.constant 150 : i32
      %dma_wait3A_1852 = arith.constant 0 : i32
      %dma_wait3A_1853 = tpu.memref_slice %arg26[%dma_wait3A_1851, %dma_wait3A_1852] : memref<800x8xf32, #tpu.memory_space<vmem>> -> memref<50x8xf32, #tpu.memory_space<vmem>>
      %dma_wait3A_1854 = arith.constant 0 : i32
      %dma_wait3A_1855 = tpu.memref_slice %arg20[%dma_wait3A_1850, %dma_wait3A_1854] : memref<16x50xi32, #tpu.memory_space<vmem>> -> memref<1x50xi32, #tpu.memory_space<vmem>>
      %dma_wait3A_1856 = tpu.memref_squeeze %dma_wait3A_1855 : memref<1x50xi32, #tpu.memory_space<vmem>> -> memref<50xi32, #tpu.memory_space<vmem>>
      %dma_wait3A_1857 = arith.constant 0 : i32
      %dma_wait3A_1858 = arith.constant 0 : i32
      %dma_wait3A_1859 = tpu.memref_slice %arg7[%dma_wait3A_1857, %dma_wait3A_1858] : memref<1000x8xf32, #tpu.memory_space<hbm>> -> memref<1000x8xf32, #tpu.memory_space<hbm>>
      tpu.wait_indirect_dma semaphore(%arg27 : memref<!tpu.dma_semaphore, #tpu.memory_space<semaphore_mem>>) src(%dma_wait3A_1859 : memref<1000x8xf32, #tpu.memory_space<hbm>>) dst(%dma_wait3A_1853 : memref<50x8xf32, #tpu.memory_space<vmem>>)
      %dma_wait3A_1860 = arith.constant 4 : i32
      %dma_wait3A_1861 = arith.constant 200 : i32
      %dma_wait3A_1862 = arith.constant 0 : i32
      %dma_wait3A_1863 = tpu.memref_slice %arg26[%dma_wait3A_1861, %dma_wait3A_1862] : memref<800x8xf32, #tpu.memory_space<vmem>> -> memref<50x8xf32, #tpu.memory_space<vmem>>
      %dma_wait3A_1864 = arith.constant 0 : i32
      %dma_wait3A_1865 = tpu.memref_slice %arg20[%dma_wait3A_1860, %dma_wait3A_1864] : memref<16x50xi32, #tpu.memory_space<vmem>> -> memref<1x50xi32, #tpu.memory_space<vmem>>
      %dma_wait3A_1866 = tpu.memref_squeeze %dma_wait3A_1865 : memref<1x50xi32, #tpu.memory_space<vmem>> -> memref<50xi32, #tpu.memory_space<vmem>>
      %dma_wait3A_1867 = arith.constant 0 : i32
      %dma_wait3A_1868 = arith.constant 0 : i32
      %dma_wait3A_1869 = tpu.memref_slice %arg7[%dma_wait3A_1867, %dma_wait3A_1868] : memref<1000x8xf32, #tpu.memory_space<hbm>> -> memref<1000x8xf32, #tpu.memory_space<hbm>>
      tpu.wait_indirect_dma semaphore(%arg27 : memref<!tpu.dma_semaphore, #tpu.memory_space<semaphore_mem>>) src(%dma_wait3A_1869 : memref<1000x8xf32, #tpu.memory_space<hbm>>) dst(%dma_wait3A_1863 : memref<50x8xf32, #tpu.memory_space<vmem>>)
      %dma_wait3A_1870 = arith.constant 5 : i32
      %dma_wait3A_1871 = arith.constant 250 : i32
      %dma_wait3A_1872 = arith.constant 0 : i32
      %dma_wait3A_1873 = tpu.memref_slice %arg26[%dma_wait3A_1871, %dma_wait3A_1872] : memref<800x8xf32, #tpu.memory_space<vmem>> -> memref<50x8xf32, #tpu.memory_space<vmem>>
      %dma_wait3A_1874 = arith.constant 0 : i32
      %dma_wait3A_1875 = tpu.memref_slice %arg20[%dma_wait3A_1870, %dma_wait3A_1874] : memref<16x50xi32, #tpu.memory_space<vmem>> -> memref<1x50xi32, #tpu.memory_space<vmem>>
      %dma_wait3A_1876 = tpu.memref_squeeze %dma_wait3A_1875 : memref<1x50xi32, #tpu.memory_space<vmem>> -> memref<50xi32, #tpu.memory_space<vmem>>
      %dma_wait3A_1877 = arith.constant 0 : i32
      %dma_wait3A_1878 = arith.constant 0 : i32
      %dma_wait3A_1879 = tpu.memref_slice %arg7[%dma_wait3A_1877, %dma_wait3A_1878] : memref<1000x8xf32, #tpu.memory_space<hbm>> -> memref<1000x8xf32, #tpu.memory_space<hbm>>
      tpu.wait_indirect_dma semaphore(%arg27 : memref<!tpu.dma_semaphore, #tpu.memory_space<semaphore_mem>>) src(%dma_wait3A_1879 : memref<1000x8xf32, #tpu.memory_space<hbm>>) dst(%dma_wait3A_1873 : memref<50x8xf32, #tpu.memory_space<vmem>>)
      %dma_wait3A_1880 = arith.constant 6 : i32
      %dma_wait3A_1881 = arith.constant 300 : i32
      %dma_wait3A_1882 = arith.constant 0 : i32
      %dma_wait3A_1883 = tpu.memref_slice %arg26[%dma_wait3A_1881, %dma_wait3A_1882] : memref<800x8xf32, #tpu.memory_space<vmem>> -> memref<50x8xf32, #tpu.memory_space<vmem>>
      %dma_wait3A_1884 = arith.constant 0 : i32
      %dma_wait3A_1885 = tpu.memref_slice %arg20[%dma_wait3A_1880, %dma_wait3A_1884] : memref<16x50xi32, #tpu.memory_space<vmem>> -> memref<1x50xi32, #tpu.memory_space<vmem>>
      %dma_wait3A_1886 = tpu.memref_squeeze %dma_wait3A_1885 : memref<1x50xi32, #tpu.memory_space<vmem>> -> memref<50xi32, #tpu.memory_space<vmem>>
      %dma_wait3A_1887 = arith.constant 0 : i32
      %dma_wait3A_1888 = arith.constant 0 : i32
      %dma_wait3A_1889 = tpu.memref_slice %arg7[%dma_wait3A_1887, %dma_wait3A_1888] : memref<1000x8xf32, #tpu.memory_space<hbm>> -> memref<1000x8xf32, #tpu.memory_space<hbm>>
      tpu.wait_indirect_dma semaphore(%arg27 : memref<!tpu.dma_semaphore, #tpu.memory_space<semaphore_mem>>) src(%dma_wait3A_1889 : memref<1000x8xf32, #tpu.memory_space<hbm>>) dst(%dma_wait3A_1883 : memref<50x8xf32, #tpu.memory_space<vmem>>)
      %dma_wait3A_1890 = arith.constant 7 : i32
      %dma_wait3A_1891 = arith.constant 350 : i32
      %dma_wait3A_1892 = arith.constant 0 : i32
      %dma_wait3A_1893 = tpu.memref_slice %arg26[%dma_wait3A_1891, %dma_wait3A_1892] : memref<800x8xf32, #tpu.memory_space<vmem>> -> memref<50x8xf32, #tpu.memory_space<vmem>>
      %dma_wait3A_1894 = arith.constant 0 : i32
      %dma_wait3A_1895 = tpu.memref_slice %arg20[%dma_wait3A_1890, %dma_wait3A_1894] : memref<16x50xi32, #tpu.memory_space<vmem>> -> memref<1x50xi32, #tpu.memory_space<vmem>>
      %dma_wait3A_1896 = tpu.memref_squeeze %dma_wait3A_1895 : memref<1x50xi32, #tpu.memory_space<vmem>> -> memref<50xi32, #tpu.memory_space<vmem>>
      %dma_wait3A_1897 = arith.constant 0 : i32
      %dma_wait3A_1898 = arith.constant 0 : i32
      %dma_wait3A_1899 = tpu.memref_slice %arg7[%dma_wait3A_1897, %dma_wait3A_1898] : memref<1000x8xf32, #tpu.memory_space<hbm>> -> memref<1000x8xf32, #tpu.memory_space<hbm>>
      tpu.wait_indirect_dma semaphore(%arg27 : memref<!tpu.dma_semaphore, #tpu.memory_space<semaphore_mem>>) src(%dma_wait3A_1899 : memref<1000x8xf32, #tpu.memory_space<hbm>>) dst(%dma_wait3A_1893 : memref<50x8xf32, #tpu.memory_space<vmem>>)
      %dma_wait3A_1900 = arith.constant 8 : i32
      %dma_wait3A_1901 = arith.constant 400 : i32
      %dma_wait3A_1902 = arith.constant 0 : i32
      %dma_wait3A_1903 = tpu.memref_slice %arg26[%dma_wait3A_1901, %dma_wait3A_1902] : memref<800x8xf32, #tpu.memory_space<vmem>> -> memref<50x8xf32, #tpu.memory_space<vmem>>
      %dma_wait3A_1904 = arith.constant 0 : i32
      %dma_wait3A_1905 = tpu.memref_slice %arg20[%dma_wait3A_1900, %dma_wait3A_1904] : memref<16x50xi32, #tpu.memory_space<vmem>> -> memref<1x50xi32, #tpu.memory_space<vmem>>
      %dma_wait3A_1906 = tpu.memref_squeeze %dma_wait3A_1905 : memref<1x50xi32, #tpu.memory_space<vmem>> -> memref<50xi32, #tpu.memory_space<vmem>>
      %dma_wait3A_1907 = arith.constant 0 : i32
      %dma_wait3A_1908 = arith.constant 0 : i32
      %dma_wait3A_1909 = tpu.memref_slice %arg7[%dma_wait3A_1907, %dma_wait3A_1908] : memref<1000x8xf32, #tpu.memory_space<hbm>> -> memref<1000x8xf32, #tpu.memory_space<hbm>>
      tpu.wait_indirect_dma semaphore(%arg27 : memref<!tpu.dma_semaphore, #tpu.memory_space<semaphore_mem>>) src(%dma_wait3A_1909 : memref<1000x8xf32, #tpu.memory_space<hbm>>) dst(%dma_wait3A_1903 : memref<50x8xf32, #tpu.memory_space<vmem>>)
      %dma_wait3A_1910 = arith.constant 9 : i32
      %dma_wait3A_1911 = arith.constant 450 : i32
      %dma_wait3A_1912 = arith.constant 0 : i32
      %dma_wait3A_1913 = tpu.memref_slice %arg26[%dma_wait3A_1911, %dma_wait3A_1912] : memref<800x8xf32, #tpu.memory_space<vmem>> -> memref<50x8xf32, #tpu.memory_space<vmem>>
      %dma_wait3A_1914 = arith.constant 0 : i32
      %dma_wait3A_1915 = tpu.memref_slice %arg20[%dma_wait3A_1910, %dma_wait3A_1914] : memref<16x50xi32, #tpu.memory_space<vmem>> -> memref<1x50xi32, #tpu.memory_space<vmem>>
      %dma_wait3A_1916 = tpu.memref_squeeze %dma_wait3A_1915 : memref<1x50xi32, #tpu.memory_space<vmem>> -> memref<50xi32, #tpu.memory_space<vmem>>
      %dma_wait3A_1917 = arith.constant 0 : i32
      %dma_wait3A_1918 = arith.constant 0 : i32
      %dma_wait3A_1919 = tpu.memref_slice %arg7[%dma_wait3A_1917, %dma_wait3A_1918] : memref<1000x8xf32, #tpu.memory_space<hbm>> -> memref<1000x8xf32, #tpu.memory_space<hbm>>
      tpu.wait_indirect_dma semaphore(%arg27 : memref<!tpu.dma_semaphore, #tpu.memory_space<semaphore_mem>>) src(%dma_wait3A_1919 : memref<1000x8xf32, #tpu.memory_space<hbm>>) dst(%dma_wait3A_1913 : memref<50x8xf32, #tpu.memory_space<vmem>>)
      %dma_wait3A_1920 = arith.constant 10 : i32
      %dma_wait3A_1921 = arith.constant 500 : i32
      %dma_wait3A_1922 = arith.constant 0 : i32
      %dma_wait3A_1923 = tpu.memref_slice %arg26[%dma_wait3A_1921, %dma_wait3A_1922] : memref<800x8xf32, #tpu.memory_space<vmem>> -> memref<50x8xf32, #tpu.memory_space<vmem>>
      %dma_wait3A_1924 = arith.constant 0 : i32
      %dma_wait3A_1925 = tpu.memref_slice %arg20[%dma_wait3A_1920, %dma_wait3A_1924] : memref<16x50xi32, #tpu.memory_space<vmem>> -> memref<1x50xi32, #tpu.memory_space<vmem>>
      %dma_wait3A_1926 = tpu.memref_squeeze %dma_wait3A_1925 : memref<1x50xi32, #tpu.memory_space<vmem>> -> memref<50xi32, #tpu.memory_space<vmem>>
      %dma_wait3A_1927 = arith.constant 0 : i32
      %dma_wait3A_1928 = arith.constant 0 : i32
      %dma_wait3A_1929 = tpu.memref_slice %arg7[%dma_wait3A_1927, %dma_wait3A_1928] : memref<1000x8xf32, #tpu.memory_space<hbm>> -> memref<1000x8xf32, #tpu.memory_space<hbm>>
      tpu.wait_indirect_dma semaphore(%arg27 : memref<!tpu.dma_semaphore, #tpu.memory_space<semaphore_mem>>) src(%dma_wait3A_1929 : memref<1000x8xf32, #tpu.memory_space<hbm>>) dst(%dma_wait3A_1923 : memref<50x8xf32, #tpu.memory_space<vmem>>)
      %dma_wait3A_1930 = arith.constant 11 : i32
      %dma_wait3A_1931 = arith.constant 550 : i32
      %dma_wait3A_1932 = arith.constant 0 : i32
      %dma_wait3A_1933 = tpu.memref_slice %arg26[%dma_wait3A_1931, %dma_wait3A_1932] : memref<800x8xf32, #tpu.memory_space<vmem>> -> memref<50x8xf32, #tpu.memory_space<vmem>>
      %dma_wait3A_1934 = arith.constant 0 : i32
      %dma_wait3A_1935 = tpu.memref_slice %arg20[%dma_wait3A_1930, %dma_wait3A_1934] : memref<16x50xi32, #tpu.memory_space<vmem>> -> memref<1x50xi32, #tpu.memory_space<vmem>>
      %dma_wait3A_1936 = tpu.memref_squeeze %dma_wait3A_1935 : memref<1x50xi32, #tpu.memory_space<vmem>> -> memref<50xi32, #tpu.memory_space<vmem>>
      %dma_wait3A_1937 = arith.constant 0 : i32
      %dma_wait3A_1938 = arith.constant 0 : i32
      %dma_wait3A_1939 = tpu.memref_slice %arg7[%dma_wait3A_1937, %dma_wait3A_1938] : memref<1000x8xf32, #tpu.memory_space<hbm>> -> memref<1000x8xf32, #tpu.memory_space<hbm>>
      tpu.wait_indirect_dma semaphore(%arg27 : memref<!tpu.dma_semaphore, #tpu.memory_space<semaphore_mem>>) src(%dma_wait3A_1939 : memref<1000x8xf32, #tpu.memory_space<hbm>>) dst(%dma_wait3A_1933 : memref<50x8xf32, #tpu.memory_space<vmem>>)
      %dma_wait3A_1940 = arith.constant 12 : i32
      %dma_wait3A_1941 = arith.constant 600 : i32
      %dma_wait3A_1942 = arith.constant 0 : i32
      %dma_wait3A_1943 = tpu.memref_slice %arg26[%dma_wait3A_1941, %dma_wait3A_1942] : memref<800x8xf32, #tpu.memory_space<vmem>> -> memref<50x8xf32, #tpu.memory_space<vmem>>
      %dma_wait3A_1944 = arith.constant 0 : i32
      %dma_wait3A_1945 = tpu.memref_slice %arg20[%dma_wait3A_1940, %dma_wait3A_1944] : memref<16x50xi32, #tpu.memory_space<vmem>> -> memref<1x50xi32, #tpu.memory_space<vmem>>
      %dma_wait3A_1946 = tpu.memref_squeeze %dma_wait3A_1945 : memref<1x50xi32, #tpu.memory_space<vmem>> -> memref<50xi32, #tpu.memory_space<vmem>>
      %dma_wait3A_1947 = arith.constant 0 : i32
      %dma_wait3A_1948 = arith.constant 0 : i32
      %dma_wait3A_1949 = tpu.memref_slice %arg7[%dma_wait3A_1947, %dma_wait3A_1948] : memref<1000x8xf32, #tpu.memory_space<hbm>> -> memref<1000x8xf32, #tpu.memory_space<hbm>>
      tpu.wait_indirect_dma semaphore(%arg27 : memref<!tpu.dma_semaphore, #tpu.memory_space<semaphore_mem>>) src(%dma_wait3A_1949 : memref<1000x8xf32, #tpu.memory_space<hbm>>) dst(%dma_wait3A_1943 : memref<50x8xf32, #tpu.memory_space<vmem>>)
      %dma_wait3A_1950 = arith.constant 13 : i32
      %dma_wait3A_1951 = arith.constant 650 : i32
      %dma_wait3A_1952 = arith.constant 0 : i32
      %dma_wait3A_1953 = tpu.memref_slice %arg26[%dma_wait3A_1951, %dma_wait3A_1952] : memref<800x8xf32, #tpu.memory_space<vmem>> -> memref<50x8xf32, #tpu.memory_space<vmem>>
      %dma_wait3A_1954 = arith.constant 0 : i32
      %dma_wait3A_1955 = tpu.memref_slice %arg20[%dma_wait3A_1950, %dma_wait3A_1954] : memref<16x50xi32, #tpu.memory_space<vmem>> -> memref<1x50xi32, #tpu.memory_space<vmem>>
      %dma_wait3A_1956 = tpu.memref_squeeze %dma_wait3A_1955 : memref<1x50xi32, #tpu.memory_space<vmem>> -> memref<50xi32, #tpu.memory_space<vmem>>
      %dma_wait3A_1957 = arith.constant 0 : i32
      %dma_wait3A_1958 = arith.constant 0 : i32
      %dma_wait3A_1959 = tpu.memref_slice %arg7[%dma_wait3A_1957, %dma_wait3A_1958] : memref<1000x8xf32, #tpu.memory_space<hbm>> -> memref<1000x8xf32, #tpu.memory_space<hbm>>
      tpu.wait_indirect_dma semaphore(%arg27 : memref<!tpu.dma_semaphore, #tpu.memory_space<semaphore_mem>>) src(%dma_wait3A_1959 : memref<1000x8xf32, #tpu.memory_space<hbm>>) dst(%dma_wait3A_1953 : memref<50x8xf32, #tpu.memory_space<vmem>>)
      %dma_wait3A_1960 = arith.constant 14 : i32
      %dma_wait3A_1961 = arith.constant 700 : i32
      %dma_wait3A_1962 = arith.constant 0 : i32
      %dma_wait3A_1963 = tpu.memref_slice %arg26[%dma_wait3A_1961, %dma_wait3A_1962] : memref<800x8xf32, #tpu.memory_space<vmem>> -> memref<50x8xf32, #tpu.memory_space<vmem>>
      %dma_wait3A_1964 = arith.constant 0 : i32
      %dma_wait3A_1965 = tpu.memref_slice %arg20[%dma_wait3A_1960, %dma_wait3A_1964] : memref<16x50xi32, #tpu.memory_space<vmem>> -> memref<1x50xi32, #tpu.memory_space<vmem>>
      %dma_wait3A_1966 = tpu.memref_squeeze %dma_wait3A_1965 : memref<1x50xi32, #tpu.memory_space<vmem>> -> memref<50xi32, #tpu.memory_space<vmem>>
      %dma_wait3A_1967 = arith.constant 0 : i32
      %dma_wait3A_1968 = arith.constant 0 : i32
      %dma_wait3A_1969 = tpu.memref_slice %arg7[%dma_wait3A_1967, %dma_wait3A_1968] : memref<1000x8xf32, #tpu.memory_space<hbm>> -> memref<1000x8xf32, #tpu.memory_space<hbm>>
      tpu.wait_indirect_dma semaphore(%arg27 : memref<!tpu.dma_semaphore, #tpu.memory_space<semaphore_mem>>) src(%dma_wait3A_1969 : memref<1000x8xf32, #tpu.memory_space<hbm>>) dst(%dma_wait3A_1963 : memref<50x8xf32, #tpu.memory_space<vmem>>)
      %dma_wait3A_1970 = arith.constant 15 : i32
      %dma_wait3A_1971 = arith.constant 750 : i32
      %dma_wait3A_1972 = arith.constant 0 : i32
      %dma_wait3A_1973 = tpu.memref_slice %arg26[%dma_wait3A_1971, %dma_wait3A_1972] : memref<800x8xf32, #tpu.memory_space<vmem>> -> memref<50x8xf32, #tpu.memory_space<vmem>>
      %dma_wait3A_1974 = arith.constant 0 : i32
      %dma_wait3A_1975 = tpu.memref_slice %arg20[%dma_wait3A_1970, %dma_wait3A_1974] : memref<16x50xi32, #tpu.memory_space<vmem>> -> memref<1x50xi32, #tpu.memory_space<vmem>>
      %dma_wait3A_1976 = tpu.memref_squeeze %dma_wait3A_1975 : memref<1x50xi32, #tpu.memory_space<vmem>> -> memref<50xi32, #tpu.memory_space<vmem>>
      %dma_wait3A_1977 = arith.constant 0 : i32
      %dma_wait3A_1978 = arith.constant 0 : i32
      %dma_wait3A_1979 = tpu.memref_slice %arg7[%dma_wait3A_1977, %dma_wait3A_1978] : memref<1000x8xf32, #tpu.memory_space<hbm>> -> memref<1000x8xf32, #tpu.memory_space<hbm>>
      tpu.wait_indirect_dma semaphore(%arg27 : memref<!tpu.dma_semaphore, #tpu.memory_space<semaphore_mem>>) src(%dma_wait3A_1979 : memref<1000x8xf32, #tpu.memory_space<hbm>>) dst(%dma_wait3A_1973 : memref<50x8xf32, #tpu.memory_space<vmem>>)
      %dma_start3A_1980 = arith.constant 0 : i32
      %dma_start3A_1981 = tpu.memref_slice %arg14[%mul3A_13, %dma_start3A_1980] : memref<204800x128xf32, #tpu.memory_space<hbm>> -> memref<800x128xf32, #tpu.memory_space<hbm>>
      %dma_start3A_1982 = arith.constant 0 : i32
      %dma_start3A_1983 = arith.constant 0 : i32
      %dma_start3A_1984 = tpu.memref_slice %dma_start3A_1981[%dma_start3A_1982, %dma_start3A_1983] : memref<800x128xf32, #tpu.memory_space<hbm>> -> memref<800x8xf32, #tpu.memory_space<hbm>>
      %dma_start3A_1985 = arith.constant 0 : i32
      %dma_start3A_1986 = tpu.memref_slice %arg14[%mul3A_13, %dma_start3A_1985] : memref<204800x128xf32, #tpu.memory_space<hbm>> -> memref<800x128xf32, #tpu.memory_space<hbm>>
      %dma_start3A_1987 = arith.constant 0 : i32
      %dma_start3A_1988 = arith.constant 0 : i32
      %dma_start3A_1989 = tpu.memref_slice %dma_start3A_1986[%dma_start3A_1987, %dma_start3A_1988] : memref<800x128xf32, #tpu.memory_space<hbm>> -> memref<800x8xf32, #tpu.memory_space<hbm>>
      tpu.enqueue_dma source(%arg21 : memref<800x8xf32, #tpu.memory_space<vmem>>) target(%dma_start3A_1989 : memref<800x8xf32, #tpu.memory_space<hbm>>) target_semaphore(%arg27 : memref<!tpu.dma_semaphore, #tpu.memory_space<semaphore_mem>>)
      %dma_start3A_1990 = arith.constant 0 : i32
      %dma_start3A_1991 = tpu.memref_slice %arg14[%mul3A_13, %dma_start3A_1990] : memref<204800x128xf32, #tpu.memory_space<hbm>> -> memref<800x128xf32, #tpu.memory_space<hbm>>
      %dma_start3A_1992 = arith.constant 0 : i32
      %dma_start3A_1993 = arith.constant 8 : i32
      %dma_start3A_1994 = tpu.memref_slice %dma_start3A_1991[%dma_start3A_1992, %dma_start3A_1993] : memref<800x128xf32, #tpu.memory_space<hbm>> -> memref<800x8xf32, #tpu.memory_space<hbm>>
      %dma_start3A_1995 = arith.constant 0 : i32
      %dma_start3A_1996 = tpu.memref_slice %arg14[%mul3A_13, %dma_start3A_1995] : memref<204800x128xf32, #tpu.memory_space<hbm>> -> memref<800x128xf32, #tpu.memory_space<hbm>>
      %dma_start3A_1997 = arith.constant 0 : i32
      %dma_start3A_1998 = arith.constant 8 : i32
      %dma_start3A_1999 = tpu.memref_slice %dma_start3A_1996[%dma_start3A_1997, %dma_start3A_1998] : memref<800x128xf32, #tpu.memory_space<hbm>> -> memref<800x8xf32, #tpu.memory_space<hbm>>
      tpu.enqueue_dma source(%arg22 : memref<800x8xf32, #tpu.memory_space<vmem>>) target(%dma_start3A_1999 : memref<800x8xf32, #tpu.memory_space<hbm>>) target_semaphore(%arg27 : memref<!tpu.dma_semaphore, #tpu.memory_space<semaphore_mem>>)
      %dma_start3A_2000 = arith.constant 0 : i32
      %dma_start3A_2001 = tpu.memref_slice %arg14[%mul3A_13, %dma_start3A_2000] : memref<204800x128xf32, #tpu.memory_space<hbm>> -> memref<800x128xf32, #tpu.memory_space<hbm>>
      %dma_start3A_2002 = arith.constant 0 : i32
      %dma_start3A_2003 = arith.constant 16 : i32
      %dma_start3A_2004 = tpu.memref_slice %dma_start3A_2001[%dma_start3A_2002, %dma_start3A_2003] : memref<800x128xf32, #tpu.memory_space<hbm>> -> memref<800x8xf32, #tpu.memory_space<hbm>>
      %dma_start3A_2005 = arith.constant 0 : i32
      %dma_start3A_2006 = tpu.memref_slice %arg14[%mul3A_13, %dma_start3A_2005] : memref<204800x128xf32, #tpu.memory_space<hbm>> -> memref<800x128xf32, #tpu.memory_space<hbm>>
      %dma_start3A_2007 = arith.constant 0 : i32
      %dma_start3A_2008 = arith.constant 16 : i32
      %dma_start3A_2009 = tpu.memref_slice %dma_start3A_2006[%dma_start3A_2007, %dma_start3A_2008] : memref<800x128xf32, #tpu.memory_space<hbm>> -> memref<800x8xf32, #tpu.memory_space<hbm>>
      tpu.enqueue_dma source(%arg23 : memref<800x8xf32, #tpu.memory_space<vmem>>) target(%dma_start3A_2009 : memref<800x8xf32, #tpu.memory_space<hbm>>) target_semaphore(%arg27 : memref<!tpu.dma_semaphore, #tpu.memory_space<semaphore_mem>>)
      %dma_start3A_2010 = arith.constant 0 : i32
      %dma_start3A_2011 = tpu.memref_slice %arg14[%mul3A_13, %dma_start3A_2010] : memref<204800x128xf32, #tpu.memory_space<hbm>> -> memref<800x128xf32, #tpu.memory_space<hbm>>
      %dma_start3A_2012 = arith.constant 0 : i32
      %dma_start3A_2013 = arith.constant 24 : i32
      %dma_start3A_2014 = tpu.memref_slice %dma_start3A_2011[%dma_start3A_2012, %dma_start3A_2013] : memref<800x128xf32, #tpu.memory_space<hbm>> -> memref<800x8xf32, #tpu.memory_space<hbm>>
      %dma_start3A_2015 = arith.constant 0 : i32
      %dma_start3A_2016 = tpu.memref_slice %arg14[%mul3A_13, %dma_start3A_2015] : memref<204800x128xf32, #tpu.memory_space<hbm>> -> memref<800x128xf32, #tpu.memory_space<hbm>>
      %dma_start3A_2017 = arith.constant 0 : i32
      %dma_start3A_2018 = arith.constant 24 : i32
      %dma_start3A_2019 = tpu.memref_slice %dma_start3A_2016[%dma_start3A_2017, %dma_start3A_2018] : memref<800x128xf32, #tpu.memory_space<hbm>> -> memref<800x8xf32, #tpu.memory_space<hbm>>
      tpu.enqueue_dma source(%arg24 : memref<800x8xf32, #tpu.memory_space<vmem>>) target(%dma_start3A_2019 : memref<800x8xf32, #tpu.memory_space<hbm>>) target_semaphore(%arg27 : memref<!tpu.dma_semaphore, #tpu.memory_space<semaphore_mem>>)
      %dma_start3A_2020 = arith.constant 0 : i32
      %dma_start3A_2021 = tpu.memref_slice %arg14[%mul3A_13, %dma_start3A_2020] : memref<204800x128xf32, #tpu.memory_space<hbm>> -> memref<800x128xf32, #tpu.memory_space<hbm>>
      %dma_start3A_2022 = arith.constant 0 : i32
      %dma_start3A_2023 = arith.constant 32 : i32
      %dma_start3A_2024 = tpu.memref_slice %dma_start3A_2021[%dma_start3A_2022, %dma_start3A_2023] : memref<800x128xf32, #tpu.memory_space<hbm>> -> memref<800x8xf32, #tpu.memory_space<hbm>>
      %dma_start3A_2025 = arith.constant 0 : i32
      %dma_start3A_2026 = tpu.memref_slice %arg14[%mul3A_13, %dma_start3A_2025] : memref<204800x128xf32, #tpu.memory_space<hbm>> -> memref<800x128xf32, #tpu.memory_space<hbm>>
      %dma_start3A_2027 = arith.constant 0 : i32
      %dma_start3A_2028 = arith.constant 32 : i32
      %dma_start3A_2029 = tpu.memref_slice %dma_start3A_2026[%dma_start3A_2027, %dma_start3A_2028] : memref<800x128xf32, #tpu.memory_space<hbm>> -> memref<800x8xf32, #tpu.memory_space<hbm>>
      tpu.enqueue_dma source(%arg25 : memref<800x8xf32, #tpu.memory_space<vmem>>) target(%dma_start3A_2029 : memref<800x8xf32, #tpu.memory_space<hbm>>) target_semaphore(%arg27 : memref<!tpu.dma_semaphore, #tpu.memory_space<semaphore_mem>>)
      %dma_start3A_2030 = arith.constant 0 : i32
      %dma_start3A_2031 = tpu.memref_slice %arg14[%mul3A_13, %dma_start3A_2030] : memref<204800x128xf32, #tpu.memory_space<hbm>> -> memref<800x128xf32, #tpu.memory_space<hbm>>
      %dma_start3A_2032 = arith.constant 0 : i32
      %dma_start3A_2033 = arith.constant 40 : i32
      %dma_start3A_2034 = tpu.memref_slice %dma_start3A_2031[%dma_start3A_2032, %dma_start3A_2033] : memref<800x128xf32, #tpu.memory_space<hbm>> -> memref<800x8xf32, #tpu.memory_space<hbm>>
      %dma_start3A_2035 = arith.constant 0 : i32
      %dma_start3A_2036 = tpu.memref_slice %arg14[%mul3A_13, %dma_start3A_2035] : memref<204800x128xf32, #tpu.memory_space<hbm>> -> memref<800x128xf32, #tpu.memory_space<hbm>>
      %dma_start3A_2037 = arith.constant 0 : i32
      %dma_start3A_2038 = arith.constant 40 : i32
      %dma_start3A_2039 = tpu.memref_slice %dma_start3A_2036[%dma_start3A_2037, %dma_start3A_2038] : memref<800x128xf32, #tpu.memory_space<hbm>> -> memref<800x8xf32, #tpu.memory_space<hbm>>
      tpu.enqueue_dma source(%arg26 : memref<800x8xf32, #tpu.memory_space<vmem>>) target(%dma_start3A_2039 : memref<800x8xf32, #tpu.memory_space<hbm>>) target_semaphore(%arg27 : memref<!tpu.dma_semaphore, #tpu.memory_space<semaphore_mem>>)
      %dma_wait3A_2040 = arith.constant 0 : i32
      %dma_wait3A_2041 = tpu.memref_slice %arg14[%mul3A_13, %dma_wait3A_2040] : memref<204800x128xf32, #tpu.memory_space<hbm>> -> memref<800x128xf32, #tpu.memory_space<hbm>>
      %dma_wait3A_2042 = arith.constant 0 : i32
      %dma_wait3A_2043 = arith.constant 0 : i32
      %dma_wait3A_2044 = tpu.memref_slice %dma_wait3A_2041[%dma_wait3A_2042, %dma_wait3A_2043] : memref<800x128xf32, #tpu.memory_space<hbm>> -> memref<800x8xf32, #tpu.memory_space<hbm>>
      %dma_wait3A_2045 = arith.constant 0 : i32
      %dma_wait3A_2046 = tpu.memref_slice %arg14[%mul3A_13, %dma_wait3A_2045] : memref<204800x128xf32, #tpu.memory_space<hbm>> -> memref<800x128xf32, #tpu.memory_space<hbm>>
      %dma_wait3A_2047 = arith.constant 0 : i32
      %dma_wait3A_2048 = arith.constant 0 : i32
      %dma_wait3A_2049 = tpu.memref_slice %dma_wait3A_2046[%dma_wait3A_2047, %dma_wait3A_2048] : memref<800x128xf32, #tpu.memory_space<hbm>> -> memref<800x8xf32, #tpu.memory_space<hbm>>
      tpu.wait_dma2 semaphore(%arg27 : memref<!tpu.dma_semaphore, #tpu.memory_space<semaphore_mem>>) src(%arg21 : memref<800x8xf32, #tpu.memory_space<vmem>>) dst(%dma_wait3A_2049 : memref<800x8xf32, #tpu.memory_space<hbm>>)
      %dma_wait3A_2050 = arith.constant 0 : i32
      %dma_wait3A_2051 = tpu.memref_slice %arg14[%mul3A_13, %dma_wait3A_2050] : memref<204800x128xf32, #tpu.memory_space<hbm>> -> memref<800x128xf32, #tpu.memory_space<hbm>>
      %dma_wait3A_2052 = arith.constant 0 : i32
      %dma_wait3A_2053 = arith.constant 8 : i32
      %dma_wait3A_2054 = tpu.memref_slice %dma_wait3A_2051[%dma_wait3A_2052, %dma_wait3A_2053] : memref<800x128xf32, #tpu.memory_space<hbm>> -> memref<800x8xf32, #tpu.memory_space<hbm>>
      %dma_wait3A_2055 = arith.constant 0 : i32
      %dma_wait3A_2056 = tpu.memref_slice %arg14[%mul3A_13, %dma_wait3A_2055] : memref<204800x128xf32, #tpu.memory_space<hbm>> -> memref<800x128xf32, #tpu.memory_space<hbm>>
      %dma_wait3A_2057 = arith.constant 0 : i32
      %dma_wait3A_2058 = arith.constant 8 : i32
      %dma_wait3A_2059 = tpu.memref_slice %dma_wait3A_2056[%dma_wait3A_2057, %dma_wait3A_2058] : memref<800x128xf32, #tpu.memory_space<hbm>> -> memref<800x8xf32, #tpu.memory_space<hbm>>
      tpu.wait_dma2 semaphore(%arg27 : memref<!tpu.dma_semaphore, #tpu.memory_space<semaphore_mem>>) src(%arg22 : memref<800x8xf32, #tpu.memory_space<vmem>>) dst(%dma_wait3A_2059 : memref<800x8xf32, #tpu.memory_space<hbm>>)
      %dma_wait3A_2060 = arith.constant 0 : i32
      %dma_wait3A_2061 = tpu.memref_slice %arg14[%mul3A_13, %dma_wait3A_2060] : memref<204800x128xf32, #tpu.memory_space<hbm>> -> memref<800x128xf32, #tpu.memory_space<hbm>>
      %dma_wait3A_2062 = arith.constant 0 : i32
      %dma_wait3A_2063 = arith.constant 16 : i32
      %dma_wait3A_2064 = tpu.memref_slice %dma_wait3A_2061[%dma_wait3A_2062, %dma_wait3A_2063] : memref<800x128xf32, #tpu.memory_space<hbm>> -> memref<800x8xf32, #tpu.memory_space<hbm>>
      %dma_wait3A_2065 = arith.constant 0 : i32
      %dma_wait3A_2066 = tpu.memref_slice %arg14[%mul3A_13, %dma_wait3A_2065] : memref<204800x128xf32, #tpu.memory_space<hbm>> -> memref<800x128xf32, #tpu.memory_space<hbm>>
      %dma_wait3A_2067 = arith.constant 0 : i32
      %dma_wait3A_2068 = arith.constant 16 : i32
      %dma_wait3A_2069 = tpu.memref_slice %dma_wait3A_2066[%dma_wait3A_2067, %dma_wait3A_2068] : memref<800x128xf32, #tpu.memory_space<hbm>> -> memref<800x8xf32, #tpu.memory_space<hbm>>
      tpu.wait_dma2 semaphore(%arg27 : memref<!tpu.dma_semaphore, #tpu.memory_space<semaphore_mem>>) src(%arg23 : memref<800x8xf32, #tpu.memory_space<vmem>>) dst(%dma_wait3A_2069 : memref<800x8xf32, #tpu.memory_space<hbm>>)
      %dma_wait3A_2070 = arith.constant 0 : i32
      %dma_wait3A_2071 = tpu.memref_slice %arg14[%mul3A_13, %dma_wait3A_2070] : memref<204800x128xf32, #tpu.memory_space<hbm>> -> memref<800x128xf32, #tpu.memory_space<hbm>>
      %dma_wait3A_2072 = arith.constant 0 : i32
      %dma_wait3A_2073 = arith.constant 24 : i32
      %dma_wait3A_2074 = tpu.memref_slice %dma_wait3A_2071[%dma_wait3A_2072, %dma_wait3A_2073] : memref<800x128xf32, #tpu.memory_space<hbm>> -> memref<800x8xf32, #tpu.memory_space<hbm>>
      %dma_wait3A_2075 = arith.constant 0 : i32
      %dma_wait3A_2076 = tpu.memref_slice %arg14[%mul3A_13, %dma_wait3A_2075] : memref<204800x128xf32, #tpu.memory_space<hbm>> -> memref<800x128xf32, #tpu.memory_space<hbm>>
      %dma_wait3A_2077 = arith.constant 0 : i32
      %dma_wait3A_2078 = arith.constant 24 : i32
      %dma_wait3A_2079 = tpu.memref_slice %dma_wait3A_2076[%dma_wait3A_2077, %dma_wait3A_2078] : memref<800x128xf32, #tpu.memory_space<hbm>> -> memref<800x8xf32, #tpu.memory_space<hbm>>
      tpu.wait_dma2 semaphore(%arg27 : memref<!tpu.dma_semaphore, #tpu.memory_space<semaphore_mem>>) src(%arg24 : memref<800x8xf32, #tpu.memory_space<vmem>>) dst(%dma_wait3A_2079 : memref<800x8xf32, #tpu.memory_space<hbm>>)
      %dma_wait3A_2080 = arith.constant 0 : i32
      %dma_wait3A_2081 = tpu.memref_slice %arg14[%mul3A_13, %dma_wait3A_2080] : memref<204800x128xf32, #tpu.memory_space<hbm>> -> memref<800x128xf32, #tpu.memory_space<hbm>>
      %dma_wait3A_2082 = arith.constant 0 : i32
      %dma_wait3A_2083 = arith.constant 32 : i32
      %dma_wait3A_2084 = tpu.memref_slice %dma_wait3A_2081[%dma_wait3A_2082, %dma_wait3A_2083] : memref<800x128xf32, #tpu.memory_space<hbm>> -> memref<800x8xf32, #tpu.memory_space<hbm>>
      %dma_wait3A_2085 = arith.constant 0 : i32
      %dma_wait3A_2086 = tpu.memref_slice %arg14[%mul3A_13, %dma_wait3A_2085] : memref<204800x128xf32, #tpu.memory_space<hbm>> -> memref<800x128xf32, #tpu.memory_space<hbm>>
      %dma_wait3A_2087 = arith.constant 0 : i32
      %dma_wait3A_2088 = arith.constant 32 : i32
      %dma_wait3A_2089 = tpu.memref_slice %dma_wait3A_2086[%dma_wait3A_2087, %dma_wait3A_2088] : memref<800x128xf32, #tpu.memory_space<hbm>> -> memref<800x8xf32, #tpu.memory_space<hbm>>
      tpu.wait_dma2 semaphore(%arg27 : memref<!tpu.dma_semaphore, #tpu.memory_space<semaphore_mem>>) src(%arg25 : memref<800x8xf32, #tpu.memory_space<vmem>>) dst(%dma_wait3A_2089 : memref<800x8xf32, #tpu.memory_space<hbm>>)
      %dma_wait3A_2090 = arith.constant 0 : i32
      %dma_wait3A_2091 = tpu.memref_slice %arg14[%mul3A_13, %dma_wait3A_2090] : memref<204800x128xf32, #tpu.memory_space<hbm>> -> memref<800x128xf32, #tpu.memory_space<hbm>>
      %dma_wait3A_2092 = arith.constant 0 : i32
      %dma_wait3A_2093 = arith.constant 40 : i32
      %dma_wait3A_2094 = tpu.memref_slice %dma_wait3A_2091[%dma_wait3A_2092, %dma_wait3A_2093] : memref<800x128xf32, #tpu.memory_space<hbm>> -> memref<800x8xf32, #tpu.memory_space<hbm>>
      %dma_wait3A_2095 = arith.constant 0 : i32
      %dma_wait3A_2096 = tpu.memref_slice %arg14[%mul3A_13, %dma_wait3A_2095] : memref<204800x128xf32, #tpu.memory_space<hbm>> -> memref<800x128xf32, #tpu.memory_space<hbm>>
      %dma_wait3A_2097 = arith.constant 0 : i32
      %dma_wait3A_2098 = arith.constant 40 : i32
      %dma_wait3A_2099 = tpu.memref_slice %dma_wait3A_2096[%dma_wait3A_2097, %dma_wait3A_2098] : memref<800x128xf32, #tpu.memory_space<hbm>> -> memref<800x8xf32, #tpu.memory_space<hbm>>
      tpu.wait_dma2 semaphore(%arg27 : memref<!tpu.dma_semaphore, #tpu.memory_space<semaphore_mem>>) src(%arg26 : memref<800x8xf32, #tpu.memory_space<vmem>>) dst(%dma_wait3A_2099 : memref<800x8xf32, #tpu.memory_space<hbm>>)
    }
    %scan3A_7 = arith.constant 8 : i32
    return
  }
}

module attributes {stable_mosaic.version = 14 : i64} {
  func.func @_tc_body(%arg0: i32, %arg1: memref<800x128xf32, #tpu.memory_space<vmem>>, %arg2: memref<16x50x6xf32, #tpu.memory_space<vmem>>, %arg3: memref<16x50x16xf32, #tpu.memory_space<vmem>>, %arg4: memref<16x50x32xf32, #tpu.memory_space<vmem>>, %arg5: memref<128x256xf32, #tpu.memory_space<vmem>>, %arg6: memref<6x256xf32, #tpu.memory_space<vmem>>, %arg7: memref<16x256xf32, #tpu.memory_space<vmem>>, %arg8: memref<32x256xf32, #tpu.memory_space<vmem>>, %arg9: memref<1x128xf32, #tpu.memory_space<vmem>>, %arg10: memref<1x256xf32, #tpu.memory_space<vmem>>, %arg11: memref<1x128xf32, #tpu.memory_space<vmem>>, %arg12: memref<1x128xf32, #tpu.memory_space<vmem>>, %arg13: memref<16x50x128xf32, #tpu.memory_space<vmem>>) attributes {dimension_semantics = [#tpu.dimension_semantics<arbitrary>], iteration_bounds = array<i64: 256>, scalar_prefetch = 0 : i64, scratch_operands = 0 : i64, tpu.core_type = #tpu.core_type<tc>, window_params = [{transform_indices = @transform_0, window_bounds = array<i64: 800, 128>}, {transform_indices = @transform_1, window_bounds = array<i64: 16, 50, 6>}, {transform_indices = @transform_2, window_bounds = array<i64: 16, 50, 16>}, {transform_indices = @transform_3, window_bounds = array<i64: 16, 50, 32>}, {pipeline_mode = #tpu.pipeline_mode<synchronous>, transform_indices = @transform_4, window_bounds = array<i64: 128, 256>}, {pipeline_mode = #tpu.pipeline_mode<synchronous>, transform_indices = @transform_5, window_bounds = array<i64: 6, 256>}, {pipeline_mode = #tpu.pipeline_mode<synchronous>, transform_indices = @transform_6, window_bounds = array<i64: 16, 256>}, {pipeline_mode = #tpu.pipeline_mode<synchronous>, transform_indices = @transform_7, window_bounds = array<i64: 32, 256>}, {pipeline_mode = #tpu.pipeline_mode<synchronous>, transform_indices = @transform_8, window_bounds = array<i64: 1, 128>}, {pipeline_mode = #tpu.pipeline_mode<synchronous>, transform_indices = @transform_9, window_bounds = array<i64: 1, 256>}, {pipeline_mode = #tpu.pipeline_mode<synchronous>, transform_indices = @transform_10, window_bounds = array<i64: 1, 128>}, {pipeline_mode = #tpu.pipeline_mode<synchronous>, transform_indices = @transform_11, window_bounds = array<i64: 1, 128>}, {transform_indices = @transform_12, window_bounds = array<i64: 16, 50, 128>}]} {
    %get3A = arith.constant 0 : index
    %get3A_0 = arith.constant 0 : index
    %get3A_1 = vector.load %arg9[%get3A, %get3A_0] : memref<1x128xf32, #tpu.memory_space<vmem>>, vector<1x128xf32>
    %ne3A = arith.constant 0.000000e+00 : f32
    %ne3A_2 = vector.broadcast %ne3A : f32 to vector<1x128xf32>
    %ne3A_3 = arith.cmpf one, %get3A_1, %ne3A_2 : vector<1x128xf32>
    %get3A_4 = arith.constant 0 : index
    %get3A_5 = arith.constant 0 : index
    %get3A_6 = vector.load %arg1[%get3A_4, %get3A_5] : memref<800x128xf32, #tpu.memory_space<vmem>>, vector<800x128xf32>
    %jit3A = arith.constant 0.000000e+00 : f32
    %broadcast_in_dim3A = vector.shape_cast %ne3A_3 : vector<1x128xi1> to vector<1x128xi1>
    %broadcast_in_dim3A_7 = vector.broadcast %broadcast_in_dim3A : vector<1x128xi1> to vector<800x128xi1>
    %broadcast_in_dim3A_8 = vector.broadcast %jit3A : f32 to vector<800x128xf32>
    %select_n3A = arith.select %broadcast_in_dim3A_7, %get3A_6, %broadcast_in_dim3A_8 : vector<800x128xi1>, vector<800x128xf32>
    %get3A_9 = arith.constant 0 : index
    %get3A_10 = arith.constant 0 : index
    %get3A_11 = vector.load %arg5[%get3A_9, %get3A_10] : memref<128x256xf32, #tpu.memory_space<vmem>>, vector<128x256xf32>
    %dot_general3A = arith.constant dense<0.000000e+00> : vector<800x256xf32>
    %dot_general3A_12 = tpu.matmul %select_n3A, %get3A_11, %dot_general3A {dimension_numbers = #tpu.dot_dimension_numbers<[1], [0], [0], [1], [0, 0, 1, 1], [], []>, transpose_lhs_hint = false} : vector<800x128xf32>, vector<128x256xf32>, vector<800x256xf32> -> vector<800x256xf32>
    %get3A_13 = arith.constant 0 : index
    %get3A_14 = arith.constant 0 : index
    %get3A_15 = arith.constant 0 : index
    %get3A_16 = vector.load %arg2[%get3A_13, %get3A_14, %get3A_15] : memref<16x50x6xf32, #tpu.memory_space<vmem>>, vector<1x50x6xf32>
    %get3A_17 = vector.shape_cast %get3A_16 : vector<1x50x6xf32> to vector<50x6xf32>
    %get3A_18 = arith.constant 1 : index
    %get3A_19 = arith.constant 0 : index
    %get3A_20 = arith.constant 0 : index
    %get3A_21 = vector.load %arg2[%get3A_18, %get3A_19, %get3A_20] : memref<16x50x6xf32, #tpu.memory_space<vmem>>, vector<1x50x6xf32>
    %get3A_22 = vector.shape_cast %get3A_21 : vector<1x50x6xf32> to vector<50x6xf32>
    %get3A_23 = arith.constant 2 : index
    %get3A_24 = arith.constant 0 : index
    %get3A_25 = arith.constant 0 : index
    %get3A_26 = vector.load %arg2[%get3A_23, %get3A_24, %get3A_25] : memref<16x50x6xf32, #tpu.memory_space<vmem>>, vector<1x50x6xf32>
    %get3A_27 = vector.shape_cast %get3A_26 : vector<1x50x6xf32> to vector<50x6xf32>
    %get3A_28 = arith.constant 3 : index
    %get3A_29 = arith.constant 0 : index
    %get3A_30 = arith.constant 0 : index
    %get3A_31 = vector.load %arg2[%get3A_28, %get3A_29, %get3A_30] : memref<16x50x6xf32, #tpu.memory_space<vmem>>, vector<1x50x6xf32>
    %get3A_32 = vector.shape_cast %get3A_31 : vector<1x50x6xf32> to vector<50x6xf32>
    %get3A_33 = arith.constant 4 : index
    %get3A_34 = arith.constant 0 : index
    %get3A_35 = arith.constant 0 : index
    %get3A_36 = vector.load %arg2[%get3A_33, %get3A_34, %get3A_35] : memref<16x50x6xf32, #tpu.memory_space<vmem>>, vector<1x50x6xf32>
    %get3A_37 = vector.shape_cast %get3A_36 : vector<1x50x6xf32> to vector<50x6xf32>
    %get3A_38 = arith.constant 5 : index
    %get3A_39 = arith.constant 0 : index
    %get3A_40 = arith.constant 0 : index
    %get3A_41 = vector.load %arg2[%get3A_38, %get3A_39, %get3A_40] : memref<16x50x6xf32, #tpu.memory_space<vmem>>, vector<1x50x6xf32>
    %get3A_42 = vector.shape_cast %get3A_41 : vector<1x50x6xf32> to vector<50x6xf32>
    %get3A_43 = arith.constant 6 : index
    %get3A_44 = arith.constant 0 : index
    %get3A_45 = arith.constant 0 : index
    %get3A_46 = vector.load %arg2[%get3A_43, %get3A_44, %get3A_45] : memref<16x50x6xf32, #tpu.memory_space<vmem>>, vector<1x50x6xf32>
    %get3A_47 = vector.shape_cast %get3A_46 : vector<1x50x6xf32> to vector<50x6xf32>
    %get3A_48 = arith.constant 7 : index
    %get3A_49 = arith.constant 0 : index
    %get3A_50 = arith.constant 0 : index
    %get3A_51 = vector.load %arg2[%get3A_48, %get3A_49, %get3A_50] : memref<16x50x6xf32, #tpu.memory_space<vmem>>, vector<1x50x6xf32>
    %get3A_52 = vector.shape_cast %get3A_51 : vector<1x50x6xf32> to vector<50x6xf32>
    %get3A_53 = arith.constant 8 : index
    %get3A_54 = arith.constant 0 : index
    %get3A_55 = arith.constant 0 : index
    %get3A_56 = vector.load %arg2[%get3A_53, %get3A_54, %get3A_55] : memref<16x50x6xf32, #tpu.memory_space<vmem>>, vector<1x50x6xf32>
    %get3A_57 = vector.shape_cast %get3A_56 : vector<1x50x6xf32> to vector<50x6xf32>
    %get3A_58 = arith.constant 9 : index
    %get3A_59 = arith.constant 0 : index
    %get3A_60 = arith.constant 0 : index
    %get3A_61 = vector.load %arg2[%get3A_58, %get3A_59, %get3A_60] : memref<16x50x6xf32, #tpu.memory_space<vmem>>, vector<1x50x6xf32>
    %get3A_62 = vector.shape_cast %get3A_61 : vector<1x50x6xf32> to vector<50x6xf32>
    %get3A_63 = arith.constant 10 : index
    %get3A_64 = arith.constant 0 : index
    %get3A_65 = arith.constant 0 : index
    %get3A_66 = vector.load %arg2[%get3A_63, %get3A_64, %get3A_65] : memref<16x50x6xf32, #tpu.memory_space<vmem>>, vector<1x50x6xf32>
    %get3A_67 = vector.shape_cast %get3A_66 : vector<1x50x6xf32> to vector<50x6xf32>
    %get3A_68 = arith.constant 11 : index
    %get3A_69 = arith.constant 0 : index
    %get3A_70 = arith.constant 0 : index
    %get3A_71 = vector.load %arg2[%get3A_68, %get3A_69, %get3A_70] : memref<16x50x6xf32, #tpu.memory_space<vmem>>, vector<1x50x6xf32>
    %get3A_72 = vector.shape_cast %get3A_71 : vector<1x50x6xf32> to vector<50x6xf32>
    %get3A_73 = arith.constant 12 : index
    %get3A_74 = arith.constant 0 : index
    %get3A_75 = arith.constant 0 : index
    %get3A_76 = vector.load %arg2[%get3A_73, %get3A_74, %get3A_75] : memref<16x50x6xf32, #tpu.memory_space<vmem>>, vector<1x50x6xf32>
    %get3A_77 = vector.shape_cast %get3A_76 : vector<1x50x6xf32> to vector<50x6xf32>
    %get3A_78 = arith.constant 13 : index
    %get3A_79 = arith.constant 0 : index
    %get3A_80 = arith.constant 0 : index
    %get3A_81 = vector.load %arg2[%get3A_78, %get3A_79, %get3A_80] : memref<16x50x6xf32, #tpu.memory_space<vmem>>, vector<1x50x6xf32>
    %get3A_82 = vector.shape_cast %get3A_81 : vector<1x50x6xf32> to vector<50x6xf32>
    %get3A_83 = arith.constant 14 : index
    %get3A_84 = arith.constant 0 : index
    %get3A_85 = arith.constant 0 : index
    %get3A_86 = vector.load %arg2[%get3A_83, %get3A_84, %get3A_85] : memref<16x50x6xf32, #tpu.memory_space<vmem>>, vector<1x50x6xf32>
    %get3A_87 = vector.shape_cast %get3A_86 : vector<1x50x6xf32> to vector<50x6xf32>
    %get3A_88 = arith.constant 15 : index
    %get3A_89 = arith.constant 0 : index
    %get3A_90 = arith.constant 0 : index
    %get3A_91 = vector.load %arg2[%get3A_88, %get3A_89, %get3A_90] : memref<16x50x6xf32, #tpu.memory_space<vmem>>, vector<1x50x6xf32>
    %get3A_92 = vector.shape_cast %get3A_91 : vector<1x50x6xf32> to vector<50x6xf32>
    %concatenate3A = tpu.concatenate %get3A_17, %get3A_22, %get3A_27, %get3A_32, %get3A_37, %get3A_42, %get3A_47, %get3A_52, %get3A_57, %get3A_62, %get3A_67, %get3A_72, %get3A_77, %get3A_82, %get3A_87, %get3A_92 in 0 : vector<50x6xf32>, vector<50x6xf32>, vector<50x6xf32>, vector<50x6xf32>, vector<50x6xf32>, vector<50x6xf32>, vector<50x6xf32>, vector<50x6xf32>, vector<50x6xf32>, vector<50x6xf32>, vector<50x6xf32>, vector<50x6xf32>, vector<50x6xf32>, vector<50x6xf32>, vector<50x6xf32>, vector<50x6xf32> -> vector<800x6xf32>
    %get3A_93 = arith.constant 0 : index
    %get3A_94 = arith.constant 0 : index
    %get3A_95 = vector.load %arg6[%get3A_93, %get3A_94] : memref<6x256xf32, #tpu.memory_space<vmem>>, vector<6x256xf32>
    %dot_general3A_96 = arith.constant dense<0.000000e+00> : vector<800x256xf32>
    %dot_general3A_97 = tpu.matmul %concatenate3A, %get3A_95, %dot_general3A_96 {dimension_numbers = #tpu.dot_dimension_numbers<[1], [0], [0], [1], [0, 0, 1, 1], [], []>, transpose_lhs_hint = false} : vector<800x6xf32>, vector<6x256xf32>, vector<800x256xf32> -> vector<800x256xf32>
    %add3A = arith.addf %dot_general3A_12, %dot_general3A_97 : vector<800x256xf32>
    %get3A_98 = arith.constant 0 : index
    %get3A_99 = arith.constant 0 : index
    %get3A_100 = arith.constant 0 : index
    %get3A_101 = vector.load %arg3[%get3A_98, %get3A_99, %get3A_100] : memref<16x50x16xf32, #tpu.memory_space<vmem>>, vector<1x50x16xf32>
    %get3A_102 = vector.shape_cast %get3A_101 : vector<1x50x16xf32> to vector<50x16xf32>
    %get3A_103 = arith.constant 1 : index
    %get3A_104 = arith.constant 0 : index
    %get3A_105 = arith.constant 0 : index
    %get3A_106 = vector.load %arg3[%get3A_103, %get3A_104, %get3A_105] : memref<16x50x16xf32, #tpu.memory_space<vmem>>, vector<1x50x16xf32>
    %get3A_107 = vector.shape_cast %get3A_106 : vector<1x50x16xf32> to vector<50x16xf32>
    %get3A_108 = arith.constant 2 : index
    %get3A_109 = arith.constant 0 : index
    %get3A_110 = arith.constant 0 : index
    %get3A_111 = vector.load %arg3[%get3A_108, %get3A_109, %get3A_110] : memref<16x50x16xf32, #tpu.memory_space<vmem>>, vector<1x50x16xf32>
    %get3A_112 = vector.shape_cast %get3A_111 : vector<1x50x16xf32> to vector<50x16xf32>
    %get3A_113 = arith.constant 3 : index
    %get3A_114 = arith.constant 0 : index
    %get3A_115 = arith.constant 0 : index
    %get3A_116 = vector.load %arg3[%get3A_113, %get3A_114, %get3A_115] : memref<16x50x16xf32, #tpu.memory_space<vmem>>, vector<1x50x16xf32>
    %get3A_117 = vector.shape_cast %get3A_116 : vector<1x50x16xf32> to vector<50x16xf32>
    %get3A_118 = arith.constant 4 : index
    %get3A_119 = arith.constant 0 : index
    %get3A_120 = arith.constant 0 : index
    %get3A_121 = vector.load %arg3[%get3A_118, %get3A_119, %get3A_120] : memref<16x50x16xf32, #tpu.memory_space<vmem>>, vector<1x50x16xf32>
    %get3A_122 = vector.shape_cast %get3A_121 : vector<1x50x16xf32> to vector<50x16xf32>
    %get3A_123 = arith.constant 5 : index
    %get3A_124 = arith.constant 0 : index
    %get3A_125 = arith.constant 0 : index
    %get3A_126 = vector.load %arg3[%get3A_123, %get3A_124, %get3A_125] : memref<16x50x16xf32, #tpu.memory_space<vmem>>, vector<1x50x16xf32>
    %get3A_127 = vector.shape_cast %get3A_126 : vector<1x50x16xf32> to vector<50x16xf32>
    %get3A_128 = arith.constant 6 : index
    %get3A_129 = arith.constant 0 : index
    %get3A_130 = arith.constant 0 : index
    %get3A_131 = vector.load %arg3[%get3A_128, %get3A_129, %get3A_130] : memref<16x50x16xf32, #tpu.memory_space<vmem>>, vector<1x50x16xf32>
    %get3A_132 = vector.shape_cast %get3A_131 : vector<1x50x16xf32> to vector<50x16xf32>
    %get3A_133 = arith.constant 7 : index
    %get3A_134 = arith.constant 0 : index
    %get3A_135 = arith.constant 0 : index
    %get3A_136 = vector.load %arg3[%get3A_133, %get3A_134, %get3A_135] : memref<16x50x16xf32, #tpu.memory_space<vmem>>, vector<1x50x16xf32>
    %get3A_137 = vector.shape_cast %get3A_136 : vector<1x50x16xf32> to vector<50x16xf32>
    %get3A_138 = arith.constant 8 : index
    %get3A_139 = arith.constant 0 : index
    %get3A_140 = arith.constant 0 : index
    %get3A_141 = vector.load %arg3[%get3A_138, %get3A_139, %get3A_140] : memref<16x50x16xf32, #tpu.memory_space<vmem>>, vector<1x50x16xf32>
    %get3A_142 = vector.shape_cast %get3A_141 : vector<1x50x16xf32> to vector<50x16xf32>
    %get3A_143 = arith.constant 9 : index
    %get3A_144 = arith.constant 0 : index
    %get3A_145 = arith.constant 0 : index
    %get3A_146 = vector.load %arg3[%get3A_143, %get3A_144, %get3A_145] : memref<16x50x16xf32, #tpu.memory_space<vmem>>, vector<1x50x16xf32>
    %get3A_147 = vector.shape_cast %get3A_146 : vector<1x50x16xf32> to vector<50x16xf32>
    %get3A_148 = arith.constant 10 : index
    %get3A_149 = arith.constant 0 : index
    %get3A_150 = arith.constant 0 : index
    %get3A_151 = vector.load %arg3[%get3A_148, %get3A_149, %get3A_150] : memref<16x50x16xf32, #tpu.memory_space<vmem>>, vector<1x50x16xf32>
    %get3A_152 = vector.shape_cast %get3A_151 : vector<1x50x16xf32> to vector<50x16xf32>
    %get3A_153 = arith.constant 11 : index
    %get3A_154 = arith.constant 0 : index
    %get3A_155 = arith.constant 0 : index
    %get3A_156 = vector.load %arg3[%get3A_153, %get3A_154, %get3A_155] : memref<16x50x16xf32, #tpu.memory_space<vmem>>, vector<1x50x16xf32>
    %get3A_157 = vector.shape_cast %get3A_156 : vector<1x50x16xf32> to vector<50x16xf32>
    %get3A_158 = arith.constant 12 : index
    %get3A_159 = arith.constant 0 : index
    %get3A_160 = arith.constant 0 : index
    %get3A_161 = vector.load %arg3[%get3A_158, %get3A_159, %get3A_160] : memref<16x50x16xf32, #tpu.memory_space<vmem>>, vector<1x50x16xf32>
    %get3A_162 = vector.shape_cast %get3A_161 : vector<1x50x16xf32> to vector<50x16xf32>
    %get3A_163 = arith.constant 13 : index
    %get3A_164 = arith.constant 0 : index
    %get3A_165 = arith.constant 0 : index
    %get3A_166 = vector.load %arg3[%get3A_163, %get3A_164, %get3A_165] : memref<16x50x16xf32, #tpu.memory_space<vmem>>, vector<1x50x16xf32>
    %get3A_167 = vector.shape_cast %get3A_166 : vector<1x50x16xf32> to vector<50x16xf32>
    %get3A_168 = arith.constant 14 : index
    %get3A_169 = arith.constant 0 : index
    %get3A_170 = arith.constant 0 : index
    %get3A_171 = vector.load %arg3[%get3A_168, %get3A_169, %get3A_170] : memref<16x50x16xf32, #tpu.memory_space<vmem>>, vector<1x50x16xf32>
    %get3A_172 = vector.shape_cast %get3A_171 : vector<1x50x16xf32> to vector<50x16xf32>
    %get3A_173 = arith.constant 15 : index
    %get3A_174 = arith.constant 0 : index
    %get3A_175 = arith.constant 0 : index
    %get3A_176 = vector.load %arg3[%get3A_173, %get3A_174, %get3A_175] : memref<16x50x16xf32, #tpu.memory_space<vmem>>, vector<1x50x16xf32>
    %get3A_177 = vector.shape_cast %get3A_176 : vector<1x50x16xf32> to vector<50x16xf32>
    %concatenate3A_178 = tpu.concatenate %get3A_102, %get3A_107, %get3A_112, %get3A_117, %get3A_122, %get3A_127, %get3A_132, %get3A_137, %get3A_142, %get3A_147, %get3A_152, %get3A_157, %get3A_162, %get3A_167, %get3A_172, %get3A_177 in 0 : vector<50x16xf32>, vector<50x16xf32>, vector<50x16xf32>, vector<50x16xf32>, vector<50x16xf32>, vector<50x16xf32>, vector<50x16xf32>, vector<50x16xf32>, vector<50x16xf32>, vector<50x16xf32>, vector<50x16xf32>, vector<50x16xf32>, vector<50x16xf32>, vector<50x16xf32>, vector<50x16xf32>, vector<50x16xf32> -> vector<800x16xf32>
    %get3A_179 = arith.constant 0 : index
    %get3A_180 = arith.constant 0 : index
    %get3A_181 = vector.load %arg7[%get3A_179, %get3A_180] : memref<16x256xf32, #tpu.memory_space<vmem>>, vector<16x256xf32>
    %dot_general3A_182 = arith.constant dense<0.000000e+00> : vector<800x256xf32>
    %dot_general3A_183 = tpu.matmul %concatenate3A_178, %get3A_181, %dot_general3A_182 {dimension_numbers = #tpu.dot_dimension_numbers<[1], [0], [0], [1], [0, 0, 1, 1], [], []>, transpose_lhs_hint = false} : vector<800x16xf32>, vector<16x256xf32>, vector<800x256xf32> -> vector<800x256xf32>
    %add3A_184 = arith.addf %add3A, %dot_general3A_183 : vector<800x256xf32>
    %get3A_185 = arith.constant 0 : index
    %get3A_186 = arith.constant 0 : index
    %get3A_187 = arith.constant 0 : index
    %get3A_188 = vector.load %arg4[%get3A_185, %get3A_186, %get3A_187] : memref<16x50x32xf32, #tpu.memory_space<vmem>>, vector<1x50x32xf32>
    %get3A_189 = vector.shape_cast %get3A_188 : vector<1x50x32xf32> to vector<50x32xf32>
    %get3A_190 = arith.constant 1 : index
    %get3A_191 = arith.constant 0 : index
    %get3A_192 = arith.constant 0 : index
    %get3A_193 = vector.load %arg4[%get3A_190, %get3A_191, %get3A_192] : memref<16x50x32xf32, #tpu.memory_space<vmem>>, vector<1x50x32xf32>
    %get3A_194 = vector.shape_cast %get3A_193 : vector<1x50x32xf32> to vector<50x32xf32>
    %get3A_195 = arith.constant 2 : index
    %get3A_196 = arith.constant 0 : index
    %get3A_197 = arith.constant 0 : index
    %get3A_198 = vector.load %arg4[%get3A_195, %get3A_196, %get3A_197] : memref<16x50x32xf32, #tpu.memory_space<vmem>>, vector<1x50x32xf32>
    %get3A_199 = vector.shape_cast %get3A_198 : vector<1x50x32xf32> to vector<50x32xf32>
    %get3A_200 = arith.constant 3 : index
    %get3A_201 = arith.constant 0 : index
    %get3A_202 = arith.constant 0 : index
    %get3A_203 = vector.load %arg4[%get3A_200, %get3A_201, %get3A_202] : memref<16x50x32xf32, #tpu.memory_space<vmem>>, vector<1x50x32xf32>
    %get3A_204 = vector.shape_cast %get3A_203 : vector<1x50x32xf32> to vector<50x32xf32>
    %get3A_205 = arith.constant 4 : index
    %get3A_206 = arith.constant 0 : index
    %get3A_207 = arith.constant 0 : index
    %get3A_208 = vector.load %arg4[%get3A_205, %get3A_206, %get3A_207] : memref<16x50x32xf32, #tpu.memory_space<vmem>>, vector<1x50x32xf32>
    %get3A_209 = vector.shape_cast %get3A_208 : vector<1x50x32xf32> to vector<50x32xf32>
    %get3A_210 = arith.constant 5 : index
    %get3A_211 = arith.constant 0 : index
    %get3A_212 = arith.constant 0 : index
    %get3A_213 = vector.load %arg4[%get3A_210, %get3A_211, %get3A_212] : memref<16x50x32xf32, #tpu.memory_space<vmem>>, vector<1x50x32xf32>
    %get3A_214 = vector.shape_cast %get3A_213 : vector<1x50x32xf32> to vector<50x32xf32>
    %get3A_215 = arith.constant 6 : index
    %get3A_216 = arith.constant 0 : index
    %get3A_217 = arith.constant 0 : index
    %get3A_218 = vector.load %arg4[%get3A_215, %get3A_216, %get3A_217] : memref<16x50x32xf32, #tpu.memory_space<vmem>>, vector<1x50x32xf32>
    %get3A_219 = vector.shape_cast %get3A_218 : vector<1x50x32xf32> to vector<50x32xf32>
    %get3A_220 = arith.constant 7 : index
    %get3A_221 = arith.constant 0 : index
    %get3A_222 = arith.constant 0 : index
    %get3A_223 = vector.load %arg4[%get3A_220, %get3A_221, %get3A_222] : memref<16x50x32xf32, #tpu.memory_space<vmem>>, vector<1x50x32xf32>
    %get3A_224 = vector.shape_cast %get3A_223 : vector<1x50x32xf32> to vector<50x32xf32>
    %get3A_225 = arith.constant 8 : index
    %get3A_226 = arith.constant 0 : index
    %get3A_227 = arith.constant 0 : index
    %get3A_228 = vector.load %arg4[%get3A_225, %get3A_226, %get3A_227] : memref<16x50x32xf32, #tpu.memory_space<vmem>>, vector<1x50x32xf32>
    %get3A_229 = vector.shape_cast %get3A_228 : vector<1x50x32xf32> to vector<50x32xf32>
    %get3A_230 = arith.constant 9 : index
    %get3A_231 = arith.constant 0 : index
    %get3A_232 = arith.constant 0 : index
    %get3A_233 = vector.load %arg4[%get3A_230, %get3A_231, %get3A_232] : memref<16x50x32xf32, #tpu.memory_space<vmem>>, vector<1x50x32xf32>
    %get3A_234 = vector.shape_cast %get3A_233 : vector<1x50x32xf32> to vector<50x32xf32>
    %get3A_235 = arith.constant 10 : index
    %get3A_236 = arith.constant 0 : index
    %get3A_237 = arith.constant 0 : index
    %get3A_238 = vector.load %arg4[%get3A_235, %get3A_236, %get3A_237] : memref<16x50x32xf32, #tpu.memory_space<vmem>>, vector<1x50x32xf32>
    %get3A_239 = vector.shape_cast %get3A_238 : vector<1x50x32xf32> to vector<50x32xf32>
    %get3A_240 = arith.constant 11 : index
    %get3A_241 = arith.constant 0 : index
    %get3A_242 = arith.constant 0 : index
    %get3A_243 = vector.load %arg4[%get3A_240, %get3A_241, %get3A_242] : memref<16x50x32xf32, #tpu.memory_space<vmem>>, vector<1x50x32xf32>
    %get3A_244 = vector.shape_cast %get3A_243 : vector<1x50x32xf32> to vector<50x32xf32>
    %get3A_245 = arith.constant 12 : index
    %get3A_246 = arith.constant 0 : index
    %get3A_247 = arith.constant 0 : index
    %get3A_248 = vector.load %arg4[%get3A_245, %get3A_246, %get3A_247] : memref<16x50x32xf32, #tpu.memory_space<vmem>>, vector<1x50x32xf32>
    %get3A_249 = vector.shape_cast %get3A_248 : vector<1x50x32xf32> to vector<50x32xf32>
    %get3A_250 = arith.constant 13 : index
    %get3A_251 = arith.constant 0 : index
    %get3A_252 = arith.constant 0 : index
    %get3A_253 = vector.load %arg4[%get3A_250, %get3A_251, %get3A_252] : memref<16x50x32xf32, #tpu.memory_space<vmem>>, vector<1x50x32xf32>
    %get3A_254 = vector.shape_cast %get3A_253 : vector<1x50x32xf32> to vector<50x32xf32>
    %get3A_255 = arith.constant 14 : index
    %get3A_256 = arith.constant 0 : index
    %get3A_257 = arith.constant 0 : index
    %get3A_258 = vector.load %arg4[%get3A_255, %get3A_256, %get3A_257] : memref<16x50x32xf32, #tpu.memory_space<vmem>>, vector<1x50x32xf32>
    %get3A_259 = vector.shape_cast %get3A_258 : vector<1x50x32xf32> to vector<50x32xf32>
    %get3A_260 = arith.constant 15 : index
    %get3A_261 = arith.constant 0 : index
    %get3A_262 = arith.constant 0 : index
    %get3A_263 = vector.load %arg4[%get3A_260, %get3A_261, %get3A_262] : memref<16x50x32xf32, #tpu.memory_space<vmem>>, vector<1x50x32xf32>
    %get3A_264 = vector.shape_cast %get3A_263 : vector<1x50x32xf32> to vector<50x32xf32>
    %concatenate3A_265 = tpu.concatenate %get3A_189, %get3A_194, %get3A_199, %get3A_204, %get3A_209, %get3A_214, %get3A_219, %get3A_224, %get3A_229, %get3A_234, %get3A_239, %get3A_244, %get3A_249, %get3A_254, %get3A_259, %get3A_264 in 0 : vector<50x32xf32>, vector<50x32xf32>, vector<50x32xf32>, vector<50x32xf32>, vector<50x32xf32>, vector<50x32xf32>, vector<50x32xf32>, vector<50x32xf32>, vector<50x32xf32>, vector<50x32xf32>, vector<50x32xf32>, vector<50x32xf32>, vector<50x32xf32>, vector<50x32xf32>, vector<50x32xf32>, vector<50x32xf32> -> vector<800x32xf32>
    %get3A_266 = arith.constant 0 : index
    %get3A_267 = arith.constant 0 : index
    %get3A_268 = vector.load %arg8[%get3A_266, %get3A_267] : memref<32x256xf32, #tpu.memory_space<vmem>>, vector<32x256xf32>
    %dot_general3A_269 = arith.constant dense<0.000000e+00> : vector<800x256xf32>
    %dot_general3A_270 = tpu.matmul %concatenate3A_265, %get3A_268, %dot_general3A_269 {dimension_numbers = #tpu.dot_dimension_numbers<[1], [0], [0], [1], [0, 0, 1, 1], [], []>, transpose_lhs_hint = false} : vector<800x32xf32>, vector<32x256xf32>, vector<800x256xf32> -> vector<800x256xf32>
    %add3A_271 = arith.addf %add3A_184, %dot_general3A_270 : vector<800x256xf32>
    %get3A_272 = arith.constant 0 : index
    %get3A_273 = arith.constant 0 : index
    %get3A_274 = vector.load %arg10[%get3A_272, %get3A_273] : memref<1x256xf32, #tpu.memory_space<vmem>>, vector<1x256xf32>
    %add3A_275 = vector.broadcast %get3A_274 : vector<1x256xf32> to vector<800x256xf32>
    %add3A_276 = arith.addf %add3A_271, %add3A_275 : vector<800x256xf32>
    %slice3A = vector.extract_strided_slice %add3A_276 {offsets = [0, 0], sizes = [800, 128], strides = [1, 1]} : vector<800x256xf32> to vector<800x128xf32>
    %slice3A_277 = vector.extract_strided_slice %add3A_276 {offsets = [0, 128], sizes = [800, 128], strides = [1, 1]} : vector<800x256xf32> to vector<800x128xf32>
    %logistic3A = arith.negf %slice3A_277 : vector<800x128xf32>
    %logistic3A_278 = math.exp %logistic3A : vector<800x128xf32>
    %logistic3A_279 = arith.constant 1.000000e+00 : f32
    %logistic3A_280 = vector.broadcast %logistic3A_279 : f32 to vector<800x128xf32>
    %logistic3A_281 = arith.addf %logistic3A_280, %logistic3A_278 : vector<800x128xf32>
    %logistic3A_282 = arith.divf %logistic3A_280, %logistic3A_281 : vector<800x128xf32>
    %mul3A = arith.mulf %logistic3A_282, %slice3A : vector<800x128xf32>
    %reduce_sum3A = arith.constant dense<0.000000e+00> : vector<800xf32>
    %reduce_sum3A_283 = vector.multi_reduction <add>, %mul3A, %reduce_sum3A [1] : vector<800x128xf32> to vector<800xf32>
    %broadcast_in_dim3A_284 = vector.shape_cast %reduce_sum3A_283 : vector<800xf32> to vector<800x1xf32>
    %div3A = arith.constant 1.280000e+02 : f32
    %div3A_285 = vector.broadcast %div3A : f32 to vector<800x1xf32>
    %div3A_286 = arith.divf %broadcast_in_dim3A_284, %div3A_285 : vector<800x1xf32>
    %sub3A = vector.broadcast %div3A_286 : vector<800x1xf32> to vector<800x128xf32>
    %sub3A_287 = arith.subf %mul3A, %sub3A : vector<800x128xf32>
    %mul3A_288 = arith.mulf %sub3A_287, %sub3A_287 : vector<800x128xf32>
    %reduce_sum3A_289 = arith.constant dense<0.000000e+00> : vector<800xf32>
    %reduce_sum3A_290 = vector.multi_reduction <add>, %mul3A_288, %reduce_sum3A_289 [1] : vector<800x128xf32> to vector<800xf32>
    %broadcast_in_dim3A_291 = vector.shape_cast %reduce_sum3A_290 : vector<800xf32> to vector<800x1xf32>
    %div3A_292 = arith.constant 1.280000e+02 : f32
    %div3A_293 = vector.broadcast %div3A_292 : f32 to vector<800x1xf32>
    %div3A_294 = arith.divf %broadcast_in_dim3A_291, %div3A_293 : vector<800x1xf32>
    %add3A_295 = arith.constant 9.99999974E-6 : f32
    %add3A_296 = vector.broadcast %add3A_295 : f32 to vector<800x1xf32>
    %add3A_297 = arith.addf %div3A_294, %add3A_296 : vector<800x1xf32>
    %sqrt3A = math.sqrt %add3A_297 : vector<800x1xf32>
    %div3A_298 = vector.broadcast %sqrt3A : vector<800x1xf32> to vector<800x128xf32>
    %div3A_299 = arith.divf %sub3A_287, %div3A_298 : vector<800x128xf32>
    %get3A_300 = arith.constant 0 : index
    %get3A_301 = arith.constant 0 : index
    %get3A_302 = vector.load %arg11[%get3A_300, %get3A_301] : memref<1x128xf32, #tpu.memory_space<vmem>>, vector<1x128xf32>
    %mul3A_303 = vector.broadcast %get3A_302 : vector<1x128xf32> to vector<800x128xf32>
    %mul3A_304 = arith.mulf %div3A_299, %mul3A_303 : vector<800x128xf32>
    %get3A_305 = arith.constant 0 : index
    %get3A_306 = arith.constant 0 : index
    %get3A_307 = vector.load %arg12[%get3A_305, %get3A_306] : memref<1x128xf32, #tpu.memory_space<vmem>>, vector<1x128xf32>
    %add3A_308 = vector.broadcast %get3A_307 : vector<1x128xf32> to vector<800x128xf32>
    %add3A_309 = arith.addf %mul3A_304, %add3A_308 : vector<800x128xf32>
    %slice3A_310 = vector.extract_strided_slice %add3A_309 {offsets = [0, 0], sizes = [50, 128], strides = [1, 1]} : vector<800x128xf32> to vector<50x128xf32>
    %swap3A = arith.constant 0 : index
    %swap3A_311 = arith.constant 0 : index
    %swap3A_312 = arith.constant 0 : index
    %swap3A_313 = vector.load %arg13[%swap3A, %swap3A_311, %swap3A_312] : memref<16x50x128xf32, #tpu.memory_space<vmem>>, vector<1x50x128xf32>
    %swap3A_314 = vector.shape_cast %swap3A_313 : vector<1x50x128xf32> to vector<50x128xf32>
    %swap3A_315 = vector.shape_cast %slice3A_310 : vector<50x128xf32> to vector<1x50x128xf32>
    tpu.vector_store %arg13[%swap3A, %swap3A_311, %swap3A_312], %swap3A_315 {strides = array<i32>} : memref<16x50x128xf32, #tpu.memory_space<vmem>>, vector<1x50x128xf32>,
    %slice3A_316 = vector.extract_strided_slice %add3A_309 {offsets = [50, 0], sizes = [50, 128], strides = [1, 1]} : vector<800x128xf32> to vector<50x128xf32>
    %swap3A_317 = arith.constant 1 : index
    %swap3A_318 = arith.constant 0 : index
    %swap3A_319 = arith.constant 0 : index
    %swap3A_320 = vector.load %arg13[%swap3A_317, %swap3A_318, %swap3A_319] : memref<16x50x128xf32, #tpu.memory_space<vmem>>, vector<1x50x128xf32>
    %swap3A_321 = vector.shape_cast %swap3A_320 : vector<1x50x128xf32> to vector<50x128xf32>
    %swap3A_322 = vector.shape_cast %slice3A_316 : vector<50x128xf32> to vector<1x50x128xf32>
    tpu.vector_store %arg13[%swap3A_317, %swap3A_318, %swap3A_319], %swap3A_322 {strides = array<i32>} : memref<16x50x128xf32, #tpu.memory_space<vmem>>, vector<1x50x128xf32>,
    %slice3A_323 = vector.extract_strided_slice %add3A_309 {offsets = [100, 0], sizes = [50, 128], strides = [1, 1]} : vector<800x128xf32> to vector<50x128xf32>
    %swap3A_324 = arith.constant 2 : index
    %swap3A_325 = arith.constant 0 : index
    %swap3A_326 = arith.constant 0 : index
    %swap3A_327 = vector.load %arg13[%swap3A_324, %swap3A_325, %swap3A_326] : memref<16x50x128xf32, #tpu.memory_space<vmem>>, vector<1x50x128xf32>
    %swap3A_328 = vector.shape_cast %swap3A_327 : vector<1x50x128xf32> to vector<50x128xf32>
    %swap3A_329 = vector.shape_cast %slice3A_323 : vector<50x128xf32> to vector<1x50x128xf32>
    tpu.vector_store %arg13[%swap3A_324, %swap3A_325, %swap3A_326], %swap3A_329 {strides = array<i32>} : memref<16x50x128xf32, #tpu.memory_space<vmem>>, vector<1x50x128xf32>,
    %slice3A_330 = vector.extract_strided_slice %add3A_309 {offsets = [150, 0], sizes = [50, 128], strides = [1, 1]} : vector<800x128xf32> to vector<50x128xf32>
    %swap3A_331 = arith.constant 3 : index
    %swap3A_332 = arith.constant 0 : index
    %swap3A_333 = arith.constant 0 : index
    %swap3A_334 = vector.load %arg13[%swap3A_331, %swap3A_332, %swap3A_333] : memref<16x50x128xf32, #tpu.memory_space<vmem>>, vector<1x50x128xf32>
    %swap3A_335 = vector.shape_cast %swap3A_334 : vector<1x50x128xf32> to vector<50x128xf32>
    %swap3A_336 = vector.shape_cast %slice3A_330 : vector<50x128xf32> to vector<1x50x128xf32>
    tpu.vector_store %arg13[%swap3A_331, %swap3A_332, %swap3A_333], %swap3A_336 {strides = array<i32>} : memref<16x50x128xf32, #tpu.memory_space<vmem>>, vector<1x50x128xf32>,
    %slice3A_337 = vector.extract_strided_slice %add3A_309 {offsets = [200, 0], sizes = [50, 128], strides = [1, 1]} : vector<800x128xf32> to vector<50x128xf32>
    %swap3A_338 = arith.constant 4 : index
    %swap3A_339 = arith.constant 0 : index
    %swap3A_340 = arith.constant 0 : index
    %swap3A_341 = vector.load %arg13[%swap3A_338, %swap3A_339, %swap3A_340] : memref<16x50x128xf32, #tpu.memory_space<vmem>>, vector<1x50x128xf32>
    %swap3A_342 = vector.shape_cast %swap3A_341 : vector<1x50x128xf32> to vector<50x128xf32>
    %swap3A_343 = vector.shape_cast %slice3A_337 : vector<50x128xf32> to vector<1x50x128xf32>
    tpu.vector_store %arg13[%swap3A_338, %swap3A_339, %swap3A_340], %swap3A_343 {strides = array<i32>} : memref<16x50x128xf32, #tpu.memory_space<vmem>>, vector<1x50x128xf32>,
    %slice3A_344 = vector.extract_strided_slice %add3A_309 {offsets = [250, 0], sizes = [50, 128], strides = [1, 1]} : vector<800x128xf32> to vector<50x128xf32>
    %swap3A_345 = arith.constant 5 : index
    %swap3A_346 = arith.constant 0 : index
    %swap3A_347 = arith.constant 0 : index
    %swap3A_348 = vector.load %arg13[%swap3A_345, %swap3A_346, %swap3A_347] : memref<16x50x128xf32, #tpu.memory_space<vmem>>, vector<1x50x128xf32>
    %swap3A_349 = vector.shape_cast %swap3A_348 : vector<1x50x128xf32> to vector<50x128xf32>
    %swap3A_350 = vector.shape_cast %slice3A_344 : vector<50x128xf32> to vector<1x50x128xf32>
    tpu.vector_store %arg13[%swap3A_345, %swap3A_346, %swap3A_347], %swap3A_350 {strides = array<i32>} : memref<16x50x128xf32, #tpu.memory_space<vmem>>, vector<1x50x128xf32>,
    %slice3A_351 = vector.extract_strided_slice %add3A_309 {offsets = [300, 0], sizes = [50, 128], strides = [1, 1]} : vector<800x128xf32> to vector<50x128xf32>
    %swap3A_352 = arith.constant 6 : index
    %swap3A_353 = arith.constant 0 : index
    %swap3A_354 = arith.constant 0 : index
    %swap3A_355 = vector.load %arg13[%swap3A_352, %swap3A_353, %swap3A_354] : memref<16x50x128xf32, #tpu.memory_space<vmem>>, vector<1x50x128xf32>
    %swap3A_356 = vector.shape_cast %swap3A_355 : vector<1x50x128xf32> to vector<50x128xf32>
    %swap3A_357 = vector.shape_cast %slice3A_351 : vector<50x128xf32> to vector<1x50x128xf32>
    tpu.vector_store %arg13[%swap3A_352, %swap3A_353, %swap3A_354], %swap3A_357 {strides = array<i32>} : memref<16x50x128xf32, #tpu.memory_space<vmem>>, vector<1x50x128xf32>,
    %slice3A_358 = vector.extract_strided_slice %add3A_309 {offsets = [350, 0], sizes = [50, 128], strides = [1, 1]} : vector<800x128xf32> to vector<50x128xf32>
    %swap3A_359 = arith.constant 7 : index
    %swap3A_360 = arith.constant 0 : index
    %swap3A_361 = arith.constant 0 : index
    %swap3A_362 = vector.load %arg13[%swap3A_359, %swap3A_360, %swap3A_361] : memref<16x50x128xf32, #tpu.memory_space<vmem>>, vector<1x50x128xf32>
    %swap3A_363 = vector.shape_cast %swap3A_362 : vector<1x50x128xf32> to vector<50x128xf32>
    %swap3A_364 = vector.shape_cast %slice3A_358 : vector<50x128xf32> to vector<1x50x128xf32>
    tpu.vector_store %arg13[%swap3A_359, %swap3A_360, %swap3A_361], %swap3A_364 {strides = array<i32>} : memref<16x50x128xf32, #tpu.memory_space<vmem>>, vector<1x50x128xf32>,
    %slice3A_365 = vector.extract_strided_slice %add3A_309 {offsets = [400, 0], sizes = [50, 128], strides = [1, 1]} : vector<800x128xf32> to vector<50x128xf32>
    %swap3A_366 = arith.constant 8 : index
    %swap3A_367 = arith.constant 0 : index
    %swap3A_368 = arith.constant 0 : index
    %swap3A_369 = vector.load %arg13[%swap3A_366, %swap3A_367, %swap3A_368] : memref<16x50x128xf32, #tpu.memory_space<vmem>>, vector<1x50x128xf32>
    %swap3A_370 = vector.shape_cast %swap3A_369 : vector<1x50x128xf32> to vector<50x128xf32>
    %swap3A_371 = vector.shape_cast %slice3A_365 : vector<50x128xf32> to vector<1x50x128xf32>
    tpu.vector_store %arg13[%swap3A_366, %swap3A_367, %swap3A_368], %swap3A_371 {strides = array<i32>} : memref<16x50x128xf32, #tpu.memory_space<vmem>>, vector<1x50x128xf32>,
    %slice3A_372 = vector.extract_strided_slice %add3A_309 {offsets = [450, 0], sizes = [50, 128], strides = [1, 1]} : vector<800x128xf32> to vector<50x128xf32>
    %swap3A_373 = arith.constant 9 : index
    %swap3A_374 = arith.constant 0 : index
    %swap3A_375 = arith.constant 0 : index
    %swap3A_376 = vector.load %arg13[%swap3A_373, %swap3A_374, %swap3A_375] : memref<16x50x128xf32, #tpu.memory_space<vmem>>, vector<1x50x128xf32>
    %swap3A_377 = vector.shape_cast %swap3A_376 : vector<1x50x128xf32> to vector<50x128xf32>
    %swap3A_378 = vector.shape_cast %slice3A_372 : vector<50x128xf32> to vector<1x50x128xf32>
    tpu.vector_store %arg13[%swap3A_373, %swap3A_374, %swap3A_375], %swap3A_378 {strides = array<i32>} : memref<16x50x128xf32, #tpu.memory_space<vmem>>, vector<1x50x128xf32>,
    %slice3A_379 = vector.extract_strided_slice %add3A_309 {offsets = [500, 0], sizes = [50, 128], strides = [1, 1]} : vector<800x128xf32> to vector<50x128xf32>
    %swap3A_380 = arith.constant 10 : index
    %swap3A_381 = arith.constant 0 : index
    %swap3A_382 = arith.constant 0 : index
    %swap3A_383 = vector.load %arg13[%swap3A_380, %swap3A_381, %swap3A_382] : memref<16x50x128xf32, #tpu.memory_space<vmem>>, vector<1x50x128xf32>
    %swap3A_384 = vector.shape_cast %swap3A_383 : vector<1x50x128xf32> to vector<50x128xf32>
    %swap3A_385 = vector.shape_cast %slice3A_379 : vector<50x128xf32> to vector<1x50x128xf32>
    tpu.vector_store %arg13[%swap3A_380, %swap3A_381, %swap3A_382], %swap3A_385 {strides = array<i32>} : memref<16x50x128xf32, #tpu.memory_space<vmem>>, vector<1x50x128xf32>,
    %slice3A_386 = vector.extract_strided_slice %add3A_309 {offsets = [550, 0], sizes = [50, 128], strides = [1, 1]} : vector<800x128xf32> to vector<50x128xf32>
    %swap3A_387 = arith.constant 11 : index
    %swap3A_388 = arith.constant 0 : index
    %swap3A_389 = arith.constant 0 : index
    %swap3A_390 = vector.load %arg13[%swap3A_387, %swap3A_388, %swap3A_389] : memref<16x50x128xf32, #tpu.memory_space<vmem>>, vector<1x50x128xf32>
    %swap3A_391 = vector.shape_cast %swap3A_390 : vector<1x50x128xf32> to vector<50x128xf32>
    %swap3A_392 = vector.shape_cast %slice3A_386 : vector<50x128xf32> to vector<1x50x128xf32>
    tpu.vector_store %arg13[%swap3A_387, %swap3A_388, %swap3A_389], %swap3A_392 {strides = array<i32>} : memref<16x50x128xf32, #tpu.memory_space<vmem>>, vector<1x50x128xf32>,
    %slice3A_393 = vector.extract_strided_slice %add3A_309 {offsets = [600, 0], sizes = [50, 128], strides = [1, 1]} : vector<800x128xf32> to vector<50x128xf32>
    %swap3A_394 = arith.constant 12 : index
    %swap3A_395 = arith.constant 0 : index
    %swap3A_396 = arith.constant 0 : index
    %swap3A_397 = vector.load %arg13[%swap3A_394, %swap3A_395, %swap3A_396] : memref<16x50x128xf32, #tpu.memory_space<vmem>>, vector<1x50x128xf32>
    %swap3A_398 = vector.shape_cast %swap3A_397 : vector<1x50x128xf32> to vector<50x128xf32>
    %swap3A_399 = vector.shape_cast %slice3A_393 : vector<50x128xf32> to vector<1x50x128xf32>
    tpu.vector_store %arg13[%swap3A_394, %swap3A_395, %swap3A_396], %swap3A_399 {strides = array<i32>} : memref<16x50x128xf32, #tpu.memory_space<vmem>>, vector<1x50x128xf32>,
    %slice3A_400 = vector.extract_strided_slice %add3A_309 {offsets = [650, 0], sizes = [50, 128], strides = [1, 1]} : vector<800x128xf32> to vector<50x128xf32>
    %swap3A_401 = arith.constant 13 : index
    %swap3A_402 = arith.constant 0 : index
    %swap3A_403 = arith.constant 0 : index
    %swap3A_404 = vector.load %arg13[%swap3A_401, %swap3A_402, %swap3A_403] : memref<16x50x128xf32, #tpu.memory_space<vmem>>, vector<1x50x128xf32>
    %swap3A_405 = vector.shape_cast %swap3A_404 : vector<1x50x128xf32> to vector<50x128xf32>
    %swap3A_406 = vector.shape_cast %slice3A_400 : vector<50x128xf32> to vector<1x50x128xf32>
    tpu.vector_store %arg13[%swap3A_401, %swap3A_402, %swap3A_403], %swap3A_406 {strides = array<i32>} : memref<16x50x128xf32, #tpu.memory_space<vmem>>, vector<1x50x128xf32>,
    %slice3A_407 = vector.extract_strided_slice %add3A_309 {offsets = [700, 0], sizes = [50, 128], strides = [1, 1]} : vector<800x128xf32> to vector<50x128xf32>
    %swap3A_408 = arith.constant 14 : index
    %swap3A_409 = arith.constant 0 : index
    %swap3A_410 = arith.constant 0 : index
    %swap3A_411 = vector.load %arg13[%swap3A_408, %swap3A_409, %swap3A_410] : memref<16x50x128xf32, #tpu.memory_space<vmem>>, vector<1x50x128xf32>
    %swap3A_412 = vector.shape_cast %swap3A_411 : vector<1x50x128xf32> to vector<50x128xf32>
    %swap3A_413 = vector.shape_cast %slice3A_407 : vector<50x128xf32> to vector<1x50x128xf32>
    tpu.vector_store %arg13[%swap3A_408, %swap3A_409, %swap3A_410], %swap3A_413 {strides = array<i32>} : memref<16x50x128xf32, #tpu.memory_space<vmem>>, vector<1x50x128xf32>,
    %slice3A_414 = vector.extract_strided_slice %add3A_309 {offsets = [750, 0], sizes = [50, 128], strides = [1, 1]} : vector<800x128xf32> to vector<50x128xf32>
    %swap3A_415 = arith.constant 15 : index
    %swap3A_416 = arith.constant 0 : index
    %swap3A_417 = arith.constant 0 : index
    %swap3A_418 = vector.load %arg13[%swap3A_415, %swap3A_416, %swap3A_417] : memref<16x50x128xf32, #tpu.memory_space<vmem>>, vector<1x50x128xf32>
    %swap3A_419 = vector.shape_cast %swap3A_418 : vector<1x50x128xf32> to vector<50x128xf32>
    %swap3A_420 = vector.shape_cast %slice3A_414 : vector<50x128xf32> to vector<1x50x128xf32>
    tpu.vector_store %arg13[%swap3A_415, %swap3A_416, %swap3A_417], %swap3A_420 {strides = array<i32>} : memref<16x50x128xf32, #tpu.memory_space<vmem>>, vector<1x50x128xf32>,
    return
  }
  func.func @transform_0(%arg0: i32) -> (i32, i32) {
    %c0_i32 = arith.constant 0 : i32
    %c0_i32_0 = arith.constant 0 : i32
    return %arg0, %c0_i32 : i32, i32
  }
  func.func @transform_1(%arg0: i32) -> (i32, i32, i32) {
    %c0_i32 = arith.constant 0 : i32
    %c0_i32_0 = arith.constant 0 : i32
    %c0_i32_1 = arith.constant 0 : i32
    return %arg0, %c0_i32, %c0_i32_0 : i32, i32, i32
  }
  func.func @transform_2(%arg0: i32) -> (i32, i32, i32) {
    %c0_i32 = arith.constant 0 : i32
    %c0_i32_0 = arith.constant 0 : i32
    %c0_i32_1 = arith.constant 0 : i32
    return %arg0, %c0_i32, %c0_i32_0 : i32, i32, i32
  }
  func.func @transform_3(%arg0: i32) -> (i32, i32, i32) {
    %c0_i32 = arith.constant 0 : i32
    %c0_i32_0 = arith.constant 0 : i32
    %c0_i32_1 = arith.constant 0 : i32
    return %arg0, %c0_i32, %c0_i32_0 : i32, i32, i32
  }
  func.func @transform_4(%arg0: i32) -> (i32, i32) {
    %c0_i32 = arith.constant 0 : i32
    %c0_i32_0 = arith.constant 0 : i32
    %c0_i32_1 = arith.constant 0 : i32
    return %c0_i32, %c0_i32_0 : i32, i32
  }
  func.func @transform_5(%arg0: i32) -> (i32, i32) {
    %c0_i32 = arith.constant 0 : i32
    %c0_i32_0 = arith.constant 0 : i32
    %c0_i32_1 = arith.constant 0 : i32
    return %c0_i32, %c0_i32_0 : i32, i32
  }
  func.func @transform_6(%arg0: i32) -> (i32, i32) {
    %c0_i32 = arith.constant 0 : i32
    %c0_i32_0 = arith.constant 0 : i32
    %c0_i32_1 = arith.constant 0 : i32
    return %c0_i32, %c0_i32_0 : i32, i32
  }
  func.func @transform_7(%arg0: i32) -> (i32, i32) {
    %c0_i32 = arith.constant 0 : i32
    %c0_i32_0 = arith.constant 0 : i32
    %c0_i32_1 = arith.constant 0 : i32
    return %c0_i32, %c0_i32_0 : i32, i32
  }
  func.func @transform_8(%arg0: i32) -> (i32, i32) {
    %c0_i32 = arith.constant 0 : i32
    %c0_i32_0 = arith.constant 0 : i32
    %c0_i32_1 = arith.constant 0 : i32
    return %c0_i32, %c0_i32_0 : i32, i32
  }
  func.func @transform_9(%arg0: i32) -> (i32, i32) {
    %c0_i32 = arith.constant 0 : i32
    %c0_i32_0 = arith.constant 0 : i32
    %c0_i32_1 = arith.constant 0 : i32
    return %c0_i32, %c0_i32_0 : i32, i32
  }
  func.func @transform_10(%arg0: i32) -> (i32, i32) {
    %c0_i32 = arith.constant 0 : i32
    %c0_i32_0 = arith.constant 0 : i32
    %c0_i32_1 = arith.constant 0 : i32
    return %c0_i32, %c0_i32_0 : i32, i32
  }
  func.func @transform_11(%arg0: i32) -> (i32, i32) {
    %c0_i32 = arith.constant 0 : i32
    %c0_i32_0 = arith.constant 0 : i32
    %c0_i32_1 = arith.constant 0 : i32
    return %c0_i32, %c0_i32_0 : i32, i32
  }
  func.func @transform_12(%arg0: i32) -> (i32, i32, i32) {
    %c0_i32 = arith.constant 0 : i32
    %c0_i32_0 = arith.constant 0 : i32
    %c0_i32_1 = arith.constant 0 : i32
    return %arg0, %c0_i32, %c0_i32_0 : i32, i32, i32
  }
}

</mosaic_0001>

<sc_bundles>
// kernel: kernel.4.cloned.1.call-start
scs
__scs_entry_jumppad:
0x0: {  	(pc) =	sbr.rel $0x88, $3  }
0x1: {  	(tag) =	ssettag $0x0;
	lr =	simm.s32 $0x1  }
0x2: {  	[smem:$0x3F86] =	sst lr;
	_ =	strace $0xD0000000  }
0x3: {  	_ = 	snop  }
0x4: {  	_ = 	snop  }
0x5: {  	_ = 	snop  }
0x6: {  	_ = 	snop  }
0x7: {  	_ = 	snop  }
__scs_overlays_trampoline_lowered:
0x8: {  	[smem:$0x3F95] =	sst s0  }
0x9: {  	[smem:$0x3F96] =	sst s1  }
0xa: {  	[smem:$0x3F97] =	sst s2  }
0xb: {  	[smem:$0x3F98] =	sst s3  }
0xc: {  	[smem:$0x3F99] =	sst s4  }
0xd: {  	[smem:$0x3F9A] =	sst s5  }
0xe: {  	[smem:$0x3F9B] =	sst s6  }
0xf: {  	[smem:$0x3F9C] =	sst s7  }
0x10: {  	[smem:$0x3F9D] =	sst s8  }
0x11: {  	[smem:$0x3F9E] =	sst s9;
	s0 =	simm.s32 @!p0 $0x0  }
0x12: {  	s1 =	sld [smem:$0x3F84];
	s0 =	simm.s32 @p0 $0x1  }
0x13: {  	[smem:$0x3F9F] =	sst s0;
	s0 =	simm.s32 @!p1 $0x0  }
0x14: {  	s2 =	sld [smem:$0x3F83];
	s0 =	simm.s32 @p1 $0x1  }
0x15: {  	[smem:$0x3FA0] =	sst s0;
	s0 =	simm.s32 @!p2 $0x0  }
0x16: {  	s3 =	sld [smem:$0x3FDB];
	s0 =	simm.s32 @p2 $0x1  }
0x17: {  	s4 =	simm.s32 $0x1BF5;
	[smem:$0x3FA2] =	sst s0  }
0x18: {  	s0 =	sld [smem:$0x3F85];
	_ =	swait.ge [sflag:s4], $0x0  }
0x19: {  	s7 =	sld [smem:$0x3F86]  }
0x1a: {  	s8 =	sadd.s32 $0xFFFFE003, lr  }
0x1b: {  	s9 =	sadd.s32 $0xFFFFFEF7, lr;
	s5 =	simm.s32 $0xFFFFFFFF;
	p2 =	slt.u32 s8, $0xFFFFF086  }
0x1c: {  	p1 =	slt.u32 s9, $0xF7A;
	s5 =	simm.s32 @!p2 $0x0  }
0x1d: {  	s5 =	simm.s32 @p1 $0x1;
	p0 =	seq.s32 s7, s2  }
0x1e: {  	s7 =	smul.u32 @!p0 $0xF7A, s2;
	p2 =	seq.s32 @!p0 s5, $0x0  }
0x1f: {  	s9 =	smul.u32 $0xF7A, s1;
	s8 =	simm.s32 @!p0 $0x1BF5;
	p2 =	por !p2, p0  }
0x20: {  	[sflag:s8] =	ssyncset.s32 @!p0 $0xFFFFF086;
	s6 =	sadd.s32 @!p0 s3, s7;
	s7 =	simm.s32 @!p0 $0x108  }
0x21: {  	s3 =	sadd.s32 s3, s9;
	s6 =	sadd.s32 @!p0 $0x88, s6;
	s7 =	simm.s32 @p2 $0x1082  }
0x22: {  	[simem:s7], [sflag:s8] =	dma.local @!p0 [hbm:s6], $0xF7A  }
0x23: {  	s9 =	sor.u32 $0xD0000000, s2;
	s6 =	simm.s32 $0x108;
	_ =	swait.ge @!p0 [sflag:s8], $0x0  }
0x24: {  	s3 =	sadd.s32 $0x88, s3;
	s6 =	simm.s32 @!p1 $0x1082;
	[sflag:s4] =	ssyncset.s32 $0xFFFFF086  }
0x25: {  	[simem:s6], [sflag:s4] =	dma.local [hbm:s3], $0xF7A  }
0x26: {  	[smem:$0x3F86] =	sst s1;
	(tag) =	ssettag s2;
	_ =	strace s9  }
0x27: {  	s1 =	sld [smem:$0x3F96]  }
0x28: {  	s2 =	sld [smem:$0x3F97]  }
0x29: {  	s4 =	sld [smem:$0x3F99]  }
0x2a: {  	p0 =	seq.s32 s5, $0x0;
	s5 =	sld [smem:$0x3F9A]  }
0x2b: {  	s6 =	sld [smem:$0x3F9B]  }
0x2c: {  	s7 =	sld [smem:$0x3F9C]  }
0x2d: {  	s3 =	simm.s32 $0x108;
	s8 =	sld [smem:$0x3F9D]  }
0x2e: {  	s3 =	simm.s32 @!p0 $0x1082;
	s9 =	sld [smem:$0x3F9E]  }
0x2f: {  	lr =	sadd.s32 s0, s3;
	s0 =	sld [smem:$0x3F95]  }
0x30: {  	s3 =	sld [smem:$0x3F98]  }
0x31: {  	[smem:$0x3FA1] =	sst s10  }
0x32: {  	s10 =	sld [smem:$0x3F9F];
	_ =	sdelay $0x3  }
0x33: {  	p0 =	seq.s32 s10, $0x1;
	s10 =	sld [smem:$0x3FA1];
	_ =	sdelay $0x3  }
0x34: {  	[smem:$0x3FA1] =	sst s10  }
0x35: {  	s10 =	sld [smem:$0x3FA0];
	_ =	sdelay $0x3  }
0x36: {  	p1 =	seq.s32 s10, $0x1;
	s10 =	sld [smem:$0x3FA1];
	_ =	sdelay $0x3  }
0x37: {  	[smem:$0x3FA1] =	sst s10  }
0x38: {  	s10 =	sld [smem:$0x3FA2]  }
0x39: {  	_ = 	snop;
	(pc) =	sbr.ind lr, $3  }
0x3a: {  	_ = 	snop  }
0x3b: {  	_ = 	snop  }
0x3c: {  	p2 =	seq.s32 s10, $0x1;
	s10 =	sld [smem:$0x3FA1]  }
0x3d: {  	_ =	shalt  }
0x3e: {  	_ =	shalt  }
0x3f: {  	_ =	shalt  }
0x40: {  	_ =	shalt  }
0x41: {  	_ =	shalt  }
0x42: {  	_ =	shalt  }
0x43: {  	_ =	shalt  }
0x44: {  	_ =	shalt  }
0x45: {  	_ =	shalt  }
0x46: {  	_ =	shalt  }
0x47: {  	_ =	shalt  }
0x48: {  	_ =	shalt  }
0x49: {  	_ =	shalt  }
0x4a: {  	_ =	shalt  }
0x4b: {  	_ =	shalt  }
0x4c: {  	_ =	shalt  }
0x4d: {  	_ =	shalt  }
0x4e: {  	_ =	shalt  }
0x4f: {  	_ =	shalt  }
0x50: {  	_ =	shalt  }
0x51: {  	_ =	shalt  }
0x52: {  	_ =	shalt  }
0x53: {  	_ =	shalt  }
0x54: {  	_ =	shalt  }
0x55: {  	_ =	shalt  }
0x56: {  	_ =	shalt  }
0x57: {  	_ =	shalt  }
0x58: {  	_ =	shalt  }
0x59: {  	_ =	shalt  }
0x5a: {  	_ =	shalt  }
0x5b: {  	_ =	shalt  }
0x5c: {  	_ =	shalt  }
0x5d: {  	_ =	shalt  }
0x5e: {  	_ =	shalt  }
0x5f: {  	_ =	shalt  }
0x60: {  	_ =	shalt  }
0x61: {  	_ =	shalt  }
0x62: {  	_ =	shalt  }
0x63: {  	_ =	shalt  }
0x64: {  	_ =	shalt  }
0x65: {  	_ =	shalt  }
0x66: {  	_ =	shalt  }
0x67: {  	_ =	shalt  }
0x68: {  	_ =	shalt  }
0x69: {  	_ =	shalt  }
0x6a: {  	_ =	shalt  }
0x6b: {  	_ =	shalt  }
0x6c: {  	_ =	shalt  }
0x6d: {  	_ =	shalt  }
0x6e: {  	_ =	shalt  }
0x6f: {  	_ =	shalt  }
0x70: {  	_ =	shalt  }
0x71: {  	_ =	shalt  }
0x72: {  	_ =	shalt  }
0x73: {  	_ =	shalt  }
0x74: {  	_ =	shalt  }
0x75: {  	_ =	shalt  }
0x76: {  	_ =	shalt  }
0x77: {  	_ =	shalt  }
0x78: {  	_ =	shalt  }
0x79: {  	_ =	shalt  }
0x7a: {  	_ =	shalt  }
0x7b: {  	_ =	shalt  }
0x7c: {  	_ =	shalt  }
0x7d: {  	_ =	shalt  }
0x7e: {  	_ =	shalt  }
0x7f: {  	_ =	shalt  }
0x80: {  	_ =	shalt  }
0x81: {  	_ =	shalt  }
0x82: {  	_ =	shalt  }
0x83: {  	_ =	shalt  }
0x84: {  	_ =	shalt  }
0x85: {  	_ =	shalt  }
0x86: {  	_ =	shalt  }
0x87: {  	_ =	shalt  }
.Lfunc_end0:
.L_simem_size_0:
called_computation_lowered:
.L_overlay_start_0:
0x88: {  	s2 =	sld [smem:$0x3FD9]  }
0x89: {  	s3 =	sld [smem:$0x3FFE];
	_ =	sdelay $0x1  }
0x8a: {  	s1 =	srdreg.scid  }
0x8b: {  	s0 =	sand.u32 $0x1, s1  }
0x8c: {  	s17 =	sshll.u32 s0, $0xA;
	s2 =	sadd.s32 s3, s2  }
0x8d: {  	s2 =	sadd.s32 s2, s17  }
0x8e: {  	[smem:$0x3FAD] =	sst s2  }
0x8f: {  	_ = 	snop  }
0x90: {  	s2 =	sld [smem:$0x3FD0];
	(tm) =	ssettm $0x1  }
0x91: {  	s18 =	sld [smem:$0x3FFB];
	_ =	sdelay $0x3  }
0x92: {  	_ =	strace s18  }
0x93: {  	s3 =	sld [smem:$0x3FFC];
	_ =	sdelay $0x3  }
0x94: {  	_ =	strace s3  }
0x95: {  	s3 =	sld [smem:$0x3FFD];
	_ =	sdelay $0x3  }
0x96: {  	_ =	strace s3  }
0x97: {  	_ =	strace $0x8FFFFFFF  }
0x98: {  	s19 =	sld [smem:$0x3FDB];
	_ =	sdelay $0x1  }
0x99: {  	s4 =	simm.s32 $_scs_section_size  }
0x9a: {  	s5 =	simm.s32 $_size__tile_overlayer_lowered;
	s6 =	simm.s32 $_tile_overlayer_lowered  }
0x9b: {  	s22 =	simm.s32 $0x1BFF;
	s21 =	sshll.u32 s6, $0x1;
	s3 =	sadd.s32 s4, s19  }
0x9c: {  	s7 =	simm.s32 $0x0;
	s20 =	sshll.u32 s5, $0x1;
	s5 =	sadd.s32 s21, s3  }
0x9d: {  	[timem:s7], [sflag:s22] =	dma.local [hbm:s5], s20  }
0x9e: {  	_ =	swait.ge [sflag:s22], s20  }
0x9f: {  	s4 =	ssub.s32 $0x0, s20;
	[sflag:s22] =	ssyncset.done $0x0  }
0xa0: {  	[sflag:s22] =	ssyncadd.s32 s4;
	_ =	sdelay $0x1  }
0xa1: {  	s23 =	simm.s32 $0x1B8B  }
0xa2: {  	_ =	swait.ge [sflag:s23], $0x1  }
0xa3: {  	[sflag:s23] =	ssyncset.done $0x0  }
0xa4: {  	s25 =	simm.s32 $0x1B8E;
	s24 =	sld [smem:$0x3FFE];
	[sflag:s23] =	ssyncadd.s32 $0xFFFFFFFF  }
0xa5: {  	s26 =	simm.s32 $execute0_lowered;
	[smem:$0x3FD2] =	sst s25  }
0xa6: {  	s5 =	sshll.u32 s26, $0x1;
	_ =	strace $0x80000046;
	[dreg:$0x1] =	wrdreg $0xFFFFFFFF  }
0xa7: {  	s28 =	simm.s32 $_size_execute0_lowered;
	s3 =	sadd.s32 s3, s5;
	[dreg:$0x0] =	wrdreg $0x0  }
0xa8: {  	s5 =	sshll.u32 s28, $0x1;
	[dreg:$0x2] =	wrdreg s3  }
0xa9: {  	[dreg:$0x3] =	wrdreg s5  }
0xaa: {  	[dreg:$0x4] =	wrdreg $0xC0  }
0xab: {  	_ =	task [dreg:s7], $0x5FFFF  }
0xac: {  	[dreg:$0x1] =	wrdreg $0xFFFFFFFF  }
0xad: {  	[dreg:$0x0] =	wrdreg $0x60  }
0xae: {  	[dreg:$0x2] =	wrdreg s24  }
0xaf: {  	[dreg:$0x3] =	wrdreg s2  }
0xb0: {  	[dreg:$0x4] =	wrdreg $0x9  }
0xb1: {  	_ =	task.clear_ibuf [dreg:s7], $0x5FFFF;
	_ =	strace $0x90000046  }
0xb2: {  	s29 =	simm.s32 $0x9;
	_ =	strace $0x80000048  }
0xb3: {  	_ =	swait.ge [sflag:s29], $0x1  }
0xb4: {  	[sflag:s29] =	ssyncadd.s32 $0xFFFFFFFF  }
0xb5: {  	_ =	strace $0x90000048  }
0xb6: {  	_ =	sfence  }
0xb7: {  	s30 =	sld [smem:$0x0];
	_ =	sdelay $0x2  }
0xb8: {  	s31 =	sshll.u32 s1, $0xD;
	s1 =	sshrl.u32 s1, $0x2  }
0xb9: {  	s3 =	sand.u32 $0x4000, s31;
	s1 =	sadd.s32 s1, s30  }
0xba: {  	s0 =	sor.u32 s3, s0;
	s1 =	sshll.u32 s1, $0x11  }
0xbb: {  	s0 =	sor.u32 s1, s0  }
0xbc: {  	s0 =	sadd.s32 $0x8F2B, s0  }
0xbd: {  	[sflag:s0] =	ssyncadd.remote.s32 $0x1  }
0xbe: {  	_ =	sfence.sel $0xFFFF  }
0xbf: {  	[dreg:$0x0] =	wrdreg $0xFFFFFFFF;
	(pc) =	sbr.abs _section_cstart, $3  }
0xc0: {  	[dreg:$0x1] =	wrdreg $0xFFFFFFFF  }
0xc1: {  	_ =	task.clear_ibuf [dreg:s7], $0x2FFFF;
	_ =	strace $0x9FFFFFFF  }
0xc2: {  	(tm) =	ssettm $0x7FFFFFFF  }
0xc3: {  	_ =	shalt  }
tec
execute0_lowered:
.L_overlay_start_1:
0x0: {  	(tag) =	ssettag $0x1  }
0x1: {  	s8 =	rddreg [dreg:$0x0]  }
0x2: {  	s10 =	rddreg [dreg:$0x1];
	s2 =	simm.s32 $0x0  }
0x3: {  	s14 =	simm.s32 $0x38;
	[smem:$0x7FF] =	sst s2  }
0x4: {  	s15 =	simm.s32 $0x1690;
	_ =	strace $0x80000047;
	[dreg:$0x9] =	wrdreg s14  }
0x5: {  	s16 =	simm.s32 $0x70;
	[dreg:$0xa] =	wrdreg s15  }
0x6: {  	s17 =	simm.s32 $0x1820;
	[dreg:$0xb] =	wrdreg s16  }
0x7: {  	s18 =	simm.s32 $0xA8;
	[dreg:$0xc] =	wrdreg s17  }
0x8: {  	s19 =	simm.s32 $0x19B0;
	[dreg:$0xd] =	wrdreg s18  }
0x9: {  	s20 =	simm.s32 $0xE0;
	[dreg:$0xe] =	wrdreg s19  }
0xa: {  	s21 =	simm.s32 $0x1B40;
	[dreg:$0xf] =	wrdreg s20  }
0xb: {  	s22 =	simm.s32 $0x118;
	[dreg:$0x10] =	wrdreg s21  }
0xc: {  	s23 =	simm.s32 $0x1CD0;
	[dreg:$0x11] =	wrdreg s22  }
0xd: {  	s24 =	simm.s32 $0x150;
	[dreg:$0x12] =	wrdreg s23  }
0xe: {  	s25 =	simm.s32 $0x1E60;
	[dreg:$0x13] =	wrdreg s24  }
0xf: {  	s26 =	simm.s32 $0x188;
	[dreg:$0x14] =	wrdreg s25  }
0x10: {  	s28 =	simm.s32 $0x1FF0;
	[dreg:$0x15] =	wrdreg s26  }
0x11: {  	s29 =	simm.s32 $0x1C0;
	[dreg:$0x16] =	wrdreg s28  }
0x12: {  	s30 =	simm.s32 $0x2180;
	[dreg:$0x17] =	wrdreg s29  }
0x13: {  	s31 =	simm.s32 $0x1F8;
	[dreg:$0x18] =	wrdreg s30  }
0x14: {  	s1 =	simm.s32 $0x2310;
	[dreg:$0x19] =	wrdreg s31  }
0x15: {  	s5 =	simm.s32 $0x24A0;
	[dreg:$0x1a] =	wrdreg s1  }
0x16: {  	s6 =	simm.s32 $0x268;
	[dreg:$0x1c] =	wrdreg s5  }
0x17: {  	[dreg:$0x1d] =	wrdreg s6;
	s14 =	simm.s32 $0x2950  }
0x18: {  	s15 =	simm.s32 $0x310;
	[smem:$0x763] =	sst s14  }
0x19: {  	s16 =	simm.s32 $0x2AE0;
	[smem:$0x764] =	sst s15  }
0x1a: {  	s17 =	simm.s32 $0x348;
	[smem:$0x765] =	sst s16  }
0x1b: {  	s18 =	simm.s32 $0x2C70;
	[smem:$0x766] =	sst s17  }
0x1c: {  	s19 =	simm.s32 $0x3B8;
	[smem:$0x767] =	sst s18  }
0x1d: {  	s20 =	simm.s32 $0x2F90;
	[smem:$0x768] =	sst s19  }
0x1e: {  	s21 =	simm.s32 $0x3F0;
	[smem:$0x769] =	sst s20  }
0x1f: {  	s22 =	simm.s32 $0x3120;
	[smem:$0x76A] =	sst s21  }
0x20: {  	s23 =	simm.s32 $0x428;
	[smem:$0x76B] =	sst s22  }
0x21: {  	s24 =	simm.s32 $0x32B0;
	[smem:$0x76C] =	sst s23  }
0x22: {  	s25 =	simm.s32 $0x460;
	[smem:$0x76D] =	sst s24  }
0x23: {  	s26 =	simm.s32 $0x3440;
	[smem:$0x76E] =	sst s25  }
0x24: {  	s28 =	simm.s32 $0x498;
	[smem:$0x76F] =	sst s26  }
0x25: {  	s29 =	simm.s32 $0x35D0;
	[smem:$0x770] =	sst s28  }
0x26: {  	s30 =	simm.s32 $0x4D0;
	[smem:$0x771] =	sst s29  }
0x27: {  	s31 =	simm.s32 $0x3760;
	[smem:$0x772] =	sst s30  }
0x28: {  	s1 =	simm.s32 $0x508;
	[smem:$0x773] =	sst s31  }
0x29: {  	s5 =	simm.s32 $0x540;
	[smem:$0x774] =	sst s1  }
0x2a: {  	s6 =	simm.s32 $0x3A80;
	[smem:$0x776] =	sst s5  }
0x2b: {  	[smem:$0x777] =	sst s6;
	s14 =	simm.s32 $0x5E8  }
0x2c: {  	s15 =	simm.s32 $0x3F30;
	[smem:$0x77C] =	sst s14  }
0x2d: {  	s16 =	simm.s32 $0x620;
	[smem:$0x77D] =	sst s15  }
0x2e: {  	s17 =	simm.s32 $0x40C0;
	[smem:$0x77E] =	sst s16  }
0x2f: {  	s18 =	simm.s32 $0x658;
	[smem:$0x77F] =	sst s17  }
0x30: {  	s19 =	simm.s32 $0x4250;
	[smem:$0x780] =	sst s18  }
0x31: {  	s20 =	simm.s32 $0x690;
	[smem:$0x781] =	sst s19  }
0x32: {  	s21 =	simm.s32 $0x43E0;
	[smem:$0x782] =	sst s20  }
0x33: {  	s22 =	simm.s32 $0x6C8;
	[smem:$0x783] =	sst s21  }
0x34: {  	s23 =	simm.s32 $0x4570;
	[smem:$0x784] =	sst s22  }
0x35: {  	s24 =	simm.s32 $0x738;
	[smem:$0x785] =	sst s23  }
0x36: {  	s25 =	simm.s32 $0x4890;
	[smem:$0x786] =	sst s24  }
0x37: {  	s26 =	simm.s32 $0x770;
	[smem:$0x787] =	sst s25  }
0x38: {  	s28 =	simm.s32 $0x4A20;
	[smem:$0x788] =	sst s26  }
0x39: {  	s29 =	simm.s32 $0x7A8;
	[smem:$0x789] =	sst s28  }
0x3a: {  	s30 =	simm.s32 $0x4BB0;
	[smem:$0x78A] =	sst s29  }
0x3b: {  	s31 =	simm.s32 $0x7E0;
	[smem:$0x78B] =	sst s30  }
0x3c: {  	s1 =	simm.s32 $0x4D40;
	[smem:$0x78C] =	sst s31  }
0x3d: {  	s5 =	simm.s32 $0x4ED0;
	[smem:$0x78D] =	sst s1  }
0x3e: {  	s6 =	simm.s32 $0x850;
	[smem:$0x78F] =	sst s5  }
0x3f: {  	[smem:$0x790] =	sst s6;
	s14 =	simm.s32 $0x5380  }
0x40: {  	s15 =	simm.s32 $0x8F8;
	[smem:$0x795] =	sst s14  }
0x41: {  	s16 =	simm.s32 $0x5510;
	[smem:$0x796] =	sst s15  }
0x42: {  	s17 =	simm.s32 $0x930;
	[smem:$0x797] =	sst s16  }
0x43: {  	s18 =	simm.s32 $0x56A0;
	[smem:$0x798] =	sst s17  }
0x44: {  	s19 =	simm.s32 $0x968;
	[smem:$0x799] =	sst s18  }
0x45: {  	s20 =	simm.s32 $0x5830;
	[smem:$0x79A] =	sst s19  }
0x46: {  	s21 =	simm.s32 $0x9A0;
	[smem:$0x79B] =	sst s20  }
0x47: {  	s22 =	simm.s32 $0x59C0;
	[smem:$0x79C] =	sst s21  }
0x48: {  	s23 =	simm.s32 $0x9D8;
	[smem:$0x79D] =	sst s22  }
0x49: {  	s24 =	simm.s32 $0x5B50;
	[smem:$0x79E] =	sst s23  }
0x4a: {  	s25 =	simm.s32 $0xA10;
	[smem:$0x79F] =	sst s24  }
0x4b: {  	s26 =	simm.s32 $0x5CE0;
	[smem:$0x7A0] =	sst s25  }
0x4c: {  	s28 =	simm.s32 $0xA48;
	[smem:$0x7A1] =	sst s26  }
0x4d: {  	s29 =	simm.s32 $0x5E70;
	[smem:$0x7A2] =	sst s28  }
0x4e: {  	s30 =	simm.s32 $0xAB8;
	[smem:$0x7A3] =	sst s29  }
0x4f: {  	s31 =	simm.s32 $0x6190;
	[smem:$0x7A4] =	sst s30  }
0x50: {  	s1 =	simm.s32 $0xAF0;
	[smem:$0x7A5] =	sst s31  }
0x51: {  	s5 =	simm.s32 $0xB28;
	[smem:$0x7A6] =	sst s1  }
0x52: {  	s6 =	simm.s32 $0x64B0;
	[smem:$0x7A8] =	sst s5  }
0x53: {  	[smem:$0x7A9] =	sst s6;
	s14 =	simm.s32 $0xBD0  }
0x54: {  	s15 =	simm.s32 $0x6960;
	[smem:$0x7AE] =	sst s14  }
0x55: {  	s16 =	simm.s32 $0xC08;
	[smem:$0x7AF] =	sst s15  }
0x56: {  	s17 =	simm.s32 $0x6AF0;
	[smem:$0x7B0] =	sst s16  }
0x57: {  	s18 =	simm.s32 $0xC40;
	[smem:$0x7B1] =	sst s17  }
0x58: {  	s19 =	simm.s32 $0x6C80;
	[smem:$0x7B2] =	sst s18  }
0x59: {  	s20 =	simm.s32 $0xC78;
	[smem:$0x7B3] =	sst s19  }
0x5a: {  	s21 =	simm.s32 $0x6E10;
	[smem:$0x7B4] =	sst s20  }
0x5b: {  	s22 =	simm.s32 $0xCB0;
	[smem:$0x7B5] =	sst s21  }
0x5c: {  	s23 =	simm.s32 $0x6FA0;
	[smem:$0x7B6] =	sst s22  }
0x5d: {  	s24 =	simm.s32 $0xCE8;
	[smem:$0x7B7] =	sst s23  }
0x5e: {  	s25 =	simm.s32 $0x7130;
	[smem:$0x7B8] =	sst s24  }
0x5f: {  	s26 =	simm.s32 $0xD20;
	[smem:$0x7B9] =	sst s25  }
0x60: {  	s0 =	srdreg.scid;
	s28 =	simm.s32 $0x72C0;
	[smem:$0x7BA] =	sst s26  }
0x61: {  	s11 =	sand.u32 $0x1, s0;
	s29 =	simm.s32 $0xD58;
	[smem:$0x7BB] =	sst s28  }
0x62: {  	s0 =	stileid.u32;
	s30 =	simm.s32 $0x7450;
	[smem:$0x7BC] =	sst s29  }
0x63: {  	s3 =	smul.u32 $0x3800, s11;
	s31 =	simm.s32 $0xD90;
	[smem:$0x7BD] =	sst s30  }
0x64: {  	s4 =	smul.u32 $0x380, s0;
	s1 =	simm.s32 $0x75E0;
	[smem:$0x7BE] =	sst s31  }
0x65: {  	s3 =	sadd.s32 s3, s8;
	s5 =	simm.s32 $0x7770;
	[smem:$0x7BF] =	sst s1  }
0x66: {  	s3 =	sadd.s32 s4, s3;
	s6 =	simm.s32 $0xE38;
	[smem:$0x7C1] =	sst s5  }
0x67: {  	s4 =	sadd.s32 $0x5000, s3;
	[smem:$0x7C2] =	sst s6  }
0x68: {  	s7 =	sadd.s32 $0xC000, s3;
	[dreg:$0x3] =	wrdreg s4  }
0x69: {  	s9 =	sadd.s32 $0x13000, s3;
	[dreg:$0x4] =	wrdreg s7  }
0x6a: {  	s12 =	sadd.s32 $0x1A000, s3;
	[dreg:$0x5] =	wrdreg s9  }
0x6b: {  	s13 =	sadd.s32 $0x21000, s3;
	[dreg:$0x6] =	wrdreg s12  }
0x6c: {  	s3 =	sadd.s32 $0x28000, s3;
	[dreg:$0x7] =	wrdreg s13  }
0x6d: {  	s14 =	simm.s32 $0x7DB0;
	[dreg:$0x8] =	wrdreg s3  }
0x6e: {  	s15 =	simm.s32 $0xEE0;
	[smem:$0x7C7] =	sst s14  }
0x6f: {  	s16 =	simm.s32 $0x7F40;
	[smem:$0x7C8] =	sst s15  }
0x70: {  	s17 =	simm.s32 $0xF18;
	[smem:$0x7C9] =	sst s16  }
0x71: {  	s18 =	simm.s32 $0x80D0;
	[smem:$0x7CA] =	sst s17  }
0x72: {  	s19 =	simm.s32 $0xF50;
	[smem:$0x7CB] =	sst s18  }
0x73: {  	s20 =	simm.s32 $0x8260;
	[smem:$0x7CC] =	sst s19  }
0x74: {  	s21 =	simm.s32 $0xF88;
	[smem:$0x7CD] =	sst s20  }
0x75: {  	s22 =	simm.s32 $0x83F0;
	[smem:$0x7CE] =	sst s21  }
0x76: {  	s23 =	simm.s32 $0xFC0;
	[smem:$0x7CF] =	sst s22  }
0x77: {  	s24 =	simm.s32 $0x8580;
	[smem:$0x7D0] =	sst s23  }
0x78: {  	s25 =	simm.s32 $0xFF8;
	[smem:$0x7D1] =	sst s24  }
0x79: {  	s26 =	simm.s32 $0x8710;
	[smem:$0x7D2] =	sst s25  }
0x7a: {  	s28 =	simm.s32 $0x1030;
	[smem:$0x7D3] =	sst s26  }
0x7b: {  	s29 =	simm.s32 $0x88A0;
	[smem:$0x7D4] =	sst s28  }
0x7c: {  	s30 =	simm.s32 $0x1068;
	[smem:$0x7D5] =	sst s29  }
0x7d: {  	s31 =	simm.s32 $0x8A30;
	[smem:$0x7D6] =	sst s30  }
0x7e: {  	s1 =	simm.s32 $0x10A0;
	[smem:$0x7D7] =	sst s31  }
0x7f: {  	s5 =	simm.s32 $0x10D8;
	[smem:$0x7D8] =	sst s1  }
0x80: {  	s6 =	simm.s32 $0x8D50;
	[smem:$0x7DA] =	sst s5  }
0x81: {  	s4 =	simm.s32 $0x230;
	[smem:$0x7DB] =	sst s6  }
0x82: {  	s7 =	simm.s32 $0x2630;
	[dreg:$0x1b] =	wrdreg s4  }
0x83: {  	s9 =	simm.s32 $0x2A0;
	[dreg:$0x1e] =	wrdreg s7  }
0x84: {  	s12 =	simm.s32 $0x27C0;
	[dreg:$0x1f] =	wrdreg s9  }
0x85: {  	s13 =	simm.s32 $0x2D8;
	[smem:$0x761] =	sst s12  }
0x86: {  	s14 =	simm.s32 $0x11B8;
	[smem:$0x762] =	sst s13  }
0x87: {  	s15 =	simm.s32 $0x9390;
	[smem:$0x7E0] =	sst s14  }
0x88: {  	s16 =	simm.s32 $0x11F0;
	[smem:$0x7E1] =	sst s15  }
0x89: {  	s17 =	simm.s32 $0x9520;
	[smem:$0x7E2] =	sst s16  }
0x8a: {  	s18 =	simm.s32 $0x1228;
	[smem:$0x7E3] =	sst s17  }
0x8b: {  	s5 =	simm.s32 $0x96B0;
	[smem:$0x7E4] =	sst s18  }
0x8c: {  	s6 =	simm.s32 $0x1260;
	[smem:$0x7E5] =	sst s5  }
0x8d: {  	s19 =	simm.s32 $0x99D0;
	[smem:$0x7E6] =	sst s6  }
0x8e: {  	s20 =	simm.s32 $0x12D0;
	[smem:$0x7E9] =	sst s19  }
0x8f: {  	s21 =	simm.s32 $0x9B60;
	[smem:$0x7EA] =	sst s20  }
0x90: {  	s22 =	simm.s32 $0x1308;
	[smem:$0x7EB] =	sst s21  }
0x91: {  	s23 =	simm.s32 $0x9CF0;
	[smem:$0x7EC] =	sst s22  }
0x92: {  	s24 =	simm.s32 $0x1340;
	[smem:$0x7ED] =	sst s23  }
0x93: {  	s25 =	simm.s32 $0x9E80;
	[smem:$0x7EE] =	sst s24  }
0x94: {  	s28 =	simm.s32 $0x1378;
	[smem:$0x7EF] =	sst s25  }
0x95: {  	s29 =	simm.s32 $0xA010;
	[smem:$0x7F0] =	sst s28  }
0x96: {  	s30 =	simm.s32 $0x13B0;
	[smem:$0x7F1] =	sst s29  }
0x97: {  	s31 =	simm.s32 $0xA1A0;
	[smem:$0x7F2] =	sst s30  }
0x98: {  	s4 =	simm.s32 $0x38F0;
	[smem:$0x7F3] =	sst s31  }
0x99: {  	s7 =	simm.s32 $0x578;
	[smem:$0x775] =	sst s4  }
0x9a: {  	s9 =	simm.s32 $0x3C10;
	[smem:$0x778] =	sst s7  }
0x9b: {  	s12 =	simm.s32 $0x5B0;
	[smem:$0x779] =	sst s9  }
0x9c: {  	s13 =	simm.s32 $0x3DA0;
	[smem:$0x77A] =	sst s12  }
0x9d: {  	s14 =	simm.s32 $0x13E8;
	[smem:$0x77B] =	sst s13  }
0x9e: {  	s15 =	simm.s32 $0xA330;
	[smem:$0x7F4] =	sst s14  }
0x9f: {  	s16 =	simm.s32 $0x1420;
	[smem:$0x7F5] =	sst s15  }
0xa0: {  	s17 =	simm.s32 $0xA4C0;
	[smem:$0x7F6] =	sst s16  }
0xa1: {  	s18 =	simm.s32 $0x1458;
	[smem:$0x7F7] =	sst s17  }
0xa2: {  	s19 =	simm.s32 $0xA650;
	[smem:$0x7F8] =	sst s18  }
0xa3: {  	s20 =	simm.s32 $0x1490;
	[smem:$0x7F9] =	sst s19  }
0xa4: {  	s21 =	simm.s32 $0xA7E0;
	[smem:$0x7FA] =	sst s20  }
0xa5: {  	s22 =	simm.s32 $0x14C8;
	[smem:$0x7FB] =	sst s21  }
0xa6: {  	s24 =	simm.s32 $0xA970;
	[smem:$0x7FC] =	sst s22  }
0xa7: {  	s4 =	simm.s32 $0x818;
	[smem:$0x7FD] =	sst s24  }
0xa8: {  	s7 =	simm.s32 $0x5060;
	[smem:$0x78E] =	sst s4  }
0xa9: {  	s9 =	simm.s32 $0x888;
	[smem:$0x791] =	sst s7  }
0xaa: {  	s12 =	simm.s32 $0x51F0;
	[smem:$0x792] =	sst s9  }
0xab: {  	s13 =	simm.s32 $0x8C0;
	[smem:$0x793] =	sst s12  }
0xac: {  	[smem:$0x794] =	sst s13;
	s4 =	simm.s32 $0x6320  }
0xad: {  	s3 =	sadd.s32 $0x2F000, s8;
	s7 =	simm.s32 $0xB60;
	[smem:$0x7A7] =	sst s4  }
0xae: {  	s26 =	smul.u32 $0x19000, s0;
	s9 =	simm.s32 $0x6640;
	[smem:$0x7AA] =	sst s7  }
0xaf: {  	s5 =	sadd.s32 $0x4000, s8;
	s12 =	simm.s32 $0xB98;
	[smem:$0x7AB] =	sst s9  }
0xb0: {  	s6 =	sadd.s32 $0x4400, s8;
	s13 =	simm.s32 $0x67D0;
	[smem:$0x7AC] =	sst s12  }
0xb1: {  	s23 =	simm.s32 $0x9200;
	[smem:$0x7AD] =	sst s13;
	s4 =	simm.s32 $0xDC8  }
0xb2: {  	s25 =	simm.s32 $0x80;
	s7 =	simm.s32 $0x7A90;
	[smem:$0x7C0] =	sst s4  }
0xb3: {  	s14 =	simm.s32 $0xE00;
	s9 =	simm.s32 $0xE70;
	[smem:$0x7C3] =	sst s7  }
0xb4: {  	s15 =	simm.s32 $0x1180;
	s12 =	simm.s32 $0x7C20;
	[smem:$0x7C4] =	sst s9  }
0xb5: {  	s16 =	simm.s32 $0x1;
	s13 =	simm.s32 $0xEA8;
	[smem:$0x7C5] =	sst s12  }
0xb6: {  	s17 =	simm.s32 $0x32;
	[smem:$0x7C6] =	sst s13;
	s4 =	simm.s32 $0x8BC0  }
0xb7: {  	s18 =	simm.s32 $0x1500;
	s7 =	simm.s32 $0x1110;
	[smem:$0x7D9] =	sst s4  }
0xb8: {  	s19 =	simm.s32 $0x2E00;
	s9 =	simm.s32 $0x8EE0;
	[smem:$0x7DC] =	sst s7  }
0xb9: {  	s20 =	simm.s32 $0x4700;
	s12 =	simm.s32 $0x1148;
	[smem:$0x7DD] =	sst s9  }
0xba: {  	s21 =	simm.s32 $0x6000;
	s13 =	simm.s32 $0x9070;
	[smem:$0x7DE] =	sst s12  }
0xbb: {  	s22 =	simm.s32 $0x7900;
	s24 =	simm.s32 $0x8;
	[smem:$0x7DF] =	sst s13  }
0xbc: {  	s4 =	sadd.s32 $0x47800, s8;
	s7 =	simm.s32 $0x9840;
	s9 =	simm.s32 $0x1298  }
0xbd: {  	s12 =	ssub.s32 $0x2, s11;
	s11 =	smul.u32 $0x190000, s11;
	[smem:$0x7E7] =	sst s7  }
0xbe: {  	s7 =	sadd.s32 $0x4800, s8;
	[smem:$0x7E8] =	sst s9;
	s13 =	sshrl.u32 s12, $0x1  }
0xbf: {  	s8 =	sadd.s32 $0x4C00, s8;
	s12 =	ssub.s32 s12, s13;
	s10 =	sadd.s32 s11, s10  }
0xc0: {  	s11 =	simm.s32 $0x380;
	s13 =	simm.s32 $0xA80;
	s9 =	smax.u32 s12, $0x1  }
0xc1: {  	s10 =	sadd.s32 s26, s10;
	s12 =	simm.s32 $0x700;
	s26 =	simm.s32 $0x0  }
.LBB2_1:
0xc2: {  	s28 =	smov.u32 s10;
	s29 =	simm.s32 $0x0  }
.LBB2_2:
0xc3: {  	s30 =	rddreg [dreg:$0x3]  }
0xc4: {  	s31 =	rddreg [dreg:$0x4];
	s30 =	sadd.s32 s29, s30  }
0xc5: {  	[tilespmem:s2], [sflag:$0x1] =	stream.linear.gather [hbm4b:s30+s2], $0x380, $0x38;
	[tilespmem:$0xAB00] =	vst v63  }
0xc6: {  	s1 =	rddreg [dreg:$0x5];
	s31 =	sadd.s32 s29, s31  }
0xc7: {  	[tilespmem:s11], [sflag:$0x1] =	stream.linear.gather [hbm4b:s31+s2], $0x380, $0x38;
	[tilespmem:$0xAB00] =	vst v63  }
0xc8: {  	s0 =	rddreg [dreg:$0x6];
	s30 =	sadd.s32 s29, s1  }
0xc9: {  	[tilespmem:s12], [sflag:$0x1] =	stream.linear.gather [hbm4b:s30+s2], $0x380, $0x38;
	[tilespmem:$0xAB00] =	vst v63  }
0xca: {  	s1 =	rddreg [dreg:$0x7];
	s31 =	sadd.s32 s29, s0  }
0xcb: {  	[tilespmem:s13], [sflag:$0x1] =	stream.linear.gather [hbm4b:s31+s2], $0x380, $0x38;
	[tilespmem:$0xAB00] =	vst v63  }
0xcc: {  	s30 =	sadd.s32 s29, s1  }
0xcd: {  	[tilespmem:s14], [sflag:$0x1] =	stream.linear.gather [hbm4b:s30+s2], $0x380, $0x38;
	[tilespmem:$0xAB00] =	vst v63  }
0xce: {  	s30 =	rddreg [dreg:$0x8]  }
0xcf: {  	s30 =	sadd.s32 s29, s30  }
0xd0: {  	[tilespmem:s15], [sflag:$0x1] =	stream.linear.gather [hbm4b:s30+s2], $0x380, $0x38;
	[tilespmem:$0xAB00] =	vst v63  }
0xd1: {  	_ =	swait.ge [sflag:s16], $0x380  }
0xd2: {  	[sflag:s16] =	ssyncset.done $0x0  }
0xd3: {  	[sflag:s16] =	ssyncadd.s32 $0xFFFFFC80  }
0xd4: {  	_ =	swait.ge [sflag:s16], $0x380  }
0xd5: {  	[sflag:s16] =	ssyncset.done $0x0  }
0xd6: {  	[sflag:s16] =	ssyncadd.s32 $0xFFFFFC80  }
0xd7: {  	_ =	swait.ge [sflag:s16], $0x380  }
0xd8: {  	[sflag:s16] =	ssyncset.done $0x0  }
0xd9: {  	[sflag:s16] =	ssyncadd.s32 $0xFFFFFC80  }
0xda: {  	_ =	swait.ge [sflag:s16], $0x380  }
0xdb: {  	[sflag:s16] =	ssyncset.done $0x0  }
0xdc: {  	[sflag:s16] =	ssyncadd.s32 $0xFFFFFC80  }
0xdd: {  	_ =	swait.ge [sflag:s16], $0x380  }
0xde: {  	[sflag:s16] =	ssyncset.done $0x0  }
0xdf: {  	[sflag:s16] =	ssyncadd.s32 $0xFFFFFC80  }
0xe0: {  	_ =	swait.ge [sflag:s16], $0x380  }
0xe1: {  	s0 =	rddreg [dreg:$0x9]  }
0xe2: {  	[sflag:s16] =	ssyncset.done $0x0;
	s1 =	rddreg [dreg:$0xa]  }
0xe3: {  	s30 =	rddreg [dreg:$0xb];
	[sflag:s16] =	ssyncadd.s32 $0xFFFFFC80  }
0xe4: {  	[tilespmem:s18], [sflag:$0x1] =	stream.indirect.gather [hbm4b:s3+s17], $0x8, s2, s17, $0xb8;
	[tilespmem:$0xAB00] =	vst v63  }
0xe5: {  	s31 =	rddreg [dreg:$0xc]  }
0xe6: {  	[tilespmem:s1], [sflag:$0x1] =	stream.indirect.gather [hbm4b:s3+s17], $0x8, s0, s17, $0xb8;
	[tilespmem:$0xAB00] =	vst v63  }
0xe7: {  	s1 =	rddreg [dreg:$0xd]  }
0xe8: {  	s0 =	rddreg [dreg:$0xe]  }
0xe9: {  	[tilespmem:s31], [sflag:$0x1] =	stream.indirect.gather [hbm4b:s3+s17], $0x8, s30, s17, $0xb8;
	[tilespmem:$0xAB00] =	vst v63  }
0xea: {  	s30 =	rddreg [dreg:$0x11]  }
0xeb: {  	s31 =	rddreg [dreg:$0x12]  }
0xec: {  	[tilespmem:s0], [sflag:$0x1] =	stream.indirect.gather [hbm4b:s3+s17], $0x8, s1, s17, $0xb8;
	[tilespmem:$0xAB00] =	vst v63  }
0xed: {  	s0 =	rddreg [dreg:$0xf]  }
0xee: {  	s1 =	rddreg [dreg:$0x10]  }
0xef: {  	[tilespmem:s1], [sflag:$0x1] =	stream.indirect.gather [hbm4b:s3+s17], $0x8, s0, s17, $0xb8;
	[tilespmem:$0xAB00] =	vst v63  }
0xf0: {  	s0 =	rddreg [dreg:$0x13]  }
0xf1: {  	s1 =	rddreg [dreg:$0x14]  }
0xf2: {  	[tilespmem:s31], [sflag:$0x1] =	stream.indirect.gather [hbm4b:s3+s17], $0x8, s30, s17, $0xb8;
	[tilespmem:$0xAB00] =	vst v63  }
0xf3: {  	s30 =	rddreg [dreg:$0x15]  }
0xf4: {  	s31 =	rddreg [dreg:$0x16]  }
0xf5: {  	[tilespmem:s1], [sflag:$0x1] =	stream.indirect.gather [hbm4b:s3+s17], $0x8, s0, s17, $0xb8;
	[tilespmem:$0xAB00] =	vst v63  }
0xf6: {  	s0 =	rddreg [dreg:$0x17]  }
0xf7: {  	s1 =	rddreg [dreg:$0x18]  }
0xf8: {  	[tilespmem:s31], [sflag:$0x1] =	stream.indirect.gather [hbm4b:s3+s17], $0x8, s30, s17, $0xb8;
	[tilespmem:$0xAB00] =	vst v63  }
0xf9: {  	s30 =	rddreg [dreg:$0x19]  }
0xfa: {  	s31 =	rddreg [dreg:$0x1a]  }
0xfb: {  	[tilespmem:s1], [sflag:$0x1] =	stream.indirect.gather [hbm4b:s3+s17], $0x8, s0, s17, $0xb8;
	[tilespmem:$0xAB00] =	vst v63  }
0xfc: {  	s0 =	rddreg [dreg:$0x1b]  }
0xfd: {  	s1 =	rddreg [dreg:$0x1c]  }
0xfe: {  	[tilespmem:s31], [sflag:$0x1] =	stream.indirect.gather [hbm4b:s3+s17], $0x8, s30, s17, $0xb8;
	[tilespmem:$0xAB00] =	vst v63  }
0xff: {  	s30 =	rddreg [dreg:$0x1d]  }
0x100: {  	s31 =	rddreg [dreg:$0x1e]  }
0x101: {  	[tilespmem:s1], [sflag:$0x1] =	stream.indirect.gather [hbm4b:s3+s17], $0x8, s0, s17, $0xb8;
	[tilespmem:$0xAB00] =	vst v63  }
0x102: {  	s0 =	rddreg [dreg:$0x1f]  }
0x103: {  	s1 =	sld [smem:$0x761]  }
0x104: {  	[tilespmem:s31], [sflag:$0x1] =	stream.indirect.gather [hbm4b:s3+s17], $0x8, s30, s17, $0xb8;
	[tilespmem:$0xAB00] =	vst v63  }
0x105: {  	s30 =	sld [smem:$0x762]  }
0x106: {  	s31 =	sld [smem:$0x763]  }
0x107: {  	[tilespmem:s1], [sflag:$0x1] =	stream.indirect.gather [hbm4b:s3+s17], $0x8, s0, s17, $0xb8;
	[tilespmem:$0xAB00] =	vst v63  }
0x108: {  	s0 =	sld [smem:$0x764]  }
0x109: {  	s1 =	sld [smem:$0x765]  }
0x10a: {  	[tilespmem:s31], [sflag:$0x1] =	stream.indirect.gather [hbm4b:s3+s17], $0x8, s30, s17, $0xb8;
	[tilespmem:$0xAB00] =	vst v63  }
0x10b: {  	s30 =	sld [smem:$0x766]  }
0x10c: {  	s31 =	sld [smem:$0x767]  }
0x10d: {  	[tilespmem:s1], [sflag:$0x1] =	stream.indirect.gather [hbm4b:s3+s17], $0x8, s0, s17, $0xb8;
	[tilespmem:$0xAB00] =	vst v63  }
0x10e: {  	s0 =	sld [smem:$0x76A]  }
0x10f: {  	[tilespmem:s31], [sflag:$0x1] =	stream.indirect.gather [hbm4b:s3+s17], $0x8, s30, s17, $0xb8;
	[tilespmem:$0xAB00] =	vst v63  }
0x110: {  	s30 =	sld [smem:$0x768]  }
0x111: {  	s31 =	sld [smem:$0x769]  }
0x112: {  	[tilespmem:s19], [sflag:$0x1] =	stream.indirect.gather [hbm4b:s4+s17], $0x8, s11, s17, $0xb8;
	[tilespmem:$0xAB00] =	vst v63  }
0x113: {  	s1 =	sld [smem:$0x76B]  }
0x114: {  	[tilespmem:s31], [sflag:$0x1] =	stream.indirect.gather [hbm4b:s4+s17], $0x8, s30, s17, $0xb8;
	[tilespmem:$0xAB00] =	vst v63  }
0x115: {  	s30 =	sld [smem:$0x76C]  }
0x116: {  	s31 =	sld [smem:$0x76D]  }
0x117: {  	[tilespmem:s1], [sflag:$0x1] =	stream.indirect.gather [hbm4b:s4+s17], $0x8, s0, s17, $0xb8;
	[tilespmem:$0xAB00] =	vst v63  }
0x118: {  	s0 =	sld [smem:$0x76E]  }
0x119: {  	s1 =	sld [smem:$0x76F]  }
0x11a: {  	[tilespmem:s31], [sflag:$0x1] =	stream.indirect.gather [hbm4b:s4+s17], $0x8, s30, s17, $0xb8;
	[tilespmem:$0xAB00] =	vst v63  }
0x11b: {  	s30 =	sld [smem:$0x770]  }
0x11c: {  	s31 =	sld [smem:$0x771]  }
0x11d: {  	[tilespmem:s1], [sflag:$0x1] =	stream.indirect.gather [hbm4b:s4+s17], $0x8, s0, s17, $0xb8;
	[tilespmem:$0xAB00] =	vst v63  }
0x11e: {  	s0 =	sld [smem:$0x772]  }
0x11f: {  	s1 =	sld [smem:$0x773]  }
0x120: {  	[tilespmem:s31], [sflag:$0x1] =	stream.indirect.gather [hbm4b:s4+s17], $0x8, s30, s17, $0xb8;
	[tilespmem:$0xAB00] =	vst v63  }
0x121: {  	s30 =	sld [smem:$0x774]  }
0x122: {  	s31 =	sld [smem:$0x775]  }
0x123: {  	[tilespmem:s1], [sflag:$0x1] =	stream.indirect.gather [hbm4b:s4+s17], $0x8, s0, s17, $0xb8;
	[tilespmem:$0xAB00] =	vst v63  }
0x124: {  	s0 =	sld [smem:$0x776]  }
0x125: {  	s1 =	sld [smem:$0x777]  }
0x126: {  	[tilespmem:s31], [sflag:$0x1] =	stream.indirect.gather [hbm4b:s4+s17], $0x8, s30, s17, $0xb8;
	[tilespmem:$0xAB00] =	vst v63  }
0x127: {  	s30 =	sld [smem:$0x778]  }
0x128: {  	s31 =	sld [smem:$0x779]  }
0x129: {  	[tilespmem:s1], [sflag:$0x1] =	stream.indirect.gather [hbm4b:s4+s17], $0x8, s0, s17, $0xb8;
	[tilespmem:$0xAB00] =	vst v63  }
0x12a: {  	s0 =	sld [smem:$0x77A]  }
0x12b: {  	s1 =	sld [smem:$0x77B]  }
0x12c: {  	[tilespmem:s31], [sflag:$0x1] =	stream.indirect.gather [hbm4b:s4+s17], $0x8, s30, s17, $0xb8;
	[tilespmem:$0xAB00] =	vst v63  }
0x12d: {  	s30 =	sld [smem:$0x77C]  }
0x12e: {  	s31 =	sld [smem:$0x77D]  }
0x12f: {  	[tilespmem:s1], [sflag:$0x1] =	stream.indirect.gather [hbm4b:s4+s17], $0x8, s0, s17, $0xb8;
	[tilespmem:$0xAB00] =	vst v63  }
0x130: {  	s0 =	sld [smem:$0x77E]  }
0x131: {  	s1 =	sld [smem:$0x77F]  }
0x132: {  	[tilespmem:s31], [sflag:$0x1] =	stream.indirect.gather [hbm4b:s4+s17], $0x8, s30, s17, $0xb8;
	[tilespmem:$0xAB00] =	vst v63  }
0x133: {  	s30 =	sld [smem:$0x780]  }
0x134: {  	s31 =	sld [smem:$0x781]  }
0x135: {  	[tilespmem:s1], [sflag:$0x1] =	stream.indirect.gather [hbm4b:s4+s17], $0x8, s0, s17, $0xb8;
	[tilespmem:$0xAB00] =	vst v63  }
0x136: {  	s0 =	sld [smem:$0x782]  }
0x137: {  	s1 =	sld [smem:$0x783]  }
0x138: {  	[tilespmem:s31], [sflag:$0x1] =	stream.indirect.gather [hbm4b:s4+s17], $0x8, s30, s17, $0xb8;
	[tilespmem:$0xAB00] =	vst v63  }
0x139: {  	s30 =	sld [smem:$0x784]  }
0x13a: {  	s31 =	sld [smem:$0x785]  }
0x13b: {  	[tilespmem:s1], [sflag:$0x1] =	stream.indirect.gather [hbm4b:s4+s17], $0x8, s0, s17, $0xb8;
	[tilespmem:$0xAB00] =	vst v63  }
0x13c: {  	s0 =	sld [smem:$0x788]  }
0x13d: {  	[tilespmem:s31], [sflag:$0x1] =	stream.indirect.gather [hbm4b:s4+s17], $0x8, s30, s17, $0xb8;
	[tilespmem:$0xAB00] =	vst v63  }
0x13e: {  	s30 =	sld [smem:$0x786]  }
0x13f: {  	s31 =	sld [smem:$0x787]  }
0x140: {  	[tilespmem:s20], [sflag:$0x1] =	stream.indirect.gather [hbm4b:s5+s17], $0x8, s12, s17, $0xb8;
	[tilespmem:$0xAB00] =	vst v63  }
0x141: {  	s1 =	sld [smem:$0x789]  }
0x142: {  	[tilespmem:s31], [sflag:$0x1] =	stream.indirect.gather [hbm4b:s5+s17], $0x8, s30, s17, $0xb8;
	[tilespmem:$0xAB00] =	vst v63  }
0x143: {  	s30 =	sld [smem:$0x78A]  }
0x144: {  	s31 =	sld [smem:$0x78B]  }
0x145: {  	[tilespmem:s1], [sflag:$0x1] =	stream.indirect.gather [hbm4b:s5+s17], $0x8, s0, s17, $0xb8;
	[tilespmem:$0xAB00] =	vst v63  }
0x146: {  	s0 =	sld [smem:$0x78C]  }
0x147: {  	s1 =	sld [smem:$0x78D]  }
0x148: {  	[tilespmem:s31], [sflag:$0x1] =	stream.indirect.gather [hbm4b:s5+s17], $0x8, s30, s17, $0xb8;
	[tilespmem:$0xAB00] =	vst v63  }
0x149: {  	s30 =	sld [smem:$0x78E]  }
0x14a: {  	s31 =	sld [smem:$0x78F]  }
0x14b: {  	[tilespmem:s1], [sflag:$0x1] =	stream.indirect.gather [hbm4b:s5+s17], $0x8, s0, s17, $0xb8;
	[tilespmem:$0xAB00] =	vst v63  }
0x14c: {  	s0 =	sld [smem:$0x790]  }
0x14d: {  	s1 =	sld [smem:$0x791]  }
0x14e: {  	[tilespmem:s31], [sflag:$0x1] =	stream.indirect.gather [hbm4b:s5+s17], $0x8, s30, s17, $0xb8;
	[tilespmem:$0xAB00] =	vst v63  }
0x14f: {  	s30 =	sld [smem:$0x792]  }
0x150: {  	s31 =	sld [smem:$0x793]  }
0x151: {  	[tilespmem:s1], [sflag:$0x1] =	stream.indirect.gather [hbm4b:s5+s17], $0x8, s0, s17, $0xb8;
	[tilespmem:$0xAB00] =	vst v63  }
0x152: {  	s0 =	sld [smem:$0x794]  }
0x153: {  	s1 =	sld [smem:$0x795]  }
0x154: {  	[tilespmem:s31], [sflag:$0x1] =	stream.indirect.gather [hbm4b:s5+s17], $0x8, s30, s17, $0xb8;
	[tilespmem:$0xAB00] =	vst v63  }
0x155: {  	s30 =	sld [smem:$0x796]  }
0x156: {  	s31 =	sld [smem:$0x797]  }
0x157: {  	[tilespmem:s1], [sflag:$0x1] =	stream.indirect.gather [hbm4b:s5+s17], $0x8, s0, s17, $0xb8;
	[tilespmem:$0xAB00] =	vst v63  }
0x158: {  	s0 =	sld [smem:$0x798]  }
0x159: {  	s1 =	sld [smem:$0x799]  }
0x15a: {  	[tilespmem:s31], [sflag:$0x1] =	stream.indirect.gather [hbm4b:s5+s17], $0x8, s30, s17, $0xb8;
	[tilespmem:$0xAB00] =	vst v63  }
0x15b: {  	s30 =	sld [smem:$0x79A]  }
0x15c: {  	s31 =	sld [smem:$0x79B]  }
0x15d: {  	[tilespmem:s1], [sflag:$0x1] =	stream.indirect.gather [hbm4b:s5+s17], $0x8, s0, s17, $0xb8;
	[tilespmem:$0xAB00] =	vst v63  }
0x15e: {  	s0 =	sld [smem:$0x79C]  }
0x15f: {  	s1 =	sld [smem:$0x79D]  }
0x160: {  	[tilespmem:s31], [sflag:$0x1] =	stream.indirect.gather [hbm4b:s5+s17], $0x8, s30, s17, $0xb8;
	[tilespmem:$0xAB00] =	vst v63  }
0x161: {  	s30 =	sld [smem:$0x79E]  }
0x162: {  	s31 =	sld [smem:$0x79F]  }
0x163: {  	[tilespmem:s1], [sflag:$0x1] =	stream.indirect.gather [hbm4b:s5+s17], $0x8, s0, s17, $0xb8;
	[tilespmem:$0xAB00] =	vst v63  }
0x164: {  	s0 =	sld [smem:$0x7A0]  }
0x165: {  	s1 =	sld [smem:$0x7A1]  }
0x166: {  	[tilespmem:s31], [sflag:$0x1] =	stream.indirect.gather [hbm4b:s5+s17], $0x8, s30, s17, $0xb8;
	[tilespmem:$0xAB00] =	vst v63  }
0x167: {  	s30 =	sld [smem:$0x7A2]  }
0x168: {  	s31 =	sld [smem:$0x7A3]  }
0x169: {  	[tilespmem:s1], [sflag:$0x1] =	stream.indirect.gather [hbm4b:s5+s17], $0x8, s0, s17, $0xb8;
	[tilespmem:$0xAB00] =	vst v63  }
0x16a: {  	s0 =	sld [smem:$0x7A6]  }
0x16b: {  	[tilespmem:s31], [sflag:$0x1] =	stream.indirect.gather [hbm4b:s5+s17], $0x8, s30, s17, $0xb8;
	[tilespmem:$0xAB00] =	vst v63  }
0x16c: {  	s30 =	sld [smem:$0x7A4]  }
0x16d: {  	s31 =	sld [smem:$0x7A5]  }
0x16e: {  	[tilespmem:s21], [sflag:$0x1] =	stream.indirect.gather [hbm4b:s6+s17], $0x8, s13, s17, $0xb8;
	[tilespmem:$0xAB00] =	vst v63  }
0x16f: {  	s1 =	sld [smem:$0x7A7]  }
0x170: {  	[tilespmem:s31], [sflag:$0x1] =	stream.indirect.gather [hbm4b:s6+s17], $0x8, s30, s17, $0xb8;
	[tilespmem:$0xAB00] =	vst v63  }
0x171: {  	s30 =	sld [smem:$0x7A8]  }
0x172: {  	s31 =	sld [smem:$0x7A9]  }
0x173: {  	[tilespmem:s1], [sflag:$0x1] =	stream.indirect.gather [hbm4b:s6+s17], $0x8, s0, s17, $0xb8;
	[tilespmem:$0xAB00] =	vst v63  }
0x174: {  	s0 =	sld [smem:$0x7AA]  }
0x175: {  	s1 =	sld [smem:$0x7AB]  }
0x176: {  	[tilespmem:s31], [sflag:$0x1] =	stream.indirect.gather [hbm4b:s6+s17], $0x8, s30, s17, $0xb8;
	[tilespmem:$0xAB00] =	vst v63  }
0x177: {  	s30 =	sld [smem:$0x7AC]  }
0x178: {  	s31 =	sld [smem:$0x7AD]  }
0x179: {  	[tilespmem:s1], [sflag:$0x1] =	stream.indirect.gather [hbm4b:s6+s17], $0x8, s0, s17, $0xb8;
	[tilespmem:$0xAB00] =	vst v63  }
0x17a: {  	s0 =	sld [smem:$0x7AE]  }
0x17b: {  	s1 =	sld [smem:$0x7AF]  }
0x17c: {  	[tilespmem:s31], [sflag:$0x1] =	stream.indirect.gather [hbm4b:s6+s17], $0x8, s30, s17, $0xb8;
	[tilespmem:$0xAB00] =	vst v63  }
0x17d: {  	s30 =	sld [smem:$0x7B0]  }
0x17e: {  	s31 =	sld [smem:$0x7B1]  }
0x17f: {  	[tilespmem:s1], [sflag:$0x1] =	stream.indirect.gather [hbm4b:s6+s17], $0x8, s0, s17, $0xb8;
	[tilespmem:$0xAB00] =	vst v63  }
0x180: {  	s0 =	sld [smem:$0x7B2]  }
0x181: {  	s1 =	sld [smem:$0x7B3]  }
0x182: {  	[tilespmem:s31], [sflag:$0x1] =	stream.indirect.gather [hbm4b:s6+s17], $0x8, s30, s17, $0xb8;
	[tilespmem:$0xAB00] =	vst v63  }
0x183: {  	s30 =	sld [smem:$0x7B4]  }
0x184: {  	s31 =	sld [smem:$0x7B5]  }
0x185: {  	[tilespmem:s1], [sflag:$0x1] =	stream.indirect.gather [hbm4b:s6+s17], $0x8, s0, s17, $0xb8;
	[tilespmem:$0xAB00] =	vst v63  }
0x186: {  	s0 =	sld [smem:$0x7B6]  }
0x187: {  	s1 =	sld [smem:$0x7B7]  }
0x188: {  	[tilespmem:s31], [sflag:$0x1] =	stream.indirect.gather [hbm4b:s6+s17], $0x8, s30, s17, $0xb8;
	[tilespmem:$0xAB00] =	vst v63  }
0x189: {  	s30 =	sld [smem:$0x7B8]  }
0x18a: {  	s31 =	sld [smem:$0x7B9]  }
0x18b: {  	[tilespmem:s1], [sflag:$0x1] =	stream.indirect.gather [hbm4b:s6+s17], $0x8, s0, s17, $0xb8;
	[tilespmem:$0xAB00] =	vst v63  }
0x18c: {  	s0 =	sld [smem:$0x7BA]  }
0x18d: {  	s1 =	sld [smem:$0x7BB]  }
0x18e: {  	[tilespmem:s31], [sflag:$0x1] =	stream.indirect.gather [hbm4b:s6+s17], $0x8, s30, s17, $0xb8;
	[tilespmem:$0xAB00] =	vst v63  }
0x18f: {  	s30 =	sld [smem:$0x7BC]  }
0x190: {  	s31 =	sld [smem:$0x7BD]  }
0x191: {  	[tilespmem:s1], [sflag:$0x1] =	stream.indirect.gather [hbm4b:s6+s17], $0x8, s0, s17, $0xb8;
	[tilespmem:$0xAB00] =	vst v63  }
0x192: {  	s0 =	sld [smem:$0x7BE]  }
0x193: {  	s1 =	sld [smem:$0x7BF]  }
0x194: {  	[tilespmem:s31], [sflag:$0x1] =	stream.indirect.gather [hbm4b:s6+s17], $0x8, s30, s17, $0xb8;
	[tilespmem:$0xAB00] =	vst v63  }
0x195: {  	s30 =	sld [smem:$0x7C0]  }
0x196: {  	s31 =	sld [smem:$0x7C1]  }
0x197: {  	[tilespmem:s1], [sflag:$0x1] =	stream.indirect.gather [hbm4b:s6+s17], $0x8, s0, s17, $0xb8;
	[tilespmem:$0xAB00] =	vst v63  }
0x198: {  	s0 =	sld [smem:$0x7C4]  }
0x199: {  	[tilespmem:s31], [sflag:$0x1] =	stream.indirect.gather [hbm4b:s6+s17], $0x8, s30, s17, $0xb8;
	[tilespmem:$0xAB00] =	vst v63  }
0x19a: {  	s30 =	sld [smem:$0x7C2]  }
0x19b: {  	s31 =	sld [smem:$0x7C3]  }
0x19c: {  	[tilespmem:s22], [sflag:$0x1] =	stream.indirect.gather [hbm4b:s7+s17], $0x8, s14, s17, $0xb8;
	[tilespmem:$0xAB00] =	vst v63  }
0x19d: {  	s1 =	sld [smem:$0x7C5]  }
0x19e: {  	[tilespmem:s31], [sflag:$0x1] =	stream.indirect.gather [hbm4b:s7+s17], $0x8, s30, s17, $0xb8;
	[tilespmem:$0xAB00] =	vst v63  }
0x19f: {  	s30 =	sld [smem:$0x7C6]  }
0x1a0: {  	s31 =	sld [smem:$0x7C7]  }
0x1a1: {  	[tilespmem:s1], [sflag:$0x1] =	stream.indirect.gather [hbm4b:s7+s17], $0x8, s0, s17, $0xb8;
	[tilespmem:$0xAB00] =	vst v63  }
0x1a2: {  	s0 =	sld [smem:$0x7C8]  }
0x1a3: {  	s1 =	sld [smem:$0x7C9]  }
0x1a4: {  	[tilespmem:s31], [sflag:$0x1] =	stream.indirect.gather [hbm4b:s7+s17], $0x8, s30, s17, $0xb8;
	[tilespmem:$0xAB00] =	vst v63  }
0x1a5: {  	s30 =	sld [smem:$0x7CA]  }
0x1a6: {  	s31 =	sld [smem:$0x7CB]  }
0x1a7: {  	[tilespmem:s1], [sflag:$0x1] =	stream.indirect.gather [hbm4b:s7+s17], $0x8, s0, s17, $0xb8;
	[tilespmem:$0xAB00] =	vst v63  }
0x1a8: {  	s0 =	sld [smem:$0x7CC]  }
0x1a9: {  	s1 =	sld [smem:$0x7CD]  }
0x1aa: {  	[tilespmem:s31], [sflag:$0x1] =	stream.indirect.gather [hbm4b:s7+s17], $0x8, s30, s17, $0xb8;
	[tilespmem:$0xAB00] =	vst v63  }
0x1ab: {  	s30 =	sld [smem:$0x7CE]  }
0x1ac: {  	s31 =	sld [smem:$0x7CF]  }
0x1ad: {  	[tilespmem:s1], [sflag:$0x1] =	stream.indirect.gather [hbm4b:s7+s17], $0x8, s0, s17, $0xb8;
	[tilespmem:$0xAB00] =	vst v63  }
0x1ae: {  	s0 =	sld [smem:$0x7D0]  }
0x1af: {  	s1 =	sld [smem:$0x7D1]  }
0x1b0: {  	[tilespmem:s31], [sflag:$0x1] =	stream.indirect.gather [hbm4b:s7+s17], $0x8, s30, s17, $0xb8;
	[tilespmem:$0xAB00] =	vst v63  }
0x1b1: {  	s30 =	sld [smem:$0x7D2]  }
0x1b2: {  	s31 =	sld [smem:$0x7D3]  }
0x1b3: {  	[tilespmem:s1], [sflag:$0x1] =	stream.indirect.gather [hbm4b:s7+s17], $0x8, s0, s17, $0xb8;
	[tilespmem:$0xAB00] =	vst v63  }
0x1b4: {  	s0 =	sld [smem:$0x7D4]  }
0x1b5: {  	s1 =	sld [smem:$0x7D5]  }
0x1b6: {  	[tilespmem:s31], [sflag:$0x1] =	stream.indirect.gather [hbm4b:s7+s17], $0x8, s30, s17, $0xb8;
	[tilespmem:$0xAB00] =	vst v63  }
0x1b7: {  	s30 =	sld [smem:$0x7D6]  }
0x1b8: {  	s31 =	sld [smem:$0x7D7]  }
0x1b9: {  	[tilespmem:s1], [sflag:$0x1] =	stream.indirect.gather [hbm4b:s7+s17], $0x8, s0, s17, $0xb8;
	[tilespmem:$0xAB00] =	vst v63  }
0x1ba: {  	s0 =	sld [smem:$0x7D8]  }
0x1bb: {  	s1 =	sld [smem:$0x7D9]  }
0x1bc: {  	[tilespmem:s31], [sflag:$0x1] =	stream.indirect.gather [hbm4b:s7+s17], $0x8, s30, s17, $0xb8;
	[tilespmem:$0xAB00] =	vst v63  }
0x1bd: {  	s30 =	sld [smem:$0x7DA]  }
0x1be: {  	s31 =	sld [smem:$0x7DB]  }
0x1bf: {  	[tilespmem:s1], [sflag:$0x1] =	stream.indirect.gather [hbm4b:s7+s17], $0x8, s0, s17, $0xb8;
	[tilespmem:$0xAB00] =	vst v63  }
0x1c0: {  	s0 =	sld [smem:$0x7DC]  }
0x1c1: {  	s1 =	sld [smem:$0x7DD]  }
0x1c2: {  	[tilespmem:s31], [sflag:$0x1] =	stream.indirect.gather [hbm4b:s7+s17], $0x8, s30, s17, $0xb8;
	[tilespmem:$0xAB00] =	vst v63  }
0x1c3: {  	s30 =	sld [smem:$0x7DE]  }
0x1c4: {  	s31 =	sld [smem:$0x7DF]  }
0x1c5: {  	[tilespmem:s1], [sflag:$0x1] =	stream.indirect.gather [hbm4b:s7+s17], $0x8, s0, s17, $0xb8;
	[tilespmem:$0xAB00] =	vst v63  }
0x1c6: {  	s0 =	sld [smem:$0x7E2]  }
0x1c7: {  	[tilespmem:s31], [sflag:$0x1] =	stream.indirect.gather [hbm4b:s7+s17], $0x8, s30, s17, $0xb8;
	[tilespmem:$0xAB00] =	vst v63  }
0x1c8: {  	s30 =	sld [smem:$0x7E0]  }
0x1c9: {  	s31 =	sld [smem:$0x7E1]  }
0x1ca: {  	[tilespmem:s23], [sflag:$0x1] =	stream.indirect.gather [hbm4b:s8+s17], $0x8, s15, s17, $0xb8;
	[tilespmem:$0xAB00] =	vst v63  }
0x1cb: {  	s1 =	sld [smem:$0x7E3]  }
0x1cc: {  	[tilespmem:s31], [sflag:$0x1] =	stream.indirect.gather [hbm4b:s8+s17], $0x8, s30, s17, $0xb8;
	[tilespmem:$0xAB00] =	vst v63  }
0x1cd: {  	s30 =	sld [smem:$0x7E4]  }
0x1ce: {  	s31 =	sld [smem:$0x7E5]  }
0x1cf: {  	[tilespmem:s1], [sflag:$0x1] =	stream.indirect.gather [hbm4b:s8+s17], $0x8, s0, s17, $0xb8;
	[tilespmem:$0xAB00] =	vst v63  }
0x1d0: {  	s0 =	sld [smem:$0x7E6]  }
0x1d1: {  	s1 =	sld [smem:$0x7E7]  }
0x1d2: {  	[tilespmem:s31], [sflag:$0x1] =	stream.indirect.gather [hbm4b:s8+s17], $0x8, s30, s17, $0xb8;
	[tilespmem:$0xAB00] =	vst v63  }
0x1d3: {  	s30 =	sld [smem:$0x7E8]  }
0x1d4: {  	s31 =	sld [smem:$0x7E9]  }
0x1d5: {  	[tilespmem:s1], [sflag:$0x1] =	stream.indirect.gather [hbm4b:s8+s17], $0x8, s0, s17, $0xb8;
	[tilespmem:$0xAB00] =	vst v63  }
0x1d6: {  	s0 =	sld [smem:$0x7EA]  }
0x1d7: {  	s1 =	sld [smem:$0x7EB]  }
0x1d8: {  	[tilespmem:s31], [sflag:$0x1] =	stream.indirect.gather [hbm4b:s8+s17], $0x8, s30, s17, $0xb8;
	[tilespmem:$0xAB00] =	vst v63  }
0x1d9: {  	s30 =	sld [smem:$0x7EC]  }
0x1da: {  	s31 =	sld [smem:$0x7ED]  }
0x1db: {  	[tilespmem:s1], [sflag:$0x1] =	stream.indirect.gather [hbm4b:s8+s17], $0x8, s0, s17, $0xb8;
	[tilespmem:$0xAB00] =	vst v63  }
0x1dc: {  	s0 =	sld [smem:$0x7EE]  }
0x1dd: {  	s1 =	sld [smem:$0x7EF]  }
0x1de: {  	[tilespmem:s31], [sflag:$0x1] =	stream.indirect.gather [hbm4b:s8+s17], $0x8, s30, s17, $0xb8;
	[tilespmem:$0xAB00] =	vst v63  }
0x1df: {  	s30 =	sld [smem:$0x7F0]  }
0x1e0: {  	s31 =	sld [smem:$0x7F1]  }
0x1e1: {  	[tilespmem:s1], [sflag:$0x1] =	stream.indirect.gather [hbm4b:s8+s17], $0x8, s0, s17, $0xb8;
	[tilespmem:$0xAB00] =	vst v63  }
0x1e2: {  	s0 =	sld [smem:$0x7F2]  }
0x1e3: {  	s1 =	sld [smem:$0x7F3]  }
0x1e4: {  	[tilespmem:s31], [sflag:$0x1] =	stream.indirect.gather [hbm4b:s8+s17], $0x8, s30, s17, $0xb8;
	[tilespmem:$0xAB00] =	vst v63  }
0x1e5: {  	s30 =	sld [smem:$0x7F4]  }
0x1e6: {  	s31 =	sld [smem:$0x7F5]  }
0x1e7: {  	[tilespmem:s1], [sflag:$0x1] =	stream.indirect.gather [hbm4b:s8+s17], $0x8, s0, s17, $0xb8;
	[tilespmem:$0xAB00] =	vst v63  }
0x1e8: {  	s0 =	sld [smem:$0x7F6]  }
0x1e9: {  	s1 =	sld [smem:$0x7F7]  }
0x1ea: {  	[tilespmem:s31], [sflag:$0x1] =	stream.indirect.gather [hbm4b:s8+s17], $0x8, s30, s17, $0xb8;
	[tilespmem:$0xAB00] =	vst v63  }
0x1eb: {  	s30 =	sld [smem:$0x7F8]  }
0x1ec: {  	s31 =	sld [smem:$0x7F9]  }
0x1ed: {  	[tilespmem:s1], [sflag:$0x1] =	stream.indirect.gather [hbm4b:s8+s17], $0x8, s0, s17, $0xb8;
	[tilespmem:$0xAB00] =	vst v63  }
0x1ee: {  	s0 =	sld [smem:$0x7FA]  }
0x1ef: {  	s1 =	sld [smem:$0x7FB]  }
0x1f0: {  	[tilespmem:s31], [sflag:$0x1] =	stream.indirect.gather [hbm4b:s8+s17], $0x8, s30, s17, $0xb8;
	[tilespmem:$0xAB00] =	vst v63  }
0x1f1: {  	s30 =	sld [smem:$0x7FC]  }
0x1f2: {  	s31 =	sld [smem:$0x7FD]  }
0x1f3: {  	[tilespmem:s1], [sflag:$0x1] =	stream.indirect.gather [hbm4b:s8+s17], $0x8, s0, s17, $0xb8;
	[tilespmem:$0xAB00] =	vst v63  }
0x1f4: {  	_ = 	snop  }
0x1f5: {  	[tilespmem:s31], [sflag:$0x1] =	stream.indirect.gather [hbm4b:s8+s17], $0x8, s30, s17, $0xb8;
	[tilespmem:$0xAB00] =	vst v63  }
0x1f6: {  	_ =	swait.ge [sflag:s16], $0x190  }
0x1f7: {  	[sflag:s16] =	ssyncset.done $0x0  }
0x1f8: {  	[sflag:s16] =	ssyncadd.s32 $0xFFFFFE70  }
0x1f9: {  	_ =	swait.ge [sflag:s16], $0x190  }
0x1fa: {  	[sflag:s16] =	ssyncset.done $0x0  }
0x1fb: {  	[sflag:s16] =	ssyncadd.s32 $0xFFFFFE70  }
0x1fc: {  	_ =	swait.ge [sflag:s16], $0x190  }
0x1fd: {  	[sflag:s16] =	ssyncset.done $0x0  }
0x1fe: {  	[sflag:s16] =	ssyncadd.s32 $0xFFFFFE70  }
0x1ff: {  	_ =	swait.ge [sflag:s16], $0x190  }
0x200: {  	[sflag:s16] =	ssyncset.done $0x0  }
0x201: {  	[sflag:s16] =	ssyncadd.s32 $0xFFFFFE70  }
0x202: {  	_ =	swait.ge [sflag:s16], $0x190  }
0x203: {  	[sflag:s16] =	ssyncset.done $0x0  }
0x204: {  	[sflag:s16] =	ssyncadd.s32 $0xFFFFFE70  }
0x205: {  	_ =	swait.ge [sflag:s16], $0x190  }
0x206: {  	[sflag:s16] =	ssyncset.done $0x0  }
0x207: {  	[sflag:s16] =	ssyncadd.s32 $0xFFFFFE70  }
0x208: {  	_ =	swait.ge [sflag:s16], $0x190  }
0x209: {  	[sflag:s16] =	ssyncset.done $0x0  }
0x20a: {  	[sflag:s16] =	ssyncadd.s32 $0xFFFFFE70  }
0x20b: {  	_ =	swait.ge [sflag:s16], $0x190  }
0x20c: {  	[sflag:s16] =	ssyncset.done $0x0  }
0x20d: {  	[sflag:s16] =	ssyncadd.s32 $0xFFFFFE70  }
0x20e: {  	_ =	swait.ge [sflag:s16], $0x190  }
0x20f: {  	[sflag:s16] =	ssyncset.done $0x0  }
0x210: {  	[sflag:s16] =	ssyncadd.s32 $0xFFFFFE70  }
0x211: {  	_ =	swait.ge [sflag:s16], $0x190  }
0x212: {  	[sflag:s16] =	ssyncset.done $0x0  }
0x213: {  	[sflag:s16] =	ssyncadd.s32 $0xFFFFFE70  }
0x214: {  	_ =	swait.ge [sflag:s16], $0x190  }
0x215: {  	[sflag:s16] =	ssyncset.done $0x0  }
0x216: {  	[sflag:s16] =	ssyncadd.s32 $0xFFFFFE70  }
0x217: {  	_ =	swait.ge [sflag:s16], $0x190  }
0x218: {  	[sflag:s16] =	ssyncset.done $0x0  }
0x219: {  	[sflag:s16] =	ssyncadd.s32 $0xFFFFFE70  }
0x21a: {  	_ =	swait.ge [sflag:s16], $0x190  }
0x21b: {  	[sflag:s16] =	ssyncset.done $0x0  }
0x21c: {  	[sflag:s16] =	ssyncadd.s32 $0xFFFFFE70  }
0x21d: {  	_ =	swait.ge [sflag:s16], $0x190  }
0x21e: {  	[sflag:s16] =	ssyncset.done $0x0  }
0x21f: {  	[sflag:s16] =	ssyncadd.s32 $0xFFFFFE70  }
0x220: {  	_ =	swait.ge [sflag:s16], $0x190  }
0x221: {  	[sflag:s16] =	ssyncset.done $0x0  }
0x222: {  	[sflag:s16] =	ssyncadd.s32 $0xFFFFFE70  }
0x223: {  	_ =	swait.ge [sflag:s16], $0x190  }
0x224: {  	[sflag:s16] =	ssyncset.done $0x0  }
0x225: {  	[sflag:s16] =	ssyncadd.s32 $0xFFFFFE70  }
0x226: {  	_ =	swait.ge [sflag:s16], $0x190  }
0x227: {  	[sflag:s16] =	ssyncset.done $0x0  }
0x228: {  	[sflag:s16] =	ssyncadd.s32 $0xFFFFFE70  }
0x229: {  	_ =	swait.ge [sflag:s16], $0x190  }
0x22a: {  	[sflag:s16] =	ssyncset.done $0x0  }
0x22b: {  	[sflag:s16] =	ssyncadd.s32 $0xFFFFFE70  }
0x22c: {  	_ =	swait.ge [sflag:s16], $0x190  }
0x22d: {  	[sflag:s16] =	ssyncset.done $0x0  }
0x22e: {  	[sflag:s16] =	ssyncadd.s32 $0xFFFFFE70  }
0x22f: {  	_ =	swait.ge [sflag:s16], $0x190  }
0x230: {  	[sflag:s16] =	ssyncset.done $0x0  }
0x231: {  	[sflag:s16] =	ssyncadd.s32 $0xFFFFFE70  }
0x232: {  	_ =	swait.ge [sflag:s16], $0x190  }
0x233: {  	[sflag:s16] =	ssyncset.done $0x0  }
0x234: {  	[sflag:s16] =	ssyncadd.s32 $0xFFFFFE70  }
0x235: {  	_ =	swait.ge [sflag:s16], $0x190  }
0x236: {  	[sflag:s16] =	ssyncset.done $0x0  }
0x237: {  	[sflag:s16] =	ssyncadd.s32 $0xFFFFFE70  }
0x238: {  	_ =	swait.ge [sflag:s16], $0x190  }
0x239: {  	[sflag:s16] =	ssyncset.done $0x0  }
0x23a: {  	[sflag:s16] =	ssyncadd.s32 $0xFFFFFE70  }
0x23b: {  	_ =	swait.ge [sflag:s16], $0x190  }
0x23c: {  	[sflag:s16] =	ssyncset.done $0x0  }
0x23d: {  	[sflag:s16] =	ssyncadd.s32 $0xFFFFFE70  }
0x23e: {  	_ =	swait.ge [sflag:s16], $0x190  }
0x23f: {  	[sflag:s16] =	ssyncset.done $0x0  }
0x240: {  	[sflag:s16] =	ssyncadd.s32 $0xFFFFFE70  }
0x241: {  	_ =	swait.ge [sflag:s16], $0x190  }
0x242: {  	[sflag:s16] =	ssyncset.done $0x0  }
0x243: {  	[sflag:s16] =	ssyncadd.s32 $0xFFFFFE70  }
0x244: {  	_ =	swait.ge [sflag:s16], $0x190  }
0x245: {  	[sflag:s16] =	ssyncset.done $0x0  }
0x246: {  	[sflag:s16] =	ssyncadd.s32 $0xFFFFFE70  }
0x247: {  	_ =	swait.ge [sflag:s16], $0x190  }
0x248: {  	[sflag:s16] =	ssyncset.done $0x0  }
0x249: {  	[sflag:s16] =	ssyncadd.s32 $0xFFFFFE70  }
0x24a: {  	_ =	swait.ge [sflag:s16], $0x190  }
0x24b: {  	[sflag:s16] =	ssyncset.done $0x0  }
0x24c: {  	[sflag:s16] =	ssyncadd.s32 $0xFFFFFE70  }
0x24d: {  	_ =	swait.ge [sflag:s16], $0x190  }
0x24e: {  	[sflag:s16] =	ssyncset.done $0x0  }
0x24f: {  	[sflag:s16] =	ssyncadd.s32 $0xFFFFFE70  }
0x250: {  	_ =	swait.ge [sflag:s16], $0x190  }
0x251: {  	[sflag:s16] =	ssyncset.done $0x0  }
0x252: {  	[sflag:s16] =	ssyncadd.s32 $0xFFFFFE70  }
0x253: {  	_ =	swait.ge [sflag:s16], $0x190  }
0x254: {  	[sflag:s16] =	ssyncset.done $0x0  }
0x255: {  	[sflag:s16] =	ssyncadd.s32 $0xFFFFFE70  }
0x256: {  	_ =	swait.ge [sflag:s16], $0x190  }
0x257: {  	[sflag:s16] =	ssyncset.done $0x0  }
0x258: {  	[sflag:s16] =	ssyncadd.s32 $0xFFFFFE70  }
0x259: {  	_ =	swait.ge [sflag:s16], $0x190  }
0x25a: {  	[sflag:s16] =	ssyncset.done $0x0  }
0x25b: {  	[sflag:s16] =	ssyncadd.s32 $0xFFFFFE70  }
0x25c: {  	_ =	swait.ge [sflag:s16], $0x190  }
0x25d: {  	[sflag:s16] =	ssyncset.done $0x0  }
0x25e: {  	[sflag:s16] =	ssyncadd.s32 $0xFFFFFE70  }
0x25f: {  	_ =	swait.ge [sflag:s16], $0x190  }
0x260: {  	[sflag:s16] =	ssyncset.done $0x0  }
0x261: {  	[sflag:s16] =	ssyncadd.s32 $0xFFFFFE70  }
0x262: {  	_ =	swait.ge [sflag:s16], $0x190  }
0x263: {  	[sflag:s16] =	ssyncset.done $0x0  }
0x264: {  	[sflag:s16] =	ssyncadd.s32 $0xFFFFFE70  }
0x265: {  	_ =	swait.ge [sflag:s16], $0x190  }
0x266: {  	[sflag:s16] =	ssyncset.done $0x0  }
0x267: {  	[sflag:s16] =	ssyncadd.s32 $0xFFFFFE70  }
0x268: {  	_ =	swait.ge [sflag:s16], $0x190  }
0x269: {  	[sflag:s16] =	ssyncset.done $0x0  }
0x26a: {  	[sflag:s16] =	ssyncadd.s32 $0xFFFFFE70  }
0x26b: {  	_ =	swait.ge [sflag:s16], $0x190  }
0x26c: {  	[sflag:s16] =	ssyncset.done $0x0  }
0x26d: {  	[sflag:s16] =	ssyncadd.s32 $0xFFFFFE70  }
0x26e: {  	_ =	swait.ge [sflag:s16], $0x190  }
0x26f: {  	[sflag:s16] =	ssyncset.done $0x0  }
0x270: {  	[sflag:s16] =	ssyncadd.s32 $0xFFFFFE70  }
0x271: {  	_ =	swait.ge [sflag:s16], $0x190  }
0x272: {  	[sflag:s16] =	ssyncset.done $0x0  }
0x273: {  	[sflag:s16] =	ssyncadd.s32 $0xFFFFFE70  }
0x274: {  	_ =	swait.ge [sflag:s16], $0x190  }
0x275: {  	[sflag:s16] =	ssyncset.done $0x0  }
0x276: {  	[sflag:s16] =	ssyncadd.s32 $0xFFFFFE70  }
0x277: {  	_ =	swait.ge [sflag:s16], $0x190  }
0x278: {  	[sflag:s16] =	ssyncset.done $0x0  }
0x279: {  	[sflag:s16] =	ssyncadd.s32 $0xFFFFFE70  }
0x27a: {  	_ =	swait.ge [sflag:s16], $0x190  }
0x27b: {  	[sflag:s16] =	ssyncset.done $0x0  }
0x27c: {  	[sflag:s16] =	ssyncadd.s32 $0xFFFFFE70  }
0x27d: {  	_ =	swait.ge [sflag:s16], $0x190  }
0x27e: {  	[sflag:s16] =	ssyncset.done $0x0  }
0x27f: {  	[sflag:s16] =	ssyncadd.s32 $0xFFFFFE70  }
0x280: {  	_ =	swait.ge [sflag:s16], $0x190  }
0x281: {  	[sflag:s16] =	ssyncset.done $0x0  }
0x282: {  	[sflag:s16] =	ssyncadd.s32 $0xFFFFFE70  }
0x283: {  	_ =	swait.ge [sflag:s16], $0x190  }
0x284: {  	[sflag:s16] =	ssyncset.done $0x0  }
0x285: {  	[sflag:s16] =	ssyncadd.s32 $0xFFFFFE70  }
0x286: {  	_ =	swait.ge [sflag:s16], $0x190  }
0x287: {  	[sflag:s16] =	ssyncset.done $0x0  }
0x288: {  	[sflag:s16] =	ssyncadd.s32 $0xFFFFFE70  }
0x289: {  	_ =	swait.ge [sflag:s16], $0x190  }
0x28a: {  	[sflag:s16] =	ssyncset.done $0x0  }
0x28b: {  	[sflag:s16] =	ssyncadd.s32 $0xFFFFFE70  }
0x28c: {  	_ =	swait.ge [sflag:s16], $0x190  }
0x28d: {  	[sflag:s16] =	ssyncset.done $0x0  }
0x28e: {  	[sflag:s16] =	ssyncadd.s32 $0xFFFFFE70  }
0x28f: {  	_ =	swait.ge [sflag:s16], $0x190  }
0x290: {  	[sflag:s16] =	ssyncset.done $0x0  }
0x291: {  	[sflag:s16] =	ssyncadd.s32 $0xFFFFFE70  }
0x292: {  	_ =	swait.ge [sflag:s16], $0x190  }
0x293: {  	[sflag:s16] =	ssyncset.done $0x0  }
0x294: {  	[sflag:s16] =	ssyncadd.s32 $0xFFFFFE70  }
0x295: {  	_ =	swait.ge [sflag:s16], $0x190  }
0x296: {  	[sflag:s16] =	ssyncset.done $0x0  }
0x297: {  	[sflag:s16] =	ssyncadd.s32 $0xFFFFFE70  }
0x298: {  	_ =	swait.ge [sflag:s16], $0x190  }
0x299: {  	[sflag:s16] =	ssyncset.done $0x0  }
0x29a: {  	[sflag:s16] =	ssyncadd.s32 $0xFFFFFE70  }
0x29b: {  	_ =	swait.ge [sflag:s16], $0x190  }
0x29c: {  	[sflag:s16] =	ssyncset.done $0x0  }
0x29d: {  	[sflag:s16] =	ssyncadd.s32 $0xFFFFFE70  }
0x29e: {  	_ =	swait.ge [sflag:s16], $0x190  }
0x29f: {  	[sflag:s16] =	ssyncset.done $0x0  }
0x2a0: {  	[sflag:s16] =	ssyncadd.s32 $0xFFFFFE70  }
0x2a1: {  	_ =	swait.ge [sflag:s16], $0x190  }
0x2a2: {  	[sflag:s16] =	ssyncset.done $0x0  }
0x2a3: {  	[sflag:s16] =	ssyncadd.s32 $0xFFFFFE70  }
0x2a4: {  	_ =	swait.ge [sflag:s16], $0x190  }
0x2a5: {  	[sflag:s16] =	ssyncset.done $0x0  }
0x2a6: {  	[sflag:s16] =	ssyncadd.s32 $0xFFFFFE70  }
0x2a7: {  	_ =	swait.ge [sflag:s16], $0x190  }
0x2a8: {  	[sflag:s16] =	ssyncset.done $0x0  }
0x2a9: {  	[sflag:s16] =	ssyncadd.s32 $0xFFFFFE70  }
0x2aa: {  	_ =	swait.ge [sflag:s16], $0x190  }
0x2ab: {  	[sflag:s16] =	ssyncset.done $0x0  }
0x2ac: {  	[sflag:s16] =	ssyncadd.s32 $0xFFFFFE70  }
0x2ad: {  	_ =	swait.ge [sflag:s16], $0x190  }
0x2ae: {  	[sflag:s16] =	ssyncset.done $0x0  }
0x2af: {  	[sflag:s16] =	ssyncadd.s32 $0xFFFFFE70  }
0x2b0: {  	_ =	swait.ge [sflag:s16], $0x190  }
0x2b1: {  	[sflag:s16] =	ssyncset.done $0x0  }
0x2b2: {  	[sflag:s16] =	ssyncadd.s32 $0xFFFFFE70  }
0x2b3: {  	_ =	swait.ge [sflag:s16], $0x190  }
0x2b4: {  	[sflag:s16] =	ssyncset.done $0x0  }
0x2b5: {  	[sflag:s16] =	ssyncadd.s32 $0xFFFFFE70  }
0x2b6: {  	_ =	swait.ge [sflag:s16], $0x190  }
0x2b7: {  	[sflag:s16] =	ssyncset.done $0x0  }
0x2b8: {  	[sflag:s16] =	ssyncadd.s32 $0xFFFFFE70  }
0x2b9: {  	_ =	swait.ge [sflag:s16], $0x190  }
0x2ba: {  	[sflag:s16] =	ssyncset.done $0x0  }
0x2bb: {  	[sflag:s16] =	ssyncadd.s32 $0xFFFFFE70  }
0x2bc: {  	_ =	swait.ge [sflag:s16], $0x190  }
0x2bd: {  	[sflag:s16] =	ssyncset.done $0x0  }
0x2be: {  	[sflag:s16] =	ssyncadd.s32 $0xFFFFFE70  }
0x2bf: {  	_ =	swait.ge [sflag:s16], $0x190  }
0x2c0: {  	[sflag:s16] =	ssyncset.done $0x0  }
0x2c1: {  	[sflag:s16] =	ssyncadd.s32 $0xFFFFFE70  }
0x2c2: {  	_ =	swait.ge [sflag:s16], $0x190  }
0x2c3: {  	[sflag:s16] =	ssyncset.done $0x0  }
0x2c4: {  	[sflag:s16] =	ssyncadd.s32 $0xFFFFFE70  }
0x2c5: {  	_ =	swait.ge [sflag:s16], $0x190  }
0x2c6: {  	[sflag:s16] =	ssyncset.done $0x0  }
0x2c7: {  	[sflag:s16] =	ssyncadd.s32 $0xFFFFFE70  }
0x2c8: {  	_ =	swait.ge [sflag:s16], $0x190  }
0x2c9: {  	[sflag:s16] =	ssyncset.done $0x0  }
0x2ca: {  	[sflag:s16] =	ssyncadd.s32 $0xFFFFFE70  }
0x2cb: {  	_ =	swait.ge [sflag:s16], $0x190  }
0x2cc: {  	[sflag:s16] =	ssyncset.done $0x0  }
0x2cd: {  	[sflag:s16] =	ssyncadd.s32 $0xFFFFFE70  }
0x2ce: {  	_ =	swait.ge [sflag:s16], $0x190  }
0x2cf: {  	[sflag:s16] =	ssyncset.done $0x0  }
0x2d0: {  	[sflag:s16] =	ssyncadd.s32 $0xFFFFFE70  }
0x2d1: {  	_ =	swait.ge [sflag:s16], $0x190  }
0x2d2: {  	[sflag:s16] =	ssyncset.done $0x0  }
0x2d3: {  	[sflag:s16] =	ssyncadd.s32 $0xFFFFFE70  }
0x2d4: {  	_ =	swait.ge [sflag:s16], $0x190  }
0x2d5: {  	[sflag:s16] =	ssyncset.done $0x0  }
0x2d6: {  	[sflag:s16] =	ssyncadd.s32 $0xFFFFFE70  }
0x2d7: {  	_ =	swait.ge [sflag:s16], $0x190  }
0x2d8: {  	[sflag:s16] =	ssyncset.done $0x0  }
0x2d9: {  	[sflag:s16] =	ssyncadd.s32 $0xFFFFFE70  }
0x2da: {  	_ =	swait.ge [sflag:s16], $0x190  }
0x2db: {  	[sflag:s16] =	ssyncset.done $0x0  }
0x2dc: {  	[sflag:s16] =	ssyncadd.s32 $0xFFFFFE70  }
0x2dd: {  	_ =	swait.ge [sflag:s16], $0x190  }
0x2de: {  	[sflag:s16] =	ssyncset.done $0x0  }
0x2df: {  	[sflag:s16] =	ssyncadd.s32 $0xFFFFFE70  }
0x2e0: {  	_ =	swait.ge [sflag:s16], $0x190  }
0x2e1: {  	[sflag:s16] =	ssyncset.done $0x0  }
0x2e2: {  	[sflag:s16] =	ssyncadd.s32 $0xFFFFFE70  }
0x2e3: {  	_ =	swait.ge [sflag:s16], $0x190  }
0x2e4: {  	[sflag:s16] =	ssyncset.done $0x0  }
0x2e5: {  	[sflag:s16] =	ssyncadd.s32 $0xFFFFFE70  }
0x2e6: {  	_ =	swait.ge [sflag:s16], $0x190  }
0x2e7: {  	[sflag:s16] =	ssyncset.done $0x0  }
0x2e8: {  	[sflag:s16] =	ssyncadd.s32 $0xFFFFFE70  }
0x2e9: {  	_ =	swait.ge [sflag:s16], $0x190  }
0x2ea: {  	[sflag:s16] =	ssyncset.done $0x0  }
0x2eb: {  	[sflag:s16] =	ssyncadd.s32 $0xFFFFFE70  }
0x2ec: {  	_ =	swait.ge [sflag:s16], $0x190  }
0x2ed: {  	[sflag:s16] =	ssyncset.done $0x0  }
0x2ee: {  	[sflag:s16] =	ssyncadd.s32 $0xFFFFFE70  }
0x2ef: {  	_ =	swait.ge [sflag:s16], $0x190  }
0x2f0: {  	[sflag:s16] =	ssyncset.done $0x0  }
0x2f1: {  	[sflag:s16] =	ssyncadd.s32 $0xFFFFFE70  }
0x2f2: {  	_ =	swait.ge [sflag:s16], $0x190  }
0x2f3: {  	[sflag:s16] =	ssyncset.done $0x0  }
0x2f4: {  	[sflag:s16] =	ssyncadd.s32 $0xFFFFFE70  }
0x2f5: {  	_ =	swait.ge [sflag:s16], $0x190  }
0x2f6: {  	[sflag:s16] =	ssyncset.done $0x0  }
0x2f7: {  	[sflag:s16] =	ssyncadd.s32 $0xFFFFFE70  }
0x2f8: {  	_ =	swait.ge [sflag:s16], $0x190  }
0x2f9: {  	[sflag:s16] =	ssyncset.done $0x0  }
0x2fa: {  	[sflag:s16] =	ssyncadd.s32 $0xFFFFFE70  }
0x2fb: {  	_ =	swait.ge [sflag:s16], $0x190  }
0x2fc: {  	[sflag:s16] =	ssyncset.done $0x0  }
0x2fd: {  	[sflag:s16] =	ssyncadd.s32 $0xFFFFFE70  }
0x2fe: {  	_ =	swait.ge [sflag:s16], $0x190  }
0x2ff: {  	[sflag:s16] =	ssyncset.done $0x0  }
0x300: {  	[sflag:s16] =	ssyncadd.s32 $0xFFFFFE70  }
0x301: {  	_ =	swait.ge [sflag:s16], $0x190  }
0x302: {  	[sflag:s16] =	ssyncset.done $0x0  }
0x303: {  	[sflag:s16] =	ssyncadd.s32 $0xFFFFFE70  }
0x304: {  	_ =	swait.ge [sflag:s16], $0x190  }
0x305: {  	[sflag:s16] =	ssyncset.done $0x0  }
0x306: {  	[sflag:s16] =	ssyncadd.s32 $0xFFFFFE70  }
0x307: {  	_ =	swait.ge [sflag:s16], $0x190  }
0x308: {  	[sflag:s16] =	ssyncset.done $0x0  }
0x309: {  	[sflag:s16] =	ssyncadd.s32 $0xFFFFFE70  }
0x30a: {  	_ =	swait.ge [sflag:s16], $0x190  }
0x30b: {  	[sflag:s16] =	ssyncset.done $0x0  }
0x30c: {  	[sflag:s16] =	ssyncadd.s32 $0xFFFFFE70  }
0x30d: {  	_ =	swait.ge [sflag:s16], $0x190  }
0x30e: {  	[sflag:s16] =	ssyncset.done $0x0  }
0x30f: {  	[sflag:s16] =	ssyncadd.s32 $0xFFFFFE70  }
0x310: {  	_ =	swait.ge [sflag:s16], $0x190  }
0x311: {  	[sflag:s16] =	ssyncset.done $0x0  }
0x312: {  	[sflag:s16] =	ssyncadd.s32 $0xFFFFFE70  }
0x313: {  	_ =	swait.ge [sflag:s16], $0x190  }
0x314: {  	[sflag:s16] =	ssyncset.done $0x0  }
0x315: {  	[sflag:s16] =	ssyncadd.s32 $0xFFFFFE70  }
0x316: {  	[hbm4b:s28+s24] =	stream.strided.scatter [tilespmem:s18], [sflag:$0x1], $0x1900, s25, s24, $0x38;
	[tilespmem:$0xAB00] =	vst v63  }
0x317: {  	s30 =	sadd.s32 $0x1, s28  }
0x318: {  	[hbm4b:s30+s24] =	stream.strided.scatter [tilespmem:s19], [sflag:$0x1], $0x1900, s25, s24, $0x38;
	[tilespmem:$0xAB00] =	vst v63  }
0x319: {  	s31 =	sadd.s32 $0x2, s28  }
0x31a: {  	[hbm4b:s31+s24] =	stream.strided.scatter [tilespmem:s20], [sflag:$0x1], $0x1900, s25, s24, $0x38;
	[tilespmem:$0xAB00] =	vst v63  }
0x31b: {  	s1 =	sadd.s32 $0x3, s28  }
0x31c: {  	[hbm4b:s1+s24] =	stream.strided.scatter [tilespmem:s21], [sflag:$0x1], $0x1900, s25, s24, $0x38;
	[tilespmem:$0xAB00] =	vst v63  }
0x31d: {  	s30 =	sadd.s32 $0x4, s28  }
0x31e: {  	[hbm4b:s30+s24] =	stream.strided.scatter [tilespmem:s22], [sflag:$0x1], $0x1900, s25, s24, $0x38;
	[tilespmem:$0xAB00] =	vst v63  }
0x31f: {  	s31 =	sadd.s32 $0x5, s28  }
0x320: {  	[hbm4b:s31+s24] =	stream.strided.scatter [tilespmem:s23], [sflag:$0x1], $0x1900, s25, s24, $0x38;
	[tilespmem:$0xAB00] =	vst v63  }
0x321: {  	_ =	swait.ge [sflag:s16], $0x1900  }
0x322: {  	[sflag:s16] =	ssyncset.done $0x0  }
0x323: {  	[sflag:s16] =	ssyncadd.s32 $0xFFFFE700  }
0x324: {  	_ =	swait.ge [sflag:s16], $0x1900  }
0x325: {  	[sflag:s16] =	ssyncset.done $0x0  }
0x326: {  	[sflag:s16] =	ssyncadd.s32 $0xFFFFE700  }
0x327: {  	_ =	swait.ge [sflag:s16], $0x1900  }
0x328: {  	[sflag:s16] =	ssyncset.done $0x0  }
0x329: {  	[sflag:s16] =	ssyncadd.s32 $0xFFFFE700  }
0x32a: {  	_ =	swait.ge [sflag:s16], $0x1900  }
0x32b: {  	[sflag:s16] =	ssyncset.done $0x0  }
0x32c: {  	[sflag:s16] =	ssyncadd.s32 $0xFFFFE700  }
0x32d: {  	p0 =	sne.s32 s29, $0x310;
	_ =	swait.ge [sflag:s16], $0x1900  }
.Ltmp0:
0x32e: {  	[sflag:s16] =	ssyncset.done $0x0;
	(pc) =	sbr.rel @p0 .LBB2_2-.Ltmp0, $4  }
0x32f: {  	[sflag:s16] =	ssyncadd.s32 $0xFFFFE700  }
0x330: {  	_ =	swait.ge [sflag:s16], $0x1900  }
0x331: {  	[sflag:s16] =	ssyncset.done $0x0  }
0x332: {  	s29 =	sadd.s32 $0x70, s29;
	s28 =	sadd.s32 $0x3200, s28;
	[sflag:s16] =	ssyncadd.s32 $0xFFFFE700  }
0x333: {  	s26 =	sadd.s32 $0x1, s26  }
0x334: {  	p0 =	sne.s32 s26, s9  }
.Ltmp1:
0x335: {  	_ = 	snop;
	(pc) =	sbr.rel @p0 .LBB2_1-.Ltmp1, $1  }
0x336: {  	_ =	sdelay $0x3  }
0x337: {  	_ =	sfence.sel $0x180000  }
0x338: {  	[bflag:$0x0] =	sbarrier.arrive $0xFFFF  }
0x339: {  	_ =	strace $0x90000047  }
0x33a: {  	s0 =	stileid.u32;
	[bflag:$0x2] =	sbarrier.arrive $0xFFFF  }
0x33b: {  	p0 =	sne.s32 s0, $0x0;
	s0 =	rddreg [dreg:$0x2]  }
0x33c: {  	s0 =	sadd.s32 @!p0 $0x100000, s0  }
0x33d: {  	[sflag:s0] =	ssyncadd.tile.s32 @!p0 $0x1;
	_ =	shalt  }
.Lfunc_end2:
_tile_overlayer_lowered:
.L_overlay_start_2:
0x33e: {  	(tag) =	ssettag $0x2  }
0x33f: {  	s0 =	rddreg [dreg:$0x0];
	s2 =	stileid.u32  }
0x340: {  	s1 =	rddreg [dreg:$0x1];
	p0 =	sne.s32 s2, $0x0  }
0x341: {  	s3 =	rddreg [dreg:$0x2];
	[bflag:$0x3] =	sbarrier.arrive $0xFFFF;
	s2 =	simm.s32 @!p0 $0x1C02  }
0x342: {  	[timem:s3], [sflag:s2] =	dma.local @!p0 [hbm:s0], s1  }
0x343: {  	s0 =	simm.s32 @!p0 $0x2  }
0x344: {  	_ =	swait.ge @!p0 [sflag:s0], s1  }
0x345: {  	s1 =	ssub.s32 @!p0 $0x0, s1;
	[sflag:s0] =	ssyncset.done @!p0 $0x0  }
0x346: {  	[sflag:s0] =	ssyncadd.s32 @!p0 s1  }
0x347: {  	[bflag:$0x3] =	sbarrier.arrive $0xFFFF  }
0x348: {  	_ =	shalt  }

</sc_bundles>
